<compile_context>
chip_gen: v7x
topology: tpu7x:2x2x1
jax: 0.10.2.dev20260603
libtpu: 0.0.44.dev20260713+nightly
codegen_flags: <defaults>
</compile_context>

<pallas_src>
import functools
import math

import jax
import jax.numpy as jnp
from jax import lax
from jax.experimental import pallas as pl
from jax.experimental.pallas import tpu as pltpu
from jax.experimental.pallas import tpu_sc as plsc

N = 10000
E = 320000
D = 128
FC0 = 16
FC1 = 64
NUM_NEIGHBORS = 32.0

NC = 2
NS = 16
NW = NC * NS
CH = 40
NP = 10240
RPT = NP // NS

SPLITS = (25600, 147200, 147200)
NSPLIT = len(SPLITS)
BE = 6400


def _edge_fc_body(elemT_ref, wfc1_ref, wfc2_ref, out_ref):
    h = lax.dot_general(elemT_ref[...], wfc1_ref[...], (((0,), (0,)), ((), ())),
                        preferred_element_type=jnp.float32)
    h = h * (1.0 / math.sqrt(float(FC0)))
    h = h * jax.nn.sigmoid(h)
    w = jnp.dot(h, wfc2_ref[...], preferred_element_type=jnp.float32)
    scale = (1.0 / math.sqrt(float(FC1))) * (1.0 / math.sqrt(NUM_NEIGHBORS))
    out_ref[...] = w * scale


def _make_edge_fc(k):
    es = SPLITS[k]
    blk0 = sum(SPLITS[:k]) // BE
    return pl.pallas_call(
        _edge_fc_body,
        grid=(es // BE,),
        in_specs=[
            pl.BlockSpec((FC0, BE), lambda i: (0, blk0 + i)),
            pl.BlockSpec((FC0, FC1), lambda i: (0, 0)),
            pl.BlockSpec((FC1, D), lambda i: (0, 0)),
        ],
        out_specs=pl.BlockSpec((BE, D), lambda i: (i, 0)),
        out_shape=jax.ShapeDtypeStruct((es, D), jnp.float32),
    )


def _ea_flat_body(eaT_ref, out_ref):
    out_ref[...] = eaT_ref[0, :]


_ea_flatten = pl.pallas_call(
    _ea_flat_body,
    out_shape=jax.ShapeDtypeStruct((E,), jnp.float32),
)


def _node_lin_body(ni_ref, na_ref, w1_ref, out_ref):
    x = jnp.dot(ni_ref[...], w1_ref[...], preferred_element_type=jnp.float32)
    out_ref[...] = x * na_ref[...] * (1.0 / math.sqrt(float(D)))


_node_lin = pl.pallas_call(
    _node_lin_body,
    out_shape=jax.ShapeDtypeStruct((N, D), jnp.float32),
)


def _make_sc_body(k, first):
    ES = SPLITS[k]
    E0 = sum(SPLITS[:k])
    EPT = ES // NW
    NCHUNK = EPT // CH
    def _sc_body(x_hbm, w_hbm, ea_hbm, src_hbm, dst_hbm, init_hbm, out_hbm,
                 src0_v, src1_v, sdst0_v, sdst1_v, ea0_v, ea1_v,
                 xr0_v, xr1_v, wr0_v, wr1_v, acc_sh,
                 sem_g0, sem_g1, sem_w0, sem_w1, sem_i0, sem_i1,
                 sem_s0, sem_s1, sem_z):
        c = lax.axis_index("c")
        s = lax.axis_index("s")
        wid = s * NC + c
        row0 = s * RPT
        if first:
            seed = pltpu.async_copy(init_hbm.at[pl.ds(row0, RPT)],
                                    acc_sh.at[pl.ds(row0, RPT)], sem_z)
        else:
            seed = pltpu.async_copy(init_hbm.at[pl.ds(c * NP + row0, RPT)],
                                    acc_sh.at[pl.ds(row0, RPT)], sem_z)

        src = (src0_v, src1_v)
        sdst = (sdst0_v, sdst1_v)
        ea = (ea0_v, ea1_v)
        xr = (xr0_v, xr1_v)
        wr = (wr0_v, wr1_v)
        sem_g = (sem_g0, sem_g1)
        sem_w = (sem_w0, sem_w1)
        sem_i = (sem_i0, sem_i1)
        sem_s = (sem_s0, sem_s1)
        ibase = E0 + wid * EPT
        wbase = wid * EPT

        def idx_start(i, b):
            @pl.when(i < NCHUNK)
            def _():
                base = ibase + jnp.minimum(i, NCHUNK - 1) * CH
                pltpu.async_copy(src_hbm.at[pl.ds(base, CH)], src[b], sem_i[b])

        def idx_wait(i, b):
            @pl.when(i < NCHUNK)
            def _():
                pltpu.make_async_copy(
                    src_hbm.at[pl.ds(0, CH)], src[b], sem_i[b]).wait()

        def data_start(i, b):
            @pl.when(i < NCHUNK)
            def _():
                base = wbase + jnp.minimum(i, NCHUNK - 1) * CH
                dbase = ibase + jnp.minimum(i, NCHUNK - 1) * CH
                pltpu.async_copy(w_hbm.at[pl.ds(base, CH)], wr[b], sem_w[b])
                pltpu.async_copy(dst_hbm.at[pl.ds(dbase, CH)], sdst[b], sem_w[b])
                pltpu.async_copy(ea_hbm.at[pl.ds(dbase, CH)],
                                 ea[b].at[pl.ds(0, CH)], sem_w[b])
                pltpu.async_copy(x_hbm.at[src[b]], xr[b], sem_g[b])

        def data_wait(b):
            pltpu.make_async_copy(w_hbm.at[pl.ds(0, CH)], wr[b], sem_w[b]).wait()
            pltpu.make_async_copy(dst_hbm.at[pl.ds(0, CH)], sdst[b], sem_w[b]).wait()
            pltpu.make_async_copy(ea_hbm.at[pl.ds(0, CH)],
                                  ea[b].at[pl.ds(0, CH)], sem_w[b]).wait()
            pltpu.make_async_copy(x_hbm.at[pl.ds(0, CH)], xr[b], sem_g[b]).wait()

        def scatter_wait(i, b):
            @pl.when(i >= 0)
            def _():
                pltpu.make_async_copy(xr[b], acc_sh.at[sdst[b]], sem_s[b]).wait()

        idx_start(0, 0)
        idx_wait(0, 0)
        data_start(0, 0)
        idx_start(1, 1)
        seed.wait()
        plsc.subcore_barrier()

        def step(i, b):
            scatter_wait(i - 1, 1 - b)
            idx_wait(i + 1, 1 - b)
            data_start(i + 1, 1 - b)
            data_wait(b)
            idx_start(i + 2, b)

            def mrow(r, carry2):
                a = ea[b][pl.ds(r, 16)][0]
                for cc in range(D // 16):
                    sl = pl.ds(cc * 16, 16)
                    xr[b][r, sl] = xr[b][r, sl] * (wr[b][r, sl] * a)
                return carry2

            lax.fori_loop(0, CH, mrow, 0)
            pltpu.async_copy(xr[b], acc_sh.at[sdst[b]], sem_s[b], add=True)

        def pair(j, carry):
            step(2 * j, 0)
            step(2 * j + 1, 1)
            return carry

        lax.fori_loop(0, NCHUNK // 2, pair, 0)
        if NCHUNK % 2:
            step(NCHUNK - 1, 0)
        scatter_wait(NCHUNK - 1, (NCHUNK - 1) % 2)

        plsc.subcore_barrier()
        pltpu.sync_copy(acc_sh.at[pl.ds(row0, RPT)],
                        out_hbm.at[pl.ds(c * NP + row0, RPT)])

    return _sc_body


def _make_sc(k):
    return functools.partial(
        pl.kernel,
        out_type=jax.ShapeDtypeStruct((NC * NP, D), jnp.float32),
        mesh=plsc.VectorSubcoreMesh(core_axis_name="c", subcore_axis_name="s"),
        scratch_types=[
            pltpu.VMEM((CH,), jnp.int32),
            pltpu.VMEM((CH,), jnp.int32),
            pltpu.VMEM((CH,), jnp.int32),
            pltpu.VMEM((CH,), jnp.int32),
            pltpu.VMEM((CH + 16,), jnp.float32),
            pltpu.VMEM((CH + 16,), jnp.float32),
            pltpu.VMEM((CH, D), jnp.float32),
            pltpu.VMEM((CH, D), jnp.float32),
            pltpu.VMEM((CH, D), jnp.float32),
            pltpu.VMEM((CH, D), jnp.float32),
            pltpu.VMEM_SHARED((NP, D), jnp.float32),
            pltpu.SemaphoreType.DMA,
            pltpu.SemaphoreType.DMA,
            pltpu.SemaphoreType.DMA,
            pltpu.SemaphoreType.DMA,
            pltpu.SemaphoreType.DMA,
            pltpu.SemaphoreType.DMA,
            pltpu.SemaphoreType.DMA,
            pltpu.SemaphoreType.DMA,
            pltpu.SemaphoreType.DMA,
        ],
    )(_make_sc_body(k, first=(k == 0)))


_sc_calls = [_make_sc(k) for k in range(NSPLIT)]


def _final_body(ni_ref, na_ref, part_ref, wsc_ref, w2_ref, out_ref):
    agg = part_ref[0:N, :] + part_ref[NP:NP + N, :]
    s = jnp.dot(ni_ref[...], wsc_ref[...], preferred_element_type=jnp.float32)
    xo = jnp.dot(agg, w2_ref[...], preferred_element_type=jnp.float32)
    c_s = math.sin(math.pi / 8.0) / math.sqrt(float(D))
    c_x = math.cos(math.pi / 8.0) / math.sqrt(float(D))
    out_ref[...] = (s * c_s + xo * c_x) * na_ref[...]


_final = pl.pallas_call(
    _final_body,
    out_shape=jax.ShapeDtypeStruct((N, D), jnp.float32),
)


def kernel(node_input, node_attr, edge_src, edge_dst, edge_attr,
           edge_length_embedded, W_sc, W_lin1, W_fc1, W_fc2, W_lin2):
    elemT = edge_length_embedded.T
    ea_flat = _ea_flatten(edge_attr.T)
    w_slices = [
        _make_edge_fc(k)(elemT, W_fc1, W_fc2)
        for k in range(NSPLIT)
    ]
    x = _node_lin(node_input, node_attr, W_lin1[:, 0, :])
    acc = jnp.zeros((NP, D), dtype=jnp.float32)
    for k in range(NSPLIT):
        acc = _sc_calls[k](x, w_slices[k], ea_flat, edge_src, edge_dst, acc)
    return _final(node_input, node_attr, acc, W_sc[:, 0, :], W_lin2[:, 0, :])

# --- scband reference (transcript-rebuilt; emitter-appended) ---
"""Pipeline reference for scband-convolution-75960791597065 (READ-ONLY COPY).

The authoritative reference and input builder live on the scoring server;
editing this copy changes nothing except your own understanding.
"""

import jax, jax.numpy as jnp
import numpy as np
import math

N = 10000
E = 320000
D = 128
FC0 = 16
FC1 = 64
NUM_NEIGHBORS = 32.0


def setup_inputs(seed: int = 0) -> dict:
    key = jax.random.key(seed)
    ks = jax.random.split(key, 10)
    return {
        "node_input": jax.random.normal(ks[0], (N, D), dtype=jnp.float32),
        "node_attr": jnp.ones((N, 1), dtype=jnp.float32),
        "edge_src": jax.random.randint(ks[1], (E,), 0, N, dtype=jnp.int32),
        "edge_dst": jnp.sort(jax.random.randint(ks[2], (E,), 0, N, dtype=jnp.int32)),
        "edge_attr": jax.random.normal(ks[3], (E, 1), dtype=jnp.float32),
        "edge_length_embedded": jax.random.uniform(ks[4], (E, FC0), dtype=jnp.float32),
        # learned parameters (all irreps are scalars 0e, so every e3nn tensor
        # product reduces to a bilinear / elementwise product with the e3nn
        # path normalization 1/sqrt(fan_in))
        "W_sc": jax.random.normal(ks[5], (D, 1, D), dtype=jnp.float32),
        "W_lin1": jax.random.normal(ks[6], (D, 1, D), dtype=jnp.float32),
        "W_fc1": jax.random.normal(ks[7], (FC0, FC1), dtype=jnp.float32),
        "W_fc2": jax.random.normal(ks[8], (FC1, D), dtype=jnp.float32),
        "W_lin2": jax.random.normal(ks[9], (D, 1, D), dtype=jnp.float32),
    }


def _fctp(x, a, W):
    # FullyConnectedTensorProduct for scalar irreps: bilinear with 1/sqrt(fan_in)
    return jnp.einsum('nu,nv,uvw->nw', x, a, W) / jnp.sqrt(float(W.shape[0] * W.shape[1]))


def reference(node_input, node_attr, edge_src, edge_dst, edge_attr, edge_length_embedded,
              W_sc, W_lin1, W_fc1, W_fc2, W_lin2):
    # FullyConnectedNet(fc_neurons + [tp.weight_numel], silu): per-edge tp weights
    h = jax.nn.silu(edge_length_embedded @ W_fc1 / jnp.sqrt(float(FC0)))
    weight = h @ W_fc2 / jnp.sqrt(float(FC1))  # [E, D] == tp.weight_numel (uvu, mul_in2=1)
    s = _fctp(node_input, node_attr, W_sc)      # self-connection
    x = _fctp(node_input, node_attr, W_lin1)    # lin1
    # TensorProduct 'uvu' with scalar edge attr: elementwise gather-multiply
    edge_features = x[edge_src] * edge_attr * weight
    x = jax.ops.segment_sum(edge_features, edge_dst, num_segments=node_input.shape[0])
    x = x / jnp.sqrt(NUM_NEIGHBORS)
    x = _fctp(x, node_attr, W_lin2)             # lin2
    c_s = math.sin(math.pi / 8.0)
    c_x = math.cos(math.pi / 8.0)  # sc.output_mask is all-ones for scalar outputs
    return c_s * s + c_x * x

if __name__ == "__main__":
    import jax
    _d = setup_inputs()
    print(jax.jit(kernel)(*tuple(_d.values())))

</pallas_src>

<mosaic_0001>
#map = affine_map<(d0, d1) -> (0, 0)>
#map1 = affine_map<(d0, d1) -> (0)>
module attributes {stable_mosaic.version = 14 : i64} {
  func.func @_sc_body(%arg0: i32, %arg1: i32, %arg2: memref<10000x128xf32, #tpu.memory_space<hbm>>, %arg3: memref<147200x128xf32, #tpu.memory_space<hbm>>, %arg4: memref<320000xf32, #tpu.memory_space<hbm>>, %arg5: memref<320000xi32, #tpu.memory_space<hbm>>, %arg6: memref<320000xi32, #tpu.memory_space<hbm>>, %arg7: memref<20480x128xf32, #tpu.memory_space<hbm>>, %arg8: memref<20480x128xf32, #tpu.memory_space<hbm>>, %arg9: memref<40xi32, #tpu.memory_space<vmem>>, %arg10: memref<40xi32, #tpu.memory_space<vmem>>, %arg11: memref<40xi32, #tpu.memory_space<vmem>>, %arg12: memref<40xi32, #tpu.memory_space<vmem>>, %arg13: memref<56xf32, #tpu.memory_space<vmem>>, %arg14: memref<56xf32, #tpu.memory_space<vmem>>, %arg15: memref<40x128xf32, #tpu.memory_space<vmem>>, %arg16: memref<40x128xf32, #tpu.memory_space<vmem>>, %arg17: memref<40x128xf32, #tpu.memory_space<vmem>>, %arg18: memref<40x128xf32, #tpu.memory_space<vmem>>, %arg19: memref<10240x128xf32, #tpu.memory_space<vmem_shared>>, %arg20: memref<!tpu.dma_semaphore, #tpu.memory_space<semaphore_mem>>, %arg21: memref<!tpu.dma_semaphore, #tpu.memory_space<semaphore_mem>>, %arg22: memref<!tpu.dma_semaphore, #tpu.memory_space<semaphore_mem>>, %arg23: memref<!tpu.dma_semaphore, #tpu.memory_space<semaphore_mem>>, %arg24: memref<!tpu.dma_semaphore, #tpu.memory_space<semaphore_mem>>, %arg25: memref<!tpu.dma_semaphore, #tpu.memory_space<semaphore_mem>>, %arg26: memref<!tpu.dma_semaphore, #tpu.memory_space<semaphore_mem>>, %arg27: memref<!tpu.dma_semaphore, #tpu.memory_space<semaphore_mem>>, %arg28: memref<!tpu.dma_semaphore, #tpu.memory_space<semaphore_mem>>) attributes {dimension_semantics = [#tpu.dimension_semantics<core_parallel>, #tpu.dimension_semantics<subcore_parallel>], iteration_bounds = array<i64: 2, 16>, scalar_prefetch = 0 : i64, scratch_operands = 20 : i64, tpu.core_type = #tpu.core_type<sc_vector_subcore>, window_params = [{transform_indices = #map}, {transform_indices = #map}, {transform_indices = #map1}, {transform_indices = #map1}, {transform_indices = #map1}, {transform_indices = #map}, {transform_indices = #map}]} {
    %mul3A = arith.constant 2 : i32
    %mul3A_0 = arith.muli %arg1, %mul3A : i32
    %add3A = arith.addi %mul3A_0, %arg0 : i32
    %mul3A_1 = arith.constant 640 : i32
    %mul3A_2 = arith.muli %arg1, %mul3A_1 : i32
    %mul3A_3 = arith.constant 10240 : i32
    %mul3A_4 = arith.muli %arg0, %mul3A_3 : i32
    %add3A_5 = arith.addi %mul3A_4, %mul3A_2 : i32
    %dma_start3A = arith.constant 0 : i32
    %dma_start3A_6 = tpu.memref_slice %arg19[%mul3A_2, %dma_start3A] : memref<10240x128xf32, #tpu.memory_space<vmem_shared>> -> memref<640x128xf32, #tpu.memory_space<vmem_shared>>
    %dma_start3A_7 = arith.constant 0 : i32
    %dma_start3A_8 = tpu.memref_slice %arg7[%add3A_5, %dma_start3A_7] : memref<20480x128xf32, #tpu.memory_space<hbm>> -> memref<640x128xf32, #tpu.memory_space<hbm>>
    tpu.enqueue_dma source(%dma_start3A_8 : memref<640x128xf32, #tpu.memory_space<hbm>>) target(%dma_start3A_6 : memref<640x128xf32, #tpu.memory_space<vmem_shared>>) target_semaphore(%arg28 : memref<!tpu.dma_semaphore, #tpu.memory_space<semaphore_mem>>)
    %mul3A_9 = arith.constant 4600 : i32
    %mul3A_10 = arith.muli %add3A, %mul3A_9 : i32
    %add3A_11 = arith.constant 25600 : i32
    %add3A_12 = arith.addi %add3A_11, %mul3A_10 : i32
    %mul3A_13 = arith.constant 4600 : i32
    %mul3A_14 = arith.muli %add3A, %mul3A_13 : i32
    %min3A = arith.constant 0 : i32
    %min3A_15 = arith.constant 114 : i32
    %min3A_16 = arith.minsi %min3A, %min3A_15 : i32
    %mul3A_17 = arith.constant 40 : i32
    %mul3A_18 = arith.muli %min3A_16, %mul3A_17 : i32
    %add3A_19 = arith.addi %add3A_12, %mul3A_18 : i32
    %dma_start3A_20 = tpu.memref_slice %arg5[%add3A_19] : memref<320000xi32, #tpu.memory_space<hbm>> -> memref<40xi32, #tpu.memory_space<hbm>>
    %dma_start3A_21 = tpu.memref_slice %arg5[%add3A_19] : memref<320000xi32, #tpu.memory_space<hbm>> -> memref<40xi32, #tpu.memory_space<hbm>>
    tpu.enqueue_dma source(%dma_start3A_21 : memref<40xi32, #tpu.memory_space<hbm>>) target(%arg9 : memref<40xi32, #tpu.memory_space<vmem>>) target_semaphore(%arg24 : memref<!tpu.dma_semaphore, #tpu.memory_space<semaphore_mem>>)
    %dma_wait3A = arith.constant 0 : i32
    %dma_wait3A_22 = tpu.memref_slice %arg5[%dma_wait3A] : memref<320000xi32, #tpu.memory_space<hbm>> -> memref<40xi32, #tpu.memory_space<hbm>>
    %dma_wait3A_23 = arith.constant 0 : i32
    %dma_wait3A_24 = tpu.memref_slice %arg5[%dma_wait3A_23] : memref<320000xi32, #tpu.memory_space<hbm>> -> memref<40xi32, #tpu.memory_space<hbm>>
    tpu.wait_dma2 semaphore(%arg24 : memref<!tpu.dma_semaphore, #tpu.memory_space<semaphore_mem>>) src(%dma_wait3A_24 : memref<40xi32, #tpu.memory_space<hbm>>) dst(%arg9 : memref<40xi32, #tpu.memory_space<vmem>>)
    %min3A_25 = arith.constant 0 : i32
    %min3A_26 = arith.constant 114 : i32
    %min3A_27 = arith.minsi %min3A_25, %min3A_26 : i32
    %mul3A_28 = arith.constant 40 : i32
    %mul3A_29 = arith.muli %min3A_27, %mul3A_28 : i32
    %add3A_30 = arith.addi %mul3A_14, %mul3A_29 : i32
    %min3A_31 = arith.constant 0 : i32
    %min3A_32 = arith.constant 114 : i32
    %min3A_33 = arith.minsi %min3A_31, %min3A_32 : i32
    %mul3A_34 = arith.constant 40 : i32
    %mul3A_35 = arith.muli %min3A_33, %mul3A_34 : i32
    %add3A_36 = arith.addi %add3A_12, %mul3A_35 : i32
    %dma_start3A_37 = arith.constant 0 : i32
    %dma_start3A_38 = tpu.memref_slice %arg3[%add3A_30, %dma_start3A_37] : memref<147200x128xf32, #tpu.memory_space<hbm>> -> memref<40x128xf32, #tpu.memory_space<hbm>>
    %dma_start3A_39 = arith.constant 0 : i32
    %dma_start3A_40 = tpu.memref_slice %arg3[%add3A_30, %dma_start3A_39] : memref<147200x128xf32, #tpu.memory_space<hbm>> -> memref<40x128xf32, #tpu.memory_space<hbm>>
    tpu.enqueue_dma source(%dma_start3A_40 : memref<40x128xf32, #tpu.memory_space<hbm>>) target(%arg17 : memref<40x128xf32, #tpu.memory_space<vmem>>) target_semaphore(%arg22 : memref<!tpu.dma_semaphore, #tpu.memory_space<semaphore_mem>>)
    %dma_start3A_41 = tpu.memref_slice %arg6[%add3A_36] : memref<320000xi32, #tpu.memory_space<hbm>> -> memref<40xi32, #tpu.memory_space<hbm>>
    %dma_start3A_42 = tpu.memref_slice %arg6[%add3A_36] : memref<320000xi32, #tpu.memory_space<hbm>> -> memref<40xi32, #tpu.memory_space<hbm>>
    tpu.enqueue_dma source(%dma_start3A_42 : memref<40xi32, #tpu.memory_space<hbm>>) target(%arg11 : memref<40xi32, #tpu.memory_space<vmem>>) target_semaphore(%arg22 : memref<!tpu.dma_semaphore, #tpu.memory_space<semaphore_mem>>)
    %dma_start3A_43 = arith.constant 0 : i32
    %dma_start3A_44 = tpu.memref_slice %arg13[%dma_start3A_43] : memref<56xf32, #tpu.memory_space<vmem>> -> memref<40xf32, #tpu.memory_space<vmem>>
    %dma_start3A_45 = tpu.memref_slice %arg4[%add3A_36] : memref<320000xf32, #tpu.memory_space<hbm>> -> memref<40xf32, #tpu.memory_space<hbm>>
    %dma_start3A_46 = arith.constant 0 : i32
    %dma_start3A_47 = tpu.memref_slice %arg13[%dma_start3A_46] : memref<56xf32, #tpu.memory_space<vmem>> -> memref<40xf32, #tpu.memory_space<vmem>>
    %dma_start3A_48 = tpu.memref_slice %arg4[%add3A_36] : memref<320000xf32, #tpu.memory_space<hbm>> -> memref<40xf32, #tpu.memory_space<hbm>>
    tpu.enqueue_dma source(%dma_start3A_48 : memref<40xf32, #tpu.memory_space<hbm>>) target(%dma_start3A_47 : memref<40xf32, #tpu.memory_space<vmem>>) target_semaphore(%arg22 : memref<!tpu.dma_semaphore, #tpu.memory_space<semaphore_mem>>)
    %dma_start3A_49 = arith.constant 0 : i32
    %dma_start3A_50 = arith.constant 0 : i32
    %dma_start3A_51 = tpu.memref_slice %arg2[%dma_start3A_49, %dma_start3A_50] : memref<10000x128xf32, #tpu.memory_space<hbm>> -> memref<10000x128xf32, #tpu.memory_space<hbm>>
    tpu.enqueue_indirect_dma source(%dma_start3A_51 : memref<10000x128xf32, #tpu.memory_space<hbm>>) target(%arg15 : memref<40x128xf32, #tpu.memory_space<vmem>>) offsets(%arg9 : memref<40xi32, #tpu.memory_space<vmem>>) semaphore(%arg20 : memref<!tpu.dma_semaphore, #tpu.memory_space<semaphore_mem>>)
    %min3A_52 = arith.constant 1 : i32
    %min3A_53 = arith.constant 114 : i32
    %min3A_54 = arith.minsi %min3A_52, %min3A_53 : i32
    %mul3A_55 = arith.constant 40 : i32
    %mul3A_56 = arith.muli %min3A_54, %mul3A_55 : i32
    %add3A_57 = arith.addi %add3A_12, %mul3A_56 : i32
    %dma_start3A_58 = tpu.memref_slice %arg5[%add3A_57] : memref<320000xi32, #tpu.memory_space<hbm>> -> memref<40xi32, #tpu.memory_space<hbm>>
    %dma_start3A_59 = tpu.memref_slice %arg5[%add3A_57] : memref<320000xi32, #tpu.memory_space<hbm>> -> memref<40xi32, #tpu.memory_space<hbm>>
    tpu.enqueue_dma source(%dma_start3A_59 : memref<40xi32, #tpu.memory_space<hbm>>) target(%arg10 : memref<40xi32, #tpu.memory_space<vmem>>) target_semaphore(%arg25 : memref<!tpu.dma_semaphore, #tpu.memory_space<semaphore_mem>>)
    %dma_wait3A_60 = arith.constant 0 : i32
    %dma_wait3A_61 = tpu.memref_slice %arg19[%mul3A_2, %dma_wait3A_60] : memref<10240x128xf32, #tpu.memory_space<vmem_shared>> -> memref<640x128xf32, #tpu.memory_space<vmem_shared>>
    %dma_wait3A_62 = arith.constant 0 : i32
    %dma_wait3A_63 = tpu.memref_slice %arg7[%add3A_5, %dma_wait3A_62] : memref<20480x128xf32, #tpu.memory_space<hbm>> -> memref<640x128xf32, #tpu.memory_space<hbm>>
    tpu.wait_dma2 semaphore(%arg28 : memref<!tpu.dma_semaphore, #tpu.memory_space<semaphore_mem>>) src(%dma_wait3A_63 : memref<640x128xf32, #tpu.memory_space<hbm>>) dst(%dma_wait3A_61 : memref<640x128xf32, #tpu.memory_space<vmem_shared>>)
    %barrier3A = arith.constant 0 : index
    tpu.barrier barrier_id(%barrier3A)
    %scan3A = arith.constant 0 : i32
    %scan3A_64 = arith.constant 0 : i32
    %scan3A_65 = arith.constant 57 : i32
    %scan3A_66 = arith.addi %scan3A_64, %scan3A_65 : i32
    %scan3A_67 = arith.constant 1 : i32
    scf.for %scan3A_112 = %scan3A_64 to %scan3A_66 step %scan3A_67  : i32 {
      %mul3A_113 = arith.constant 2 : i32
      %mul3A_114 = arith.muli %mul3A_113, %scan3A_112 : i32
      %sub3A = arith.constant 1 : i32
      %sub3A_115 = arith.subi %mul3A_114, %sub3A : i32
      %ge3A = arith.constant 0 : i32
      %ge3A_116 = arith.cmpi sge, %sub3A_115, %ge3A : i32
      %convert_element_type3A = arith.extui %ge3A_116 : i1 to i32
      %cond3A = arith.constant 0 : i32
      %cond3A_117 = arith.cmpi ne, %convert_element_type3A, %cond3A : i32
      scf.if %cond3A_117 {
        %dma_wait3A_236 = arith.constant 0 : i32
        %dma_wait3A_237 = arith.constant 0 : i32
        %dma_wait3A_238 = tpu.memref_slice %arg19[%dma_wait3A_236, %dma_wait3A_237] : memref<10240x128xf32, #tpu.memory_space<vmem_shared>> -> memref<10240x128xf32, #tpu.memory_space<vmem_shared>>
        tpu.wait_indirect_dma semaphore(%arg27 : memref<!tpu.dma_semaphore, #tpu.memory_space<semaphore_mem>>) src(%arg16 : memref<40x128xf32, #tpu.memory_space<vmem>>) dst(%dma_wait3A_238 : memref<10240x128xf32, #tpu.memory_space<vmem_shared>>)
      } else {
      }
      %add3A_118 = arith.constant 1 : i32
      %add3A_119 = arith.addi %mul3A_114, %add3A_118 : i32
      %lt3A = arith.constant 115 : i32
      %lt3A_120 = arith.cmpi slt, %add3A_119, %lt3A : i32
      %convert_element_type3A_121 = arith.extui %lt3A_120 : i1 to i32
      %cond3A_122 = arith.constant 0 : i32
      %cond3A_123 = arith.cmpi ne, %convert_element_type3A_121, %cond3A_122 : i32
      scf.if %cond3A_123 {
        %dma_wait3A_236 = arith.constant 0 : i32
        %dma_wait3A_237 = tpu.memref_slice %arg5[%dma_wait3A_236] : memref<320000xi32, #tpu.memory_space<hbm>> -> memref<40xi32, #tpu.memory_space<hbm>>
        %dma_wait3A_238 = arith.constant 0 : i32
        %dma_wait3A_239 = tpu.memref_slice %arg5[%dma_wait3A_238] : memref<320000xi32, #tpu.memory_space<hbm>> -> memref<40xi32, #tpu.memory_space<hbm>>
        tpu.wait_dma2 semaphore(%arg25 : memref<!tpu.dma_semaphore, #tpu.memory_space<semaphore_mem>>) src(%dma_wait3A_239 : memref<40xi32, #tpu.memory_space<hbm>>) dst(%arg10 : memref<40xi32, #tpu.memory_space<vmem>>)
      } else {
      }
      %add3A_124 = arith.constant 1 : i32
      %add3A_125 = arith.addi %mul3A_114, %add3A_124 : i32
      %lt3A_126 = arith.constant 115 : i32
      %lt3A_127 = arith.cmpi slt, %add3A_125, %lt3A_126 : i32
      %convert_element_type3A_128 = arith.extui %lt3A_127 : i1 to i32
      %cond3A_129 = arith.constant 0 : i32
      %cond3A_130 = arith.cmpi ne, %convert_element_type3A_128, %cond3A_129 : i32
      scf.if %cond3A_130 {
        %min3A_236 = arith.constant 114 : i32
        %min3A_237 = arith.minsi %add3A_125, %min3A_236 : i32
        %mul3A_238 = arith.constant 40 : i32
        %mul3A_239 = arith.muli %min3A_237, %mul3A_238 : i32
        %add3A_240 = arith.addi %mul3A_14, %mul3A_239 : i32
        %min3A_241 = arith.constant 114 : i32
        %min3A_242 = arith.minsi %add3A_125, %min3A_241 : i32
        %mul3A_243 = arith.constant 40 : i32
        %mul3A_244 = arith.muli %min3A_242, %mul3A_243 : i32
        %add3A_245 = arith.addi %add3A_12, %mul3A_244 : i32
        %dma_start3A_246 = arith.constant 0 : i32
        %dma_start3A_247 = tpu.memref_slice %arg3[%add3A_240, %dma_start3A_246] : memref<147200x128xf32, #tpu.memory_space<hbm>> -> memref<40x128xf32, #tpu.memory_space<hbm>>
        %dma_start3A_248 = arith.constant 0 : i32
        %dma_start3A_249 = tpu.memref_slice %arg3[%add3A_240, %dma_start3A_248] : memref<147200x128xf32, #tpu.memory_space<hbm>> -> memref<40x128xf32, #tpu.memory_space<hbm>>
        tpu.enqueue_dma source(%dma_start3A_249 : memref<40x128xf32, #tpu.memory_space<hbm>>) target(%arg18 : memref<40x128xf32, #tpu.memory_space<vmem>>) target_semaphore(%arg23 : memref<!tpu.dma_semaphore, #tpu.memory_space<semaphore_mem>>)
        %dma_start3A_250 = tpu.memref_slice %arg6[%add3A_245] : memref<320000xi32, #tpu.memory_space<hbm>> -> memref<40xi32, #tpu.memory_space<hbm>>
        %dma_start3A_251 = tpu.memref_slice %arg6[%add3A_245] : memref<320000xi32, #tpu.memory_space<hbm>> -> memref<40xi32, #tpu.memory_space<hbm>>
        tpu.enqueue_dma source(%dma_start3A_251 : memref<40xi32, #tpu.memory_space<hbm>>) target(%arg12 : memref<40xi32, #tpu.memory_space<vmem>>) target_semaphore(%arg23 : memref<!tpu.dma_semaphore, #tpu.memory_space<semaphore_mem>>)
        %dma_start3A_252 = arith.constant 0 : i32
        %dma_start3A_253 = tpu.memref_slice %arg14[%dma_start3A_252] : memref<56xf32, #tpu.memory_space<vmem>> -> memref<40xf32, #tpu.memory_space<vmem>>
        %dma_start3A_254 = tpu.memref_slice %arg4[%add3A_245] : memref<320000xf32, #tpu.memory_space<hbm>> -> memref<40xf32, #tpu.memory_space<hbm>>
        %dma_start3A_255 = arith.constant 0 : i32
        %dma_start3A_256 = tpu.memref_slice %arg14[%dma_start3A_255] : memref<56xf32, #tpu.memory_space<vmem>> -> memref<40xf32, #tpu.memory_space<vmem>>
        %dma_start3A_257 = tpu.memref_slice %arg4[%add3A_245] : memref<320000xf32, #tpu.memory_space<hbm>> -> memref<40xf32, #tpu.memory_space<hbm>>
        tpu.enqueue_dma source(%dma_start3A_257 : memref<40xf32, #tpu.memory_space<hbm>>) target(%dma_start3A_256 : memref<40xf32, #tpu.memory_space<vmem>>) target_semaphore(%arg23 : memref<!tpu.dma_semaphore, #tpu.memory_space<semaphore_mem>>)
        %dma_start3A_258 = arith.constant 0 : i32
        %dma_start3A_259 = arith.constant 0 : i32
        %dma_start3A_260 = tpu.memref_slice %arg2[%dma_start3A_258, %dma_start3A_259] : memref<10000x128xf32, #tpu.memory_space<hbm>> -> memref<10000x128xf32, #tpu.memory_space<hbm>>
        tpu.enqueue_indirect_dma source(%dma_start3A_260 : memref<10000x128xf32, #tpu.memory_space<hbm>>) target(%arg16 : memref<40x128xf32, #tpu.memory_space<vmem>>) offsets(%arg10 : memref<40xi32, #tpu.memory_space<vmem>>) semaphore(%arg21 : memref<!tpu.dma_semaphore, #tpu.memory_space<semaphore_mem>>)
      } else {
      }
      %dma_wait3A_131 = arith.constant 0 : i32
      %dma_wait3A_132 = arith.constant 0 : i32
      %dma_wait3A_133 = tpu.memref_slice %arg3[%dma_wait3A_131, %dma_wait3A_132] : memref<147200x128xf32, #tpu.memory_space<hbm>> -> memref<40x128xf32, #tpu.memory_space<hbm>>
      %dma_wait3A_134 = arith.constant 0 : i32
      %dma_wait3A_135 = arith.constant 0 : i32
      %dma_wait3A_136 = tpu.memref_slice %arg3[%dma_wait3A_134, %dma_wait3A_135] : memref<147200x128xf32, #tpu.memory_space<hbm>> -> memref<40x128xf32, #tpu.memory_space<hbm>>
      tpu.wait_dma2 semaphore(%arg22 : memref<!tpu.dma_semaphore, #tpu.memory_space<semaphore_mem>>) src(%dma_wait3A_136 : memref<40x128xf32, #tpu.memory_space<hbm>>) dst(%arg17 : memref<40x128xf32, #tpu.memory_space<vmem>>)
      %dma_wait3A_137 = arith.constant 0 : i32
      %dma_wait3A_138 = tpu.memref_slice %arg6[%dma_wait3A_137] : memref<320000xi32, #tpu.memory_space<hbm>> -> memref<40xi32, #tpu.memory_space<hbm>>
      %dma_wait3A_139 = arith.constant 0 : i32
      %dma_wait3A_140 = tpu.memref_slice %arg6[%dma_wait3A_139] : memref<320000xi32, #tpu.memory_space<hbm>> -> memref<40xi32, #tpu.memory_space<hbm>>
      tpu.wait_dma2 semaphore(%arg22 : memref<!tpu.dma_semaphore, #tpu.memory_space<semaphore_mem>>) src(%dma_wait3A_140 : memref<40xi32, #tpu.memory_space<hbm>>) dst(%arg11 : memref<40xi32, #tpu.memory_space<vmem>>)
      %dma_wait3A_141 = arith.constant 0 : i32
      %dma_wait3A_142 = tpu.memref_slice %arg13[%dma_wait3A_141] : memref<56xf32, #tpu.memory_space<vmem>> -> memref<40xf32, #tpu.memory_space<vmem>>
      %dma_wait3A_143 = arith.constant 0 : i32
      %dma_wait3A_144 = tpu.memref_slice %arg4[%dma_wait3A_143] : memref<320000xf32, #tpu.memory_space<hbm>> -> memref<40xf32, #tpu.memory_space<hbm>>
      %dma_wait3A_145 = arith.constant 0 : i32
      %dma_wait3A_146 = tpu.memref_slice %arg13[%dma_wait3A_145] : memref<56xf32, #tpu.memory_space<vmem>> -> memref<40xf32, #tpu.memory_space<vmem>>
      %dma_wait3A_147 = arith.constant 0 : i32
      %dma_wait3A_148 = tpu.memref_slice %arg4[%dma_wait3A_147] : memref<320000xf32, #tpu.memory_space<hbm>> -> memref<40xf32, #tpu.memory_space<hbm>>
      tpu.wait_dma2 semaphore(%arg22 : memref<!tpu.dma_semaphore, #tpu.memory_space<semaphore_mem>>) src(%dma_wait3A_148 : memref<40xf32, #tpu.memory_space<hbm>>) dst(%dma_wait3A_146 : memref<40xf32, #tpu.memory_space<vmem>>)
      %dma_wait3A_149 = arith.constant 0 : i32
      %dma_wait3A_150 = arith.constant 0 : i32
      %dma_wait3A_151 = tpu.memref_slice %arg2[%dma_wait3A_149, %dma_wait3A_150] : memref<10000x128xf32, #tpu.memory_space<hbm>> -> memref<40x128xf32, #tpu.memory_space<hbm>>
      %dma_wait3A_152 = arith.constant 0 : i32
      %dma_wait3A_153 = arith.constant 0 : i32
      %dma_wait3A_154 = tpu.memref_slice %arg2[%dma_wait3A_152, %dma_wait3A_153] : memref<10000x128xf32, #tpu.memory_space<hbm>> -> memref<40x128xf32, #tpu.memory_space<hbm>>
      tpu.wait_dma2 semaphore(%arg20 : memref<!tpu.dma_semaphore, #tpu.memory_space<semaphore_mem>>) src(%dma_wait3A_154 : memref<40x128xf32, #tpu.memory_space<hbm>>) dst(%arg15 : memref<40x128xf32, #tpu.memory_space<vmem>>)
      %add3A_155 = arith.constant 2 : i32
      %add3A_156 = arith.addi %mul3A_114, %add3A_155 : i32
      %lt3A_157 = arith.constant 115 : i32
      %lt3A_158 = arith.cmpi slt, %add3A_156, %lt3A_157 : i32
      %convert_element_type3A_159 = arith.extui %lt3A_158 : i1 to i32
      %cond3A_160 = arith.constant 0 : i32
      %cond3A_161 = arith.cmpi ne, %convert_element_type3A_159, %cond3A_160 : i32
      scf.if %cond3A_161 {
        %min3A_236 = arith.constant 114 : i32
        %min3A_237 = arith.minsi %add3A_156, %min3A_236 : i32
        %mul3A_238 = arith.constant 40 : i32
        %mul3A_239 = arith.muli %min3A_237, %mul3A_238 : i32
        %add3A_240 = arith.addi %add3A_12, %mul3A_239 : i32
        %dma_start3A_241 = tpu.memref_slice %arg5[%add3A_240] : memref<320000xi32, #tpu.memory_space<hbm>> -> memref<40xi32, #tpu.memory_space<hbm>>
        %dma_start3A_242 = tpu.memref_slice %arg5[%add3A_240] : memref<320000xi32, #tpu.memory_space<hbm>> -> memref<40xi32, #tpu.memory_space<hbm>>
        tpu.enqueue_dma source(%dma_start3A_242 : memref<40xi32, #tpu.memory_space<hbm>>) target(%arg9 : memref<40xi32, #tpu.memory_space<vmem>>) target_semaphore(%arg24 : memref<!tpu.dma_semaphore, #tpu.memory_space<semaphore_mem>>)
      } else {
      }
      %scan3A_162 = arith.constant 0 : i32
      %scan3A_163 = arith.constant 0 : i32
      %scan3A_164 = arith.constant 40 : i32
      %scan3A_165 = arith.addi %scan3A_163, %scan3A_164 : i32
      %scan3A_166 = arith.constant 1 : i32
      scf.for %scan3A_236 = %scan3A_163 to %scan3A_165 step %scan3A_166  : i32 {
        %get3A = arith.index_cast %scan3A_236 : i32 to index
        %get3A_237 = tpu.vector_load %arg13[%get3A] {strides = array<i32>} : memref<56xf32, #tpu.memory_space<vmem>>, vector<16xf32>,
        %get3A_238 = vector.shape_cast %get3A_237 : vector<16xf32> to vector<16xf32>
        %slice3A = vector.extract_strided_slice %get3A_238 {offsets = [0], sizes = [1], strides = [1]} : vector<16xf32> to vector<1xf32>
        %squeeze3A = vector.extract %slice3A[0] : f32 from vector<1xf32>
        %get3A_239 = arith.index_cast %scan3A_236 : i32 to index
        %get3A_240 = arith.constant 0 : index
        %get3A_241 = tpu.vector_load %arg15[%get3A_239, %get3A_240] {strides = array<i32>} : memref<40x128xf32, #tpu.memory_space<vmem>>, vector<1x16xf32>,
        %get3A_242 = vector.shape_cast %get3A_241 : vector<1x16xf32> to vector<16xf32>
        %get3A_243 = arith.index_cast %scan3A_236 : i32 to index
        %get3A_244 = arith.constant 0 : index
        %get3A_245 = tpu.vector_load %arg17[%get3A_243, %get3A_244] {strides = array<i32>} : memref<40x128xf32, #tpu.memory_space<vmem>>, vector<1x16xf32>,
        %get3A_246 = vector.shape_cast %get3A_245 : vector<1x16xf32> to vector<16xf32>
        %mul3A_247 = vector.broadcast %squeeze3A : f32 to vector<16xf32>
        %mul3A_248 = arith.mulf %get3A_246, %mul3A_247 : vector<16xf32>
        %mul3A_249 = arith.mulf %get3A_242, %mul3A_248 : vector<16xf32>
        %swap3A = arith.index_cast %scan3A_236 : i32 to index
        %swap3A_250 = arith.constant 0 : index
        %swap3A_251 = tpu.vector_load %arg15[%swap3A, %swap3A_250] {strides = array<i32>} : memref<40x128xf32, #tpu.memory_space<vmem>>, vector<1x16xf32>,
        %swap3A_252 = vector.shape_cast %swap3A_251 : vector<1x16xf32> to vector<16xf32>
        %swap3A_253 = vector.shape_cast %mul3A_249 : vector<16xf32> to vector<1x16xf32>
        tpu.vector_store %arg15[%swap3A, %swap3A_250], %swap3A_253 {strides = array<i32>} : memref<40x128xf32, #tpu.memory_space<vmem>>, vector<1x16xf32>,
        %get3A_254 = arith.index_cast %scan3A_236 : i32 to index
        %get3A_255 = arith.constant 16 : index
        %get3A_256 = tpu.vector_load %arg15[%get3A_254, %get3A_255] {strides = array<i32>} : memref<40x128xf32, #tpu.memory_space<vmem>>, vector<1x16xf32>,
        %get3A_257 = vector.shape_cast %get3A_256 : vector<1x16xf32> to vector<16xf32>
        %get3A_258 = arith.index_cast %scan3A_236 : i32 to index
        %get3A_259 = arith.constant 16 : index
        %get3A_260 = tpu.vector_load %arg17[%get3A_258, %get3A_259] {strides = array<i32>} : memref<40x128xf32, #tpu.memory_space<vmem>>, vector<1x16xf32>,
        %get3A_261 = vector.shape_cast %get3A_260 : vector<1x16xf32> to vector<16xf32>
        %mul3A_262 = vector.broadcast %squeeze3A : f32 to vector<16xf32>
        %mul3A_263 = arith.mulf %get3A_261, %mul3A_262 : vector<16xf32>
        %mul3A_264 = arith.mulf %get3A_257, %mul3A_263 : vector<16xf32>
        %swap3A_265 = arith.index_cast %scan3A_236 : i32 to index
        %swap3A_266 = arith.constant 16 : index
        %swap3A_267 = tpu.vector_load %arg15[%swap3A_265, %swap3A_266] {strides = array<i32>} : memref<40x128xf32, #tpu.memory_space<vmem>>, vector<1x16xf32>,
        %swap3A_268 = vector.shape_cast %swap3A_267 : vector<1x16xf32> to vector<16xf32>
        %swap3A_269 = vector.shape_cast %mul3A_264 : vector<16xf32> to vector<1x16xf32>
        tpu.vector_store %arg15[%swap3A_265, %swap3A_266], %swap3A_269 {strides = array<i32>} : memref<40x128xf32, #tpu.memory_space<vmem>>, vector<1x16xf32>,
        %get3A_270 = arith.index_cast %scan3A_236 : i32 to index
        %get3A_271 = arith.constant 32 : index
        %get3A_272 = tpu.vector_load %arg15[%get3A_270, %get3A_271] {strides = array<i32>} : memref<40x128xf32, #tpu.memory_space<vmem>>, vector<1x16xf32>,
        %get3A_273 = vector.shape_cast %get3A_272 : vector<1x16xf32> to vector<16xf32>
        %get3A_274 = arith.index_cast %scan3A_236 : i32 to index
        %get3A_275 = arith.constant 32 : index
        %get3A_276 = tpu.vector_load %arg17[%get3A_274, %get3A_275] {strides = array<i32>} : memref<40x128xf32, #tpu.memory_space<vmem>>, vector<1x16xf32>,
        %get3A_277 = vector.shape_cast %get3A_276 : vector<1x16xf32> to vector<16xf32>
        %mul3A_278 = vector.broadcast %squeeze3A : f32 to vector<16xf32>
        %mul3A_279 = arith.mulf %get3A_277, %mul3A_278 : vector<16xf32>
        %mul3A_280 = arith.mulf %get3A_273, %mul3A_279 : vector<16xf32>
        %swap3A_281 = arith.index_cast %scan3A_236 : i32 to index
        %swap3A_282 = arith.constant 32 : index
        %swap3A_283 = tpu.vector_load %arg15[%swap3A_281, %swap3A_282] {strides = array<i32>} : memref<40x128xf32, #tpu.memory_space<vmem>>, vector<1x16xf32>,
        %swap3A_284 = vector.shape_cast %swap3A_283 : vector<1x16xf32> to vector<16xf32>
        %swap3A_285 = vector.shape_cast %mul3A_280 : vector<16xf32> to vector<1x16xf32>
        tpu.vector_store %arg15[%swap3A_281, %swap3A_282], %swap3A_285 {strides = array<i32>} : memref<40x128xf32, #tpu.memory_space<vmem>>, vector<1x16xf32>,
        %get3A_286 = arith.index_cast %scan3A_236 : i32 to index
        %get3A_287 = arith.constant 48 : index
        %get3A_288 = tpu.vector_load %arg15[%get3A_286, %get3A_287] {strides = array<i32>} : memref<40x128xf32, #tpu.memory_space<vmem>>, vector<1x16xf32>,
        %get3A_289 = vector.shape_cast %get3A_288 : vector<1x16xf32> to vector<16xf32>
        %get3A_290 = arith.index_cast %scan3A_236 : i32 to index
        %get3A_291 = arith.constant 48 : index
        %get3A_292 = tpu.vector_load %arg17[%get3A_290, %get3A_291] {strides = array<i32>} : memref<40x128xf32, #tpu.memory_space<vmem>>, vector<1x16xf32>,
        %get3A_293 = vector.shape_cast %get3A_292 : vector<1x16xf32> to vector<16xf32>
        %mul3A_294 = vector.broadcast %squeeze3A : f32 to vector<16xf32>
        %mul3A_295 = arith.mulf %get3A_293, %mul3A_294 : vector<16xf32>
        %mul3A_296 = arith.mulf %get3A_289, %mul3A_295 : vector<16xf32>
        %swap3A_297 = arith.index_cast %scan3A_236 : i32 to index
        %swap3A_298 = arith.constant 48 : index
        %swap3A_299 = tpu.vector_load %arg15[%swap3A_297, %swap3A_298] {strides = array<i32>} : memref<40x128xf32, #tpu.memory_space<vmem>>, vector<1x16xf32>,
        %swap3A_300 = vector.shape_cast %swap3A_299 : vector<1x16xf32> to vector<16xf32>
        %swap3A_301 = vector.shape_cast %mul3A_296 : vector<16xf32> to vector<1x16xf32>
        tpu.vector_store %arg15[%swap3A_297, %swap3A_298], %swap3A_301 {strides = array<i32>} : memref<40x128xf32, #tpu.memory_space<vmem>>, vector<1x16xf32>,
        %get3A_302 = arith.index_cast %scan3A_236 : i32 to index
        %get3A_303 = arith.constant 64 : index
        %get3A_304 = tpu.vector_load %arg15[%get3A_302, %get3A_303] {strides = array<i32>} : memref<40x128xf32, #tpu.memory_space<vmem>>, vector<1x16xf32>,
        %get3A_305 = vector.shape_cast %get3A_304 : vector<1x16xf32> to vector<16xf32>
        %get3A_306 = arith.index_cast %scan3A_236 : i32 to index
        %get3A_307 = arith.constant 64 : index
        %get3A_308 = tpu.vector_load %arg17[%get3A_306, %get3A_307] {strides = array<i32>} : memref<40x128xf32, #tpu.memory_space<vmem>>, vector<1x16xf32>,
        %get3A_309 = vector.shape_cast %get3A_308 : vector<1x16xf32> to vector<16xf32>
        %mul3A_310 = vector.broadcast %squeeze3A : f32 to vector<16xf32>
        %mul3A_311 = arith.mulf %get3A_309, %mul3A_310 : vector<16xf32>
        %mul3A_312 = arith.mulf %get3A_305, %mul3A_311 : vector<16xf32>
        %swap3A_313 = arith.index_cast %scan3A_236 : i32 to index
        %swap3A_314 = arith.constant 64 : index
        %swap3A_315 = tpu.vector_load %arg15[%swap3A_313, %swap3A_314] {strides = array<i32>} : memref<40x128xf32, #tpu.memory_space<vmem>>, vector<1x16xf32>,
        %swap3A_316 = vector.shape_cast %swap3A_315 : vector<1x16xf32> to vector<16xf32>
        %swap3A_317 = vector.shape_cast %mul3A_312 : vector<16xf32> to vector<1x16xf32>
        tpu.vector_store %arg15[%swap3A_313, %swap3A_314], %swap3A_317 {strides = array<i32>} : memref<40x128xf32, #tpu.memory_space<vmem>>, vector<1x16xf32>,
        %get3A_318 = arith.index_cast %scan3A_236 : i32 to index
        %get3A_319 = arith.constant 80 : index
        %get3A_320 = tpu.vector_load %arg15[%get3A_318, %get3A_319] {strides = array<i32>} : memref<40x128xf32, #tpu.memory_space<vmem>>, vector<1x16xf32>,
        %get3A_321 = vector.shape_cast %get3A_320 : vector<1x16xf32> to vector<16xf32>
        %get3A_322 = arith.index_cast %scan3A_236 : i32 to index
        %get3A_323 = arith.constant 80 : index
        %get3A_324 = tpu.vector_load %arg17[%get3A_322, %get3A_323] {strides = array<i32>} : memref<40x128xf32, #tpu.memory_space<vmem>>, vector<1x16xf32>,
        %get3A_325 = vector.shape_cast %get3A_324 : vector<1x16xf32> to vector<16xf32>
        %mul3A_326 = vector.broadcast %squeeze3A : f32 to vector<16xf32>
        %mul3A_327 = arith.mulf %get3A_325, %mul3A_326 : vector<16xf32>
        %mul3A_328 = arith.mulf %get3A_321, %mul3A_327 : vector<16xf32>
        %swap3A_329 = arith.index_cast %scan3A_236 : i32 to index
        %swap3A_330 = arith.constant 80 : index
        %swap3A_331 = tpu.vector_load %arg15[%swap3A_329, %swap3A_330] {strides = array<i32>} : memref<40x128xf32, #tpu.memory_space<vmem>>, vector<1x16xf32>,
        %swap3A_332 = vector.shape_cast %swap3A_331 : vector<1x16xf32> to vector<16xf32>
        %swap3A_333 = vector.shape_cast %mul3A_328 : vector<16xf32> to vector<1x16xf32>
        tpu.vector_store %arg15[%swap3A_329, %swap3A_330], %swap3A_333 {strides = array<i32>} : memref<40x128xf32, #tpu.memory_space<vmem>>, vector<1x16xf32>,
        %get3A_334 = arith.index_cast %scan3A_236 : i32 to index
        %get3A_335 = arith.constant 96 : index
        %get3A_336 = tpu.vector_load %arg15[%get3A_334, %get3A_335] {strides = array<i32>} : memref<40x128xf32, #tpu.memory_space<vmem>>, vector<1x16xf32>,
        %get3A_337 = vector.shape_cast %get3A_336 : vector<1x16xf32> to vector<16xf32>
        %get3A_338 = arith.index_cast %scan3A_236 : i32 to index
        %get3A_339 = arith.constant 96 : index
        %get3A_340 = tpu.vector_load %arg17[%get3A_338, %get3A_339] {strides = array<i32>} : memref<40x128xf32, #tpu.memory_space<vmem>>, vector<1x16xf32>,
        %get3A_341 = vector.shape_cast %get3A_340 : vector<1x16xf32> to vector<16xf32>
        %mul3A_342 = vector.broadcast %squeeze3A : f32 to vector<16xf32>
        %mul3A_343 = arith.mulf %get3A_341, %mul3A_342 : vector<16xf32>
        %mul3A_344 = arith.mulf %get3A_337, %mul3A_343 : vector<16xf32>
        %swap3A_345 = arith.index_cast %scan3A_236 : i32 to index
        %swap3A_346 = arith.constant 96 : index
        %swap3A_347 = tpu.vector_load %arg15[%swap3A_345, %swap3A_346] {strides = array<i32>} : memref<40x128xf32, #tpu.memory_space<vmem>>, vector<1x16xf32>,
        %swap3A_348 = vector.shape_cast %swap3A_347 : vector<1x16xf32> to vector<16xf32>
        %swap3A_349 = vector.shape_cast %mul3A_344 : vector<16xf32> to vector<1x16xf32>
        tpu.vector_store %arg15[%swap3A_345, %swap3A_346], %swap3A_349 {strides = array<i32>} : memref<40x128xf32, #tpu.memory_space<vmem>>, vector<1x16xf32>,
        %get3A_350 = arith.index_cast %scan3A_236 : i32 to index
        %get3A_351 = arith.constant 112 : index
        %get3A_352 = tpu.vector_load %arg15[%get3A_350, %get3A_351] {strides = array<i32>} : memref<40x128xf32, #tpu.memory_space<vmem>>, vector<1x16xf32>,
        %get3A_353 = vector.shape_cast %get3A_352 : vector<1x16xf32> to vector<16xf32>
        %get3A_354 = arith.index_cast %scan3A_236 : i32 to index
        %get3A_355 = arith.constant 112 : index
        %get3A_356 = tpu.vector_load %arg17[%get3A_354, %get3A_355] {strides = array<i32>} : memref<40x128xf32, #tpu.memory_space<vmem>>, vector<1x16xf32>,
        %get3A_357 = vector.shape_cast %get3A_356 : vector<1x16xf32> to vector<16xf32>
        %mul3A_358 = vector.broadcast %squeeze3A : f32 to vector<16xf32>
        %mul3A_359 = arith.mulf %get3A_357, %mul3A_358 : vector<16xf32>
        %mul3A_360 = arith.mulf %get3A_353, %mul3A_359 : vector<16xf32>
        %swap3A_361 = arith.index_cast %scan3A_236 : i32 to index
        %swap3A_362 = arith.constant 112 : index
        %swap3A_363 = tpu.vector_load %arg15[%swap3A_361, %swap3A_362] {strides = array<i32>} : memref<40x128xf32, #tpu.memory_space<vmem>>, vector<1x16xf32>,
        %swap3A_364 = vector.shape_cast %swap3A_363 : vector<1x16xf32> to vector<16xf32>
        %swap3A_365 = vector.shape_cast %mul3A_360 : vector<16xf32> to vector<1x16xf32>
        tpu.vector_store %arg15[%swap3A_361, %swap3A_362], %swap3A_365 {strides = array<i32>} : memref<40x128xf32, #tpu.memory_space<vmem>>, vector<1x16xf32>,
      }
      %scan3A_167 = arith.constant 40 : i32
      %dma_start3A_168 = arith.constant 0 : i32
      %dma_start3A_169 = arith.constant 0 : i32
      %dma_start3A_170 = tpu.memref_slice %arg19[%dma_start3A_168, %dma_start3A_169] : memref<10240x128xf32, #tpu.memory_space<vmem_shared>> -> memref<10240x128xf32, #tpu.memory_space<vmem_shared>>
      tpu.enqueue_indirect_dma source(%arg15 : memref<40x128xf32, #tpu.memory_space<vmem>>) target(%dma_start3A_170 : memref<10240x128xf32, #tpu.memory_space<vmem_shared>>) offsets(%arg11 : memref<40xi32, #tpu.memory_space<vmem>>) semaphore(%arg26 : memref<!tpu.dma_semaphore, #tpu.memory_space<semaphore_mem>>) {add = true}
      %mul3A_171 = arith.constant 2 : i32
      %mul3A_172 = arith.muli %mul3A_171, %scan3A_112 : i32
      %add3A_173 = arith.constant 1 : i32
      %add3A_174 = arith.addi %mul3A_172, %add3A_173 : i32
      %sub3A_175 = arith.constant 1 : i32
      %sub3A_176 = arith.subi %add3A_174, %sub3A_175 : i32
      %ge3A_177 = arith.constant 0 : i32
      %ge3A_178 = arith.cmpi sge, %sub3A_176, %ge3A_177 : i32
      %convert_element_type3A_179 = arith.extui %ge3A_178 : i1 to i32
      %cond3A_180 = arith.constant 0 : i32
      %cond3A_181 = arith.cmpi ne, %convert_element_type3A_179, %cond3A_180 : i32
      scf.if %cond3A_181 {
        %dma_wait3A_236 = arith.constant 0 : i32
        %dma_wait3A_237 = arith.constant 0 : i32
        %dma_wait3A_238 = tpu.memref_slice %arg19[%dma_wait3A_236, %dma_wait3A_237] : memref<10240x128xf32, #tpu.memory_space<vmem_shared>> -> memref<10240x128xf32, #tpu.memory_space<vmem_shared>>
        tpu.wait_indirect_dma semaphore(%arg26 : memref<!tpu.dma_semaphore, #tpu.memory_space<semaphore_mem>>) src(%arg15 : memref<40x128xf32, #tpu.memory_space<vmem>>) dst(%dma_wait3A_238 : memref<10240x128xf32, #tpu.memory_space<vmem_shared>>)
      } else {
      }
      %add3A_182 = arith.constant 1 : i32
      %add3A_183 = arith.addi %add3A_174, %add3A_182 : i32
      %lt3A_184 = arith.constant 115 : i32
      %lt3A_185 = arith.cmpi slt, %add3A_183, %lt3A_184 : i32
      %convert_element_type3A_186 = arith.extui %lt3A_185 : i1 to i32
      %cond3A_187 = arith.constant 0 : i32
      %cond3A_188 = arith.cmpi ne, %convert_element_type3A_186, %cond3A_187 : i32
      scf.if %cond3A_188 {
        %dma_wait3A_236 = arith.constant 0 : i32
        %dma_wait3A_237 = tpu.memref_slice %arg5[%dma_wait3A_236] : memref<320000xi32, #tpu.memory_space<hbm>> -> memref<40xi32, #tpu.memory_space<hbm>>
        %dma_wait3A_238 = arith.constant 0 : i32
        %dma_wait3A_239 = tpu.memref_slice %arg5[%dma_wait3A_238] : memref<320000xi32, #tpu.memory_space<hbm>> -> memref<40xi32, #tpu.memory_space<hbm>>
        tpu.wait_dma2 semaphore(%arg24 : memref<!tpu.dma_semaphore, #tpu.memory_space<semaphore_mem>>) src(%dma_wait3A_239 : memref<40xi32, #tpu.memory_space<hbm>>) dst(%arg9 : memref<40xi32, #tpu.memory_space<vmem>>)
      } else {
      }
      %add3A_189 = arith.constant 1 : i32
      %add3A_190 = arith.addi %add3A_174, %add3A_189 : i32
      %lt3A_191 = arith.constant 115 : i32
      %lt3A_192 = arith.cmpi slt, %add3A_190, %lt3A_191 : i32
      %convert_element_type3A_193 = arith.extui %lt3A_192 : i1 to i32
      %cond3A_194 = arith.constant 0 : i32
      %cond3A_195 = arith.cmpi ne, %convert_element_type3A_193, %cond3A_194 : i32
      scf.if %cond3A_195 {
        %min3A_236 = arith.constant 114 : i32
        %min3A_237 = arith.minsi %add3A_190, %min3A_236 : i32
        %mul3A_238 = arith.constant 40 : i32
        %mul3A_239 = arith.muli %min3A_237, %mul3A_238 : i32
        %add3A_240 = arith.addi %mul3A_14, %mul3A_239 : i32
        %min3A_241 = arith.constant 114 : i32
        %min3A_242 = arith.minsi %add3A_190, %min3A_241 : i32
        %mul3A_243 = arith.constant 40 : i32
        %mul3A_244 = arith.muli %min3A_242, %mul3A_243 : i32
        %add3A_245 = arith.addi %add3A_12, %mul3A_244 : i32
        %dma_start3A_246 = arith.constant 0 : i32
        %dma_start3A_247 = tpu.memref_slice %arg3[%add3A_240, %dma_start3A_246] : memref<147200x128xf32, #tpu.memory_space<hbm>> -> memref<40x128xf32, #tpu.memory_space<hbm>>
        %dma_start3A_248 = arith.constant 0 : i32
        %dma_start3A_249 = tpu.memref_slice %arg3[%add3A_240, %dma_start3A_248] : memref<147200x128xf32, #tpu.memory_space<hbm>> -> memref<40x128xf32, #tpu.memory_space<hbm>>
        tpu.enqueue_dma source(%dma_start3A_249 : memref<40x128xf32, #tpu.memory_space<hbm>>) target(%arg17 : memref<40x128xf32, #tpu.memory_space<vmem>>) target_semaphore(%arg22 : memref<!tpu.dma_semaphore, #tpu.memory_space<semaphore_mem>>)
        %dma_start3A_250 = tpu.memref_slice %arg6[%add3A_245] : memref<320000xi32, #tpu.memory_space<hbm>> -> memref<40xi32, #tpu.memory_space<hbm>>
        %dma_start3A_251 = tpu.memref_slice %arg6[%add3A_245] : memref<320000xi32, #tpu.memory_space<hbm>> -> memref<40xi32, #tpu.memory_space<hbm>>
        tpu.enqueue_dma source(%dma_start3A_251 : memref<40xi32, #tpu.memory_space<hbm>>) target(%arg11 : memref<40xi32, #tpu.memory_space<vmem>>) target_semaphore(%arg22 : memref<!tpu.dma_semaphore, #tpu.memory_space<semaphore_mem>>)
        %dma_start3A_252 = arith.constant 0 : i32
        %dma_start3A_253 = tpu.memref_slice %arg13[%dma_start3A_252] : memref<56xf32, #tpu.memory_space<vmem>> -> memref<40xf32, #tpu.memory_space<vmem>>
        %dma_start3A_254 = tpu.memref_slice %arg4[%add3A_245] : memref<320000xf32, #tpu.memory_space<hbm>> -> memref<40xf32, #tpu.memory_space<hbm>>
        %dma_start3A_255 = arith.constant 0 : i32
        %dma_start3A_256 = tpu.memref_slice %arg13[%dma_start3A_255] : memref<56xf32, #tpu.memory_space<vmem>> -> memref<40xf32, #tpu.memory_space<vmem>>
        %dma_start3A_257 = tpu.memref_slice %arg4[%add3A_245] : memref<320000xf32, #tpu.memory_space<hbm>> -> memref<40xf32, #tpu.memory_space<hbm>>
        tpu.enqueue_dma source(%dma_start3A_257 : memref<40xf32, #tpu.memory_space<hbm>>) target(%dma_start3A_256 : memref<40xf32, #tpu.memory_space<vmem>>) target_semaphore(%arg22 : memref<!tpu.dma_semaphore, #tpu.memory_space<semaphore_mem>>)
        %dma_start3A_258 = arith.constant 0 : i32
        %dma_start3A_259 = arith.constant 0 : i32
        %dma_start3A_260 = tpu.memref_slice %arg2[%dma_start3A_258, %dma_start3A_259] : memref<10000x128xf32, #tpu.memory_space<hbm>> -> memref<10000x128xf32, #tpu.memory_space<hbm>>
        tpu.enqueue_indirect_dma source(%dma_start3A_260 : memref<10000x128xf32, #tpu.memory_space<hbm>>) target(%arg15 : memref<40x128xf32, #tpu.memory_space<vmem>>) offsets(%arg9 : memref<40xi32, #tpu.memory_space<vmem>>) semaphore(%arg20 : memref<!tpu.dma_semaphore, #tpu.memory_space<semaphore_mem>>)
      } else {
      }
      %dma_wait3A_196 = arith.constant 0 : i32
      %dma_wait3A_197 = arith.constant 0 : i32
      %dma_wait3A_198 = tpu.memref_slice %arg3[%dma_wait3A_196, %dma_wait3A_197] : memref<147200x128xf32, #tpu.memory_space<hbm>> -> memref<40x128xf32, #tpu.memory_space<hbm>>
      %dma_wait3A_199 = arith.constant 0 : i32
      %dma_wait3A_200 = arith.constant 0 : i32
      %dma_wait3A_201 = tpu.memref_slice %arg3[%dma_wait3A_199, %dma_wait3A_200] : memref<147200x128xf32, #tpu.memory_space<hbm>> -> memref<40x128xf32, #tpu.memory_space<hbm>>
      tpu.wait_dma2 semaphore(%arg23 : memref<!tpu.dma_semaphore, #tpu.memory_space<semaphore_mem>>) src(%dma_wait3A_201 : memref<40x128xf32, #tpu.memory_space<hbm>>) dst(%arg18 : memref<40x128xf32, #tpu.memory_space<vmem>>)
      %dma_wait3A_202 = arith.constant 0 : i32
      %dma_wait3A_203 = tpu.memref_slice %arg6[%dma_wait3A_202] : memref<320000xi32, #tpu.memory_space<hbm>> -> memref<40xi32, #tpu.memory_space<hbm>>
      %dma_wait3A_204 = arith.constant 0 : i32
      %dma_wait3A_205 = tpu.memref_slice %arg6[%dma_wait3A_204] : memref<320000xi32, #tpu.memory_space<hbm>> -> memref<40xi32, #tpu.memory_space<hbm>>
      tpu.wait_dma2 semaphore(%arg23 : memref<!tpu.dma_semaphore, #tpu.memory_space<semaphore_mem>>) src(%dma_wait3A_205 : memref<40xi32, #tpu.memory_space<hbm>>) dst(%arg12 : memref<40xi32, #tpu.memory_space<vmem>>)
      %dma_wait3A_206 = arith.constant 0 : i32
      %dma_wait3A_207 = tpu.memref_slice %arg14[%dma_wait3A_206] : memref<56xf32, #tpu.memory_space<vmem>> -> memref<40xf32, #tpu.memory_space<vmem>>
      %dma_wait3A_208 = arith.constant 0 : i32
      %dma_wait3A_209 = tpu.memref_slice %arg4[%dma_wait3A_208] : memref<320000xf32, #tpu.memory_space<hbm>> -> memref<40xf32, #tpu.memory_space<hbm>>
      %dma_wait3A_210 = arith.constant 0 : i32
      %dma_wait3A_211 = tpu.memref_slice %arg14[%dma_wait3A_210] : memref<56xf32, #tpu.memory_space<vmem>> -> memref<40xf32, #tpu.memory_space<vmem>>
      %dma_wait3A_212 = arith.constant 0 : i32
      %dma_wait3A_213 = tpu.memref_slice %arg4[%dma_wait3A_212] : memref<320000xf32, #tpu.memory_space<hbm>> -> memref<40xf32, #tpu.memory_space<hbm>>
      tpu.wait_dma2 semaphore(%arg23 : memref<!tpu.dma_semaphore, #tpu.memory_space<semaphore_mem>>) src(%dma_wait3A_213 : memref<40xf32, #tpu.memory_space<hbm>>) dst(%dma_wait3A_211 : memref<40xf32, #tpu.memory_space<vmem>>)
      %dma_wait3A_214 = arith.constant 0 : i32
      %dma_wait3A_215 = arith.constant 0 : i32
      %dma_wait3A_216 = tpu.memref_slice %arg2[%dma_wait3A_214, %dma_wait3A_215] : memref<10000x128xf32, #tpu.memory_space<hbm>> -> memref<40x128xf32, #tpu.memory_space<hbm>>
      %dma_wait3A_217 = arith.constant 0 : i32
      %dma_wait3A_218 = arith.constant 0 : i32
      %dma_wait3A_219 = tpu.memref_slice %arg2[%dma_wait3A_217, %dma_wait3A_218] : memref<10000x128xf32, #tpu.memory_space<hbm>> -> memref<40x128xf32, #tpu.memory_space<hbm>>
      tpu.wait_dma2 semaphore(%arg21 : memref<!tpu.dma_semaphore, #tpu.memory_space<semaphore_mem>>) src(%dma_wait3A_219 : memref<40x128xf32, #tpu.memory_space<hbm>>) dst(%arg16 : memref<40x128xf32, #tpu.memory_space<vmem>>)
      %add3A_220 = arith.constant 2 : i32
      %add3A_221 = arith.addi %add3A_174, %add3A_220 : i32
      %lt3A_222 = arith.constant 115 : i32
      %lt3A_223 = arith.cmpi slt, %add3A_221, %lt3A_222 : i32
      %convert_element_type3A_224 = arith.extui %lt3A_223 : i1 to i32
      %cond3A_225 = arith.constant 0 : i32
      %cond3A_226 = arith.cmpi ne, %convert_element_type3A_224, %cond3A_225 : i32
      scf.if %cond3A_226 {
        %min3A_236 = arith.constant 114 : i32
        %min3A_237 = arith.minsi %add3A_221, %min3A_236 : i32
        %mul3A_238 = arith.constant 40 : i32
        %mul3A_239 = arith.muli %min3A_237, %mul3A_238 : i32
        %add3A_240 = arith.addi %add3A_12, %mul3A_239 : i32
        %dma_start3A_241 = tpu.memref_slice %arg5[%add3A_240] : memref<320000xi32, #tpu.memory_space<hbm>> -> memref<40xi32, #tpu.memory_space<hbm>>
        %dma_start3A_242 = tpu.memref_slice %arg5[%add3A_240] : memref<320000xi32, #tpu.memory_space<hbm>> -> memref<40xi32, #tpu.memory_space<hbm>>
        tpu.enqueue_dma source(%dma_start3A_242 : memref<40xi32, #tpu.memory_space<hbm>>) target(%arg10 : memref<40xi32, #tpu.memory_space<vmem>>) target_semaphore(%arg25 : memref<!tpu.dma_semaphore, #tpu.memory_space<semaphore_mem>>)
      } else {
      }
      %scan3A_227 = arith.constant 0 : i32
      %scan3A_228 = arith.constant 0 : i32
      %scan3A_229 = arith.constant 40 : i32
      %scan3A_230 = arith.addi %scan3A_228, %scan3A_229 : i32
      %scan3A_231 = arith.constant 1 : i32
      scf.for %scan3A_236 = %scan3A_228 to %scan3A_230 step %scan3A_231  : i32 {
        %get3A = arith.index_cast %scan3A_236 : i32 to index
        %get3A_237 = tpu.vector_load %arg14[%get3A] {strides = array<i32>} : memref<56xf32, #tpu.memory_space<vmem>>, vector<16xf32>,
        %get3A_238 = vector.shape_cast %get3A_237 : vector<16xf32> to vector<16xf32>
        %slice3A = vector.extract_strided_slice %get3A_238 {offsets = [0], sizes = [1], strides = [1]} : vector<16xf32> to vector<1xf32>
        %squeeze3A = vector.extract %slice3A[0] : f32 from vector<1xf32>
        %get3A_239 = arith.index_cast %scan3A_236 : i32 to index
        %get3A_240 = arith.constant 0 : index
        %get3A_241 = tpu.vector_load %arg16[%get3A_239, %get3A_240] {strides = array<i32>} : memref<40x128xf32, #tpu.memory_space<vmem>>, vector<1x16xf32>,
        %get3A_242 = vector.shape_cast %get3A_241 : vector<1x16xf32> to vector<16xf32>
        %get3A_243 = arith.index_cast %scan3A_236 : i32 to index
        %get3A_244 = arith.constant 0 : index
        %get3A_245 = tpu.vector_load %arg18[%get3A_243, %get3A_244] {strides = array<i32>} : memref<40x128xf32, #tpu.memory_space<vmem>>, vector<1x16xf32>,
        %get3A_246 = vector.shape_cast %get3A_245 : vector<1x16xf32> to vector<16xf32>
        %mul3A_247 = vector.broadcast %squeeze3A : f32 to vector<16xf32>
        %mul3A_248 = arith.mulf %get3A_246, %mul3A_247 : vector<16xf32>
        %mul3A_249 = arith.mulf %get3A_242, %mul3A_248 : vector<16xf32>
        %swap3A = arith.index_cast %scan3A_236 : i32 to index
        %swap3A_250 = arith.constant 0 : index
        %swap3A_251 = tpu.vector_load %arg16[%swap3A, %swap3A_250] {strides = array<i32>} : memref<40x128xf32, #tpu.memory_space<vmem>>, vector<1x16xf32>,
        %swap3A_252 = vector.shape_cast %swap3A_251 : vector<1x16xf32> to vector<16xf32>
        %swap3A_253 = vector.shape_cast %mul3A_249 : vector<16xf32> to vector<1x16xf32>
        tpu.vector_store %arg16[%swap3A, %swap3A_250], %swap3A_253 {strides = array<i32>} : memref<40x128xf32, #tpu.memory_space<vmem>>, vector<1x16xf32>,
        %get3A_254 = arith.index_cast %scan3A_236 : i32 to index
        %get3A_255 = arith.constant 16 : index
        %get3A_256 = tpu.vector_load %arg16[%get3A_254, %get3A_255] {strides = array<i32>} : memref<40x128xf32, #tpu.memory_space<vmem>>, vector<1x16xf32>,
        %get3A_257 = vector.shape_cast %get3A_256 : vector<1x16xf32> to vector<16xf32>
        %get3A_258 = arith.index_cast %scan3A_236 : i32 to index
        %get3A_259 = arith.constant 16 : index
        %get3A_260 = tpu.vector_load %arg18[%get3A_258, %get3A_259] {strides = array<i32>} : memref<40x128xf32, #tpu.memory_space<vmem>>, vector<1x16xf32>,
        %get3A_261 = vector.shape_cast %get3A_260 : vector<1x16xf32> to vector<16xf32>
        %mul3A_262 = vector.broadcast %squeeze3A : f32 to vector<16xf32>
        %mul3A_263 = arith.mulf %get3A_261, %mul3A_262 : vector<16xf32>
        %mul3A_264 = arith.mulf %get3A_257, %mul3A_263 : vector<16xf32>
        %swap3A_265 = arith.index_cast %scan3A_236 : i32 to index
        %swap3A_266 = arith.constant 16 : index
        %swap3A_267 = tpu.vector_load %arg16[%swap3A_265, %swap3A_266] {strides = array<i32>} : memref<40x128xf32, #tpu.memory_space<vmem>>, vector<1x16xf32>,
        %swap3A_268 = vector.shape_cast %swap3A_267 : vector<1x16xf32> to vector<16xf32>
        %swap3A_269 = vector.shape_cast %mul3A_264 : vector<16xf32> to vector<1x16xf32>
        tpu.vector_store %arg16[%swap3A_265, %swap3A_266], %swap3A_269 {strides = array<i32>} : memref<40x128xf32, #tpu.memory_space<vmem>>, vector<1x16xf32>,
        %get3A_270 = arith.index_cast %scan3A_236 : i32 to index
        %get3A_271 = arith.constant 32 : index
        %get3A_272 = tpu.vector_load %arg16[%get3A_270, %get3A_271] {strides = array<i32>} : memref<40x128xf32, #tpu.memory_space<vmem>>, vector<1x16xf32>,
        %get3A_273 = vector.shape_cast %get3A_272 : vector<1x16xf32> to vector<16xf32>
        %get3A_274 = arith.index_cast %scan3A_236 : i32 to index
        %get3A_275 = arith.constant 32 : index
        %get3A_276 = tpu.vector_load %arg18[%get3A_274, %get3A_275] {strides = array<i32>} : memref<40x128xf32, #tpu.memory_space<vmem>>, vector<1x16xf32>,
        %get3A_277 = vector.shape_cast %get3A_276 : vector<1x16xf32> to vector<16xf32>
        %mul3A_278 = vector.broadcast %squeeze3A : f32 to vector<16xf32>
        %mul3A_279 = arith.mulf %get3A_277, %mul3A_278 : vector<16xf32>
        %mul3A_280 = arith.mulf %get3A_273, %mul3A_279 : vector<16xf32>
        %swap3A_281 = arith.index_cast %scan3A_236 : i32 to index
        %swap3A_282 = arith.constant 32 : index
        %swap3A_283 = tpu.vector_load %arg16[%swap3A_281, %swap3A_282] {strides = array<i32>} : memref<40x128xf32, #tpu.memory_space<vmem>>, vector<1x16xf32>,
        %swap3A_284 = vector.shape_cast %swap3A_283 : vector<1x16xf32> to vector<16xf32>
        %swap3A_285 = vector.shape_cast %mul3A_280 : vector<16xf32> to vector<1x16xf32>
        tpu.vector_store %arg16[%swap3A_281, %swap3A_282], %swap3A_285 {strides = array<i32>} : memref<40x128xf32, #tpu.memory_space<vmem>>, vector<1x16xf32>,
        %get3A_286 = arith.index_cast %scan3A_236 : i32 to index
        %get3A_287 = arith.constant 48 : index
        %get3A_288 = tpu.vector_load %arg16[%get3A_286, %get3A_287] {strides = array<i32>} : memref<40x128xf32, #tpu.memory_space<vmem>>, vector<1x16xf32>,
        %get3A_289 = vector.shape_cast %get3A_288 : vector<1x16xf32> to vector<16xf32>
        %get3A_290 = arith.index_cast %scan3A_236 : i32 to index
        %get3A_291 = arith.constant 48 : index
        %get3A_292 = tpu.vector_load %arg18[%get3A_290, %get3A_291] {strides = array<i32>} : memref<40x128xf32, #tpu.memory_space<vmem>>, vector<1x16xf32>,
        %get3A_293 = vector.shape_cast %get3A_292 : vector<1x16xf32> to vector<16xf32>
        %mul3A_294 = vector.broadcast %squeeze3A : f32 to vector<16xf32>
        %mul3A_295 = arith.mulf %get3A_293, %mul3A_294 : vector<16xf32>
        %mul3A_296 = arith.mulf %get3A_289, %mul3A_295 : vector<16xf32>
        %swap3A_297 = arith.index_cast %scan3A_236 : i32 to index
        %swap3A_298 = arith.constant 48 : index
        %swap3A_299 = tpu.vector_load %arg16[%swap3A_297, %swap3A_298] {strides = array<i32>} : memref<40x128xf32, #tpu.memory_space<vmem>>, vector<1x16xf32>,
        %swap3A_300 = vector.shape_cast %swap3A_299 : vector<1x16xf32> to vector<16xf32>
        %swap3A_301 = vector.shape_cast %mul3A_296 : vector<16xf32> to vector<1x16xf32>
        tpu.vector_store %arg16[%swap3A_297, %swap3A_298], %swap3A_301 {strides = array<i32>} : memref<40x128xf32, #tpu.memory_space<vmem>>, vector<1x16xf32>,
        %get3A_302 = arith.index_cast %scan3A_236 : i32 to index
        %get3A_303 = arith.constant 64 : index
        %get3A_304 = tpu.vector_load %arg16[%get3A_302, %get3A_303] {strides = array<i32>} : memref<40x128xf32, #tpu.memory_space<vmem>>, vector<1x16xf32>,
        %get3A_305 = vector.shape_cast %get3A_304 : vector<1x16xf32> to vector<16xf32>
        %get3A_306 = arith.index_cast %scan3A_236 : i32 to index
        %get3A_307 = arith.constant 64 : index
        %get3A_308 = tpu.vector_load %arg18[%get3A_306, %get3A_307] {strides = array<i32>} : memref<40x128xf32, #tpu.memory_space<vmem>>, vector<1x16xf32>,
        %get3A_309 = vector.shape_cast %get3A_308 : vector<1x16xf32> to vector<16xf32>
        %mul3A_310 = vector.broadcast %squeeze3A : f32 to vector<16xf32>
        %mul3A_311 = arith.mulf %get3A_309, %mul3A_310 : vector<16xf32>
        %mul3A_312 = arith.mulf %get3A_305, %mul3A_311 : vector<16xf32>
        %swap3A_313 = arith.index_cast %scan3A_236 : i32 to index
        %swap3A_314 = arith.constant 64 : index
        %swap3A_315 = tpu.vector_load %arg16[%swap3A_313, %swap3A_314] {strides = array<i32>} : memref<40x128xf32, #tpu.memory_space<vmem>>, vector<1x16xf32>,
        %swap3A_316 = vector.shape_cast %swap3A_315 : vector<1x16xf32> to vector<16xf32>
        %swap3A_317 = vector.shape_cast %mul3A_312 : vector<16xf32> to vector<1x16xf32>
        tpu.vector_store %arg16[%swap3A_313, %swap3A_314], %swap3A_317 {strides = array<i32>} : memref<40x128xf32, #tpu.memory_space<vmem>>, vector<1x16xf32>,
        %get3A_318 = arith.index_cast %scan3A_236 : i32 to index
        %get3A_319 = arith.constant 80 : index
        %get3A_320 = tpu.vector_load %arg16[%get3A_318, %get3A_319] {strides = array<i32>} : memref<40x128xf32, #tpu.memory_space<vmem>>, vector<1x16xf32>,
        %get3A_321 = vector.shape_cast %get3A_320 : vector<1x16xf32> to vector<16xf32>
        %get3A_322 = arith.index_cast %scan3A_236 : i32 to index
        %get3A_323 = arith.constant 80 : index
        %get3A_324 = tpu.vector_load %arg18[%get3A_322, %get3A_323] {strides = array<i32>} : memref<40x128xf32, #tpu.memory_space<vmem>>, vector<1x16xf32>,
        %get3A_325 = vector.shape_cast %get3A_324 : vector<1x16xf32> to vector<16xf32>
        %mul3A_326 = vector.broadcast %squeeze3A : f32 to vector<16xf32>
        %mul3A_327 = arith.mulf %get3A_325, %mul3A_326 : vector<16xf32>
        %mul3A_328 = arith.mulf %get3A_321, %mul3A_327 : vector<16xf32>
        %swap3A_329 = arith.index_cast %scan3A_236 : i32 to index
        %swap3A_330 = arith.constant 80 : index
        %swap3A_331 = tpu.vector_load %arg16[%swap3A_329, %swap3A_330] {strides = array<i32>} : memref<40x128xf32, #tpu.memory_space<vmem>>, vector<1x16xf32>,
        %swap3A_332 = vector.shape_cast %swap3A_331 : vector<1x16xf32> to vector<16xf32>
        %swap3A_333 = vector.shape_cast %mul3A_328 : vector<16xf32> to vector<1x16xf32>
        tpu.vector_store %arg16[%swap3A_329, %swap3A_330], %swap3A_333 {strides = array<i32>} : memref<40x128xf32, #tpu.memory_space<vmem>>, vector<1x16xf32>,
        %get3A_334 = arith.index_cast %scan3A_236 : i32 to index
        %get3A_335 = arith.constant 96 : index
        %get3A_336 = tpu.vector_load %arg16[%get3A_334, %get3A_335] {strides = array<i32>} : memref<40x128xf32, #tpu.memory_space<vmem>>, vector<1x16xf32>,
        %get3A_337 = vector.shape_cast %get3A_336 : vector<1x16xf32> to vector<16xf32>
        %get3A_338 = arith.index_cast %scan3A_236 : i32 to index
        %get3A_339 = arith.constant 96 : index
        %get3A_340 = tpu.vector_load %arg18[%get3A_338, %get3A_339] {strides = array<i32>} : memref<40x128xf32, #tpu.memory_space<vmem>>, vector<1x16xf32>,
        %get3A_341 = vector.shape_cast %get3A_340 : vector<1x16xf32> to vector<16xf32>
        %mul3A_342 = vector.broadcast %squeeze3A : f32 to vector<16xf32>
        %mul3A_343 = arith.mulf %get3A_341, %mul3A_342 : vector<16xf32>
        %mul3A_344 = arith.mulf %get3A_337, %mul3A_343 : vector<16xf32>
        %swap3A_345 = arith.index_cast %scan3A_236 : i32 to index
        %swap3A_346 = arith.constant 96 : index
        %swap3A_347 = tpu.vector_load %arg16[%swap3A_345, %swap3A_346] {strides = array<i32>} : memref<40x128xf32, #tpu.memory_space<vmem>>, vector<1x16xf32>,
        %swap3A_348 = vector.shape_cast %swap3A_347 : vector<1x16xf32> to vector<16xf32>
        %swap3A_349 = vector.shape_cast %mul3A_344 : vector<16xf32> to vector<1x16xf32>
        tpu.vector_store %arg16[%swap3A_345, %swap3A_346], %swap3A_349 {strides = array<i32>} : memref<40x128xf32, #tpu.memory_space<vmem>>, vector<1x16xf32>,
        %get3A_350 = arith.index_cast %scan3A_236 : i32 to index
        %get3A_351 = arith.constant 112 : index
        %get3A_352 = tpu.vector_load %arg16[%get3A_350, %get3A_351] {strides = array<i32>} : memref<40x128xf32, #tpu.memory_space<vmem>>, vector<1x16xf32>,
        %get3A_353 = vector.shape_cast %get3A_352 : vector<1x16xf32> to vector<16xf32>
        %get3A_354 = arith.index_cast %scan3A_236 : i32 to index
        %get3A_355 = arith.constant 112 : index
        %get3A_356 = tpu.vector_load %arg18[%get3A_354, %get3A_355] {strides = array<i32>} : memref<40x128xf32, #tpu.memory_space<vmem>>, vector<1x16xf32>,
        %get3A_357 = vector.shape_cast %get3A_356 : vector<1x16xf32> to vector<16xf32>
        %mul3A_358 = vector.broadcast %squeeze3A : f32 to vector<16xf32>
        %mul3A_359 = arith.mulf %get3A_357, %mul3A_358 : vector<16xf32>
        %mul3A_360 = arith.mulf %get3A_353, %mul3A_359 : vector<16xf32>
        %swap3A_361 = arith.index_cast %scan3A_236 : i32 to index
        %swap3A_362 = arith.constant 112 : index
        %swap3A_363 = tpu.vector_load %arg16[%swap3A_361, %swap3A_362] {strides = array<i32>} : memref<40x128xf32, #tpu.memory_space<vmem>>, vector<1x16xf32>,
        %swap3A_364 = vector.shape_cast %swap3A_363 : vector<1x16xf32> to vector<16xf32>
        %swap3A_365 = vector.shape_cast %mul3A_360 : vector<16xf32> to vector<1x16xf32>
        tpu.vector_store %arg16[%swap3A_361, %swap3A_362], %swap3A_365 {strides = array<i32>} : memref<40x128xf32, #tpu.memory_space<vmem>>, vector<1x16xf32>,
      }
      %scan3A_232 = arith.constant 40 : i32
      %dma_start3A_233 = arith.constant 0 : i32
      %dma_start3A_234 = arith.constant 0 : i32
      %dma_start3A_235 = tpu.memref_slice %arg19[%dma_start3A_233, %dma_start3A_234] : memref<10240x128xf32, #tpu.memory_space<vmem_shared>> -> memref<10240x128xf32, #tpu.memory_space<vmem_shared>>
      tpu.enqueue_indirect_dma source(%arg16 : memref<40x128xf32, #tpu.memory_space<vmem>>) target(%dma_start3A_235 : memref<10240x128xf32, #tpu.memory_space<vmem_shared>>) offsets(%arg12 : memref<40xi32, #tpu.memory_space<vmem>>) semaphore(%arg27 : memref<!tpu.dma_semaphore, #tpu.memory_space<semaphore_mem>>) {add = true}
    }
    %scan3A_68 = arith.constant 57 : i32
    %dma_wait3A_69 = arith.constant 0 : i32
    %dma_wait3A_70 = arith.constant 0 : i32
    %dma_wait3A_71 = tpu.memref_slice %arg19[%dma_wait3A_69, %dma_wait3A_70] : memref<10240x128xf32, #tpu.memory_space<vmem_shared>> -> memref<10240x128xf32, #tpu.memory_space<vmem_shared>>
    tpu.wait_indirect_dma semaphore(%arg27 : memref<!tpu.dma_semaphore, #tpu.memory_space<semaphore_mem>>) src(%arg16 : memref<40x128xf32, #tpu.memory_space<vmem>>) dst(%dma_wait3A_71 : memref<10240x128xf32, #tpu.memory_space<vmem_shared>>)
    %dma_wait3A_72 = arith.constant 0 : i32
    %dma_wait3A_73 = arith.constant 0 : i32
    %dma_wait3A_74 = tpu.memref_slice %arg3[%dma_wait3A_72, %dma_wait3A_73] : memref<147200x128xf32, #tpu.memory_space<hbm>> -> memref<40x128xf32, #tpu.memory_space<hbm>>
    %dma_wait3A_75 = arith.constant 0 : i32
    %dma_wait3A_76 = arith.constant 0 : i32
    %dma_wait3A_77 = tpu.memref_slice %arg3[%dma_wait3A_75, %dma_wait3A_76] : memref<147200x128xf32, #tpu.memory_space<hbm>> -> memref<40x128xf32, #tpu.memory_space<hbm>>
    tpu.wait_dma2 semaphore(%arg22 : memref<!tpu.dma_semaphore, #tpu.memory_space<semaphore_mem>>) src(%dma_wait3A_77 : memref<40x128xf32, #tpu.memory_space<hbm>>) dst(%arg17 : memref<40x128xf32, #tpu.memory_space<vmem>>)
    %dma_wait3A_78 = arith.constant 0 : i32
    %dma_wait3A_79 = tpu.memref_slice %arg6[%dma_wait3A_78] : memref<320000xi32, #tpu.memory_space<hbm>> -> memref<40xi32, #tpu.memory_space<hbm>>
    %dma_wait3A_80 = arith.constant 0 : i32
    %dma_wait3A_81 = tpu.memref_slice %arg6[%dma_wait3A_80] : memref<320000xi32, #tpu.memory_space<hbm>> -> memref<40xi32, #tpu.memory_space<hbm>>
    tpu.wait_dma2 semaphore(%arg22 : memref<!tpu.dma_semaphore, #tpu.memory_space<semaphore_mem>>) src(%dma_wait3A_81 : memref<40xi32, #tpu.memory_space<hbm>>) dst(%arg11 : memref<40xi32, #tpu.memory_space<vmem>>)
    %dma_wait3A_82 = arith.constant 0 : i32
    %dma_wait3A_83 = tpu.memref_slice %arg13[%dma_wait3A_82] : memref<56xf32, #tpu.memory_space<vmem>> -> memref<40xf32, #tpu.memory_space<vmem>>
    %dma_wait3A_84 = arith.constant 0 : i32
    %dma_wait3A_85 = tpu.memref_slice %arg4[%dma_wait3A_84] : memref<320000xf32, #tpu.memory_space<hbm>> -> memref<40xf32, #tpu.memory_space<hbm>>
    %dma_wait3A_86 = arith.constant 0 : i32
    %dma_wait3A_87 = tpu.memref_slice %arg13[%dma_wait3A_86] : memref<56xf32, #tpu.memory_space<vmem>> -> memref<40xf32, #tpu.memory_space<vmem>>
    %dma_wait3A_88 = arith.constant 0 : i32
    %dma_wait3A_89 = tpu.memref_slice %arg4[%dma_wait3A_88] : memref<320000xf32, #tpu.memory_space<hbm>> -> memref<40xf32, #tpu.memory_space<hbm>>
    tpu.wait_dma2 semaphore(%arg22 : memref<!tpu.dma_semaphore, #tpu.memory_space<semaphore_mem>>) src(%dma_wait3A_89 : memref<40xf32, #tpu.memory_space<hbm>>) dst(%dma_wait3A_87 : memref<40xf32, #tpu.memory_space<vmem>>)
    %dma_wait3A_90 = arith.constant 0 : i32
    %dma_wait3A_91 = arith.constant 0 : i32
    %dma_wait3A_92 = tpu.memref_slice %arg2[%dma_wait3A_90, %dma_wait3A_91] : memref<10000x128xf32, #tpu.memory_space<hbm>> -> memref<40x128xf32, #tpu.memory_space<hbm>>
    %dma_wait3A_93 = arith.constant 0 : i32
    %dma_wait3A_94 = arith.constant 0 : i32
    %dma_wait3A_95 = tpu.memref_slice %arg2[%dma_wait3A_93, %dma_wait3A_94] : memref<10000x128xf32, #tpu.memory_space<hbm>> -> memref<40x128xf32, #tpu.memory_space<hbm>>
    tpu.wait_dma2 semaphore(%arg20 : memref<!tpu.dma_semaphore, #tpu.memory_space<semaphore_mem>>) src(%dma_wait3A_95 : memref<40x128xf32, #tpu.memory_space<hbm>>) dst(%arg15 : memref<40x128xf32, #tpu.memory_space<vmem>>)
    %scan3A_96 = arith.constant 0 : i32
    %scan3A_97 = arith.constant 0 : i32
    %scan3A_98 = arith.constant 40 : i32
    %scan3A_99 = arith.addi %scan3A_97, %scan3A_98 : i32
    %scan3A_100 = arith.constant 1 : i32
    scf.for %scan3A_112 = %scan3A_97 to %scan3A_99 step %scan3A_100  : i32 {
      %get3A = arith.index_cast %scan3A_112 : i32 to index
      %get3A_113 = tpu.vector_load %arg13[%get3A] {strides = array<i32>} : memref<56xf32, #tpu.memory_space<vmem>>, vector<16xf32>,
      %get3A_114 = vector.shape_cast %get3A_113 : vector<16xf32> to vector<16xf32>
      %slice3A = vector.extract_strided_slice %get3A_114 {offsets = [0], sizes = [1], strides = [1]} : vector<16xf32> to vector<1xf32>
      %squeeze3A = vector.extract %slice3A[0] : f32 from vector<1xf32>
      %get3A_115 = arith.index_cast %scan3A_112 : i32 to index
      %get3A_116 = arith.constant 0 : index
      %get3A_117 = tpu.vector_load %arg15[%get3A_115, %get3A_116] {strides = array<i32>} : memref<40x128xf32, #tpu.memory_space<vmem>>, vector<1x16xf32>,
      %get3A_118 = vector.shape_cast %get3A_117 : vector<1x16xf32> to vector<16xf32>
      %get3A_119 = arith.index_cast %scan3A_112 : i32 to index
      %get3A_120 = arith.constant 0 : index
      %get3A_121 = tpu.vector_load %arg17[%get3A_119, %get3A_120] {strides = array<i32>} : memref<40x128xf32, #tpu.memory_space<vmem>>, vector<1x16xf32>,
      %get3A_122 = vector.shape_cast %get3A_121 : vector<1x16xf32> to vector<16xf32>
      %mul3A_123 = vector.broadcast %squeeze3A : f32 to vector<16xf32>
      %mul3A_124 = arith.mulf %get3A_122, %mul3A_123 : vector<16xf32>
      %mul3A_125 = arith.mulf %get3A_118, %mul3A_124 : vector<16xf32>
      %swap3A = arith.index_cast %scan3A_112 : i32 to index
      %swap3A_126 = arith.constant 0 : index
      %swap3A_127 = tpu.vector_load %arg15[%swap3A, %swap3A_126] {strides = array<i32>} : memref<40x128xf32, #tpu.memory_space<vmem>>, vector<1x16xf32>,
      %swap3A_128 = vector.shape_cast %swap3A_127 : vector<1x16xf32> to vector<16xf32>
      %swap3A_129 = vector.shape_cast %mul3A_125 : vector<16xf32> to vector<1x16xf32>
      tpu.vector_store %arg15[%swap3A, %swap3A_126], %swap3A_129 {strides = array<i32>} : memref<40x128xf32, #tpu.memory_space<vmem>>, vector<1x16xf32>,
      %get3A_130 = arith.index_cast %scan3A_112 : i32 to index
      %get3A_131 = arith.constant 16 : index
      %get3A_132 = tpu.vector_load %arg15[%get3A_130, %get3A_131] {strides = array<i32>} : memref<40x128xf32, #tpu.memory_space<vmem>>, vector<1x16xf32>,
      %get3A_133 = vector.shape_cast %get3A_132 : vector<1x16xf32> to vector<16xf32>
      %get3A_134 = arith.index_cast %scan3A_112 : i32 to index
      %get3A_135 = arith.constant 16 : index
      %get3A_136 = tpu.vector_load %arg17[%get3A_134, %get3A_135] {strides = array<i32>} : memref<40x128xf32, #tpu.memory_space<vmem>>, vector<1x16xf32>,
      %get3A_137 = vector.shape_cast %get3A_136 : vector<1x16xf32> to vector<16xf32>
      %mul3A_138 = vector.broadcast %squeeze3A : f32 to vector<16xf32>
      %mul3A_139 = arith.mulf %get3A_137, %mul3A_138 : vector<16xf32>
      %mul3A_140 = arith.mulf %get3A_133, %mul3A_139 : vector<16xf32>
      %swap3A_141 = arith.index_cast %scan3A_112 : i32 to index
      %swap3A_142 = arith.constant 16 : index
      %swap3A_143 = tpu.vector_load %arg15[%swap3A_141, %swap3A_142] {strides = array<i32>} : memref<40x128xf32, #tpu.memory_space<vmem>>, vector<1x16xf32>,
      %swap3A_144 = vector.shape_cast %swap3A_143 : vector<1x16xf32> to vector<16xf32>
      %swap3A_145 = vector.shape_cast %mul3A_140 : vector<16xf32> to vector<1x16xf32>
      tpu.vector_store %arg15[%swap3A_141, %swap3A_142], %swap3A_145 {strides = array<i32>} : memref<40x128xf32, #tpu.memory_space<vmem>>, vector<1x16xf32>,
      %get3A_146 = arith.index_cast %scan3A_112 : i32 to index
      %get3A_147 = arith.constant 32 : index
      %get3A_148 = tpu.vector_load %arg15[%get3A_146, %get3A_147] {strides = array<i32>} : memref<40x128xf32, #tpu.memory_space<vmem>>, vector<1x16xf32>,
      %get3A_149 = vector.shape_cast %get3A_148 : vector<1x16xf32> to vector<16xf32>
      %get3A_150 = arith.index_cast %scan3A_112 : i32 to index
      %get3A_151 = arith.constant 32 : index
      %get3A_152 = tpu.vector_load %arg17[%get3A_150, %get3A_151] {strides = array<i32>} : memref<40x128xf32, #tpu.memory_space<vmem>>, vector<1x16xf32>,
      %get3A_153 = vector.shape_cast %get3A_152 : vector<1x16xf32> to vector<16xf32>
      %mul3A_154 = vector.broadcast %squeeze3A : f32 to vector<16xf32>
      %mul3A_155 = arith.mulf %get3A_153, %mul3A_154 : vector<16xf32>
      %mul3A_156 = arith.mulf %get3A_149, %mul3A_155 : vector<16xf32>
      %swap3A_157 = arith.index_cast %scan3A_112 : i32 to index
      %swap3A_158 = arith.constant 32 : index
      %swap3A_159 = tpu.vector_load %arg15[%swap3A_157, %swap3A_158] {strides = array<i32>} : memref<40x128xf32, #tpu.memory_space<vmem>>, vector<1x16xf32>,
      %swap3A_160 = vector.shape_cast %swap3A_159 : vector<1x16xf32> to vector<16xf32>
      %swap3A_161 = vector.shape_cast %mul3A_156 : vector<16xf32> to vector<1x16xf32>
      tpu.vector_store %arg15[%swap3A_157, %swap3A_158], %swap3A_161 {strides = array<i32>} : memref<40x128xf32, #tpu.memory_space<vmem>>, vector<1x16xf32>,
      %get3A_162 = arith.index_cast %scan3A_112 : i32 to index
      %get3A_163 = arith.constant 48 : index
      %get3A_164 = tpu.vector_load %arg15[%get3A_162, %get3A_163] {strides = array<i32>} : memref<40x128xf32, #tpu.memory_space<vmem>>, vector<1x16xf32>,
      %get3A_165 = vector.shape_cast %get3A_164 : vector<1x16xf32> to vector<16xf32>
      %get3A_166 = arith.index_cast %scan3A_112 : i32 to index
      %get3A_167 = arith.constant 48 : index
      %get3A_168 = tpu.vector_load %arg17[%get3A_166, %get3A_167] {strides = array<i32>} : memref<40x128xf32, #tpu.memory_space<vmem>>, vector<1x16xf32>,
      %get3A_169 = vector.shape_cast %get3A_168 : vector<1x16xf32> to vector<16xf32>
      %mul3A_170 = vector.broadcast %squeeze3A : f32 to vector<16xf32>
      %mul3A_171 = arith.mulf %get3A_169, %mul3A_170 : vector<16xf32>
      %mul3A_172 = arith.mulf %get3A_165, %mul3A_171 : vector<16xf32>
      %swap3A_173 = arith.index_cast %scan3A_112 : i32 to index
      %swap3A_174 = arith.constant 48 : index
      %swap3A_175 = tpu.vector_load %arg15[%swap3A_173, %swap3A_174] {strides = array<i32>} : memref<40x128xf32, #tpu.memory_space<vmem>>, vector<1x16xf32>,
      %swap3A_176 = vector.shape_cast %swap3A_175 : vector<1x16xf32> to vector<16xf32>
      %swap3A_177 = vector.shape_cast %mul3A_172 : vector<16xf32> to vector<1x16xf32>
      tpu.vector_store %arg15[%swap3A_173, %swap3A_174], %swap3A_177 {strides = array<i32>} : memref<40x128xf32, #tpu.memory_space<vmem>>, vector<1x16xf32>,
      %get3A_178 = arith.index_cast %scan3A_112 : i32 to index
      %get3A_179 = arith.constant 64 : index
      %get3A_180 = tpu.vector_load %arg15[%get3A_178, %get3A_179] {strides = array<i32>} : memref<40x128xf32, #tpu.memory_space<vmem>>, vector<1x16xf32>,
      %get3A_181 = vector.shape_cast %get3A_180 : vector<1x16xf32> to vector<16xf32>
      %get3A_182 = arith.index_cast %scan3A_112 : i32 to index
      %get3A_183 = arith.constant 64 : index
      %get3A_184 = tpu.vector_load %arg17[%get3A_182, %get3A_183] {strides = array<i32>} : memref<40x128xf32, #tpu.memory_space<vmem>>, vector<1x16xf32>,
      %get3A_185 = vector.shape_cast %get3A_184 : vector<1x16xf32> to vector<16xf32>
      %mul3A_186 = vector.broadcast %squeeze3A : f32 to vector<16xf32>
      %mul3A_187 = arith.mulf %get3A_185, %mul3A_186 : vector<16xf32>
      %mul3A_188 = arith.mulf %get3A_181, %mul3A_187 : vector<16xf32>
      %swap3A_189 = arith.index_cast %scan3A_112 : i32 to index
      %swap3A_190 = arith.constant 64 : index
      %swap3A_191 = tpu.vector_load %arg15[%swap3A_189, %swap3A_190] {strides = array<i32>} : memref<40x128xf32, #tpu.memory_space<vmem>>, vector<1x16xf32>,
      %swap3A_192 = vector.shape_cast %swap3A_191 : vector<1x16xf32> to vector<16xf32>
      %swap3A_193 = vector.shape_cast %mul3A_188 : vector<16xf32> to vector<1x16xf32>
      tpu.vector_store %arg15[%swap3A_189, %swap3A_190], %swap3A_193 {strides = array<i32>} : memref<40x128xf32, #tpu.memory_space<vmem>>, vector<1x16xf32>,
      %get3A_194 = arith.index_cast %scan3A_112 : i32 to index
      %get3A_195 = arith.constant 80 : index
      %get3A_196 = tpu.vector_load %arg15[%get3A_194, %get3A_195] {strides = array<i32>} : memref<40x128xf32, #tpu.memory_space<vmem>>, vector<1x16xf32>,
      %get3A_197 = vector.shape_cast %get3A_196 : vector<1x16xf32> to vector<16xf32>
      %get3A_198 = arith.index_cast %scan3A_112 : i32 to index
      %get3A_199 = arith.constant 80 : index
      %get3A_200 = tpu.vector_load %arg17[%get3A_198, %get3A_199] {strides = array<i32>} : memref<40x128xf32, #tpu.memory_space<vmem>>, vector<1x16xf32>,
      %get3A_201 = vector.shape_cast %get3A_200 : vector<1x16xf32> to vector<16xf32>
      %mul3A_202 = vector.broadcast %squeeze3A : f32 to vector<16xf32>
      %mul3A_203 = arith.mulf %get3A_201, %mul3A_202 : vector<16xf32>
      %mul3A_204 = arith.mulf %get3A_197, %mul3A_203 : vector<16xf32>
      %swap3A_205 = arith.index_cast %scan3A_112 : i32 to index
      %swap3A_206 = arith.constant 80 : index
      %swap3A_207 = tpu.vector_load %arg15[%swap3A_205, %swap3A_206] {strides = array<i32>} : memref<40x128xf32, #tpu.memory_space<vmem>>, vector<1x16xf32>,
      %swap3A_208 = vector.shape_cast %swap3A_207 : vector<1x16xf32> to vector<16xf32>
      %swap3A_209 = vector.shape_cast %mul3A_204 : vector<16xf32> to vector<1x16xf32>
      tpu.vector_store %arg15[%swap3A_205, %swap3A_206], %swap3A_209 {strides = array<i32>} : memref<40x128xf32, #tpu.memory_space<vmem>>, vector<1x16xf32>,
      %get3A_210 = arith.index_cast %scan3A_112 : i32 to index
      %get3A_211 = arith.constant 96 : index
      %get3A_212 = tpu.vector_load %arg15[%get3A_210, %get3A_211] {strides = array<i32>} : memref<40x128xf32, #tpu.memory_space<vmem>>, vector<1x16xf32>,
      %get3A_213 = vector.shape_cast %get3A_212 : vector<1x16xf32> to vector<16xf32>
      %get3A_214 = arith.index_cast %scan3A_112 : i32 to index
      %get3A_215 = arith.constant 96 : index
      %get3A_216 = tpu.vector_load %arg17[%get3A_214, %get3A_215] {strides = array<i32>} : memref<40x128xf32, #tpu.memory_space<vmem>>, vector<1x16xf32>,
      %get3A_217 = vector.shape_cast %get3A_216 : vector<1x16xf32> to vector<16xf32>
      %mul3A_218 = vector.broadcast %squeeze3A : f32 to vector<16xf32>
      %mul3A_219 = arith.mulf %get3A_217, %mul3A_218 : vector<16xf32>
      %mul3A_220 = arith.mulf %get3A_213, %mul3A_219 : vector<16xf32>
      %swap3A_221 = arith.index_cast %scan3A_112 : i32 to index
      %swap3A_222 = arith.constant 96 : index
      %swap3A_223 = tpu.vector_load %arg15[%swap3A_221, %swap3A_222] {strides = array<i32>} : memref<40x128xf32, #tpu.memory_space<vmem>>, vector<1x16xf32>,
      %swap3A_224 = vector.shape_cast %swap3A_223 : vector<1x16xf32> to vector<16xf32>
      %swap3A_225 = vector.shape_cast %mul3A_220 : vector<16xf32> to vector<1x16xf32>
      tpu.vector_store %arg15[%swap3A_221, %swap3A_222], %swap3A_225 {strides = array<i32>} : memref<40x128xf32, #tpu.memory_space<vmem>>, vector<1x16xf32>,
      %get3A_226 = arith.index_cast %scan3A_112 : i32 to index
      %get3A_227 = arith.constant 112 : index
      %get3A_228 = tpu.vector_load %arg15[%get3A_226, %get3A_227] {strides = array<i32>} : memref<40x128xf32, #tpu.memory_space<vmem>>, vector<1x16xf32>,
      %get3A_229 = vector.shape_cast %get3A_228 : vector<1x16xf32> to vector<16xf32>
      %get3A_230 = arith.index_cast %scan3A_112 : i32 to index
      %get3A_231 = arith.constant 112 : index
      %get3A_232 = tpu.vector_load %arg17[%get3A_230, %get3A_231] {strides = array<i32>} : memref<40x128xf32, #tpu.memory_space<vmem>>, vector<1x16xf32>,
      %get3A_233 = vector.shape_cast %get3A_232 : vector<1x16xf32> to vector<16xf32>
      %mul3A_234 = vector.broadcast %squeeze3A : f32 to vector<16xf32>
      %mul3A_235 = arith.mulf %get3A_233, %mul3A_234 : vector<16xf32>
      %mul3A_236 = arith.mulf %get3A_229, %mul3A_235 : vector<16xf32>
      %swap3A_237 = arith.index_cast %scan3A_112 : i32 to index
      %swap3A_238 = arith.constant 112 : index
      %swap3A_239 = tpu.vector_load %arg15[%swap3A_237, %swap3A_238] {strides = array<i32>} : memref<40x128xf32, #tpu.memory_space<vmem>>, vector<1x16xf32>,
      %swap3A_240 = vector.shape_cast %swap3A_239 : vector<1x16xf32> to vector<16xf32>
      %swap3A_241 = vector.shape_cast %mul3A_236 : vector<16xf32> to vector<1x16xf32>
      tpu.vector_store %arg15[%swap3A_237, %swap3A_238], %swap3A_241 {strides = array<i32>} : memref<40x128xf32, #tpu.memory_space<vmem>>, vector<1x16xf32>,
    }
    %scan3A_101 = arith.constant 40 : i32
    %dma_start3A_102 = arith.constant 0 : i32
    %dma_start3A_103 = arith.constant 0 : i32
    %dma_start3A_104 = tpu.memref_slice %arg19[%dma_start3A_102, %dma_start3A_103] : memref<10240x128xf32, #tpu.memory_space<vmem_shared>> -> memref<10240x128xf32, #tpu.memory_space<vmem_shared>>
    tpu.enqueue_indirect_dma source(%arg15 : memref<40x128xf32, #tpu.memory_space<vmem>>) target(%dma_start3A_104 : memref<10240x128xf32, #tpu.memory_space<vmem_shared>>) offsets(%arg11 : memref<40xi32, #tpu.memory_space<vmem>>) semaphore(%arg26 : memref<!tpu.dma_semaphore, #tpu.memory_space<semaphore_mem>>) {add = true}
    %dma_wait3A_105 = arith.constant 0 : i32
    %dma_wait3A_106 = arith.constant 0 : i32
    %dma_wait3A_107 = tpu.memref_slice %arg19[%dma_wait3A_105, %dma_wait3A_106] : memref<10240x128xf32, #tpu.memory_space<vmem_shared>> -> memref<10240x128xf32, #tpu.memory_space<vmem_shared>>
    tpu.wait_indirect_dma semaphore(%arg26 : memref<!tpu.dma_semaphore, #tpu.memory_space<semaphore_mem>>) src(%arg15 : memref<40x128xf32, #tpu.memory_space<vmem>>) dst(%dma_wait3A_107 : memref<10240x128xf32, #tpu.memory_space<vmem_shared>>)
    %barrier3A_108 = arith.constant 0 : index
    tpu.barrier barrier_id(%barrier3A_108)
    %mul3A_109 = arith.constant 10240 : i32
    %mul3A_110 = arith.muli %arg0, %mul3A_109 : i32
    %add3A_111 = arith.addi %mul3A_110, %mul3A_2 : i32
    "tpu.region"() ({
      %run_scoped3A = tpu.sem_alloc : memref<!tpu.dma_semaphore, #tpu.memory_space<semaphore_mem>>
      %dma_start3A_112 = arith.constant 0 : i32
      %dma_start3A_113 = tpu.memref_slice %arg8[%add3A_111, %dma_start3A_112] : memref<20480x128xf32, #tpu.memory_space<hbm>> -> memref<640x128xf32, #tpu.memory_space<hbm>>
      %dma_start3A_114 = arith.constant 0 : i32
      %dma_start3A_115 = tpu.memref_slice %arg19[%mul3A_2, %dma_start3A_114] : memref<10240x128xf32, #tpu.memory_space<vmem_shared>> -> memref<640x128xf32, #tpu.memory_space<vmem_shared>>
      tpu.enqueue_dma source(%dma_start3A_115 : memref<640x128xf32, #tpu.memory_space<vmem_shared>>) target(%dma_start3A_113 : memref<640x128xf32, #tpu.memory_space<hbm>>) target_semaphore(%run_scoped3A : memref<!tpu.dma_semaphore, #tpu.memory_space<semaphore_mem>>)
      %dma_wait3A_116 = arith.constant 0 : i32
      %dma_wait3A_117 = tpu.memref_slice %arg8[%add3A_111, %dma_wait3A_116] : memref<20480x128xf32, #tpu.memory_space<hbm>> -> memref<640x128xf32, #tpu.memory_space<hbm>>
      %dma_wait3A_118 = arith.constant 0 : i32
      %dma_wait3A_119 = tpu.memref_slice %arg19[%mul3A_2, %dma_wait3A_118] : memref<10240x128xf32, #tpu.memory_space<vmem_shared>> -> memref<640x128xf32, #tpu.memory_space<vmem_shared>>
      tpu.wait_dma2 semaphore(%run_scoped3A : memref<!tpu.dma_semaphore, #tpu.memory_space<semaphore_mem>>) src(%dma_wait3A_119 : memref<640x128xf32, #tpu.memory_space<vmem_shared>>) dst(%dma_wait3A_117 : memref<640x128xf32, #tpu.memory_space<hbm>>)
      tpu.yield
    }) : () -> ()
    return
  }
}

#map = affine_map<(d0, d1) -> (0, 0)>
#map1 = affine_map<(d0, d1) -> (0)>
module attributes {stable_mosaic.version = 14 : i64} {
  func.func @_sc_body(%arg0: i32, %arg1: i32, %arg2: memref<10000x128xf32, #tpu.memory_space<hbm>>, %arg3: memref<25600x128xf32, #tpu.memory_space<hbm>>, %arg4: memref<320000xf32, #tpu.memory_space<hbm>>, %arg5: memref<320000xi32, #tpu.memory_space<hbm>>, %arg6: memref<320000xi32, #tpu.memory_space<hbm>>, %arg7: memref<10240x128xf32, #tpu.memory_space<hbm>>, %arg8: memref<20480x128xf32, #tpu.memory_space<hbm>>, %arg9: memref<40xi32, #tpu.memory_space<vmem>>, %arg10: memref<40xi32, #tpu.memory_space<vmem>>, %arg11: memref<40xi32, #tpu.memory_space<vmem>>, %arg12: memref<40xi32, #tpu.memory_space<vmem>>, %arg13: memref<56xf32, #tpu.memory_space<vmem>>, %arg14: memref<56xf32, #tpu.memory_space<vmem>>, %arg15: memref<40x128xf32, #tpu.memory_space<vmem>>, %arg16: memref<40x128xf32, #tpu.memory_space<vmem>>, %arg17: memref<40x128xf32, #tpu.memory_space<vmem>>, %arg18: memref<40x128xf32, #tpu.memory_space<vmem>>, %arg19: memref<10240x128xf32, #tpu.memory_space<vmem_shared>>, %arg20: memref<!tpu.dma_semaphore, #tpu.memory_space<semaphore_mem>>, %arg21: memref<!tpu.dma_semaphore, #tpu.memory_space<semaphore_mem>>, %arg22: memref<!tpu.dma_semaphore, #tpu.memory_space<semaphore_mem>>, %arg23: memref<!tpu.dma_semaphore, #tpu.memory_space<semaphore_mem>>, %arg24: memref<!tpu.dma_semaphore, #tpu.memory_space<semaphore_mem>>, %arg25: memref<!tpu.dma_semaphore, #tpu.memory_space<semaphore_mem>>, %arg26: memref<!tpu.dma_semaphore, #tpu.memory_space<semaphore_mem>>, %arg27: memref<!tpu.dma_semaphore, #tpu.memory_space<semaphore_mem>>, %arg28: memref<!tpu.dma_semaphore, #tpu.memory_space<semaphore_mem>>) attributes {dimension_semantics = [#tpu.dimension_semantics<core_parallel>, #tpu.dimension_semantics<subcore_parallel>], iteration_bounds = array<i64: 2, 16>, scalar_prefetch = 0 : i64, scratch_operands = 20 : i64, tpu.core_type = #tpu.core_type<sc_vector_subcore>, window_params = [{transform_indices = #map}, {transform_indices = #map}, {transform_indices = #map1}, {transform_indices = #map1}, {transform_indices = #map1}, {transform_indices = #map}, {transform_indices = #map}]} {
    %mul3A = arith.constant 2 : i32
    %mul3A_0 = arith.muli %arg1, %mul3A : i32
    %add3A = arith.addi %mul3A_0, %arg0 : i32
    %mul3A_1 = arith.constant 640 : i32
    %mul3A_2 = arith.muli %arg1, %mul3A_1 : i32
    %dma_start3A = arith.constant 0 : i32
    %dma_start3A_3 = tpu.memref_slice %arg19[%mul3A_2, %dma_start3A] : memref<10240x128xf32, #tpu.memory_space<vmem_shared>> -> memref<640x128xf32, #tpu.memory_space<vmem_shared>>
    %dma_start3A_4 = arith.constant 0 : i32
    %dma_start3A_5 = tpu.memref_slice %arg7[%mul3A_2, %dma_start3A_4] : memref<10240x128xf32, #tpu.memory_space<hbm>> -> memref<640x128xf32, #tpu.memory_space<hbm>>
    tpu.enqueue_dma source(%dma_start3A_5 : memref<640x128xf32, #tpu.memory_space<hbm>>) target(%dma_start3A_3 : memref<640x128xf32, #tpu.memory_space<vmem_shared>>) target_semaphore(%arg28 : memref<!tpu.dma_semaphore, #tpu.memory_space<semaphore_mem>>)
    %mul3A_6 = arith.constant 800 : i32
    %mul3A_7 = arith.muli %add3A, %mul3A_6 : i32
    %add3A_8 = arith.constant 0 : i32
    %add3A_9 = arith.addi %add3A_8, %mul3A_7 : i32
    %mul3A_10 = arith.constant 800 : i32
    %mul3A_11 = arith.muli %add3A, %mul3A_10 : i32
    %min3A = arith.constant 0 : i32
    %min3A_12 = arith.constant 19 : i32
    %min3A_13 = arith.minsi %min3A, %min3A_12 : i32
    %mul3A_14 = arith.constant 40 : i32
    %mul3A_15 = arith.muli %min3A_13, %mul3A_14 : i32
    %add3A_16 = arith.addi %add3A_9, %mul3A_15 : i32
    %dma_start3A_17 = tpu.memref_slice %arg5[%add3A_16] : memref<320000xi32, #tpu.memory_space<hbm>> -> memref<40xi32, #tpu.memory_space<hbm>>
    %dma_start3A_18 = tpu.memref_slice %arg5[%add3A_16] : memref<320000xi32, #tpu.memory_space<hbm>> -> memref<40xi32, #tpu.memory_space<hbm>>
    tpu.enqueue_dma source(%dma_start3A_18 : memref<40xi32, #tpu.memory_space<hbm>>) target(%arg9 : memref<40xi32, #tpu.memory_space<vmem>>) target_semaphore(%arg24 : memref<!tpu.dma_semaphore, #tpu.memory_space<semaphore_mem>>)
    %dma_wait3A = arith.constant 0 : i32
    %dma_wait3A_19 = tpu.memref_slice %arg5[%dma_wait3A] : memref<320000xi32, #tpu.memory_space<hbm>> -> memref<40xi32, #tpu.memory_space<hbm>>
    %dma_wait3A_20 = arith.constant 0 : i32
    %dma_wait3A_21 = tpu.memref_slice %arg5[%dma_wait3A_20] : memref<320000xi32, #tpu.memory_space<hbm>> -> memref<40xi32, #tpu.memory_space<hbm>>
    tpu.wait_dma2 semaphore(%arg24 : memref<!tpu.dma_semaphore, #tpu.memory_space<semaphore_mem>>) src(%dma_wait3A_21 : memref<40xi32, #tpu.memory_space<hbm>>) dst(%arg9 : memref<40xi32, #tpu.memory_space<vmem>>)
    %min3A_22 = arith.constant 0 : i32
    %min3A_23 = arith.constant 19 : i32
    %min3A_24 = arith.minsi %min3A_22, %min3A_23 : i32
    %mul3A_25 = arith.constant 40 : i32
    %mul3A_26 = arith.muli %min3A_24, %mul3A_25 : i32
    %add3A_27 = arith.addi %mul3A_11, %mul3A_26 : i32
    %min3A_28 = arith.constant 0 : i32
    %min3A_29 = arith.constant 19 : i32
    %min3A_30 = arith.minsi %min3A_28, %min3A_29 : i32
    %mul3A_31 = arith.constant 40 : i32
    %mul3A_32 = arith.muli %min3A_30, %mul3A_31 : i32
    %add3A_33 = arith.addi %add3A_9, %mul3A_32 : i32
    %dma_start3A_34 = arith.constant 0 : i32
    %dma_start3A_35 = tpu.memref_slice %arg3[%add3A_27, %dma_start3A_34] : memref<25600x128xf32, #tpu.memory_space<hbm>> -> memref<40x128xf32, #tpu.memory_space<hbm>>
    %dma_start3A_36 = arith.constant 0 : i32
    %dma_start3A_37 = tpu.memref_slice %arg3[%add3A_27, %dma_start3A_36] : memref<25600x128xf32, #tpu.memory_space<hbm>> -> memref<40x128xf32, #tpu.memory_space<hbm>>
    tpu.enqueue_dma source(%dma_start3A_37 : memref<40x128xf32, #tpu.memory_space<hbm>>) target(%arg17 : memref<40x128xf32, #tpu.memory_space<vmem>>) target_semaphore(%arg22 : memref<!tpu.dma_semaphore, #tpu.memory_space<semaphore_mem>>)
    %dma_start3A_38 = tpu.memref_slice %arg6[%add3A_33] : memref<320000xi32, #tpu.memory_space<hbm>> -> memref<40xi32, #tpu.memory_space<hbm>>
    %dma_start3A_39 = tpu.memref_slice %arg6[%add3A_33] : memref<320000xi32, #tpu.memory_space<hbm>> -> memref<40xi32, #tpu.memory_space<hbm>>
    tpu.enqueue_dma source(%dma_start3A_39 : memref<40xi32, #tpu.memory_space<hbm>>) target(%arg11 : memref<40xi32, #tpu.memory_space<vmem>>) target_semaphore(%arg22 : memref<!tpu.dma_semaphore, #tpu.memory_space<semaphore_mem>>)
    %dma_start3A_40 = arith.constant 0 : i32
    %dma_start3A_41 = tpu.memref_slice %arg13[%dma_start3A_40] : memref<56xf32, #tpu.memory_space<vmem>> -> memref<40xf32, #tpu.memory_space<vmem>>
    %dma_start3A_42 = tpu.memref_slice %arg4[%add3A_33] : memref<320000xf32, #tpu.memory_space<hbm>> -> memref<40xf32, #tpu.memory_space<hbm>>
    %dma_start3A_43 = arith.constant 0 : i32
    %dma_start3A_44 = tpu.memref_slice %arg13[%dma_start3A_43] : memref<56xf32, #tpu.memory_space<vmem>> -> memref<40xf32, #tpu.memory_space<vmem>>
    %dma_start3A_45 = tpu.memref_slice %arg4[%add3A_33] : memref<320000xf32, #tpu.memory_space<hbm>> -> memref<40xf32, #tpu.memory_space<hbm>>
    tpu.enqueue_dma source(%dma_start3A_45 : memref<40xf32, #tpu.memory_space<hbm>>) target(%dma_start3A_44 : memref<40xf32, #tpu.memory_space<vmem>>) target_semaphore(%arg22 : memref<!tpu.dma_semaphore, #tpu.memory_space<semaphore_mem>>)
    %dma_start3A_46 = arith.constant 0 : i32
    %dma_start3A_47 = arith.constant 0 : i32
    %dma_start3A_48 = tpu.memref_slice %arg2[%dma_start3A_46, %dma_start3A_47] : memref<10000x128xf32, #tpu.memory_space<hbm>> -> memref<10000x128xf32, #tpu.memory_space<hbm>>
    tpu.enqueue_indirect_dma source(%dma_start3A_48 : memref<10000x128xf32, #tpu.memory_space<hbm>>) target(%arg15 : memref<40x128xf32, #tpu.memory_space<vmem>>) offsets(%arg9 : memref<40xi32, #tpu.memory_space<vmem>>) semaphore(%arg20 : memref<!tpu.dma_semaphore, #tpu.memory_space<semaphore_mem>>)
    %min3A_49 = arith.constant 1 : i32
    %min3A_50 = arith.constant 19 : i32
    %min3A_51 = arith.minsi %min3A_49, %min3A_50 : i32
    %mul3A_52 = arith.constant 40 : i32
    %mul3A_53 = arith.muli %min3A_51, %mul3A_52 : i32
    %add3A_54 = arith.addi %add3A_9, %mul3A_53 : i32
    %dma_start3A_55 = tpu.memref_slice %arg5[%add3A_54] : memref<320000xi32, #tpu.memory_space<hbm>> -> memref<40xi32, #tpu.memory_space<hbm>>
    %dma_start3A_56 = tpu.memref_slice %arg5[%add3A_54] : memref<320000xi32, #tpu.memory_space<hbm>> -> memref<40xi32, #tpu.memory_space<hbm>>
    tpu.enqueue_dma source(%dma_start3A_56 : memref<40xi32, #tpu.memory_space<hbm>>) target(%arg10 : memref<40xi32, #tpu.memory_space<vmem>>) target_semaphore(%arg25 : memref<!tpu.dma_semaphore, #tpu.memory_space<semaphore_mem>>)
    %dma_wait3A_57 = arith.constant 0 : i32
    %dma_wait3A_58 = tpu.memref_slice %arg19[%mul3A_2, %dma_wait3A_57] : memref<10240x128xf32, #tpu.memory_space<vmem_shared>> -> memref<640x128xf32, #tpu.memory_space<vmem_shared>>
    %dma_wait3A_59 = arith.constant 0 : i32
    %dma_wait3A_60 = tpu.memref_slice %arg7[%mul3A_2, %dma_wait3A_59] : memref<10240x128xf32, #tpu.memory_space<hbm>> -> memref<640x128xf32, #tpu.memory_space<hbm>>
    tpu.wait_dma2 semaphore(%arg28 : memref<!tpu.dma_semaphore, #tpu.memory_space<semaphore_mem>>) src(%dma_wait3A_60 : memref<640x128xf32, #tpu.memory_space<hbm>>) dst(%dma_wait3A_58 : memref<640x128xf32, #tpu.memory_space<vmem_shared>>)
    %barrier3A = arith.constant 0 : index
    tpu.barrier barrier_id(%barrier3A)
    %scan3A = arith.constant 0 : i32
    %scan3A_61 = arith.constant 0 : i32
    %scan3A_62 = arith.constant 10 : i32
    %scan3A_63 = arith.addi %scan3A_61, %scan3A_62 : i32
    %scan3A_64 = arith.constant 1 : i32
    scf.for %scan3A_73 = %scan3A_61 to %scan3A_63 step %scan3A_64  : i32 {
      %mul3A_74 = arith.constant 2 : i32
      %mul3A_75 = arith.muli %mul3A_74, %scan3A_73 : i32
      %sub3A = arith.constant 1 : i32
      %sub3A_76 = arith.subi %mul3A_75, %sub3A : i32
      %ge3A = arith.constant 0 : i32
      %ge3A_77 = arith.cmpi sge, %sub3A_76, %ge3A : i32
      %convert_element_type3A = arith.extui %ge3A_77 : i1 to i32
      %cond3A = arith.constant 0 : i32
      %cond3A_78 = arith.cmpi ne, %convert_element_type3A, %cond3A : i32
      scf.if %cond3A_78 {
        %dma_wait3A_197 = arith.constant 0 : i32
        %dma_wait3A_198 = arith.constant 0 : i32
        %dma_wait3A_199 = tpu.memref_slice %arg19[%dma_wait3A_197, %dma_wait3A_198] : memref<10240x128xf32, #tpu.memory_space<vmem_shared>> -> memref<10240x128xf32, #tpu.memory_space<vmem_shared>>
        tpu.wait_indirect_dma semaphore(%arg27 : memref<!tpu.dma_semaphore, #tpu.memory_space<semaphore_mem>>) src(%arg16 : memref<40x128xf32, #tpu.memory_space<vmem>>) dst(%dma_wait3A_199 : memref<10240x128xf32, #tpu.memory_space<vmem_shared>>)
      } else {
      }
      %add3A_79 = arith.constant 1 : i32
      %add3A_80 = arith.addi %mul3A_75, %add3A_79 : i32
      %lt3A = arith.constant 20 : i32
      %lt3A_81 = arith.cmpi slt, %add3A_80, %lt3A : i32
      %convert_element_type3A_82 = arith.extui %lt3A_81 : i1 to i32
      %cond3A_83 = arith.constant 0 : i32
      %cond3A_84 = arith.cmpi ne, %convert_element_type3A_82, %cond3A_83 : i32
      scf.if %cond3A_84 {
        %dma_wait3A_197 = arith.constant 0 : i32
        %dma_wait3A_198 = tpu.memref_slice %arg5[%dma_wait3A_197] : memref<320000xi32, #tpu.memory_space<hbm>> -> memref<40xi32, #tpu.memory_space<hbm>>
        %dma_wait3A_199 = arith.constant 0 : i32
        %dma_wait3A_200 = tpu.memref_slice %arg5[%dma_wait3A_199] : memref<320000xi32, #tpu.memory_space<hbm>> -> memref<40xi32, #tpu.memory_space<hbm>>
        tpu.wait_dma2 semaphore(%arg25 : memref<!tpu.dma_semaphore, #tpu.memory_space<semaphore_mem>>) src(%dma_wait3A_200 : memref<40xi32, #tpu.memory_space<hbm>>) dst(%arg10 : memref<40xi32, #tpu.memory_space<vmem>>)
      } else {
      }
      %add3A_85 = arith.constant 1 : i32
      %add3A_86 = arith.addi %mul3A_75, %add3A_85 : i32
      %lt3A_87 = arith.constant 20 : i32
      %lt3A_88 = arith.cmpi slt, %add3A_86, %lt3A_87 : i32
      %convert_element_type3A_89 = arith.extui %lt3A_88 : i1 to i32
      %cond3A_90 = arith.constant 0 : i32
      %cond3A_91 = arith.cmpi ne, %convert_element_type3A_89, %cond3A_90 : i32
      scf.if %cond3A_91 {
        %min3A_197 = arith.constant 19 : i32
        %min3A_198 = arith.minsi %add3A_86, %min3A_197 : i32
        %mul3A_199 = arith.constant 40 : i32
        %mul3A_200 = arith.muli %min3A_198, %mul3A_199 : i32
        %add3A_201 = arith.addi %mul3A_11, %mul3A_200 : i32
        %min3A_202 = arith.constant 19 : i32
        %min3A_203 = arith.minsi %add3A_86, %min3A_202 : i32
        %mul3A_204 = arith.constant 40 : i32
        %mul3A_205 = arith.muli %min3A_203, %mul3A_204 : i32
        %add3A_206 = arith.addi %add3A_9, %mul3A_205 : i32
        %dma_start3A_207 = arith.constant 0 : i32
        %dma_start3A_208 = tpu.memref_slice %arg3[%add3A_201, %dma_start3A_207] : memref<25600x128xf32, #tpu.memory_space<hbm>> -> memref<40x128xf32, #tpu.memory_space<hbm>>
        %dma_start3A_209 = arith.constant 0 : i32
        %dma_start3A_210 = tpu.memref_slice %arg3[%add3A_201, %dma_start3A_209] : memref<25600x128xf32, #tpu.memory_space<hbm>> -> memref<40x128xf32, #tpu.memory_space<hbm>>
        tpu.enqueue_dma source(%dma_start3A_210 : memref<40x128xf32, #tpu.memory_space<hbm>>) target(%arg18 : memref<40x128xf32, #tpu.memory_space<vmem>>) target_semaphore(%arg23 : memref<!tpu.dma_semaphore, #tpu.memory_space<semaphore_mem>>)
        %dma_start3A_211 = tpu.memref_slice %arg6[%add3A_206] : memref<320000xi32, #tpu.memory_space<hbm>> -> memref<40xi32, #tpu.memory_space<hbm>>
        %dma_start3A_212 = tpu.memref_slice %arg6[%add3A_206] : memref<320000xi32, #tpu.memory_space<hbm>> -> memref<40xi32, #tpu.memory_space<hbm>>
        tpu.enqueue_dma source(%dma_start3A_212 : memref<40xi32, #tpu.memory_space<hbm>>) target(%arg12 : memref<40xi32, #tpu.memory_space<vmem>>) target_semaphore(%arg23 : memref<!tpu.dma_semaphore, #tpu.memory_space<semaphore_mem>>)
        %dma_start3A_213 = arith.constant 0 : i32
        %dma_start3A_214 = tpu.memref_slice %arg14[%dma_start3A_213] : memref<56xf32, #tpu.memory_space<vmem>> -> memref<40xf32, #tpu.memory_space<vmem>>
        %dma_start3A_215 = tpu.memref_slice %arg4[%add3A_206] : memref<320000xf32, #tpu.memory_space<hbm>> -> memref<40xf32, #tpu.memory_space<hbm>>
        %dma_start3A_216 = arith.constant 0 : i32
        %dma_start3A_217 = tpu.memref_slice %arg14[%dma_start3A_216] : memref<56xf32, #tpu.memory_space<vmem>> -> memref<40xf32, #tpu.memory_space<vmem>>
        %dma_start3A_218 = tpu.memref_slice %arg4[%add3A_206] : memref<320000xf32, #tpu.memory_space<hbm>> -> memref<40xf32, #tpu.memory_space<hbm>>
        tpu.enqueue_dma source(%dma_start3A_218 : memref<40xf32, #tpu.memory_space<hbm>>) target(%dma_start3A_217 : memref<40xf32, #tpu.memory_space<vmem>>) target_semaphore(%arg23 : memref<!tpu.dma_semaphore, #tpu.memory_space<semaphore_mem>>)
        %dma_start3A_219 = arith.constant 0 : i32
        %dma_start3A_220 = arith.constant 0 : i32
        %dma_start3A_221 = tpu.memref_slice %arg2[%dma_start3A_219, %dma_start3A_220] : memref<10000x128xf32, #tpu.memory_space<hbm>> -> memref<10000x128xf32, #tpu.memory_space<hbm>>
        tpu.enqueue_indirect_dma source(%dma_start3A_221 : memref<10000x128xf32, #tpu.memory_space<hbm>>) target(%arg16 : memref<40x128xf32, #tpu.memory_space<vmem>>) offsets(%arg10 : memref<40xi32, #tpu.memory_space<vmem>>) semaphore(%arg21 : memref<!tpu.dma_semaphore, #tpu.memory_space<semaphore_mem>>)
      } else {
      }
      %dma_wait3A_92 = arith.constant 0 : i32
      %dma_wait3A_93 = arith.constant 0 : i32
      %dma_wait3A_94 = tpu.memref_slice %arg3[%dma_wait3A_92, %dma_wait3A_93] : memref<25600x128xf32, #tpu.memory_space<hbm>> -> memref<40x128xf32, #tpu.memory_space<hbm>>
      %dma_wait3A_95 = arith.constant 0 : i32
      %dma_wait3A_96 = arith.constant 0 : i32
      %dma_wait3A_97 = tpu.memref_slice %arg3[%dma_wait3A_95, %dma_wait3A_96] : memref<25600x128xf32, #tpu.memory_space<hbm>> -> memref<40x128xf32, #tpu.memory_space<hbm>>
      tpu.wait_dma2 semaphore(%arg22 : memref<!tpu.dma_semaphore, #tpu.memory_space<semaphore_mem>>) src(%dma_wait3A_97 : memref<40x128xf32, #tpu.memory_space<hbm>>) dst(%arg17 : memref<40x128xf32, #tpu.memory_space<vmem>>)
      %dma_wait3A_98 = arith.constant 0 : i32
      %dma_wait3A_99 = tpu.memref_slice %arg6[%dma_wait3A_98] : memref<320000xi32, #tpu.memory_space<hbm>> -> memref<40xi32, #tpu.memory_space<hbm>>
      %dma_wait3A_100 = arith.constant 0 : i32
      %dma_wait3A_101 = tpu.memref_slice %arg6[%dma_wait3A_100] : memref<320000xi32, #tpu.memory_space<hbm>> -> memref<40xi32, #tpu.memory_space<hbm>>
      tpu.wait_dma2 semaphore(%arg22 : memref<!tpu.dma_semaphore, #tpu.memory_space<semaphore_mem>>) src(%dma_wait3A_101 : memref<40xi32, #tpu.memory_space<hbm>>) dst(%arg11 : memref<40xi32, #tpu.memory_space<vmem>>)
      %dma_wait3A_102 = arith.constant 0 : i32
      %dma_wait3A_103 = tpu.memref_slice %arg13[%dma_wait3A_102] : memref<56xf32, #tpu.memory_space<vmem>> -> memref<40xf32, #tpu.memory_space<vmem>>
      %dma_wait3A_104 = arith.constant 0 : i32
      %dma_wait3A_105 = tpu.memref_slice %arg4[%dma_wait3A_104] : memref<320000xf32, #tpu.memory_space<hbm>> -> memref<40xf32, #tpu.memory_space<hbm>>
      %dma_wait3A_106 = arith.constant 0 : i32
      %dma_wait3A_107 = tpu.memref_slice %arg13[%dma_wait3A_106] : memref<56xf32, #tpu.memory_space<vmem>> -> memref<40xf32, #tpu.memory_space<vmem>>
      %dma_wait3A_108 = arith.constant 0 : i32
      %dma_wait3A_109 = tpu.memref_slice %arg4[%dma_wait3A_108] : memref<320000xf32, #tpu.memory_space<hbm>> -> memref<40xf32, #tpu.memory_space<hbm>>
      tpu.wait_dma2 semaphore(%arg22 : memref<!tpu.dma_semaphore, #tpu.memory_space<semaphore_mem>>) src(%dma_wait3A_109 : memref<40xf32, #tpu.memory_space<hbm>>) dst(%dma_wait3A_107 : memref<40xf32, #tpu.memory_space<vmem>>)
      %dma_wait3A_110 = arith.constant 0 : i32
      %dma_wait3A_111 = arith.constant 0 : i32
      %dma_wait3A_112 = tpu.memref_slice %arg2[%dma_wait3A_110, %dma_wait3A_111] : memref<10000x128xf32, #tpu.memory_space<hbm>> -> memref<40x128xf32, #tpu.memory_space<hbm>>
      %dma_wait3A_113 = arith.constant 0 : i32
      %dma_wait3A_114 = arith.constant 0 : i32
      %dma_wait3A_115 = tpu.memref_slice %arg2[%dma_wait3A_113, %dma_wait3A_114] : memref<10000x128xf32, #tpu.memory_space<hbm>> -> memref<40x128xf32, #tpu.memory_space<hbm>>
      tpu.wait_dma2 semaphore(%arg20 : memref<!tpu.dma_semaphore, #tpu.memory_space<semaphore_mem>>) src(%dma_wait3A_115 : memref<40x128xf32, #tpu.memory_space<hbm>>) dst(%arg15 : memref<40x128xf32, #tpu.memory_space<vmem>>)
      %add3A_116 = arith.constant 2 : i32
      %add3A_117 = arith.addi %mul3A_75, %add3A_116 : i32
      %lt3A_118 = arith.constant 20 : i32
      %lt3A_119 = arith.cmpi slt, %add3A_117, %lt3A_118 : i32
      %convert_element_type3A_120 = arith.extui %lt3A_119 : i1 to i32
      %cond3A_121 = arith.constant 0 : i32
      %cond3A_122 = arith.cmpi ne, %convert_element_type3A_120, %cond3A_121 : i32
      scf.if %cond3A_122 {
        %min3A_197 = arith.constant 19 : i32
        %min3A_198 = arith.minsi %add3A_117, %min3A_197 : i32
        %mul3A_199 = arith.constant 40 : i32
        %mul3A_200 = arith.muli %min3A_198, %mul3A_199 : i32
        %add3A_201 = arith.addi %add3A_9, %mul3A_200 : i32
        %dma_start3A_202 = tpu.memref_slice %arg5[%add3A_201] : memref<320000xi32, #tpu.memory_space<hbm>> -> memref<40xi32, #tpu.memory_space<hbm>>
        %dma_start3A_203 = tpu.memref_slice %arg5[%add3A_201] : memref<320000xi32, #tpu.memory_space<hbm>> -> memref<40xi32, #tpu.memory_space<hbm>>
        tpu.enqueue_dma source(%dma_start3A_203 : memref<40xi32, #tpu.memory_space<hbm>>) target(%arg9 : memref<40xi32, #tpu.memory_space<vmem>>) target_semaphore(%arg24 : memref<!tpu.dma_semaphore, #tpu.memory_space<semaphore_mem>>)
      } else {
      }
      %scan3A_123 = arith.constant 0 : i32
      %scan3A_124 = arith.constant 0 : i32
      %scan3A_125 = arith.constant 40 : i32
      %scan3A_126 = arith.addi %scan3A_124, %scan3A_125 : i32
      %scan3A_127 = arith.constant 1 : i32
      scf.for %scan3A_197 = %scan3A_124 to %scan3A_126 step %scan3A_127  : i32 {
        %get3A = arith.index_cast %scan3A_197 : i32 to index
        %get3A_198 = tpu.vector_load %arg13[%get3A] {strides = array<i32>} : memref<56xf32, #tpu.memory_space<vmem>>, vector<16xf32>,
        %get3A_199 = vector.shape_cast %get3A_198 : vector<16xf32> to vector<16xf32>
        %slice3A = vector.extract_strided_slice %get3A_199 {offsets = [0], sizes = [1], strides = [1]} : vector<16xf32> to vector<1xf32>
        %squeeze3A = vector.extract %slice3A[0] : f32 from vector<1xf32>
        %get3A_200 = arith.index_cast %scan3A_197 : i32 to index
        %get3A_201 = arith.constant 0 : index
        %get3A_202 = tpu.vector_load %arg15[%get3A_200, %get3A_201] {strides = array<i32>} : memref<40x128xf32, #tpu.memory_space<vmem>>, vector<1x16xf32>,
        %get3A_203 = vector.shape_cast %get3A_202 : vector<1x16xf32> to vector<16xf32>
        %get3A_204 = arith.index_cast %scan3A_197 : i32 to index
        %get3A_205 = arith.constant 0 : index
        %get3A_206 = tpu.vector_load %arg17[%get3A_204, %get3A_205] {strides = array<i32>} : memref<40x128xf32, #tpu.memory_space<vmem>>, vector<1x16xf32>,
        %get3A_207 = vector.shape_cast %get3A_206 : vector<1x16xf32> to vector<16xf32>
        %mul3A_208 = vector.broadcast %squeeze3A : f32 to vector<16xf32>
        %mul3A_209 = arith.mulf %get3A_207, %mul3A_208 : vector<16xf32>
        %mul3A_210 = arith.mulf %get3A_203, %mul3A_209 : vector<16xf32>
        %swap3A = arith.index_cast %scan3A_197 : i32 to index
        %swap3A_211 = arith.constant 0 : index
        %swap3A_212 = tpu.vector_load %arg15[%swap3A, %swap3A_211] {strides = array<i32>} : memref<40x128xf32, #tpu.memory_space<vmem>>, vector<1x16xf32>,
        %swap3A_213 = vector.shape_cast %swap3A_212 : vector<1x16xf32> to vector<16xf32>
        %swap3A_214 = vector.shape_cast %mul3A_210 : vector<16xf32> to vector<1x16xf32>
        tpu.vector_store %arg15[%swap3A, %swap3A_211], %swap3A_214 {strides = array<i32>} : memref<40x128xf32, #tpu.memory_space<vmem>>, vector<1x16xf32>,
        %get3A_215 = arith.index_cast %scan3A_197 : i32 to index
        %get3A_216 = arith.constant 16 : index
        %get3A_217 = tpu.vector_load %arg15[%get3A_215, %get3A_216] {strides = array<i32>} : memref<40x128xf32, #tpu.memory_space<vmem>>, vector<1x16xf32>,
        %get3A_218 = vector.shape_cast %get3A_217 : vector<1x16xf32> to vector<16xf32>
        %get3A_219 = arith.index_cast %scan3A_197 : i32 to index
        %get3A_220 = arith.constant 16 : index
        %get3A_221 = tpu.vector_load %arg17[%get3A_219, %get3A_220] {strides = array<i32>} : memref<40x128xf32, #tpu.memory_space<vmem>>, vector<1x16xf32>,
        %get3A_222 = vector.shape_cast %get3A_221 : vector<1x16xf32> to vector<16xf32>
        %mul3A_223 = vector.broadcast %squeeze3A : f32 to vector<16xf32>
        %mul3A_224 = arith.mulf %get3A_222, %mul3A_223 : vector<16xf32>
        %mul3A_225 = arith.mulf %get3A_218, %mul3A_224 : vector<16xf32>
        %swap3A_226 = arith.index_cast %scan3A_197 : i32 to index
        %swap3A_227 = arith.constant 16 : index
        %swap3A_228 = tpu.vector_load %arg15[%swap3A_226, %swap3A_227] {strides = array<i32>} : memref<40x128xf32, #tpu.memory_space<vmem>>, vector<1x16xf32>,
        %swap3A_229 = vector.shape_cast %swap3A_228 : vector<1x16xf32> to vector<16xf32>
        %swap3A_230 = vector.shape_cast %mul3A_225 : vector<16xf32> to vector<1x16xf32>
        tpu.vector_store %arg15[%swap3A_226, %swap3A_227], %swap3A_230 {strides = array<i32>} : memref<40x128xf32, #tpu.memory_space<vmem>>, vector<1x16xf32>,
        %get3A_231 = arith.index_cast %scan3A_197 : i32 to index
        %get3A_232 = arith.constant 32 : index
        %get3A_233 = tpu.vector_load %arg15[%get3A_231, %get3A_232] {strides = array<i32>} : memref<40x128xf32, #tpu.memory_space<vmem>>, vector<1x16xf32>,
        %get3A_234 = vector.shape_cast %get3A_233 : vector<1x16xf32> to vector<16xf32>
        %get3A_235 = arith.index_cast %scan3A_197 : i32 to index
        %get3A_236 = arith.constant 32 : index
        %get3A_237 = tpu.vector_load %arg17[%get3A_235, %get3A_236] {strides = array<i32>} : memref<40x128xf32, #tpu.memory_space<vmem>>, vector<1x16xf32>,
        %get3A_238 = vector.shape_cast %get3A_237 : vector<1x16xf32> to vector<16xf32>
        %mul3A_239 = vector.broadcast %squeeze3A : f32 to vector<16xf32>
        %mul3A_240 = arith.mulf %get3A_238, %mul3A_239 : vector<16xf32>
        %mul3A_241 = arith.mulf %get3A_234, %mul3A_240 : vector<16xf32>
        %swap3A_242 = arith.index_cast %scan3A_197 : i32 to index
        %swap3A_243 = arith.constant 32 : index
        %swap3A_244 = tpu.vector_load %arg15[%swap3A_242, %swap3A_243] {strides = array<i32>} : memref<40x128xf32, #tpu.memory_space<vmem>>, vector<1x16xf32>,
        %swap3A_245 = vector.shape_cast %swap3A_244 : vector<1x16xf32> to vector<16xf32>
        %swap3A_246 = vector.shape_cast %mul3A_241 : vector<16xf32> to vector<1x16xf32>
        tpu.vector_store %arg15[%swap3A_242, %swap3A_243], %swap3A_246 {strides = array<i32>} : memref<40x128xf32, #tpu.memory_space<vmem>>, vector<1x16xf32>,
        %get3A_247 = arith.index_cast %scan3A_197 : i32 to index
        %get3A_248 = arith.constant 48 : index
        %get3A_249 = tpu.vector_load %arg15[%get3A_247, %get3A_248] {strides = array<i32>} : memref<40x128xf32, #tpu.memory_space<vmem>>, vector<1x16xf32>,
        %get3A_250 = vector.shape_cast %get3A_249 : vector<1x16xf32> to vector<16xf32>
        %get3A_251 = arith.index_cast %scan3A_197 : i32 to index
        %get3A_252 = arith.constant 48 : index
        %get3A_253 = tpu.vector_load %arg17[%get3A_251, %get3A_252] {strides = array<i32>} : memref<40x128xf32, #tpu.memory_space<vmem>>, vector<1x16xf32>,
        %get3A_254 = vector.shape_cast %get3A_253 : vector<1x16xf32> to vector<16xf32>
        %mul3A_255 = vector.broadcast %squeeze3A : f32 to vector<16xf32>
        %mul3A_256 = arith.mulf %get3A_254, %mul3A_255 : vector<16xf32>
        %mul3A_257 = arith.mulf %get3A_250, %mul3A_256 : vector<16xf32>
        %swap3A_258 = arith.index_cast %scan3A_197 : i32 to index
        %swap3A_259 = arith.constant 48 : index
        %swap3A_260 = tpu.vector_load %arg15[%swap3A_258, %swap3A_259] {strides = array<i32>} : memref<40x128xf32, #tpu.memory_space<vmem>>, vector<1x16xf32>,
        %swap3A_261 = vector.shape_cast %swap3A_260 : vector<1x16xf32> to vector<16xf32>
        %swap3A_262 = vector.shape_cast %mul3A_257 : vector<16xf32> to vector<1x16xf32>
        tpu.vector_store %arg15[%swap3A_258, %swap3A_259], %swap3A_262 {strides = array<i32>} : memref<40x128xf32, #tpu.memory_space<vmem>>, vector<1x16xf32>,
        %get3A_263 = arith.index_cast %scan3A_197 : i32 to index
        %get3A_264 = arith.constant 64 : index
        %get3A_265 = tpu.vector_load %arg15[%get3A_263, %get3A_264] {strides = array<i32>} : memref<40x128xf32, #tpu.memory_space<vmem>>, vector<1x16xf32>,
        %get3A_266 = vector.shape_cast %get3A_265 : vector<1x16xf32> to vector<16xf32>
        %get3A_267 = arith.index_cast %scan3A_197 : i32 to index
        %get3A_268 = arith.constant 64 : index
        %get3A_269 = tpu.vector_load %arg17[%get3A_267, %get3A_268] {strides = array<i32>} : memref<40x128xf32, #tpu.memory_space<vmem>>, vector<1x16xf32>,
        %get3A_270 = vector.shape_cast %get3A_269 : vector<1x16xf32> to vector<16xf32>
        %mul3A_271 = vector.broadcast %squeeze3A : f32 to vector<16xf32>
        %mul3A_272 = arith.mulf %get3A_270, %mul3A_271 : vector<16xf32>
        %mul3A_273 = arith.mulf %get3A_266, %mul3A_272 : vector<16xf32>
        %swap3A_274 = arith.index_cast %scan3A_197 : i32 to index
        %swap3A_275 = arith.constant 64 : index
        %swap3A_276 = tpu.vector_load %arg15[%swap3A_274, %swap3A_275] {strides = array<i32>} : memref<40x128xf32, #tpu.memory_space<vmem>>, vector<1x16xf32>,
        %swap3A_277 = vector.shape_cast %swap3A_276 : vector<1x16xf32> to vector<16xf32>
        %swap3A_278 = vector.shape_cast %mul3A_273 : vector<16xf32> to vector<1x16xf32>
        tpu.vector_store %arg15[%swap3A_274, %swap3A_275], %swap3A_278 {strides = array<i32>} : memref<40x128xf32, #tpu.memory_space<vmem>>, vector<1x16xf32>,
        %get3A_279 = arith.index_cast %scan3A_197 : i32 to index
        %get3A_280 = arith.constant 80 : index
        %get3A_281 = tpu.vector_load %arg15[%get3A_279, %get3A_280] {strides = array<i32>} : memref<40x128xf32, #tpu.memory_space<vmem>>, vector<1x16xf32>,
        %get3A_282 = vector.shape_cast %get3A_281 : vector<1x16xf32> to vector<16xf32>
        %get3A_283 = arith.index_cast %scan3A_197 : i32 to index
        %get3A_284 = arith.constant 80 : index
        %get3A_285 = tpu.vector_load %arg17[%get3A_283, %get3A_284] {strides = array<i32>} : memref<40x128xf32, #tpu.memory_space<vmem>>, vector<1x16xf32>,
        %get3A_286 = vector.shape_cast %get3A_285 : vector<1x16xf32> to vector<16xf32>
        %mul3A_287 = vector.broadcast %squeeze3A : f32 to vector<16xf32>
        %mul3A_288 = arith.mulf %get3A_286, %mul3A_287 : vector<16xf32>
        %mul3A_289 = arith.mulf %get3A_282, %mul3A_288 : vector<16xf32>
        %swap3A_290 = arith.index_cast %scan3A_197 : i32 to index
        %swap3A_291 = arith.constant 80 : index
        %swap3A_292 = tpu.vector_load %arg15[%swap3A_290, %swap3A_291] {strides = array<i32>} : memref<40x128xf32, #tpu.memory_space<vmem>>, vector<1x16xf32>,
        %swap3A_293 = vector.shape_cast %swap3A_292 : vector<1x16xf32> to vector<16xf32>
        %swap3A_294 = vector.shape_cast %mul3A_289 : vector<16xf32> to vector<1x16xf32>
        tpu.vector_store %arg15[%swap3A_290, %swap3A_291], %swap3A_294 {strides = array<i32>} : memref<40x128xf32, #tpu.memory_space<vmem>>, vector<1x16xf32>,
        %get3A_295 = arith.index_cast %scan3A_197 : i32 to index
        %get3A_296 = arith.constant 96 : index
        %get3A_297 = tpu.vector_load %arg15[%get3A_295, %get3A_296] {strides = array<i32>} : memref<40x128xf32, #tpu.memory_space<vmem>>, vector<1x16xf32>,
        %get3A_298 = vector.shape_cast %get3A_297 : vector<1x16xf32> to vector<16xf32>
        %get3A_299 = arith.index_cast %scan3A_197 : i32 to index
        %get3A_300 = arith.constant 96 : index
        %get3A_301 = tpu.vector_load %arg17[%get3A_299, %get3A_300] {strides = array<i32>} : memref<40x128xf32, #tpu.memory_space<vmem>>, vector<1x16xf32>,
        %get3A_302 = vector.shape_cast %get3A_301 : vector<1x16xf32> to vector<16xf32>
        %mul3A_303 = vector.broadcast %squeeze3A : f32 to vector<16xf32>
        %mul3A_304 = arith.mulf %get3A_302, %mul3A_303 : vector<16xf32>
        %mul3A_305 = arith.mulf %get3A_298, %mul3A_304 : vector<16xf32>
        %swap3A_306 = arith.index_cast %scan3A_197 : i32 to index
        %swap3A_307 = arith.constant 96 : index
        %swap3A_308 = tpu.vector_load %arg15[%swap3A_306, %swap3A_307] {strides = array<i32>} : memref<40x128xf32, #tpu.memory_space<vmem>>, vector<1x16xf32>,
        %swap3A_309 = vector.shape_cast %swap3A_308 : vector<1x16xf32> to vector<16xf32>
        %swap3A_310 = vector.shape_cast %mul3A_305 : vector<16xf32> to vector<1x16xf32>
        tpu.vector_store %arg15[%swap3A_306, %swap3A_307], %swap3A_310 {strides = array<i32>} : memref<40x128xf32, #tpu.memory_space<vmem>>, vector<1x16xf32>,
        %get3A_311 = arith.index_cast %scan3A_197 : i32 to index
        %get3A_312 = arith.constant 112 : index
        %get3A_313 = tpu.vector_load %arg15[%get3A_311, %get3A_312] {strides = array<i32>} : memref<40x128xf32, #tpu.memory_space<vmem>>, vector<1x16xf32>,
        %get3A_314 = vector.shape_cast %get3A_313 : vector<1x16xf32> to vector<16xf32>
        %get3A_315 = arith.index_cast %scan3A_197 : i32 to index
        %get3A_316 = arith.constant 112 : index
        %get3A_317 = tpu.vector_load %arg17[%get3A_315, %get3A_316] {strides = array<i32>} : memref<40x128xf32, #tpu.memory_space<vmem>>, vector<1x16xf32>,
        %get3A_318 = vector.shape_cast %get3A_317 : vector<1x16xf32> to vector<16xf32>
        %mul3A_319 = vector.broadcast %squeeze3A : f32 to vector<16xf32>
        %mul3A_320 = arith.mulf %get3A_318, %mul3A_319 : vector<16xf32>
        %mul3A_321 = arith.mulf %get3A_314, %mul3A_320 : vector<16xf32>
        %swap3A_322 = arith.index_cast %scan3A_197 : i32 to index
        %swap3A_323 = arith.constant 112 : index
        %swap3A_324 = tpu.vector_load %arg15[%swap3A_322, %swap3A_323] {strides = array<i32>} : memref<40x128xf32, #tpu.memory_space<vmem>>, vector<1x16xf32>,
        %swap3A_325 = vector.shape_cast %swap3A_324 : vector<1x16xf32> to vector<16xf32>
        %swap3A_326 = vector.shape_cast %mul3A_321 : vector<16xf32> to vector<1x16xf32>
        tpu.vector_store %arg15[%swap3A_322, %swap3A_323], %swap3A_326 {strides = array<i32>} : memref<40x128xf32, #tpu.memory_space<vmem>>, vector<1x16xf32>,
      }
      %scan3A_128 = arith.constant 40 : i32
      %dma_start3A_129 = arith.constant 0 : i32
      %dma_start3A_130 = arith.constant 0 : i32
      %dma_start3A_131 = tpu.memref_slice %arg19[%dma_start3A_129, %dma_start3A_130] : memref<10240x128xf32, #tpu.memory_space<vmem_shared>> -> memref<10240x128xf32, #tpu.memory_space<vmem_shared>>
      tpu.enqueue_indirect_dma source(%arg15 : memref<40x128xf32, #tpu.memory_space<vmem>>) target(%dma_start3A_131 : memref<10240x128xf32, #tpu.memory_space<vmem_shared>>) offsets(%arg11 : memref<40xi32, #tpu.memory_space<vmem>>) semaphore(%arg26 : memref<!tpu.dma_semaphore, #tpu.memory_space<semaphore_mem>>) {add = true}
      %mul3A_132 = arith.constant 2 : i32
      %mul3A_133 = arith.muli %mul3A_132, %scan3A_73 : i32
      %add3A_134 = arith.constant 1 : i32
      %add3A_135 = arith.addi %mul3A_133, %add3A_134 : i32
      %sub3A_136 = arith.constant 1 : i32
      %sub3A_137 = arith.subi %add3A_135, %sub3A_136 : i32
      %ge3A_138 = arith.constant 0 : i32
      %ge3A_139 = arith.cmpi sge, %sub3A_137, %ge3A_138 : i32
      %convert_element_type3A_140 = arith.extui %ge3A_139 : i1 to i32
      %cond3A_141 = arith.constant 0 : i32
      %cond3A_142 = arith.cmpi ne, %convert_element_type3A_140, %cond3A_141 : i32
      scf.if %cond3A_142 {
        %dma_wait3A_197 = arith.constant 0 : i32
        %dma_wait3A_198 = arith.constant 0 : i32
        %dma_wait3A_199 = tpu.memref_slice %arg19[%dma_wait3A_197, %dma_wait3A_198] : memref<10240x128xf32, #tpu.memory_space<vmem_shared>> -> memref<10240x128xf32, #tpu.memory_space<vmem_shared>>
        tpu.wait_indirect_dma semaphore(%arg26 : memref<!tpu.dma_semaphore, #tpu.memory_space<semaphore_mem>>) src(%arg15 : memref<40x128xf32, #tpu.memory_space<vmem>>) dst(%dma_wait3A_199 : memref<10240x128xf32, #tpu.memory_space<vmem_shared>>)
      } else {
      }
      %add3A_143 = arith.constant 1 : i32
      %add3A_144 = arith.addi %add3A_135, %add3A_143 : i32
      %lt3A_145 = arith.constant 20 : i32
      %lt3A_146 = arith.cmpi slt, %add3A_144, %lt3A_145 : i32
      %convert_element_type3A_147 = arith.extui %lt3A_146 : i1 to i32
      %cond3A_148 = arith.constant 0 : i32
      %cond3A_149 = arith.cmpi ne, %convert_element_type3A_147, %cond3A_148 : i32
      scf.if %cond3A_149 {
        %dma_wait3A_197 = arith.constant 0 : i32
        %dma_wait3A_198 = tpu.memref_slice %arg5[%dma_wait3A_197] : memref<320000xi32, #tpu.memory_space<hbm>> -> memref<40xi32, #tpu.memory_space<hbm>>
        %dma_wait3A_199 = arith.constant 0 : i32
        %dma_wait3A_200 = tpu.memref_slice %arg5[%dma_wait3A_199] : memref<320000xi32, #tpu.memory_space<hbm>> -> memref<40xi32, #tpu.memory_space<hbm>>
        tpu.wait_dma2 semaphore(%arg24 : memref<!tpu.dma_semaphore, #tpu.memory_space<semaphore_mem>>) src(%dma_wait3A_200 : memref<40xi32, #tpu.memory_space<hbm>>) dst(%arg9 : memref<40xi32, #tpu.memory_space<vmem>>)
      } else {
      }
      %add3A_150 = arith.constant 1 : i32
      %add3A_151 = arith.addi %add3A_135, %add3A_150 : i32
      %lt3A_152 = arith.constant 20 : i32
      %lt3A_153 = arith.cmpi slt, %add3A_151, %lt3A_152 : i32
      %convert_element_type3A_154 = arith.extui %lt3A_153 : i1 to i32
      %cond3A_155 = arith.constant 0 : i32
      %cond3A_156 = arith.cmpi ne, %convert_element_type3A_154, %cond3A_155 : i32
      scf.if %cond3A_156 {
        %min3A_197 = arith.constant 19 : i32
        %min3A_198 = arith.minsi %add3A_151, %min3A_197 : i32
        %mul3A_199 = arith.constant 40 : i32
        %mul3A_200 = arith.muli %min3A_198, %mul3A_199 : i32
        %add3A_201 = arith.addi %mul3A_11, %mul3A_200 : i32
        %min3A_202 = arith.constant 19 : i32
        %min3A_203 = arith.minsi %add3A_151, %min3A_202 : i32
        %mul3A_204 = arith.constant 40 : i32
        %mul3A_205 = arith.muli %min3A_203, %mul3A_204 : i32
        %add3A_206 = arith.addi %add3A_9, %mul3A_205 : i32
        %dma_start3A_207 = arith.constant 0 : i32
        %dma_start3A_208 = tpu.memref_slice %arg3[%add3A_201, %dma_start3A_207] : memref<25600x128xf32, #tpu.memory_space<hbm>> -> memref<40x128xf32, #tpu.memory_space<hbm>>
        %dma_start3A_209 = arith.constant 0 : i32
        %dma_start3A_210 = tpu.memref_slice %arg3[%add3A_201, %dma_start3A_209] : memref<25600x128xf32, #tpu.memory_space<hbm>> -> memref<40x128xf32, #tpu.memory_space<hbm>>
        tpu.enqueue_dma source(%dma_start3A_210 : memref<40x128xf32, #tpu.memory_space<hbm>>) target(%arg17 : memref<40x128xf32, #tpu.memory_space<vmem>>) target_semaphore(%arg22 : memref<!tpu.dma_semaphore, #tpu.memory_space<semaphore_mem>>)
        %dma_start3A_211 = tpu.memref_slice %arg6[%add3A_206] : memref<320000xi32, #tpu.memory_space<hbm>> -> memref<40xi32, #tpu.memory_space<hbm>>
        %dma_start3A_212 = tpu.memref_slice %arg6[%add3A_206] : memref<320000xi32, #tpu.memory_space<hbm>> -> memref<40xi32, #tpu.memory_space<hbm>>
        tpu.enqueue_dma source(%dma_start3A_212 : memref<40xi32, #tpu.memory_space<hbm>>) target(%arg11 : memref<40xi32, #tpu.memory_space<vmem>>) target_semaphore(%arg22 : memref<!tpu.dma_semaphore, #tpu.memory_space<semaphore_mem>>)
        %dma_start3A_213 = arith.constant 0 : i32
        %dma_start3A_214 = tpu.memref_slice %arg13[%dma_start3A_213] : memref<56xf32, #tpu.memory_space<vmem>> -> memref<40xf32, #tpu.memory_space<vmem>>
        %dma_start3A_215 = tpu.memref_slice %arg4[%add3A_206] : memref<320000xf32, #tpu.memory_space<hbm>> -> memref<40xf32, #tpu.memory_space<hbm>>
        %dma_start3A_216 = arith.constant 0 : i32
        %dma_start3A_217 = tpu.memref_slice %arg13[%dma_start3A_216] : memref<56xf32, #tpu.memory_space<vmem>> -> memref<40xf32, #tpu.memory_space<vmem>>
        %dma_start3A_218 = tpu.memref_slice %arg4[%add3A_206] : memref<320000xf32, #tpu.memory_space<hbm>> -> memref<40xf32, #tpu.memory_space<hbm>>
        tpu.enqueue_dma source(%dma_start3A_218 : memref<40xf32, #tpu.memory_space<hbm>>) target(%dma_start3A_217 : memref<40xf32, #tpu.memory_space<vmem>>) target_semaphore(%arg22 : memref<!tpu.dma_semaphore, #tpu.memory_space<semaphore_mem>>)
        %dma_start3A_219 = arith.constant 0 : i32
        %dma_start3A_220 = arith.constant 0 : i32
        %dma_start3A_221 = tpu.memref_slice %arg2[%dma_start3A_219, %dma_start3A_220] : memref<10000x128xf32, #tpu.memory_space<hbm>> -> memref<10000x128xf32, #tpu.memory_space<hbm>>
        tpu.enqueue_indirect_dma source(%dma_start3A_221 : memref<10000x128xf32, #tpu.memory_space<hbm>>) target(%arg15 : memref<40x128xf32, #tpu.memory_space<vmem>>) offsets(%arg9 : memref<40xi32, #tpu.memory_space<vmem>>) semaphore(%arg20 : memref<!tpu.dma_semaphore, #tpu.memory_space<semaphore_mem>>)
      } else {
      }
      %dma_wait3A_157 = arith.constant 0 : i32
      %dma_wait3A_158 = arith.constant 0 : i32
      %dma_wait3A_159 = tpu.memref_slice %arg3[%dma_wait3A_157, %dma_wait3A_158] : memref<25600x128xf32, #tpu.memory_space<hbm>> -> memref<40x128xf32, #tpu.memory_space<hbm>>
      %dma_wait3A_160 = arith.constant 0 : i32
      %dma_wait3A_161 = arith.constant 0 : i32
      %dma_wait3A_162 = tpu.memref_slice %arg3[%dma_wait3A_160, %dma_wait3A_161] : memref<25600x128xf32, #tpu.memory_space<hbm>> -> memref<40x128xf32, #tpu.memory_space<hbm>>
      tpu.wait_dma2 semaphore(%arg23 : memref<!tpu.dma_semaphore, #tpu.memory_space<semaphore_mem>>) src(%dma_wait3A_162 : memref<40x128xf32, #tpu.memory_space<hbm>>) dst(%arg18 : memref<40x128xf32, #tpu.memory_space<vmem>>)
      %dma_wait3A_163 = arith.constant 0 : i32
      %dma_wait3A_164 = tpu.memref_slice %arg6[%dma_wait3A_163] : memref<320000xi32, #tpu.memory_space<hbm>> -> memref<40xi32, #tpu.memory_space<hbm>>
      %dma_wait3A_165 = arith.constant 0 : i32
      %dma_wait3A_166 = tpu.memref_slice %arg6[%dma_wait3A_165] : memref<320000xi32, #tpu.memory_space<hbm>> -> memref<40xi32, #tpu.memory_space<hbm>>
      tpu.wait_dma2 semaphore(%arg23 : memref<!tpu.dma_semaphore, #tpu.memory_space<semaphore_mem>>) src(%dma_wait3A_166 : memref<40xi32, #tpu.memory_space<hbm>>) dst(%arg12 : memref<40xi32, #tpu.memory_space<vmem>>)
      %dma_wait3A_167 = arith.constant 0 : i32
      %dma_wait3A_168 = tpu.memref_slice %arg14[%dma_wait3A_167] : memref<56xf32, #tpu.memory_space<vmem>> -> memref<40xf32, #tpu.memory_space<vmem>>
      %dma_wait3A_169 = arith.constant 0 : i32
      %dma_wait3A_170 = tpu.memref_slice %arg4[%dma_wait3A_169] : memref<320000xf32, #tpu.memory_space<hbm>> -> memref<40xf32, #tpu.memory_space<hbm>>
      %dma_wait3A_171 = arith.constant 0 : i32
      %dma_wait3A_172 = tpu.memref_slice %arg14[%dma_wait3A_171] : memref<56xf32, #tpu.memory_space<vmem>> -> memref<40xf32, #tpu.memory_space<vmem>>
      %dma_wait3A_173 = arith.constant 0 : i32
      %dma_wait3A_174 = tpu.memref_slice %arg4[%dma_wait3A_173] : memref<320000xf32, #tpu.memory_space<hbm>> -> memref<40xf32, #tpu.memory_space<hbm>>
      tpu.wait_dma2 semaphore(%arg23 : memref<!tpu.dma_semaphore, #tpu.memory_space<semaphore_mem>>) src(%dma_wait3A_174 : memref<40xf32, #tpu.memory_space<hbm>>) dst(%dma_wait3A_172 : memref<40xf32, #tpu.memory_space<vmem>>)
      %dma_wait3A_175 = arith.constant 0 : i32
      %dma_wait3A_176 = arith.constant 0 : i32
      %dma_wait3A_177 = tpu.memref_slice %arg2[%dma_wait3A_175, %dma_wait3A_176] : memref<10000x128xf32, #tpu.memory_space<hbm>> -> memref<40x128xf32, #tpu.memory_space<hbm>>
      %dma_wait3A_178 = arith.constant 0 : i32
      %dma_wait3A_179 = arith.constant 0 : i32
      %dma_wait3A_180 = tpu.memref_slice %arg2[%dma_wait3A_178, %dma_wait3A_179] : memref<10000x128xf32, #tpu.memory_space<hbm>> -> memref<40x128xf32, #tpu.memory_space<hbm>>
      tpu.wait_dma2 semaphore(%arg21 : memref<!tpu.dma_semaphore, #tpu.memory_space<semaphore_mem>>) src(%dma_wait3A_180 : memref<40x128xf32, #tpu.memory_space<hbm>>) dst(%arg16 : memref<40x128xf32, #tpu.memory_space<vmem>>)
      %add3A_181 = arith.constant 2 : i32
      %add3A_182 = arith.addi %add3A_135, %add3A_181 : i32
      %lt3A_183 = arith.constant 20 : i32
      %lt3A_184 = arith.cmpi slt, %add3A_182, %lt3A_183 : i32
      %convert_element_type3A_185 = arith.extui %lt3A_184 : i1 to i32
      %cond3A_186 = arith.constant 0 : i32
      %cond3A_187 = arith.cmpi ne, %convert_element_type3A_185, %cond3A_186 : i32
      scf.if %cond3A_187 {
        %min3A_197 = arith.constant 19 : i32
        %min3A_198 = arith.minsi %add3A_182, %min3A_197 : i32
        %mul3A_199 = arith.constant 40 : i32
        %mul3A_200 = arith.muli %min3A_198, %mul3A_199 : i32
        %add3A_201 = arith.addi %add3A_9, %mul3A_200 : i32
        %dma_start3A_202 = tpu.memref_slice %arg5[%add3A_201] : memref<320000xi32, #tpu.memory_space<hbm>> -> memref<40xi32, #tpu.memory_space<hbm>>
        %dma_start3A_203 = tpu.memref_slice %arg5[%add3A_201] : memref<320000xi32, #tpu.memory_space<hbm>> -> memref<40xi32, #tpu.memory_space<hbm>>
        tpu.enqueue_dma source(%dma_start3A_203 : memref<40xi32, #tpu.memory_space<hbm>>) target(%arg10 : memref<40xi32, #tpu.memory_space<vmem>>) target_semaphore(%arg25 : memref<!tpu.dma_semaphore, #tpu.memory_space<semaphore_mem>>)
      } else {
      }
      %scan3A_188 = arith.constant 0 : i32
      %scan3A_189 = arith.constant 0 : i32
      %scan3A_190 = arith.constant 40 : i32
      %scan3A_191 = arith.addi %scan3A_189, %scan3A_190 : i32
      %scan3A_192 = arith.constant 1 : i32
      scf.for %scan3A_197 = %scan3A_189 to %scan3A_191 step %scan3A_192  : i32 {
        %get3A = arith.index_cast %scan3A_197 : i32 to index
        %get3A_198 = tpu.vector_load %arg14[%get3A] {strides = array<i32>} : memref<56xf32, #tpu.memory_space<vmem>>, vector<16xf32>,
        %get3A_199 = vector.shape_cast %get3A_198 : vector<16xf32> to vector<16xf32>
        %slice3A = vector.extract_strided_slice %get3A_199 {offsets = [0], sizes = [1], strides = [1]} : vector<16xf32> to vector<1xf32>
        %squeeze3A = vector.extract %slice3A[0] : f32 from vector<1xf32>
        %get3A_200 = arith.index_cast %scan3A_197 : i32 to index
        %get3A_201 = arith.constant 0 : index
        %get3A_202 = tpu.vector_load %arg16[%get3A_200, %get3A_201] {strides = array<i32>} : memref<40x128xf32, #tpu.memory_space<vmem>>, vector<1x16xf32>,
        %get3A_203 = vector.shape_cast %get3A_202 : vector<1x16xf32> to vector<16xf32>
        %get3A_204 = arith.index_cast %scan3A_197 : i32 to index
        %get3A_205 = arith.constant 0 : index
        %get3A_206 = tpu.vector_load %arg18[%get3A_204, %get3A_205] {strides = array<i32>} : memref<40x128xf32, #tpu.memory_space<vmem>>, vector<1x16xf32>,
        %get3A_207 = vector.shape_cast %get3A_206 : vector<1x16xf32> to vector<16xf32>
        %mul3A_208 = vector.broadcast %squeeze3A : f32 to vector<16xf32>
        %mul3A_209 = arith.mulf %get3A_207, %mul3A_208 : vector<16xf32>
        %mul3A_210 = arith.mulf %get3A_203, %mul3A_209 : vector<16xf32>
        %swap3A = arith.index_cast %scan3A_197 : i32 to index
        %swap3A_211 = arith.constant 0 : index
        %swap3A_212 = tpu.vector_load %arg16[%swap3A, %swap3A_211] {strides = array<i32>} : memref<40x128xf32, #tpu.memory_space<vmem>>, vector<1x16xf32>,
        %swap3A_213 = vector.shape_cast %swap3A_212 : vector<1x16xf32> to vector<16xf32>
        %swap3A_214 = vector.shape_cast %mul3A_210 : vector<16xf32> to vector<1x16xf32>
        tpu.vector_store %arg16[%swap3A, %swap3A_211], %swap3A_214 {strides = array<i32>} : memref<40x128xf32, #tpu.memory_space<vmem>>, vector<1x16xf32>,
        %get3A_215 = arith.index_cast %scan3A_197 : i32 to index
        %get3A_216 = arith.constant 16 : index
        %get3A_217 = tpu.vector_load %arg16[%get3A_215, %get3A_216] {strides = array<i32>} : memref<40x128xf32, #tpu.memory_space<vmem>>, vector<1x16xf32>,
        %get3A_218 = vector.shape_cast %get3A_217 : vector<1x16xf32> to vector<16xf32>
        %get3A_219 = arith.index_cast %scan3A_197 : i32 to index
        %get3A_220 = arith.constant 16 : index
        %get3A_221 = tpu.vector_load %arg18[%get3A_219, %get3A_220] {strides = array<i32>} : memref<40x128xf32, #tpu.memory_space<vmem>>, vector<1x16xf32>,
        %get3A_222 = vector.shape_cast %get3A_221 : vector<1x16xf32> to vector<16xf32>
        %mul3A_223 = vector.broadcast %squeeze3A : f32 to vector<16xf32>
        %mul3A_224 = arith.mulf %get3A_222, %mul3A_223 : vector<16xf32>
        %mul3A_225 = arith.mulf %get3A_218, %mul3A_224 : vector<16xf32>
        %swap3A_226 = arith.index_cast %scan3A_197 : i32 to index
        %swap3A_227 = arith.constant 16 : index
        %swap3A_228 = tpu.vector_load %arg16[%swap3A_226, %swap3A_227] {strides = array<i32>} : memref<40x128xf32, #tpu.memory_space<vmem>>, vector<1x16xf32>,
        %swap3A_229 = vector.shape_cast %swap3A_228 : vector<1x16xf32> to vector<16xf32>
        %swap3A_230 = vector.shape_cast %mul3A_225 : vector<16xf32> to vector<1x16xf32>
        tpu.vector_store %arg16[%swap3A_226, %swap3A_227], %swap3A_230 {strides = array<i32>} : memref<40x128xf32, #tpu.memory_space<vmem>>, vector<1x16xf32>,
        %get3A_231 = arith.index_cast %scan3A_197 : i32 to index
        %get3A_232 = arith.constant 32 : index
        %get3A_233 = tpu.vector_load %arg16[%get3A_231, %get3A_232] {strides = array<i32>} : memref<40x128xf32, #tpu.memory_space<vmem>>, vector<1x16xf32>,
        %get3A_234 = vector.shape_cast %get3A_233 : vector<1x16xf32> to vector<16xf32>
        %get3A_235 = arith.index_cast %scan3A_197 : i32 to index
        %get3A_236 = arith.constant 32 : index
        %get3A_237 = tpu.vector_load %arg18[%get3A_235, %get3A_236] {strides = array<i32>} : memref<40x128xf32, #tpu.memory_space<vmem>>, vector<1x16xf32>,
        %get3A_238 = vector.shape_cast %get3A_237 : vector<1x16xf32> to vector<16xf32>
        %mul3A_239 = vector.broadcast %squeeze3A : f32 to vector<16xf32>
        %mul3A_240 = arith.mulf %get3A_238, %mul3A_239 : vector<16xf32>
        %mul3A_241 = arith.mulf %get3A_234, %mul3A_240 : vector<16xf32>
        %swap3A_242 = arith.index_cast %scan3A_197 : i32 to index
        %swap3A_243 = arith.constant 32 : index
        %swap3A_244 = tpu.vector_load %arg16[%swap3A_242, %swap3A_243] {strides = array<i32>} : memref<40x128xf32, #tpu.memory_space<vmem>>, vector<1x16xf32>,
        %swap3A_245 = vector.shape_cast %swap3A_244 : vector<1x16xf32> to vector<16xf32>
        %swap3A_246 = vector.shape_cast %mul3A_241 : vector<16xf32> to vector<1x16xf32>
        tpu.vector_store %arg16[%swap3A_242, %swap3A_243], %swap3A_246 {strides = array<i32>} : memref<40x128xf32, #tpu.memory_space<vmem>>, vector<1x16xf32>,
        %get3A_247 = arith.index_cast %scan3A_197 : i32 to index
        %get3A_248 = arith.constant 48 : index
        %get3A_249 = tpu.vector_load %arg16[%get3A_247, %get3A_248] {strides = array<i32>} : memref<40x128xf32, #tpu.memory_space<vmem>>, vector<1x16xf32>,
        %get3A_250 = vector.shape_cast %get3A_249 : vector<1x16xf32> to vector<16xf32>
        %get3A_251 = arith.index_cast %scan3A_197 : i32 to index
        %get3A_252 = arith.constant 48 : index
        %get3A_253 = tpu.vector_load %arg18[%get3A_251, %get3A_252] {strides = array<i32>} : memref<40x128xf32, #tpu.memory_space<vmem>>, vector<1x16xf32>,
        %get3A_254 = vector.shape_cast %get3A_253 : vector<1x16xf32> to vector<16xf32>
        %mul3A_255 = vector.broadcast %squeeze3A : f32 to vector<16xf32>
        %mul3A_256 = arith.mulf %get3A_254, %mul3A_255 : vector<16xf32>
        %mul3A_257 = arith.mulf %get3A_250, %mul3A_256 : vector<16xf32>
        %swap3A_258 = arith.index_cast %scan3A_197 : i32 to index
        %swap3A_259 = arith.constant 48 : index
        %swap3A_260 = tpu.vector_load %arg16[%swap3A_258, %swap3A_259] {strides = array<i32>} : memref<40x128xf32, #tpu.memory_space<vmem>>, vector<1x16xf32>,
        %swap3A_261 = vector.shape_cast %swap3A_260 : vector<1x16xf32> to vector<16xf32>
        %swap3A_262 = vector.shape_cast %mul3A_257 : vector<16xf32> to vector<1x16xf32>
        tpu.vector_store %arg16[%swap3A_258, %swap3A_259], %swap3A_262 {strides = array<i32>} : memref<40x128xf32, #tpu.memory_space<vmem>>, vector<1x16xf32>,
        %get3A_263 = arith.index_cast %scan3A_197 : i32 to index
        %get3A_264 = arith.constant 64 : index
        %get3A_265 = tpu.vector_load %arg16[%get3A_263, %get3A_264] {strides = array<i32>} : memref<40x128xf32, #tpu.memory_space<vmem>>, vector<1x16xf32>,
        %get3A_266 = vector.shape_cast %get3A_265 : vector<1x16xf32> to vector<16xf32>
        %get3A_267 = arith.index_cast %scan3A_197 : i32 to index
        %get3A_268 = arith.constant 64 : index
        %get3A_269 = tpu.vector_load %arg18[%get3A_267, %get3A_268] {strides = array<i32>} : memref<40x128xf32, #tpu.memory_space<vmem>>, vector<1x16xf32>,
        %get3A_270 = vector.shape_cast %get3A_269 : vector<1x16xf32> to vector<16xf32>
        %mul3A_271 = vector.broadcast %squeeze3A : f32 to vector<16xf32>
        %mul3A_272 = arith.mulf %get3A_270, %mul3A_271 : vector<16xf32>
        %mul3A_273 = arith.mulf %get3A_266, %mul3A_272 : vector<16xf32>
        %swap3A_274 = arith.index_cast %scan3A_197 : i32 to index
        %swap3A_275 = arith.constant 64 : index
        %swap3A_276 = tpu.vector_load %arg16[%swap3A_274, %swap3A_275] {strides = array<i32>} : memref<40x128xf32, #tpu.memory_space<vmem>>, vector<1x16xf32>,
        %swap3A_277 = vector.shape_cast %swap3A_276 : vector<1x16xf32> to vector<16xf32>
        %swap3A_278 = vector.shape_cast %mul3A_273 : vector<16xf32> to vector<1x16xf32>
        tpu.vector_store %arg16[%swap3A_274, %swap3A_275], %swap3A_278 {strides = array<i32>} : memref<40x128xf32, #tpu.memory_space<vmem>>, vector<1x16xf32>,
        %get3A_279 = arith.index_cast %scan3A_197 : i32 to index
        %get3A_280 = arith.constant 80 : index
        %get3A_281 = tpu.vector_load %arg16[%get3A_279, %get3A_280] {strides = array<i32>} : memref<40x128xf32, #tpu.memory_space<vmem>>, vector<1x16xf32>,
        %get3A_282 = vector.shape_cast %get3A_281 : vector<1x16xf32> to vector<16xf32>
        %get3A_283 = arith.index_cast %scan3A_197 : i32 to index
        %get3A_284 = arith.constant 80 : index
        %get3A_285 = tpu.vector_load %arg18[%get3A_283, %get3A_284] {strides = array<i32>} : memref<40x128xf32, #tpu.memory_space<vmem>>, vector<1x16xf32>,
        %get3A_286 = vector.shape_cast %get3A_285 : vector<1x16xf32> to vector<16xf32>
        %mul3A_287 = vector.broadcast %squeeze3A : f32 to vector<16xf32>
        %mul3A_288 = arith.mulf %get3A_286, %mul3A_287 : vector<16xf32>
        %mul3A_289 = arith.mulf %get3A_282, %mul3A_288 : vector<16xf32>
        %swap3A_290 = arith.index_cast %scan3A_197 : i32 to index
        %swap3A_291 = arith.constant 80 : index
        %swap3A_292 = tpu.vector_load %arg16[%swap3A_290, %swap3A_291] {strides = array<i32>} : memref<40x128xf32, #tpu.memory_space<vmem>>, vector<1x16xf32>,
        %swap3A_293 = vector.shape_cast %swap3A_292 : vector<1x16xf32> to vector<16xf32>
        %swap3A_294 = vector.shape_cast %mul3A_289 : vector<16xf32> to vector<1x16xf32>
        tpu.vector_store %arg16[%swap3A_290, %swap3A_291], %swap3A_294 {strides = array<i32>} : memref<40x128xf32, #tpu.memory_space<vmem>>, vector<1x16xf32>,
        %get3A_295 = arith.index_cast %scan3A_197 : i32 to index
        %get3A_296 = arith.constant 96 : index
        %get3A_297 = tpu.vector_load %arg16[%get3A_295, %get3A_296] {strides = array<i32>} : memref<40x128xf32, #tpu.memory_space<vmem>>, vector<1x16xf32>,
        %get3A_298 = vector.shape_cast %get3A_297 : vector<1x16xf32> to vector<16xf32>
        %get3A_299 = arith.index_cast %scan3A_197 : i32 to index
        %get3A_300 = arith.constant 96 : index
        %get3A_301 = tpu.vector_load %arg18[%get3A_299, %get3A_300] {strides = array<i32>} : memref<40x128xf32, #tpu.memory_space<vmem>>, vector<1x16xf32>,
        %get3A_302 = vector.shape_cast %get3A_301 : vector<1x16xf32> to vector<16xf32>
        %mul3A_303 = vector.broadcast %squeeze3A : f32 to vector<16xf32>
        %mul3A_304 = arith.mulf %get3A_302, %mul3A_303 : vector<16xf32>
        %mul3A_305 = arith.mulf %get3A_298, %mul3A_304 : vector<16xf32>
        %swap3A_306 = arith.index_cast %scan3A_197 : i32 to index
        %swap3A_307 = arith.constant 96 : index
        %swap3A_308 = tpu.vector_load %arg16[%swap3A_306, %swap3A_307] {strides = array<i32>} : memref<40x128xf32, #tpu.memory_space<vmem>>, vector<1x16xf32>,
        %swap3A_309 = vector.shape_cast %swap3A_308 : vector<1x16xf32> to vector<16xf32>
        %swap3A_310 = vector.shape_cast %mul3A_305 : vector<16xf32> to vector<1x16xf32>
        tpu.vector_store %arg16[%swap3A_306, %swap3A_307], %swap3A_310 {strides = array<i32>} : memref<40x128xf32, #tpu.memory_space<vmem>>, vector<1x16xf32>,
        %get3A_311 = arith.index_cast %scan3A_197 : i32 to index
        %get3A_312 = arith.constant 112 : index
        %get3A_313 = tpu.vector_load %arg16[%get3A_311, %get3A_312] {strides = array<i32>} : memref<40x128xf32, #tpu.memory_space<vmem>>, vector<1x16xf32>,
        %get3A_314 = vector.shape_cast %get3A_313 : vector<1x16xf32> to vector<16xf32>
        %get3A_315 = arith.index_cast %scan3A_197 : i32 to index
        %get3A_316 = arith.constant 112 : index
        %get3A_317 = tpu.vector_load %arg18[%get3A_315, %get3A_316] {strides = array<i32>} : memref<40x128xf32, #tpu.memory_space<vmem>>, vector<1x16xf32>,
        %get3A_318 = vector.shape_cast %get3A_317 : vector<1x16xf32> to vector<16xf32>
        %mul3A_319 = vector.broadcast %squeeze3A : f32 to vector<16xf32>
        %mul3A_320 = arith.mulf %get3A_318, %mul3A_319 : vector<16xf32>
        %mul3A_321 = arith.mulf %get3A_314, %mul3A_320 : vector<16xf32>
        %swap3A_322 = arith.index_cast %scan3A_197 : i32 to index
        %swap3A_323 = arith.constant 112 : index
        %swap3A_324 = tpu.vector_load %arg16[%swap3A_322, %swap3A_323] {strides = array<i32>} : memref<40x128xf32, #tpu.memory_space<vmem>>, vector<1x16xf32>,
        %swap3A_325 = vector.shape_cast %swap3A_324 : vector<1x16xf32> to vector<16xf32>
        %swap3A_326 = vector.shape_cast %mul3A_321 : vector<16xf32> to vector<1x16xf32>
        tpu.vector_store %arg16[%swap3A_322, %swap3A_323], %swap3A_326 {strides = array<i32>} : memref<40x128xf32, #tpu.memory_space<vmem>>, vector<1x16xf32>,
      }
      %scan3A_193 = arith.constant 40 : i32
      %dma_start3A_194 = arith.constant 0 : i32
      %dma_start3A_195 = arith.constant 0 : i32
      %dma_start3A_196 = tpu.memref_slice %arg19[%dma_start3A_194, %dma_start3A_195] : memref<10240x128xf32, #tpu.memory_space<vmem_shared>> -> memref<10240x128xf32, #tpu.memory_space<vmem_shared>>
      tpu.enqueue_indirect_dma source(%arg16 : memref<40x128xf32, #tpu.memory_space<vmem>>) target(%dma_start3A_196 : memref<10240x128xf32, #tpu.memory_space<vmem_shared>>) offsets(%arg12 : memref<40xi32, #tpu.memory_space<vmem>>) semaphore(%arg27 : memref<!tpu.dma_semaphore, #tpu.memory_space<semaphore_mem>>) {add = true}
    }
    %scan3A_65 = arith.constant 10 : i32
    %dma_wait3A_66 = arith.constant 0 : i32
    %dma_wait3A_67 = arith.constant 0 : i32
    %dma_wait3A_68 = tpu.memref_slice %arg19[%dma_wait3A_66, %dma_wait3A_67] : memref<10240x128xf32, #tpu.memory_space<vmem_shared>> -> memref<10240x128xf32, #tpu.memory_space<vmem_shared>>
    tpu.wait_indirect_dma semaphore(%arg27 : memref<!tpu.dma_semaphore, #tpu.memory_space<semaphore_mem>>) src(%arg16 : memref<40x128xf32, #tpu.memory_space<vmem>>) dst(%dma_wait3A_68 : memref<10240x128xf32, #tpu.memory_space<vmem_shared>>)
    %barrier3A_69 = arith.constant 0 : index
    tpu.barrier barrier_id(%barrier3A_69)
    %mul3A_70 = arith.constant 10240 : i32
    %mul3A_71 = arith.muli %arg0, %mul3A_70 : i32
    %add3A_72 = arith.addi %mul3A_71, %mul3A_2 : i32
    "tpu.region"() ({
      %run_scoped3A = tpu.sem_alloc : memref<!tpu.dma_semaphore, #tpu.memory_space<semaphore_mem>>
      %dma_start3A_73 = arith.constant 0 : i32
      %dma_start3A_74 = tpu.memref_slice %arg8[%add3A_72, %dma_start3A_73] : memref<20480x128xf32, #tpu.memory_space<hbm>> -> memref<640x128xf32, #tpu.memory_space<hbm>>
      %dma_start3A_75 = arith.constant 0 : i32
      %dma_start3A_76 = tpu.memref_slice %arg19[%mul3A_2, %dma_start3A_75] : memref<10240x128xf32, #tpu.memory_space<vmem_shared>> -> memref<640x128xf32, #tpu.memory_space<vmem_shared>>
      tpu.enqueue_dma source(%dma_start3A_76 : memref<640x128xf32, #tpu.memory_space<vmem_shared>>) target(%dma_start3A_74 : memref<640x128xf32, #tpu.memory_space<hbm>>) target_semaphore(%run_scoped3A : memref<!tpu.dma_semaphore, #tpu.memory_space<semaphore_mem>>)
      %dma_wait3A_77 = arith.constant 0 : i32
      %dma_wait3A_78 = tpu.memref_slice %arg8[%add3A_72, %dma_wait3A_77] : memref<20480x128xf32, #tpu.memory_space<hbm>> -> memref<640x128xf32, #tpu.memory_space<hbm>>
      %dma_wait3A_79 = arith.constant 0 : i32
      %dma_wait3A_80 = tpu.memref_slice %arg19[%mul3A_2, %dma_wait3A_79] : memref<10240x128xf32, #tpu.memory_space<vmem_shared>> -> memref<640x128xf32, #tpu.memory_space<vmem_shared>>
      tpu.wait_dma2 semaphore(%run_scoped3A : memref<!tpu.dma_semaphore, #tpu.memory_space<semaphore_mem>>) src(%dma_wait3A_80 : memref<640x128xf32, #tpu.memory_space<vmem_shared>>) dst(%dma_wait3A_78 : memref<640x128xf32, #tpu.memory_space<hbm>>)
      tpu.yield
    }) : () -> ()
    return
  }
}

#map = affine_map<(d0, d1) -> (0, 0)>
#map1 = affine_map<(d0, d1) -> (0)>
module attributes {stable_mosaic.version = 14 : i64} {
  func.func @_sc_body(%arg0: i32, %arg1: i32, %arg2: memref<10000x128xf32, #tpu.memory_space<hbm>>, %arg3: memref<147200x128xf32, #tpu.memory_space<hbm>>, %arg4: memref<320000xf32, #tpu.memory_space<hbm>>, %arg5: memref<320000xi32, #tpu.memory_space<hbm>>, %arg6: memref<320000xi32, #tpu.memory_space<hbm>>, %arg7: memref<20480x128xf32, #tpu.memory_space<hbm>>, %arg8: memref<20480x128xf32, #tpu.memory_space<hbm>>, %arg9: memref<40xi32, #tpu.memory_space<vmem>>, %arg10: memref<40xi32, #tpu.memory_space<vmem>>, %arg11: memref<40xi32, #tpu.memory_space<vmem>>, %arg12: memref<40xi32, #tpu.memory_space<vmem>>, %arg13: memref<56xf32, #tpu.memory_space<vmem>>, %arg14: memref<56xf32, #tpu.memory_space<vmem>>, %arg15: memref<40x128xf32, #tpu.memory_space<vmem>>, %arg16: memref<40x128xf32, #tpu.memory_space<vmem>>, %arg17: memref<40x128xf32, #tpu.memory_space<vmem>>, %arg18: memref<40x128xf32, #tpu.memory_space<vmem>>, %arg19: memref<10240x128xf32, #tpu.memory_space<vmem_shared>>, %arg20: memref<!tpu.dma_semaphore, #tpu.memory_space<semaphore_mem>>, %arg21: memref<!tpu.dma_semaphore, #tpu.memory_space<semaphore_mem>>, %arg22: memref<!tpu.dma_semaphore, #tpu.memory_space<semaphore_mem>>, %arg23: memref<!tpu.dma_semaphore, #tpu.memory_space<semaphore_mem>>, %arg24: memref<!tpu.dma_semaphore, #tpu.memory_space<semaphore_mem>>, %arg25: memref<!tpu.dma_semaphore, #tpu.memory_space<semaphore_mem>>, %arg26: memref<!tpu.dma_semaphore, #tpu.memory_space<semaphore_mem>>, %arg27: memref<!tpu.dma_semaphore, #tpu.memory_space<semaphore_mem>>, %arg28: memref<!tpu.dma_semaphore, #tpu.memory_space<semaphore_mem>>) attributes {dimension_semantics = [#tpu.dimension_semantics<core_parallel>, #tpu.dimension_semantics<subcore_parallel>], iteration_bounds = array<i64: 2, 16>, scalar_prefetch = 0 : i64, scratch_operands = 20 : i64, tpu.core_type = #tpu.core_type<sc_vector_subcore>, window_params = [{transform_indices = #map}, {transform_indices = #map}, {transform_indices = #map1}, {transform_indices = #map1}, {transform_indices = #map1}, {transform_indices = #map}, {transform_indices = #map}]} {
    %mul3A = arith.constant 2 : i32
    %mul3A_0 = arith.muli %arg1, %mul3A : i32
    %add3A = arith.addi %mul3A_0, %arg0 : i32
    %mul3A_1 = arith.constant 640 : i32
    %mul3A_2 = arith.muli %arg1, %mul3A_1 : i32
    %mul3A_3 = arith.constant 10240 : i32
    %mul3A_4 = arith.muli %arg0, %mul3A_3 : i32
    %add3A_5 = arith.addi %mul3A_4, %mul3A_2 : i32
    %dma_start3A = arith.constant 0 : i32
    %dma_start3A_6 = tpu.memref_slice %arg19[%mul3A_2, %dma_start3A] : memref<10240x128xf32, #tpu.memory_space<vmem_shared>> -> memref<640x128xf32, #tpu.memory_space<vmem_shared>>
    %dma_start3A_7 = arith.constant 0 : i32
    %dma_start3A_8 = tpu.memref_slice %arg7[%add3A_5, %dma_start3A_7] : memref<20480x128xf32, #tpu.memory_space<hbm>> -> memref<640x128xf32, #tpu.memory_space<hbm>>
    tpu.enqueue_dma source(%dma_start3A_8 : memref<640x128xf32, #tpu.memory_space<hbm>>) target(%dma_start3A_6 : memref<640x128xf32, #tpu.memory_space<vmem_shared>>) target_semaphore(%arg28 : memref<!tpu.dma_semaphore, #tpu.memory_space<semaphore_mem>>)
    %mul3A_9 = arith.constant 4600 : i32
    %mul3A_10 = arith.muli %add3A, %mul3A_9 : i32
    %add3A_11 = arith.constant 172800 : i32
    %add3A_12 = arith.addi %add3A_11, %mul3A_10 : i32
    %mul3A_13 = arith.constant 4600 : i32
    %mul3A_14 = arith.muli %add3A, %mul3A_13 : i32
    %min3A = arith.constant 0 : i32
    %min3A_15 = arith.constant 114 : i32
    %min3A_16 = arith.minsi %min3A, %min3A_15 : i32
    %mul3A_17 = arith.constant 40 : i32
    %mul3A_18 = arith.muli %min3A_16, %mul3A_17 : i32
    %add3A_19 = arith.addi %add3A_12, %mul3A_18 : i32
    %dma_start3A_20 = tpu.memref_slice %arg5[%add3A_19] : memref<320000xi32, #tpu.memory_space<hbm>> -> memref<40xi32, #tpu.memory_space<hbm>>
    %dma_start3A_21 = tpu.memref_slice %arg5[%add3A_19] : memref<320000xi32, #tpu.memory_space<hbm>> -> memref<40xi32, #tpu.memory_space<hbm>>
    tpu.enqueue_dma source(%dma_start3A_21 : memref<40xi32, #tpu.memory_space<hbm>>) target(%arg9 : memref<40xi32, #tpu.memory_space<vmem>>) target_semaphore(%arg24 : memref<!tpu.dma_semaphore, #tpu.memory_space<semaphore_mem>>)
    %dma_wait3A = arith.constant 0 : i32
    %dma_wait3A_22 = tpu.memref_slice %arg5[%dma_wait3A] : memref<320000xi32, #tpu.memory_space<hbm>> -> memref<40xi32, #tpu.memory_space<hbm>>
    %dma_wait3A_23 = arith.constant 0 : i32
    %dma_wait3A_24 = tpu.memref_slice %arg5[%dma_wait3A_23] : memref<320000xi32, #tpu.memory_space<hbm>> -> memref<40xi32, #tpu.memory_space<hbm>>
    tpu.wait_dma2 semaphore(%arg24 : memref<!tpu.dma_semaphore, #tpu.memory_space<semaphore_mem>>) src(%dma_wait3A_24 : memref<40xi32, #tpu.memory_space<hbm>>) dst(%arg9 : memref<40xi32, #tpu.memory_space<vmem>>)
    %min3A_25 = arith.constant 0 : i32
    %min3A_26 = arith.constant 114 : i32
    %min3A_27 = arith.minsi %min3A_25, %min3A_26 : i32
    %mul3A_28 = arith.constant 40 : i32
    %mul3A_29 = arith.muli %min3A_27, %mul3A_28 : i32
    %add3A_30 = arith.addi %mul3A_14, %mul3A_29 : i32
    %min3A_31 = arith.constant 0 : i32
    %min3A_32 = arith.constant 114 : i32
    %min3A_33 = arith.minsi %min3A_31, %min3A_32 : i32
    %mul3A_34 = arith.constant 40 : i32
    %mul3A_35 = arith.muli %min3A_33, %mul3A_34 : i32
    %add3A_36 = arith.addi %add3A_12, %mul3A_35 : i32
    %dma_start3A_37 = arith.constant 0 : i32
    %dma_start3A_38 = tpu.memref_slice %arg3[%add3A_30, %dma_start3A_37] : memref<147200x128xf32, #tpu.memory_space<hbm>> -> memref<40x128xf32, #tpu.memory_space<hbm>>
    %dma_start3A_39 = arith.constant 0 : i32
    %dma_start3A_40 = tpu.memref_slice %arg3[%add3A_30, %dma_start3A_39] : memref<147200x128xf32, #tpu.memory_space<hbm>> -> memref<40x128xf32, #tpu.memory_space<hbm>>
    tpu.enqueue_dma source(%dma_start3A_40 : memref<40x128xf32, #tpu.memory_space<hbm>>) target(%arg17 : memref<40x128xf32, #tpu.memory_space<vmem>>) target_semaphore(%arg22 : memref<!tpu.dma_semaphore, #tpu.memory_space<semaphore_mem>>)
    %dma_start3A_41 = tpu.memref_slice %arg6[%add3A_36] : memref<320000xi32, #tpu.memory_space<hbm>> -> memref<40xi32, #tpu.memory_space<hbm>>
    %dma_start3A_42 = tpu.memref_slice %arg6[%add3A_36] : memref<320000xi32, #tpu.memory_space<hbm>> -> memref<40xi32, #tpu.memory_space<hbm>>
    tpu.enqueue_dma source(%dma_start3A_42 : memref<40xi32, #tpu.memory_space<hbm>>) target(%arg11 : memref<40xi32, #tpu.memory_space<vmem>>) target_semaphore(%arg22 : memref<!tpu.dma_semaphore, #tpu.memory_space<semaphore_mem>>)
    %dma_start3A_43 = arith.constant 0 : i32
    %dma_start3A_44 = tpu.memref_slice %arg13[%dma_start3A_43] : memref<56xf32, #tpu.memory_space<vmem>> -> memref<40xf32, #tpu.memory_space<vmem>>
    %dma_start3A_45 = tpu.memref_slice %arg4[%add3A_36] : memref<320000xf32, #tpu.memory_space<hbm>> -> memref<40xf32, #tpu.memory_space<hbm>>
    %dma_start3A_46 = arith.constant 0 : i32
    %dma_start3A_47 = tpu.memref_slice %arg13[%dma_start3A_46] : memref<56xf32, #tpu.memory_space<vmem>> -> memref<40xf32, #tpu.memory_space<vmem>>
    %dma_start3A_48 = tpu.memref_slice %arg4[%add3A_36] : memref<320000xf32, #tpu.memory_space<hbm>> -> memref<40xf32, #tpu.memory_space<hbm>>
    tpu.enqueue_dma source(%dma_start3A_48 : memref<40xf32, #tpu.memory_space<hbm>>) target(%dma_start3A_47 : memref<40xf32, #tpu.memory_space<vmem>>) target_semaphore(%arg22 : memref<!tpu.dma_semaphore, #tpu.memory_space<semaphore_mem>>)
    %dma_start3A_49 = arith.constant 0 : i32
    %dma_start3A_50 = arith.constant 0 : i32
    %dma_start3A_51 = tpu.memref_slice %arg2[%dma_start3A_49, %dma_start3A_50] : memref<10000x128xf32, #tpu.memory_space<hbm>> -> memref<10000x128xf32, #tpu.memory_space<hbm>>
    tpu.enqueue_indirect_dma source(%dma_start3A_51 : memref<10000x128xf32, #tpu.memory_space<hbm>>) target(%arg15 : memref<40x128xf32, #tpu.memory_space<vmem>>) offsets(%arg9 : memref<40xi32, #tpu.memory_space<vmem>>) semaphore(%arg20 : memref<!tpu.dma_semaphore, #tpu.memory_space<semaphore_mem>>)
    %min3A_52 = arith.constant 1 : i32
    %min3A_53 = arith.constant 114 : i32
    %min3A_54 = arith.minsi %min3A_52, %min3A_53 : i32
    %mul3A_55 = arith.constant 40 : i32
    %mul3A_56 = arith.muli %min3A_54, %mul3A_55 : i32
    %add3A_57 = arith.addi %add3A_12, %mul3A_56 : i32
    %dma_start3A_58 = tpu.memref_slice %arg5[%add3A_57] : memref<320000xi32, #tpu.memory_space<hbm>> -> memref<40xi32, #tpu.memory_space<hbm>>
    %dma_start3A_59 = tpu.memref_slice %arg5[%add3A_57] : memref<320000xi32, #tpu.memory_space<hbm>> -> memref<40xi32, #tpu.memory_space<hbm>>
    tpu.enqueue_dma source(%dma_start3A_59 : memref<40xi32, #tpu.memory_space<hbm>>) target(%arg10 : memref<40xi32, #tpu.memory_space<vmem>>) target_semaphore(%arg25 : memref<!tpu.dma_semaphore, #tpu.memory_space<semaphore_mem>>)
    %dma_wait3A_60 = arith.constant 0 : i32
    %dma_wait3A_61 = tpu.memref_slice %arg19[%mul3A_2, %dma_wait3A_60] : memref<10240x128xf32, #tpu.memory_space<vmem_shared>> -> memref<640x128xf32, #tpu.memory_space<vmem_shared>>
    %dma_wait3A_62 = arith.constant 0 : i32
    %dma_wait3A_63 = tpu.memref_slice %arg7[%add3A_5, %dma_wait3A_62] : memref<20480x128xf32, #tpu.memory_space<hbm>> -> memref<640x128xf32, #tpu.memory_space<hbm>>
    tpu.wait_dma2 semaphore(%arg28 : memref<!tpu.dma_semaphore, #tpu.memory_space<semaphore_mem>>) src(%dma_wait3A_63 : memref<640x128xf32, #tpu.memory_space<hbm>>) dst(%dma_wait3A_61 : memref<640x128xf32, #tpu.memory_space<vmem_shared>>)
    %barrier3A = arith.constant 0 : index
    tpu.barrier barrier_id(%barrier3A)
    %scan3A = arith.constant 0 : i32
    %scan3A_64 = arith.constant 0 : i32
    %scan3A_65 = arith.constant 57 : i32
    %scan3A_66 = arith.addi %scan3A_64, %scan3A_65 : i32
    %scan3A_67 = arith.constant 1 : i32
    scf.for %scan3A_112 = %scan3A_64 to %scan3A_66 step %scan3A_67  : i32 {
      %mul3A_113 = arith.constant 2 : i32
      %mul3A_114 = arith.muli %mul3A_113, %scan3A_112 : i32
      %sub3A = arith.constant 1 : i32
      %sub3A_115 = arith.subi %mul3A_114, %sub3A : i32
      %ge3A = arith.constant 0 : i32
      %ge3A_116 = arith.cmpi sge, %sub3A_115, %ge3A : i32
      %convert_element_type3A = arith.extui %ge3A_116 : i1 to i32
      %cond3A = arith.constant 0 : i32
      %cond3A_117 = arith.cmpi ne, %convert_element_type3A, %cond3A : i32
      scf.if %cond3A_117 {
        %dma_wait3A_236 = arith.constant 0 : i32
        %dma_wait3A_237 = arith.constant 0 : i32
        %dma_wait3A_238 = tpu.memref_slice %arg19[%dma_wait3A_236, %dma_wait3A_237] : memref<10240x128xf32, #tpu.memory_space<vmem_shared>> -> memref<10240x128xf32, #tpu.memory_space<vmem_shared>>
        tpu.wait_indirect_dma semaphore(%arg27 : memref<!tpu.dma_semaphore, #tpu.memory_space<semaphore_mem>>) src(%arg16 : memref<40x128xf32, #tpu.memory_space<vmem>>) dst(%dma_wait3A_238 : memref<10240x128xf32, #tpu.memory_space<vmem_shared>>)
      } else {
      }
      %add3A_118 = arith.constant 1 : i32
      %add3A_119 = arith.addi %mul3A_114, %add3A_118 : i32
      %lt3A = arith.constant 115 : i32
      %lt3A_120 = arith.cmpi slt, %add3A_119, %lt3A : i32
      %convert_element_type3A_121 = arith.extui %lt3A_120 : i1 to i32
      %cond3A_122 = arith.constant 0 : i32
      %cond3A_123 = arith.cmpi ne, %convert_element_type3A_121, %cond3A_122 : i32
      scf.if %cond3A_123 {
        %dma_wait3A_236 = arith.constant 0 : i32
        %dma_wait3A_237 = tpu.memref_slice %arg5[%dma_wait3A_236] : memref<320000xi32, #tpu.memory_space<hbm>> -> memref<40xi32, #tpu.memory_space<hbm>>
        %dma_wait3A_238 = arith.constant 0 : i32
        %dma_wait3A_239 = tpu.memref_slice %arg5[%dma_wait3A_238] : memref<320000xi32, #tpu.memory_space<hbm>> -> memref<40xi32, #tpu.memory_space<hbm>>
        tpu.wait_dma2 semaphore(%arg25 : memref<!tpu.dma_semaphore, #tpu.memory_space<semaphore_mem>>) src(%dma_wait3A_239 : memref<40xi32, #tpu.memory_space<hbm>>) dst(%arg10 : memref<40xi32, #tpu.memory_space<vmem>>)
      } else {
      }
      %add3A_124 = arith.constant 1 : i32
      %add3A_125 = arith.addi %mul3A_114, %add3A_124 : i32
      %lt3A_126 = arith.constant 115 : i32
      %lt3A_127 = arith.cmpi slt, %add3A_125, %lt3A_126 : i32
      %convert_element_type3A_128 = arith.extui %lt3A_127 : i1 to i32
      %cond3A_129 = arith.constant 0 : i32
      %cond3A_130 = arith.cmpi ne, %convert_element_type3A_128, %cond3A_129 : i32
      scf.if %cond3A_130 {
        %min3A_236 = arith.constant 114 : i32
        %min3A_237 = arith.minsi %add3A_125, %min3A_236 : i32
        %mul3A_238 = arith.constant 40 : i32
        %mul3A_239 = arith.muli %min3A_237, %mul3A_238 : i32
        %add3A_240 = arith.addi %mul3A_14, %mul3A_239 : i32
        %min3A_241 = arith.constant 114 : i32
        %min3A_242 = arith.minsi %add3A_125, %min3A_241 : i32
        %mul3A_243 = arith.constant 40 : i32
        %mul3A_244 = arith.muli %min3A_242, %mul3A_243 : i32
        %add3A_245 = arith.addi %add3A_12, %mul3A_244 : i32
        %dma_start3A_246 = arith.constant 0 : i32
        %dma_start3A_247 = tpu.memref_slice %arg3[%add3A_240, %dma_start3A_246] : memref<147200x128xf32, #tpu.memory_space<hbm>> -> memref<40x128xf32, #tpu.memory_space<hbm>>
        %dma_start3A_248 = arith.constant 0 : i32
        %dma_start3A_249 = tpu.memref_slice %arg3[%add3A_240, %dma_start3A_248] : memref<147200x128xf32, #tpu.memory_space<hbm>> -> memref<40x128xf32, #tpu.memory_space<hbm>>
        tpu.enqueue_dma source(%dma_start3A_249 : memref<40x128xf32, #tpu.memory_space<hbm>>) target(%arg18 : memref<40x128xf32, #tpu.memory_space<vmem>>) target_semaphore(%arg23 : memref<!tpu.dma_semaphore, #tpu.memory_space<semaphore_mem>>)
        %dma_start3A_250 = tpu.memref_slice %arg6[%add3A_245] : memref<320000xi32, #tpu.memory_space<hbm>> -> memref<40xi32, #tpu.memory_space<hbm>>
        %dma_start3A_251 = tpu.memref_slice %arg6[%add3A_245] : memref<320000xi32, #tpu.memory_space<hbm>> -> memref<40xi32, #tpu.memory_space<hbm>>
        tpu.enqueue_dma source(%dma_start3A_251 : memref<40xi32, #tpu.memory_space<hbm>>) target(%arg12 : memref<40xi32, #tpu.memory_space<vmem>>) target_semaphore(%arg23 : memref<!tpu.dma_semaphore, #tpu.memory_space<semaphore_mem>>)
        %dma_start3A_252 = arith.constant 0 : i32
        %dma_start3A_253 = tpu.memref_slice %arg14[%dma_start3A_252] : memref<56xf32, #tpu.memory_space<vmem>> -> memref<40xf32, #tpu.memory_space<vmem>>
        %dma_start3A_254 = tpu.memref_slice %arg4[%add3A_245] : memref<320000xf32, #tpu.memory_space<hbm>> -> memref<40xf32, #tpu.memory_space<hbm>>
        %dma_start3A_255 = arith.constant 0 : i32
        %dma_start3A_256 = tpu.memref_slice %arg14[%dma_start3A_255] : memref<56xf32, #tpu.memory_space<vmem>> -> memref<40xf32, #tpu.memory_space<vmem>>
        %dma_start3A_257 = tpu.memref_slice %arg4[%add3A_245] : memref<320000xf32, #tpu.memory_space<hbm>> -> memref<40xf32, #tpu.memory_space<hbm>>
        tpu.enqueue_dma source(%dma_start3A_257 : memref<40xf32, #tpu.memory_space<hbm>>) target(%dma_start3A_256 : memref<40xf32, #tpu.memory_space<vmem>>) target_semaphore(%arg23 : memref<!tpu.dma_semaphore, #tpu.memory_space<semaphore_mem>>)
        %dma_start3A_258 = arith.constant 0 : i32
        %dma_start3A_259 = arith.constant 0 : i32
        %dma_start3A_260 = tpu.memref_slice %arg2[%dma_start3A_258, %dma_start3A_259] : memref<10000x128xf32, #tpu.memory_space<hbm>> -> memref<10000x128xf32, #tpu.memory_space<hbm>>
        tpu.enqueue_indirect_dma source(%dma_start3A_260 : memref<10000x128xf32, #tpu.memory_space<hbm>>) target(%arg16 : memref<40x128xf32, #tpu.memory_space<vmem>>) offsets(%arg10 : memref<40xi32, #tpu.memory_space<vmem>>) semaphore(%arg21 : memref<!tpu.dma_semaphore, #tpu.memory_space<semaphore_mem>>)
      } else {
      }
      %dma_wait3A_131 = arith.constant 0 : i32
      %dma_wait3A_132 = arith.constant 0 : i32
      %dma_wait3A_133 = tpu.memref_slice %arg3[%dma_wait3A_131, %dma_wait3A_132] : memref<147200x128xf32, #tpu.memory_space<hbm>> -> memref<40x128xf32, #tpu.memory_space<hbm>>
      %dma_wait3A_134 = arith.constant 0 : i32
      %dma_wait3A_135 = arith.constant 0 : i32
      %dma_wait3A_136 = tpu.memref_slice %arg3[%dma_wait3A_134, %dma_wait3A_135] : memref<147200x128xf32, #tpu.memory_space<hbm>> -> memref<40x128xf32, #tpu.memory_space<hbm>>
      tpu.wait_dma2 semaphore(%arg22 : memref<!tpu.dma_semaphore, #tpu.memory_space<semaphore_mem>>) src(%dma_wait3A_136 : memref<40x128xf32, #tpu.memory_space<hbm>>) dst(%arg17 : memref<40x128xf32, #tpu.memory_space<vmem>>)
      %dma_wait3A_137 = arith.constant 0 : i32
      %dma_wait3A_138 = tpu.memref_slice %arg6[%dma_wait3A_137] : memref<320000xi32, #tpu.memory_space<hbm>> -> memref<40xi32, #tpu.memory_space<hbm>>
      %dma_wait3A_139 = arith.constant 0 : i32
      %dma_wait3A_140 = tpu.memref_slice %arg6[%dma_wait3A_139] : memref<320000xi32, #tpu.memory_space<hbm>> -> memref<40xi32, #tpu.memory_space<hbm>>
      tpu.wait_dma2 semaphore(%arg22 : memref<!tpu.dma_semaphore, #tpu.memory_space<semaphore_mem>>) src(%dma_wait3A_140 : memref<40xi32, #tpu.memory_space<hbm>>) dst(%arg11 : memref<40xi32, #tpu.memory_space<vmem>>)
      %dma_wait3A_141 = arith.constant 0 : i32
      %dma_wait3A_142 = tpu.memref_slice %arg13[%dma_wait3A_141] : memref<56xf32, #tpu.memory_space<vmem>> -> memref<40xf32, #tpu.memory_space<vmem>>
      %dma_wait3A_143 = arith.constant 0 : i32
      %dma_wait3A_144 = tpu.memref_slice %arg4[%dma_wait3A_143] : memref<320000xf32, #tpu.memory_space<hbm>> -> memref<40xf32, #tpu.memory_space<hbm>>
      %dma_wait3A_145 = arith.constant 0 : i32
      %dma_wait3A_146 = tpu.memref_slice %arg13[%dma_wait3A_145] : memref<56xf32, #tpu.memory_space<vmem>> -> memref<40xf32, #tpu.memory_space<vmem>>
      %dma_wait3A_147 = arith.constant 0 : i32
      %dma_wait3A_148 = tpu.memref_slice %arg4[%dma_wait3A_147] : memref<320000xf32, #tpu.memory_space<hbm>> -> memref<40xf32, #tpu.memory_space<hbm>>
      tpu.wait_dma2 semaphore(%arg22 : memref<!tpu.dma_semaphore, #tpu.memory_space<semaphore_mem>>) src(%dma_wait3A_148 : memref<40xf32, #tpu.memory_space<hbm>>) dst(%dma_wait3A_146 : memref<40xf32, #tpu.memory_space<vmem>>)
      %dma_wait3A_149 = arith.constant 0 : i32
      %dma_wait3A_150 = arith.constant 0 : i32
      %dma_wait3A_151 = tpu.memref_slice %arg2[%dma_wait3A_149, %dma_wait3A_150] : memref<10000x128xf32, #tpu.memory_space<hbm>> -> memref<40x128xf32, #tpu.memory_space<hbm>>
      %dma_wait3A_152 = arith.constant 0 : i32
      %dma_wait3A_153 = arith.constant 0 : i32
      %dma_wait3A_154 = tpu.memref_slice %arg2[%dma_wait3A_152, %dma_wait3A_153] : memref<10000x128xf32, #tpu.memory_space<hbm>> -> memref<40x128xf32, #tpu.memory_space<hbm>>
      tpu.wait_dma2 semaphore(%arg20 : memref<!tpu.dma_semaphore, #tpu.memory_space<semaphore_mem>>) src(%dma_wait3A_154 : memref<40x128xf32, #tpu.memory_space<hbm>>) dst(%arg15 : memref<40x128xf32, #tpu.memory_space<vmem>>)
      %add3A_155 = arith.constant 2 : i32
      %add3A_156 = arith.addi %mul3A_114, %add3A_155 : i32
      %lt3A_157 = arith.constant 115 : i32
      %lt3A_158 = arith.cmpi slt, %add3A_156, %lt3A_157 : i32
      %convert_element_type3A_159 = arith.extui %lt3A_158 : i1 to i32
      %cond3A_160 = arith.constant 0 : i32
      %cond3A_161 = arith.cmpi ne, %convert_element_type3A_159, %cond3A_160 : i32
      scf.if %cond3A_161 {
        %min3A_236 = arith.constant 114 : i32
        %min3A_237 = arith.minsi %add3A_156, %min3A_236 : i32
        %mul3A_238 = arith.constant 40 : i32
        %mul3A_239 = arith.muli %min3A_237, %mul3A_238 : i32
        %add3A_240 = arith.addi %add3A_12, %mul3A_239 : i32
        %dma_start3A_241 = tpu.memref_slice %arg5[%add3A_240] : memref<320000xi32, #tpu.memory_space<hbm>> -> memref<40xi32, #tpu.memory_space<hbm>>
        %dma_start3A_242 = tpu.memref_slice %arg5[%add3A_240] : memref<320000xi32, #tpu.memory_space<hbm>> -> memref<40xi32, #tpu.memory_space<hbm>>
        tpu.enqueue_dma source(%dma_start3A_242 : memref<40xi32, #tpu.memory_space<hbm>>) target(%arg9 : memref<40xi32, #tpu.memory_space<vmem>>) target_semaphore(%arg24 : memref<!tpu.dma_semaphore, #tpu.memory_space<semaphore_mem>>)
      } else {
      }
      %scan3A_162 = arith.constant 0 : i32
      %scan3A_163 = arith.constant 0 : i32
      %scan3A_164 = arith.constant 40 : i32
      %scan3A_165 = arith.addi %scan3A_163, %scan3A_164 : i32
      %scan3A_166 = arith.constant 1 : i32
      scf.for %scan3A_236 = %scan3A_163 to %scan3A_165 step %scan3A_166  : i32 {
        %get3A = arith.index_cast %scan3A_236 : i32 to index
        %get3A_237 = tpu.vector_load %arg13[%get3A] {strides = array<i32>} : memref<56xf32, #tpu.memory_space<vmem>>, vector<16xf32>,
        %get3A_238 = vector.shape_cast %get3A_237 : vector<16xf32> to vector<16xf32>
        %slice3A = vector.extract_strided_slice %get3A_238 {offsets = [0], sizes = [1], strides = [1]} : vector<16xf32> to vector<1xf32>
        %squeeze3A = vector.extract %slice3A[0] : f32 from vector<1xf32>
        %get3A_239 = arith.index_cast %scan3A_236 : i32 to index
        %get3A_240 = arith.constant 0 : index
        %get3A_241 = tpu.vector_load %arg15[%get3A_239, %get3A_240] {strides = array<i32>} : memref<40x128xf32, #tpu.memory_space<vmem>>, vector<1x16xf32>,
        %get3A_242 = vector.shape_cast %get3A_241 : vector<1x16xf32> to vector<16xf32>
        %get3A_243 = arith.index_cast %scan3A_236 : i32 to index
        %get3A_244 = arith.constant 0 : index
        %get3A_245 = tpu.vector_load %arg17[%get3A_243, %get3A_244] {strides = array<i32>} : memref<40x128xf32, #tpu.memory_space<vmem>>, vector<1x16xf32>,
        %get3A_246 = vector.shape_cast %get3A_245 : vector<1x16xf32> to vector<16xf32>
        %mul3A_247 = vector.broadcast %squeeze3A : f32 to vector<16xf32>
        %mul3A_248 = arith.mulf %get3A_246, %mul3A_247 : vector<16xf32>
        %mul3A_249 = arith.mulf %get3A_242, %mul3A_248 : vector<16xf32>
        %swap3A = arith.index_cast %scan3A_236 : i32 to index
        %swap3A_250 = arith.constant 0 : index
        %swap3A_251 = tpu.vector_load %arg15[%swap3A, %swap3A_250] {strides = array<i32>} : memref<40x128xf32, #tpu.memory_space<vmem>>, vector<1x16xf32>,
        %swap3A_252 = vector.shape_cast %swap3A_251 : vector<1x16xf32> to vector<16xf32>
        %swap3A_253 = vector.shape_cast %mul3A_249 : vector<16xf32> to vector<1x16xf32>
        tpu.vector_store %arg15[%swap3A, %swap3A_250], %swap3A_253 {strides = array<i32>} : memref<40x128xf32, #tpu.memory_space<vmem>>, vector<1x16xf32>,
        %get3A_254 = arith.index_cast %scan3A_236 : i32 to index
        %get3A_255 = arith.constant 16 : index
        %get3A_256 = tpu.vector_load %arg15[%get3A_254, %get3A_255] {strides = array<i32>} : memref<40x128xf32, #tpu.memory_space<vmem>>, vector<1x16xf32>,
        %get3A_257 = vector.shape_cast %get3A_256 : vector<1x16xf32> to vector<16xf32>
        %get3A_258 = arith.index_cast %scan3A_236 : i32 to index
        %get3A_259 = arith.constant 16 : index
        %get3A_260 = tpu.vector_load %arg17[%get3A_258, %get3A_259] {strides = array<i32>} : memref<40x128xf32, #tpu.memory_space<vmem>>, vector<1x16xf32>,
        %get3A_261 = vector.shape_cast %get3A_260 : vector<1x16xf32> to vector<16xf32>
        %mul3A_262 = vector.broadcast %squeeze3A : f32 to vector<16xf32>
        %mul3A_263 = arith.mulf %get3A_261, %mul3A_262 : vector<16xf32>
        %mul3A_264 = arith.mulf %get3A_257, %mul3A_263 : vector<16xf32>
        %swap3A_265 = arith.index_cast %scan3A_236 : i32 to index
        %swap3A_266 = arith.constant 16 : index
        %swap3A_267 = tpu.vector_load %arg15[%swap3A_265, %swap3A_266] {strides = array<i32>} : memref<40x128xf32, #tpu.memory_space<vmem>>, vector<1x16xf32>,
        %swap3A_268 = vector.shape_cast %swap3A_267 : vector<1x16xf32> to vector<16xf32>
        %swap3A_269 = vector.shape_cast %mul3A_264 : vector<16xf32> to vector<1x16xf32>
        tpu.vector_store %arg15[%swap3A_265, %swap3A_266], %swap3A_269 {strides = array<i32>} : memref<40x128xf32, #tpu.memory_space<vmem>>, vector<1x16xf32>,
        %get3A_270 = arith.index_cast %scan3A_236 : i32 to index
        %get3A_271 = arith.constant 32 : index
        %get3A_272 = tpu.vector_load %arg15[%get3A_270, %get3A_271] {strides = array<i32>} : memref<40x128xf32, #tpu.memory_space<vmem>>, vector<1x16xf32>,
        %get3A_273 = vector.shape_cast %get3A_272 : vector<1x16xf32> to vector<16xf32>
        %get3A_274 = arith.index_cast %scan3A_236 : i32 to index
        %get3A_275 = arith.constant 32 : index
        %get3A_276 = tpu.vector_load %arg17[%get3A_274, %get3A_275] {strides = array<i32>} : memref<40x128xf32, #tpu.memory_space<vmem>>, vector<1x16xf32>,
        %get3A_277 = vector.shape_cast %get3A_276 : vector<1x16xf32> to vector<16xf32>
        %mul3A_278 = vector.broadcast %squeeze3A : f32 to vector<16xf32>
        %mul3A_279 = arith.mulf %get3A_277, %mul3A_278 : vector<16xf32>
        %mul3A_280 = arith.mulf %get3A_273, %mul3A_279 : vector<16xf32>
        %swap3A_281 = arith.index_cast %scan3A_236 : i32 to index
        %swap3A_282 = arith.constant 32 : index
        %swap3A_283 = tpu.vector_load %arg15[%swap3A_281, %swap3A_282] {strides = array<i32>} : memref<40x128xf32, #tpu.memory_space<vmem>>, vector<1x16xf32>,
        %swap3A_284 = vector.shape_cast %swap3A_283 : vector<1x16xf32> to vector<16xf32>
        %swap3A_285 = vector.shape_cast %mul3A_280 : vector<16xf32> to vector<1x16xf32>
        tpu.vector_store %arg15[%swap3A_281, %swap3A_282], %swap3A_285 {strides = array<i32>} : memref<40x128xf32, #tpu.memory_space<vmem>>, vector<1x16xf32>,
        %get3A_286 = arith.index_cast %scan3A_236 : i32 to index
        %get3A_287 = arith.constant 48 : index
        %get3A_288 = tpu.vector_load %arg15[%get3A_286, %get3A_287] {strides = array<i32>} : memref<40x128xf32, #tpu.memory_space<vmem>>, vector<1x16xf32>,
        %get3A_289 = vector.shape_cast %get3A_288 : vector<1x16xf32> to vector<16xf32>
        %get3A_290 = arith.index_cast %scan3A_236 : i32 to index
        %get3A_291 = arith.constant 48 : index
        %get3A_292 = tpu.vector_load %arg17[%get3A_290, %get3A_291] {strides = array<i32>} : memref<40x128xf32, #tpu.memory_space<vmem>>, vector<1x16xf32>,
        %get3A_293 = vector.shape_cast %get3A_292 : vector<1x16xf32> to vector<16xf32>
        %mul3A_294 = vector.broadcast %squeeze3A : f32 to vector<16xf32>
        %mul3A_295 = arith.mulf %get3A_293, %mul3A_294 : vector<16xf32>
        %mul3A_296 = arith.mulf %get3A_289, %mul3A_295 : vector<16xf32>
        %swap3A_297 = arith.index_cast %scan3A_236 : i32 to index
        %swap3A_298 = arith.constant 48 : index
        %swap3A_299 = tpu.vector_load %arg15[%swap3A_297, %swap3A_298] {strides = array<i32>} : memref<40x128xf32, #tpu.memory_space<vmem>>, vector<1x16xf32>,
        %swap3A_300 = vector.shape_cast %swap3A_299 : vector<1x16xf32> to vector<16xf32>
        %swap3A_301 = vector.shape_cast %mul3A_296 : vector<16xf32> to vector<1x16xf32>
        tpu.vector_store %arg15[%swap3A_297, %swap3A_298], %swap3A_301 {strides = array<i32>} : memref<40x128xf32, #tpu.memory_space<vmem>>, vector<1x16xf32>,
        %get3A_302 = arith.index_cast %scan3A_236 : i32 to index
        %get3A_303 = arith.constant 64 : index
        %get3A_304 = tpu.vector_load %arg15[%get3A_302, %get3A_303] {strides = array<i32>} : memref<40x128xf32, #tpu.memory_space<vmem>>, vector<1x16xf32>,
        %get3A_305 = vector.shape_cast %get3A_304 : vector<1x16xf32> to vector<16xf32>
        %get3A_306 = arith.index_cast %scan3A_236 : i32 to index
        %get3A_307 = arith.constant 64 : index
        %get3A_308 = tpu.vector_load %arg17[%get3A_306, %get3A_307] {strides = array<i32>} : memref<40x128xf32, #tpu.memory_space<vmem>>, vector<1x16xf32>,
        %get3A_309 = vector.shape_cast %get3A_308 : vector<1x16xf32> to vector<16xf32>
        %mul3A_310 = vector.broadcast %squeeze3A : f32 to vector<16xf32>
        %mul3A_311 = arith.mulf %get3A_309, %mul3A_310 : vector<16xf32>
        %mul3A_312 = arith.mulf %get3A_305, %mul3A_311 : vector<16xf32>
        %swap3A_313 = arith.index_cast %scan3A_236 : i32 to index
        %swap3A_314 = arith.constant 64 : index
        %swap3A_315 = tpu.vector_load %arg15[%swap3A_313, %swap3A_314] {strides = array<i32>} : memref<40x128xf32, #tpu.memory_space<vmem>>, vector<1x16xf32>,
        %swap3A_316 = vector.shape_cast %swap3A_315 : vector<1x16xf32> to vector<16xf32>
        %swap3A_317 = vector.shape_cast %mul3A_312 : vector<16xf32> to vector<1x16xf32>
        tpu.vector_store %arg15[%swap3A_313, %swap3A_314], %swap3A_317 {strides = array<i32>} : memref<40x128xf32, #tpu.memory_space<vmem>>, vector<1x16xf32>,
        %get3A_318 = arith.index_cast %scan3A_236 : i32 to index
        %get3A_319 = arith.constant 80 : index
        %get3A_320 = tpu.vector_load %arg15[%get3A_318, %get3A_319] {strides = array<i32>} : memref<40x128xf32, #tpu.memory_space<vmem>>, vector<1x16xf32>,
        %get3A_321 = vector.shape_cast %get3A_320 : vector<1x16xf32> to vector<16xf32>
        %get3A_322 = arith.index_cast %scan3A_236 : i32 to index
        %get3A_323 = arith.constant 80 : index
        %get3A_324 = tpu.vector_load %arg17[%get3A_322, %get3A_323] {strides = array<i32>} : memref<40x128xf32, #tpu.memory_space<vmem>>, vector<1x16xf32>,
        %get3A_325 = vector.shape_cast %get3A_324 : vector<1x16xf32> to vector<16xf32>
        %mul3A_326 = vector.broadcast %squeeze3A : f32 to vector<16xf32>
        %mul3A_327 = arith.mulf %get3A_325, %mul3A_326 : vector<16xf32>
        %mul3A_328 = arith.mulf %get3A_321, %mul3A_327 : vector<16xf32>
        %swap3A_329 = arith.index_cast %scan3A_236 : i32 to index
        %swap3A_330 = arith.constant 80 : index
        %swap3A_331 = tpu.vector_load %arg15[%swap3A_329, %swap3A_330] {strides = array<i32>} : memref<40x128xf32, #tpu.memory_space<vmem>>, vector<1x16xf32>,
        %swap3A_332 = vector.shape_cast %swap3A_331 : vector<1x16xf32> to vector<16xf32>
        %swap3A_333 = vector.shape_cast %mul3A_328 : vector<16xf32> to vector<1x16xf32>
        tpu.vector_store %arg15[%swap3A_329, %swap3A_330], %swap3A_333 {strides = array<i32>} : memref<40x128xf32, #tpu.memory_space<vmem>>, vector<1x16xf32>,
        %get3A_334 = arith.index_cast %scan3A_236 : i32 to index
        %get3A_335 = arith.constant 96 : index
        %get3A_336 = tpu.vector_load %arg15[%get3A_334, %get3A_335] {strides = array<i32>} : memref<40x128xf32, #tpu.memory_space<vmem>>, vector<1x16xf32>,
        %get3A_337 = vector.shape_cast %get3A_336 : vector<1x16xf32> to vector<16xf32>
        %get3A_338 = arith.index_cast %scan3A_236 : i32 to index
        %get3A_339 = arith.constant 96 : index
        %get3A_340 = tpu.vector_load %arg17[%get3A_338, %get3A_339] {strides = array<i32>} : memref<40x128xf32, #tpu.memory_space<vmem>>, vector<1x16xf32>,
        %get3A_341 = vector.shape_cast %get3A_340 : vector<1x16xf32> to vector<16xf32>
        %mul3A_342 = vector.broadcast %squeeze3A : f32 to vector<16xf32>
        %mul3A_343 = arith.mulf %get3A_341, %mul3A_342 : vector<16xf32>
        %mul3A_344 = arith.mulf %get3A_337, %mul3A_343 : vector<16xf32>
        %swap3A_345 = arith.index_cast %scan3A_236 : i32 to index
        %swap3A_346 = arith.constant 96 : index
        %swap3A_347 = tpu.vector_load %arg15[%swap3A_345, %swap3A_346] {strides = array<i32>} : memref<40x128xf32, #tpu.memory_space<vmem>>, vector<1x16xf32>,
        %swap3A_348 = vector.shape_cast %swap3A_347 : vector<1x16xf32> to vector<16xf32>
        %swap3A_349 = vector.shape_cast %mul3A_344 : vector<16xf32> to vector<1x16xf32>
        tpu.vector_store %arg15[%swap3A_345, %swap3A_346], %swap3A_349 {strides = array<i32>} : memref<40x128xf32, #tpu.memory_space<vmem>>, vector<1x16xf32>,
        %get3A_350 = arith.index_cast %scan3A_236 : i32 to index
        %get3A_351 = arith.constant 112 : index
        %get3A_352 = tpu.vector_load %arg15[%get3A_350, %get3A_351] {strides = array<i32>} : memref<40x128xf32, #tpu.memory_space<vmem>>, vector<1x16xf32>,
        %get3A_353 = vector.shape_cast %get3A_352 : vector<1x16xf32> to vector<16xf32>
        %get3A_354 = arith.index_cast %scan3A_236 : i32 to index
        %get3A_355 = arith.constant 112 : index
        %get3A_356 = tpu.vector_load %arg17[%get3A_354, %get3A_355] {strides = array<i32>} : memref<40x128xf32, #tpu.memory_space<vmem>>, vector<1x16xf32>,
        %get3A_357 = vector.shape_cast %get3A_356 : vector<1x16xf32> to vector<16xf32>
        %mul3A_358 = vector.broadcast %squeeze3A : f32 to vector<16xf32>
        %mul3A_359 = arith.mulf %get3A_357, %mul3A_358 : vector<16xf32>
        %mul3A_360 = arith.mulf %get3A_353, %mul3A_359 : vector<16xf32>
        %swap3A_361 = arith.index_cast %scan3A_236 : i32 to index
        %swap3A_362 = arith.constant 112 : index
        %swap3A_363 = tpu.vector_load %arg15[%swap3A_361, %swap3A_362] {strides = array<i32>} : memref<40x128xf32, #tpu.memory_space<vmem>>, vector<1x16xf32>,
        %swap3A_364 = vector.shape_cast %swap3A_363 : vector<1x16xf32> to vector<16xf32>
        %swap3A_365 = vector.shape_cast %mul3A_360 : vector<16xf32> to vector<1x16xf32>
        tpu.vector_store %arg15[%swap3A_361, %swap3A_362], %swap3A_365 {strides = array<i32>} : memref<40x128xf32, #tpu.memory_space<vmem>>, vector<1x16xf32>,
      }
      %scan3A_167 = arith.constant 40 : i32
      %dma_start3A_168 = arith.constant 0 : i32
      %dma_start3A_169 = arith.constant 0 : i32
      %dma_start3A_170 = tpu.memref_slice %arg19[%dma_start3A_168, %dma_start3A_169] : memref<10240x128xf32, #tpu.memory_space<vmem_shared>> -> memref<10240x128xf32, #tpu.memory_space<vmem_shared>>
      tpu.enqueue_indirect_dma source(%arg15 : memref<40x128xf32, #tpu.memory_space<vmem>>) target(%dma_start3A_170 : memref<10240x128xf32, #tpu.memory_space<vmem_shared>>) offsets(%arg11 : memref<40xi32, #tpu.memory_space<vmem>>) semaphore(%arg26 : memref<!tpu.dma_semaphore, #tpu.memory_space<semaphore_mem>>) {add = true}
      %mul3A_171 = arith.constant 2 : i32
      %mul3A_172 = arith.muli %mul3A_171, %scan3A_112 : i32
      %add3A_173 = arith.constant 1 : i32
      %add3A_174 = arith.addi %mul3A_172, %add3A_173 : i32
      %sub3A_175 = arith.constant 1 : i32
      %sub3A_176 = arith.subi %add3A_174, %sub3A_175 : i32
      %ge3A_177 = arith.constant 0 : i32
      %ge3A_178 = arith.cmpi sge, %sub3A_176, %ge3A_177 : i32
      %convert_element_type3A_179 = arith.extui %ge3A_178 : i1 to i32
      %cond3A_180 = arith.constant 0 : i32
      %cond3A_181 = arith.cmpi ne, %convert_element_type3A_179, %cond3A_180 : i32
      scf.if %cond3A_181 {
        %dma_wait3A_236 = arith.constant 0 : i32
        %dma_wait3A_237 = arith.constant 0 : i32
        %dma_wait3A_238 = tpu.memref_slice %arg19[%dma_wait3A_236, %dma_wait3A_237] : memref<10240x128xf32, #tpu.memory_space<vmem_shared>> -> memref<10240x128xf32, #tpu.memory_space<vmem_shared>>
        tpu.wait_indirect_dma semaphore(%arg26 : memref<!tpu.dma_semaphore, #tpu.memory_space<semaphore_mem>>) src(%arg15 : memref<40x128xf32, #tpu.memory_space<vmem>>) dst(%dma_wait3A_238 : memref<10240x128xf32, #tpu.memory_space<vmem_shared>>)
      } else {
      }
      %add3A_182 = arith.constant 1 : i32
      %add3A_183 = arith.addi %add3A_174, %add3A_182 : i32
      %lt3A_184 = arith.constant 115 : i32
      %lt3A_185 = arith.cmpi slt, %add3A_183, %lt3A_184 : i32
      %convert_element_type3A_186 = arith.extui %lt3A_185 : i1 to i32
      %cond3A_187 = arith.constant 0 : i32
      %cond3A_188 = arith.cmpi ne, %convert_element_type3A_186, %cond3A_187 : i32
      scf.if %cond3A_188 {
        %dma_wait3A_236 = arith.constant 0 : i32
        %dma_wait3A_237 = tpu.memref_slice %arg5[%dma_wait3A_236] : memref<320000xi32, #tpu.memory_space<hbm>> -> memref<40xi32, #tpu.memory_space<hbm>>
        %dma_wait3A_238 = arith.constant 0 : i32
        %dma_wait3A_239 = tpu.memref_slice %arg5[%dma_wait3A_238] : memref<320000xi32, #tpu.memory_space<hbm>> -> memref<40xi32, #tpu.memory_space<hbm>>
        tpu.wait_dma2 semaphore(%arg24 : memref<!tpu.dma_semaphore, #tpu.memory_space<semaphore_mem>>) src(%dma_wait3A_239 : memref<40xi32, #tpu.memory_space<hbm>>) dst(%arg9 : memref<40xi32, #tpu.memory_space<vmem>>)
      } else {
      }
      %add3A_189 = arith.constant 1 : i32
      %add3A_190 = arith.addi %add3A_174, %add3A_189 : i32
      %lt3A_191 = arith.constant 115 : i32
      %lt3A_192 = arith.cmpi slt, %add3A_190, %lt3A_191 : i32
      %convert_element_type3A_193 = arith.extui %lt3A_192 : i1 to i32
      %cond3A_194 = arith.constant 0 : i32
      %cond3A_195 = arith.cmpi ne, %convert_element_type3A_193, %cond3A_194 : i32
      scf.if %cond3A_195 {
        %min3A_236 = arith.constant 114 : i32
        %min3A_237 = arith.minsi %add3A_190, %min3A_236 : i32
        %mul3A_238 = arith.constant 40 : i32
        %mul3A_239 = arith.muli %min3A_237, %mul3A_238 : i32
        %add3A_240 = arith.addi %mul3A_14, %mul3A_239 : i32
        %min3A_241 = arith.constant 114 : i32
        %min3A_242 = arith.minsi %add3A_190, %min3A_241 : i32
        %mul3A_243 = arith.constant 40 : i32
        %mul3A_244 = arith.muli %min3A_242, %mul3A_243 : i32
        %add3A_245 = arith.addi %add3A_12, %mul3A_244 : i32
        %dma_start3A_246 = arith.constant 0 : i32
        %dma_start3A_247 = tpu.memref_slice %arg3[%add3A_240, %dma_start3A_246] : memref<147200x128xf32, #tpu.memory_space<hbm>> -> memref<40x128xf32, #tpu.memory_space<hbm>>
        %dma_start3A_248 = arith.constant 0 : i32
        %dma_start3A_249 = tpu.memref_slice %arg3[%add3A_240, %dma_start3A_248] : memref<147200x128xf32, #tpu.memory_space<hbm>> -> memref<40x128xf32, #tpu.memory_space<hbm>>
        tpu.enqueue_dma source(%dma_start3A_249 : memref<40x128xf32, #tpu.memory_space<hbm>>) target(%arg17 : memref<40x128xf32, #tpu.memory_space<vmem>>) target_semaphore(%arg22 : memref<!tpu.dma_semaphore, #tpu.memory_space<semaphore_mem>>)
        %dma_start3A_250 = tpu.memref_slice %arg6[%add3A_245] : memref<320000xi32, #tpu.memory_space<hbm>> -> memref<40xi32, #tpu.memory_space<hbm>>
        %dma_start3A_251 = tpu.memref_slice %arg6[%add3A_245] : memref<320000xi32, #tpu.memory_space<hbm>> -> memref<40xi32, #tpu.memory_space<hbm>>
        tpu.enqueue_dma source(%dma_start3A_251 : memref<40xi32, #tpu.memory_space<hbm>>) target(%arg11 : memref<40xi32, #tpu.memory_space<vmem>>) target_semaphore(%arg22 : memref<!tpu.dma_semaphore, #tpu.memory_space<semaphore_mem>>)
        %dma_start3A_252 = arith.constant 0 : i32
        %dma_start3A_253 = tpu.memref_slice %arg13[%dma_start3A_252] : memref<56xf32, #tpu.memory_space<vmem>> -> memref<40xf32, #tpu.memory_space<vmem>>
        %dma_start3A_254 = tpu.memref_slice %arg4[%add3A_245] : memref<320000xf32, #tpu.memory_space<hbm>> -> memref<40xf32, #tpu.memory_space<hbm>>
        %dma_start3A_255 = arith.constant 0 : i32
        %dma_start3A_256 = tpu.memref_slice %arg13[%dma_start3A_255] : memref<56xf32, #tpu.memory_space<vmem>> -> memref<40xf32, #tpu.memory_space<vmem>>
        %dma_start3A_257 = tpu.memref_slice %arg4[%add3A_245] : memref<320000xf32, #tpu.memory_space<hbm>> -> memref<40xf32, #tpu.memory_space<hbm>>
        tpu.enqueue_dma source(%dma_start3A_257 : memref<40xf32, #tpu.memory_space<hbm>>) target(%dma_start3A_256 : memref<40xf32, #tpu.memory_space<vmem>>) target_semaphore(%arg22 : memref<!tpu.dma_semaphore, #tpu.memory_space<semaphore_mem>>)
        %dma_start3A_258 = arith.constant 0 : i32
        %dma_start3A_259 = arith.constant 0 : i32
        %dma_start3A_260 = tpu.memref_slice %arg2[%dma_start3A_258, %dma_start3A_259] : memref<10000x128xf32, #tpu.memory_space<hbm>> -> memref<10000x128xf32, #tpu.memory_space<hbm>>
        tpu.enqueue_indirect_dma source(%dma_start3A_260 : memref<10000x128xf32, #tpu.memory_space<hbm>>) target(%arg15 : memref<40x128xf32, #tpu.memory_space<vmem>>) offsets(%arg9 : memref<40xi32, #tpu.memory_space<vmem>>) semaphore(%arg20 : memref<!tpu.dma_semaphore, #tpu.memory_space<semaphore_mem>>)
      } else {
      }
      %dma_wait3A_196 = arith.constant 0 : i32
      %dma_wait3A_197 = arith.constant 0 : i32
      %dma_wait3A_198 = tpu.memref_slice %arg3[%dma_wait3A_196, %dma_wait3A_197] : memref<147200x128xf32, #tpu.memory_space<hbm>> -> memref<40x128xf32, #tpu.memory_space<hbm>>
      %dma_wait3A_199 = arith.constant 0 : i32
      %dma_wait3A_200 = arith.constant 0 : i32
      %dma_wait3A_201 = tpu.memref_slice %arg3[%dma_wait3A_199, %dma_wait3A_200] : memref<147200x128xf32, #tpu.memory_space<hbm>> -> memref<40x128xf32, #tpu.memory_space<hbm>>
      tpu.wait_dma2 semaphore(%arg23 : memref<!tpu.dma_semaphore, #tpu.memory_space<semaphore_mem>>) src(%dma_wait3A_201 : memref<40x128xf32, #tpu.memory_space<hbm>>) dst(%arg18 : memref<40x128xf32, #tpu.memory_space<vmem>>)
      %dma_wait3A_202 = arith.constant 0 : i32
      %dma_wait3A_203 = tpu.memref_slice %arg6[%dma_wait3A_202] : memref<320000xi32, #tpu.memory_space<hbm>> -> memref<40xi32, #tpu.memory_space<hbm>>
      %dma_wait3A_204 = arith.constant 0 : i32
      %dma_wait3A_205 = tpu.memref_slice %arg6[%dma_wait3A_204] : memref<320000xi32, #tpu.memory_space<hbm>> -> memref<40xi32, #tpu.memory_space<hbm>>
      tpu.wait_dma2 semaphore(%arg23 : memref<!tpu.dma_semaphore, #tpu.memory_space<semaphore_mem>>) src(%dma_wait3A_205 : memref<40xi32, #tpu.memory_space<hbm>>) dst(%arg12 : memref<40xi32, #tpu.memory_space<vmem>>)
      %dma_wait3A_206 = arith.constant 0 : i32
      %dma_wait3A_207 = tpu.memref_slice %arg14[%dma_wait3A_206] : memref<56xf32, #tpu.memory_space<vmem>> -> memref<40xf32, #tpu.memory_space<vmem>>
      %dma_wait3A_208 = arith.constant 0 : i32
      %dma_wait3A_209 = tpu.memref_slice %arg4[%dma_wait3A_208] : memref<320000xf32, #tpu.memory_space<hbm>> -> memref<40xf32, #tpu.memory_space<hbm>>
      %dma_wait3A_210 = arith.constant 0 : i32
      %dma_wait3A_211 = tpu.memref_slice %arg14[%dma_wait3A_210] : memref<56xf32, #tpu.memory_space<vmem>> -> memref<40xf32, #tpu.memory_space<vmem>>
      %dma_wait3A_212 = arith.constant 0 : i32
      %dma_wait3A_213 = tpu.memref_slice %arg4[%dma_wait3A_212] : memref<320000xf32, #tpu.memory_space<hbm>> -> memref<40xf32, #tpu.memory_space<hbm>>
      tpu.wait_dma2 semaphore(%arg23 : memref<!tpu.dma_semaphore, #tpu.memory_space<semaphore_mem>>) src(%dma_wait3A_213 : memref<40xf32, #tpu.memory_space<hbm>>) dst(%dma_wait3A_211 : memref<40xf32, #tpu.memory_space<vmem>>)
      %dma_wait3A_214 = arith.constant 0 : i32
      %dma_wait3A_215 = arith.constant 0 : i32
      %dma_wait3A_216 = tpu.memref_slice %arg2[%dma_wait3A_214, %dma_wait3A_215] : memref<10000x128xf32, #tpu.memory_space<hbm>> -> memref<40x128xf32, #tpu.memory_space<hbm>>
      %dma_wait3A_217 = arith.constant 0 : i32
      %dma_wait3A_218 = arith.constant 0 : i32
      %dma_wait3A_219 = tpu.memref_slice %arg2[%dma_wait3A_217, %dma_wait3A_218] : memref<10000x128xf32, #tpu.memory_space<hbm>> -> memref<40x128xf32, #tpu.memory_space<hbm>>
      tpu.wait_dma2 semaphore(%arg21 : memref<!tpu.dma_semaphore, #tpu.memory_space<semaphore_mem>>) src(%dma_wait3A_219 : memref<40x128xf32, #tpu.memory_space<hbm>>) dst(%arg16 : memref<40x128xf32, #tpu.memory_space<vmem>>)
      %add3A_220 = arith.constant 2 : i32
      %add3A_221 = arith.addi %add3A_174, %add3A_220 : i32
      %lt3A_222 = arith.constant 115 : i32
      %lt3A_223 = arith.cmpi slt, %add3A_221, %lt3A_222 : i32
      %convert_element_type3A_224 = arith.extui %lt3A_223 : i1 to i32
      %cond3A_225 = arith.constant 0 : i32
      %cond3A_226 = arith.cmpi ne, %convert_element_type3A_224, %cond3A_225 : i32
      scf.if %cond3A_226 {
        %min3A_236 = arith.constant 114 : i32
        %min3A_237 = arith.minsi %add3A_221, %min3A_236 : i32
        %mul3A_238 = arith.constant 40 : i32
        %mul3A_239 = arith.muli %min3A_237, %mul3A_238 : i32
        %add3A_240 = arith.addi %add3A_12, %mul3A_239 : i32
        %dma_start3A_241 = tpu.memref_slice %arg5[%add3A_240] : memref<320000xi32, #tpu.memory_space<hbm>> -> memref<40xi32, #tpu.memory_space<hbm>>
        %dma_start3A_242 = tpu.memref_slice %arg5[%add3A_240] : memref<320000xi32, #tpu.memory_space<hbm>> -> memref<40xi32, #tpu.memory_space<hbm>>
        tpu.enqueue_dma source(%dma_start3A_242 : memref<40xi32, #tpu.memory_space<hbm>>) target(%arg10 : memref<40xi32, #tpu.memory_space<vmem>>) target_semaphore(%arg25 : memref<!tpu.dma_semaphore, #tpu.memory_space<semaphore_mem>>)
      } else {
      }
      %scan3A_227 = arith.constant 0 : i32
      %scan3A_228 = arith.constant 0 : i32
      %scan3A_229 = arith.constant 40 : i32
      %scan3A_230 = arith.addi %scan3A_228, %scan3A_229 : i32
      %scan3A_231 = arith.constant 1 : i32
      scf.for %scan3A_236 = %scan3A_228 to %scan3A_230 step %scan3A_231  : i32 {
        %get3A = arith.index_cast %scan3A_236 : i32 to index
        %get3A_237 = tpu.vector_load %arg14[%get3A] {strides = array<i32>} : memref<56xf32, #tpu.memory_space<vmem>>, vector<16xf32>,
        %get3A_238 = vector.shape_cast %get3A_237 : vector<16xf32> to vector<16xf32>
        %slice3A = vector.extract_strided_slice %get3A_238 {offsets = [0], sizes = [1], strides = [1]} : vector<16xf32> to vector<1xf32>
        %squeeze3A = vector.extract %slice3A[0] : f32 from vector<1xf32>
        %get3A_239 = arith.index_cast %scan3A_236 : i32 to index
        %get3A_240 = arith.constant 0 : index
        %get3A_241 = tpu.vector_load %arg16[%get3A_239, %get3A_240] {strides = array<i32>} : memref<40x128xf32, #tpu.memory_space<vmem>>, vector<1x16xf32>,
        %get3A_242 = vector.shape_cast %get3A_241 : vector<1x16xf32> to vector<16xf32>
        %get3A_243 = arith.index_cast %scan3A_236 : i32 to index
        %get3A_244 = arith.constant 0 : index
        %get3A_245 = tpu.vector_load %arg18[%get3A_243, %get3A_244] {strides = array<i32>} : memref<40x128xf32, #tpu.memory_space<vmem>>, vector<1x16xf32>,
        %get3A_246 = vector.shape_cast %get3A_245 : vector<1x16xf32> to vector<16xf32>
        %mul3A_247 = vector.broadcast %squeeze3A : f32 to vector<16xf32>
        %mul3A_248 = arith.mulf %get3A_246, %mul3A_247 : vector<16xf32>
        %mul3A_249 = arith.mulf %get3A_242, %mul3A_248 : vector<16xf32>
        %swap3A = arith.index_cast %scan3A_236 : i32 to index
        %swap3A_250 = arith.constant 0 : index
        %swap3A_251 = tpu.vector_load %arg16[%swap3A, %swap3A_250] {strides = array<i32>} : memref<40x128xf32, #tpu.memory_space<vmem>>, vector<1x16xf32>,
        %swap3A_252 = vector.shape_cast %swap3A_251 : vector<1x16xf32> to vector<16xf32>
        %swap3A_253 = vector.shape_cast %mul3A_249 : vector<16xf32> to vector<1x16xf32>
        tpu.vector_store %arg16[%swap3A, %swap3A_250], %swap3A_253 {strides = array<i32>} : memref<40x128xf32, #tpu.memory_space<vmem>>, vector<1x16xf32>,
        %get3A_254 = arith.index_cast %scan3A_236 : i32 to index
        %get3A_255 = arith.constant 16 : index
        %get3A_256 = tpu.vector_load %arg16[%get3A_254, %get3A_255] {strides = array<i32>} : memref<40x128xf32, #tpu.memory_space<vmem>>, vector<1x16xf32>,
        %get3A_257 = vector.shape_cast %get3A_256 : vector<1x16xf32> to vector<16xf32>
        %get3A_258 = arith.index_cast %scan3A_236 : i32 to index
        %get3A_259 = arith.constant 16 : index
        %get3A_260 = tpu.vector_load %arg18[%get3A_258, %get3A_259] {strides = array<i32>} : memref<40x128xf32, #tpu.memory_space<vmem>>, vector<1x16xf32>,
        %get3A_261 = vector.shape_cast %get3A_260 : vector<1x16xf32> to vector<16xf32>
        %mul3A_262 = vector.broadcast %squeeze3A : f32 to vector<16xf32>
        %mul3A_263 = arith.mulf %get3A_261, %mul3A_262 : vector<16xf32>
        %mul3A_264 = arith.mulf %get3A_257, %mul3A_263 : vector<16xf32>
        %swap3A_265 = arith.index_cast %scan3A_236 : i32 to index
        %swap3A_266 = arith.constant 16 : index
        %swap3A_267 = tpu.vector_load %arg16[%swap3A_265, %swap3A_266] {strides = array<i32>} : memref<40x128xf32, #tpu.memory_space<vmem>>, vector<1x16xf32>,
        %swap3A_268 = vector.shape_cast %swap3A_267 : vector<1x16xf32> to vector<16xf32>
        %swap3A_269 = vector.shape_cast %mul3A_264 : vector<16xf32> to vector<1x16xf32>
        tpu.vector_store %arg16[%swap3A_265, %swap3A_266], %swap3A_269 {strides = array<i32>} : memref<40x128xf32, #tpu.memory_space<vmem>>, vector<1x16xf32>,
        %get3A_270 = arith.index_cast %scan3A_236 : i32 to index
        %get3A_271 = arith.constant 32 : index
        %get3A_272 = tpu.vector_load %arg16[%get3A_270, %get3A_271] {strides = array<i32>} : memref<40x128xf32, #tpu.memory_space<vmem>>, vector<1x16xf32>,
        %get3A_273 = vector.shape_cast %get3A_272 : vector<1x16xf32> to vector<16xf32>
        %get3A_274 = arith.index_cast %scan3A_236 : i32 to index
        %get3A_275 = arith.constant 32 : index
        %get3A_276 = tpu.vector_load %arg18[%get3A_274, %get3A_275] {strides = array<i32>} : memref<40x128xf32, #tpu.memory_space<vmem>>, vector<1x16xf32>,
        %get3A_277 = vector.shape_cast %get3A_276 : vector<1x16xf32> to vector<16xf32>
        %mul3A_278 = vector.broadcast %squeeze3A : f32 to vector<16xf32>
        %mul3A_279 = arith.mulf %get3A_277, %mul3A_278 : vector<16xf32>
        %mul3A_280 = arith.mulf %get3A_273, %mul3A_279 : vector<16xf32>
        %swap3A_281 = arith.index_cast %scan3A_236 : i32 to index
        %swap3A_282 = arith.constant 32 : index
        %swap3A_283 = tpu.vector_load %arg16[%swap3A_281, %swap3A_282] {strides = array<i32>} : memref<40x128xf32, #tpu.memory_space<vmem>>, vector<1x16xf32>,
        %swap3A_284 = vector.shape_cast %swap3A_283 : vector<1x16xf32> to vector<16xf32>
        %swap3A_285 = vector.shape_cast %mul3A_280 : vector<16xf32> to vector<1x16xf32>
        tpu.vector_store %arg16[%swap3A_281, %swap3A_282], %swap3A_285 {strides = array<i32>} : memref<40x128xf32, #tpu.memory_space<vmem>>, vector<1x16xf32>,
        %get3A_286 = arith.index_cast %scan3A_236 : i32 to index
        %get3A_287 = arith.constant 48 : index
        %get3A_288 = tpu.vector_load %arg16[%get3A_286, %get3A_287] {strides = array<i32>} : memref<40x128xf32, #tpu.memory_space<vmem>>, vector<1x16xf32>,
        %get3A_289 = vector.shape_cast %get3A_288 : vector<1x16xf32> to vector<16xf32>
        %get3A_290 = arith.index_cast %scan3A_236 : i32 to index
        %get3A_291 = arith.constant 48 : index
        %get3A_292 = tpu.vector_load %arg18[%get3A_290, %get3A_291] {strides = array<i32>} : memref<40x128xf32, #tpu.memory_space<vmem>>, vector<1x16xf32>,
        %get3A_293 = vector.shape_cast %get3A_292 : vector<1x16xf32> to vector<16xf32>
        %mul3A_294 = vector.broadcast %squeeze3A : f32 to vector<16xf32>
        %mul3A_295 = arith.mulf %get3A_293, %mul3A_294 : vector<16xf32>
        %mul3A_296 = arith.mulf %get3A_289, %mul3A_295 : vector<16xf32>
        %swap3A_297 = arith.index_cast %scan3A_236 : i32 to index
        %swap3A_298 = arith.constant 48 : index
        %swap3A_299 = tpu.vector_load %arg16[%swap3A_297, %swap3A_298] {strides = array<i32>} : memref<40x128xf32, #tpu.memory_space<vmem>>, vector<1x16xf32>,
        %swap3A_300 = vector.shape_cast %swap3A_299 : vector<1x16xf32> to vector<16xf32>
        %swap3A_301 = vector.shape_cast %mul3A_296 : vector<16xf32> to vector<1x16xf32>
        tpu.vector_store %arg16[%swap3A_297, %swap3A_298], %swap3A_301 {strides = array<i32>} : memref<40x128xf32, #tpu.memory_space<vmem>>, vector<1x16xf32>,
        %get3A_302 = arith.index_cast %scan3A_236 : i32 to index
        %get3A_303 = arith.constant 64 : index
        %get3A_304 = tpu.vector_load %arg16[%get3A_302, %get3A_303] {strides = array<i32>} : memref<40x128xf32, #tpu.memory_space<vmem>>, vector<1x16xf32>,
        %get3A_305 = vector.shape_cast %get3A_304 : vector<1x16xf32> to vector<16xf32>
        %get3A_306 = arith.index_cast %scan3A_236 : i32 to index
        %get3A_307 = arith.constant 64 : index
        %get3A_308 = tpu.vector_load %arg18[%get3A_306, %get3A_307] {strides = array<i32>} : memref<40x128xf32, #tpu.memory_space<vmem>>, vector<1x16xf32>,
        %get3A_309 = vector.shape_cast %get3A_308 : vector<1x16xf32> to vector<16xf32>
        %mul3A_310 = vector.broadcast %squeeze3A : f32 to vector<16xf32>
        %mul3A_311 = arith.mulf %get3A_309, %mul3A_310 : vector<16xf32>
        %mul3A_312 = arith.mulf %get3A_305, %mul3A_311 : vector<16xf32>
        %swap3A_313 = arith.index_cast %scan3A_236 : i32 to index
        %swap3A_314 = arith.constant 64 : index
        %swap3A_315 = tpu.vector_load %arg16[%swap3A_313, %swap3A_314] {strides = array<i32>} : memref<40x128xf32, #tpu.memory_space<vmem>>, vector<1x16xf32>,
        %swap3A_316 = vector.shape_cast %swap3A_315 : vector<1x16xf32> to vector<16xf32>
        %swap3A_317 = vector.shape_cast %mul3A_312 : vector<16xf32> to vector<1x16xf32>
        tpu.vector_store %arg16[%swap3A_313, %swap3A_314], %swap3A_317 {strides = array<i32>} : memref<40x128xf32, #tpu.memory_space<vmem>>, vector<1x16xf32>,
        %get3A_318 = arith.index_cast %scan3A_236 : i32 to index
        %get3A_319 = arith.constant 80 : index
        %get3A_320 = tpu.vector_load %arg16[%get3A_318, %get3A_319] {strides = array<i32>} : memref<40x128xf32, #tpu.memory_space<vmem>>, vector<1x16xf32>,
        %get3A_321 = vector.shape_cast %get3A_320 : vector<1x16xf32> to vector<16xf32>
        %get3A_322 = arith.index_cast %scan3A_236 : i32 to index
        %get3A_323 = arith.constant 80 : index
        %get3A_324 = tpu.vector_load %arg18[%get3A_322, %get3A_323] {strides = array<i32>} : memref<40x128xf32, #tpu.memory_space<vmem>>, vector<1x16xf32>,
        %get3A_325 = vector.shape_cast %get3A_324 : vector<1x16xf32> to vector<16xf32>
        %mul3A_326 = vector.broadcast %squeeze3A : f32 to vector<16xf32>
        %mul3A_327 = arith.mulf %get3A_325, %mul3A_326 : vector<16xf32>
        %mul3A_328 = arith.mulf %get3A_321, %mul3A_327 : vector<16xf32>
        %swap3A_329 = arith.index_cast %scan3A_236 : i32 to index
        %swap3A_330 = arith.constant 80 : index
        %swap3A_331 = tpu.vector_load %arg16[%swap3A_329, %swap3A_330] {strides = array<i32>} : memref<40x128xf32, #tpu.memory_space<vmem>>, vector<1x16xf32>,
        %swap3A_332 = vector.shape_cast %swap3A_331 : vector<1x16xf32> to vector<16xf32>
        %swap3A_333 = vector.shape_cast %mul3A_328 : vector<16xf32> to vector<1x16xf32>
        tpu.vector_store %arg16[%swap3A_329, %swap3A_330], %swap3A_333 {strides = array<i32>} : memref<40x128xf32, #tpu.memory_space<vmem>>, vector<1x16xf32>,
        %get3A_334 = arith.index_cast %scan3A_236 : i32 to index
        %get3A_335 = arith.constant 96 : index
        %get3A_336 = tpu.vector_load %arg16[%get3A_334, %get3A_335] {strides = array<i32>} : memref<40x128xf32, #tpu.memory_space<vmem>>, vector<1x16xf32>,
        %get3A_337 = vector.shape_cast %get3A_336 : vector<1x16xf32> to vector<16xf32>
        %get3A_338 = arith.index_cast %scan3A_236 : i32 to index
        %get3A_339 = arith.constant 96 : index
        %get3A_340 = tpu.vector_load %arg18[%get3A_338, %get3A_339] {strides = array<i32>} : memref<40x128xf32, #tpu.memory_space<vmem>>, vector<1x16xf32>,
        %get3A_341 = vector.shape_cast %get3A_340 : vector<1x16xf32> to vector<16xf32>
        %mul3A_342 = vector.broadcast %squeeze3A : f32 to vector<16xf32>
        %mul3A_343 = arith.mulf %get3A_341, %mul3A_342 : vector<16xf32>
        %mul3A_344 = arith.mulf %get3A_337, %mul3A_343 : vector<16xf32>
        %swap3A_345 = arith.index_cast %scan3A_236 : i32 to index
        %swap3A_346 = arith.constant 96 : index
        %swap3A_347 = tpu.vector_load %arg16[%swap3A_345, %swap3A_346] {strides = array<i32>} : memref<40x128xf32, #tpu.memory_space<vmem>>, vector<1x16xf32>,
        %swap3A_348 = vector.shape_cast %swap3A_347 : vector<1x16xf32> to vector<16xf32>
        %swap3A_349 = vector.shape_cast %mul3A_344 : vector<16xf32> to vector<1x16xf32>
        tpu.vector_store %arg16[%swap3A_345, %swap3A_346], %swap3A_349 {strides = array<i32>} : memref<40x128xf32, #tpu.memory_space<vmem>>, vector<1x16xf32>,
        %get3A_350 = arith.index_cast %scan3A_236 : i32 to index
        %get3A_351 = arith.constant 112 : index
        %get3A_352 = tpu.vector_load %arg16[%get3A_350, %get3A_351] {strides = array<i32>} : memref<40x128xf32, #tpu.memory_space<vmem>>, vector<1x16xf32>,
        %get3A_353 = vector.shape_cast %get3A_352 : vector<1x16xf32> to vector<16xf32>
        %get3A_354 = arith.index_cast %scan3A_236 : i32 to index
        %get3A_355 = arith.constant 112 : index
        %get3A_356 = tpu.vector_load %arg18[%get3A_354, %get3A_355] {strides = array<i32>} : memref<40x128xf32, #tpu.memory_space<vmem>>, vector<1x16xf32>,
        %get3A_357 = vector.shape_cast %get3A_356 : vector<1x16xf32> to vector<16xf32>
        %mul3A_358 = vector.broadcast %squeeze3A : f32 to vector<16xf32>
        %mul3A_359 = arith.mulf %get3A_357, %mul3A_358 : vector<16xf32>
        %mul3A_360 = arith.mulf %get3A_353, %mul3A_359 : vector<16xf32>
        %swap3A_361 = arith.index_cast %scan3A_236 : i32 to index
        %swap3A_362 = arith.constant 112 : index
        %swap3A_363 = tpu.vector_load %arg16[%swap3A_361, %swap3A_362] {strides = array<i32>} : memref<40x128xf32, #tpu.memory_space<vmem>>, vector<1x16xf32>,
        %swap3A_364 = vector.shape_cast %swap3A_363 : vector<1x16xf32> to vector<16xf32>
        %swap3A_365 = vector.shape_cast %mul3A_360 : vector<16xf32> to vector<1x16xf32>
        tpu.vector_store %arg16[%swap3A_361, %swap3A_362], %swap3A_365 {strides = array<i32>} : memref<40x128xf32, #tpu.memory_space<vmem>>, vector<1x16xf32>,
      }
      %scan3A_232 = arith.constant 40 : i32
      %dma_start3A_233 = arith.constant 0 : i32
      %dma_start3A_234 = arith.constant 0 : i32
      %dma_start3A_235 = tpu.memref_slice %arg19[%dma_start3A_233, %dma_start3A_234] : memref<10240x128xf32, #tpu.memory_space<vmem_shared>> -> memref<10240x128xf32, #tpu.memory_space<vmem_shared>>
      tpu.enqueue_indirect_dma source(%arg16 : memref<40x128xf32, #tpu.memory_space<vmem>>) target(%dma_start3A_235 : memref<10240x128xf32, #tpu.memory_space<vmem_shared>>) offsets(%arg12 : memref<40xi32, #tpu.memory_space<vmem>>) semaphore(%arg27 : memref<!tpu.dma_semaphore, #tpu.memory_space<semaphore_mem>>) {add = true}
    }
    %scan3A_68 = arith.constant 57 : i32
    %dma_wait3A_69 = arith.constant 0 : i32
    %dma_wait3A_70 = arith.constant 0 : i32
    %dma_wait3A_71 = tpu.memref_slice %arg19[%dma_wait3A_69, %dma_wait3A_70] : memref<10240x128xf32, #tpu.memory_space<vmem_shared>> -> memref<10240x128xf32, #tpu.memory_space<vmem_shared>>
    tpu.wait_indirect_dma semaphore(%arg27 : memref<!tpu.dma_semaphore, #tpu.memory_space<semaphore_mem>>) src(%arg16 : memref<40x128xf32, #tpu.memory_space<vmem>>) dst(%dma_wait3A_71 : memref<10240x128xf32, #tpu.memory_space<vmem_shared>>)
    %dma_wait3A_72 = arith.constant 0 : i32
    %dma_wait3A_73 = arith.constant 0 : i32
    %dma_wait3A_74 = tpu.memref_slice %arg3[%dma_wait3A_72, %dma_wait3A_73] : memref<147200x128xf32, #tpu.memory_space<hbm>> -> memref<40x128xf32, #tpu.memory_space<hbm>>
    %dma_wait3A_75 = arith.constant 0 : i32
    %dma_wait3A_76 = arith.constant 0 : i32
    %dma_wait3A_77 = tpu.memref_slice %arg3[%dma_wait3A_75, %dma_wait3A_76] : memref<147200x128xf32, #tpu.memory_space<hbm>> -> memref<40x128xf32, #tpu.memory_space<hbm>>
    tpu.wait_dma2 semaphore(%arg22 : memref<!tpu.dma_semaphore, #tpu.memory_space<semaphore_mem>>) src(%dma_wait3A_77 : memref<40x128xf32, #tpu.memory_space<hbm>>) dst(%arg17 : memref<40x128xf32, #tpu.memory_space<vmem>>)
    %dma_wait3A_78 = arith.constant 0 : i32
    %dma_wait3A_79 = tpu.memref_slice %arg6[%dma_wait3A_78] : memref<320000xi32, #tpu.memory_space<hbm>> -> memref<40xi32, #tpu.memory_space<hbm>>
    %dma_wait3A_80 = arith.constant 0 : i32
    %dma_wait3A_81 = tpu.memref_slice %arg6[%dma_wait3A_80] : memref<320000xi32, #tpu.memory_space<hbm>> -> memref<40xi32, #tpu.memory_space<hbm>>
    tpu.wait_dma2 semaphore(%arg22 : memref<!tpu.dma_semaphore, #tpu.memory_space<semaphore_mem>>) src(%dma_wait3A_81 : memref<40xi32, #tpu.memory_space<hbm>>) dst(%arg11 : memref<40xi32, #tpu.memory_space<vmem>>)
    %dma_wait3A_82 = arith.constant 0 : i32
    %dma_wait3A_83 = tpu.memref_slice %arg13[%dma_wait3A_82] : memref<56xf32, #tpu.memory_space<vmem>> -> memref<40xf32, #tpu.memory_space<vmem>>
    %dma_wait3A_84 = arith.constant 0 : i32
    %dma_wait3A_85 = tpu.memref_slice %arg4[%dma_wait3A_84] : memref<320000xf32, #tpu.memory_space<hbm>> -> memref<40xf32, #tpu.memory_space<hbm>>
    %dma_wait3A_86 = arith.constant 0 : i32
    %dma_wait3A_87 = tpu.memref_slice %arg13[%dma_wait3A_86] : memref<56xf32, #tpu.memory_space<vmem>> -> memref<40xf32, #tpu.memory_space<vmem>>
    %dma_wait3A_88 = arith.constant 0 : i32
    %dma_wait3A_89 = tpu.memref_slice %arg4[%dma_wait3A_88] : memref<320000xf32, #tpu.memory_space<hbm>> -> memref<40xf32, #tpu.memory_space<hbm>>
    tpu.wait_dma2 semaphore(%arg22 : memref<!tpu.dma_semaphore, #tpu.memory_space<semaphore_mem>>) src(%dma_wait3A_89 : memref<40xf32, #tpu.memory_space<hbm>>) dst(%dma_wait3A_87 : memref<40xf32, #tpu.memory_space<vmem>>)
    %dma_wait3A_90 = arith.constant 0 : i32
    %dma_wait3A_91 = arith.constant 0 : i32
    %dma_wait3A_92 = tpu.memref_slice %arg2[%dma_wait3A_90, %dma_wait3A_91] : memref<10000x128xf32, #tpu.memory_space<hbm>> -> memref<40x128xf32, #tpu.memory_space<hbm>>
    %dma_wait3A_93 = arith.constant 0 : i32
    %dma_wait3A_94 = arith.constant 0 : i32
    %dma_wait3A_95 = tpu.memref_slice %arg2[%dma_wait3A_93, %dma_wait3A_94] : memref<10000x128xf32, #tpu.memory_space<hbm>> -> memref<40x128xf32, #tpu.memory_space<hbm>>
    tpu.wait_dma2 semaphore(%arg20 : memref<!tpu.dma_semaphore, #tpu.memory_space<semaphore_mem>>) src(%dma_wait3A_95 : memref<40x128xf32, #tpu.memory_space<hbm>>) dst(%arg15 : memref<40x128xf32, #tpu.memory_space<vmem>>)
    %scan3A_96 = arith.constant 0 : i32
    %scan3A_97 = arith.constant 0 : i32
    %scan3A_98 = arith.constant 40 : i32
    %scan3A_99 = arith.addi %scan3A_97, %scan3A_98 : i32
    %scan3A_100 = arith.constant 1 : i32
    scf.for %scan3A_112 = %scan3A_97 to %scan3A_99 step %scan3A_100  : i32 {
      %get3A = arith.index_cast %scan3A_112 : i32 to index
      %get3A_113 = tpu.vector_load %arg13[%get3A] {strides = array<i32>} : memref<56xf32, #tpu.memory_space<vmem>>, vector<16xf32>,
      %get3A_114 = vector.shape_cast %get3A_113 : vector<16xf32> to vector<16xf32>
      %slice3A = vector.extract_strided_slice %get3A_114 {offsets = [0], sizes = [1], strides = [1]} : vector<16xf32> to vector<1xf32>
      %squeeze3A = vector.extract %slice3A[0] : f32 from vector<1xf32>
      %get3A_115 = arith.index_cast %scan3A_112 : i32 to index
      %get3A_116 = arith.constant 0 : index
      %get3A_117 = tpu.vector_load %arg15[%get3A_115, %get3A_116] {strides = array<i32>} : memref<40x128xf32, #tpu.memory_space<vmem>>, vector<1x16xf32>,
      %get3A_118 = vector.shape_cast %get3A_117 : vector<1x16xf32> to vector<16xf32>
      %get3A_119 = arith.index_cast %scan3A_112 : i32 to index
      %get3A_120 = arith.constant 0 : index
      %get3A_121 = tpu.vector_load %arg17[%get3A_119, %get3A_120] {strides = array<i32>} : memref<40x128xf32, #tpu.memory_space<vmem>>, vector<1x16xf32>,
      %get3A_122 = vector.shape_cast %get3A_121 : vector<1x16xf32> to vector<16xf32>
      %mul3A_123 = vector.broadcast %squeeze3A : f32 to vector<16xf32>
      %mul3A_124 = arith.mulf %get3A_122, %mul3A_123 : vector<16xf32>
      %mul3A_125 = arith.mulf %get3A_118, %mul3A_124 : vector<16xf32>
      %swap3A = arith.index_cast %scan3A_112 : i32 to index
      %swap3A_126 = arith.constant 0 : index
      %swap3A_127 = tpu.vector_load %arg15[%swap3A, %swap3A_126] {strides = array<i32>} : memref<40x128xf32, #tpu.memory_space<vmem>>, vector<1x16xf32>,
      %swap3A_128 = vector.shape_cast %swap3A_127 : vector<1x16xf32> to vector<16xf32>
      %swap3A_129 = vector.shape_cast %mul3A_125 : vector<16xf32> to vector<1x16xf32>
      tpu.vector_store %arg15[%swap3A, %swap3A_126], %swap3A_129 {strides = array<i32>} : memref<40x128xf32, #tpu.memory_space<vmem>>, vector<1x16xf32>,
      %get3A_130 = arith.index_cast %scan3A_112 : i32 to index
      %get3A_131 = arith.constant 16 : index
      %get3A_132 = tpu.vector_load %arg15[%get3A_130, %get3A_131] {strides = array<i32>} : memref<40x128xf32, #tpu.memory_space<vmem>>, vector<1x16xf32>,
      %get3A_133 = vector.shape_cast %get3A_132 : vector<1x16xf32> to vector<16xf32>
      %get3A_134 = arith.index_cast %scan3A_112 : i32 to index
      %get3A_135 = arith.constant 16 : index
      %get3A_136 = tpu.vector_load %arg17[%get3A_134, %get3A_135] {strides = array<i32>} : memref<40x128xf32, #tpu.memory_space<vmem>>, vector<1x16xf32>,
      %get3A_137 = vector.shape_cast %get3A_136 : vector<1x16xf32> to vector<16xf32>
      %mul3A_138 = vector.broadcast %squeeze3A : f32 to vector<16xf32>
      %mul3A_139 = arith.mulf %get3A_137, %mul3A_138 : vector<16xf32>
      %mul3A_140 = arith.mulf %get3A_133, %mul3A_139 : vector<16xf32>
      %swap3A_141 = arith.index_cast %scan3A_112 : i32 to index
      %swap3A_142 = arith.constant 16 : index
      %swap3A_143 = tpu.vector_load %arg15[%swap3A_141, %swap3A_142] {strides = array<i32>} : memref<40x128xf32, #tpu.memory_space<vmem>>, vector<1x16xf32>,
      %swap3A_144 = vector.shape_cast %swap3A_143 : vector<1x16xf32> to vector<16xf32>
      %swap3A_145 = vector.shape_cast %mul3A_140 : vector<16xf32> to vector<1x16xf32>
      tpu.vector_store %arg15[%swap3A_141, %swap3A_142], %swap3A_145 {strides = array<i32>} : memref<40x128xf32, #tpu.memory_space<vmem>>, vector<1x16xf32>,
      %get3A_146 = arith.index_cast %scan3A_112 : i32 to index
      %get3A_147 = arith.constant 32 : index
      %get3A_148 = tpu.vector_load %arg15[%get3A_146, %get3A_147] {strides = array<i32>} : memref<40x128xf32, #tpu.memory_space<vmem>>, vector<1x16xf32>,
      %get3A_149 = vector.shape_cast %get3A_148 : vector<1x16xf32> to vector<16xf32>
      %get3A_150 = arith.index_cast %scan3A_112 : i32 to index
      %get3A_151 = arith.constant 32 : index
      %get3A_152 = tpu.vector_load %arg17[%get3A_150, %get3A_151] {strides = array<i32>} : memref<40x128xf32, #tpu.memory_space<vmem>>, vector<1x16xf32>,
      %get3A_153 = vector.shape_cast %get3A_152 : vector<1x16xf32> to vector<16xf32>
      %mul3A_154 = vector.broadcast %squeeze3A : f32 to vector<16xf32>
      %mul3A_155 = arith.mulf %get3A_153, %mul3A_154 : vector<16xf32>
      %mul3A_156 = arith.mulf %get3A_149, %mul3A_155 : vector<16xf32>
      %swap3A_157 = arith.index_cast %scan3A_112 : i32 to index
      %swap3A_158 = arith.constant 32 : index
      %swap3A_159 = tpu.vector_load %arg15[%swap3A_157, %swap3A_158] {strides = array<i32>} : memref<40x128xf32, #tpu.memory_space<vmem>>, vector<1x16xf32>,
      %swap3A_160 = vector.shape_cast %swap3A_159 : vector<1x16xf32> to vector<16xf32>
      %swap3A_161 = vector.shape_cast %mul3A_156 : vector<16xf32> to vector<1x16xf32>
      tpu.vector_store %arg15[%swap3A_157, %swap3A_158], %swap3A_161 {strides = array<i32>} : memref<40x128xf32, #tpu.memory_space<vmem>>, vector<1x16xf32>,
      %get3A_162 = arith.index_cast %scan3A_112 : i32 to index
      %get3A_163 = arith.constant 48 : index
      %get3A_164 = tpu.vector_load %arg15[%get3A_162, %get3A_163] {strides = array<i32>} : memref<40x128xf32, #tpu.memory_space<vmem>>, vector<1x16xf32>,
      %get3A_165 = vector.shape_cast %get3A_164 : vector<1x16xf32> to vector<16xf32>
      %get3A_166 = arith.index_cast %scan3A_112 : i32 to index
      %get3A_167 = arith.constant 48 : index
      %get3A_168 = tpu.vector_load %arg17[%get3A_166, %get3A_167] {strides = array<i32>} : memref<40x128xf32, #tpu.memory_space<vmem>>, vector<1x16xf32>,
      %get3A_169 = vector.shape_cast %get3A_168 : vector<1x16xf32> to vector<16xf32>
      %mul3A_170 = vector.broadcast %squeeze3A : f32 to vector<16xf32>
      %mul3A_171 = arith.mulf %get3A_169, %mul3A_170 : vector<16xf32>
      %mul3A_172 = arith.mulf %get3A_165, %mul3A_171 : vector<16xf32>
      %swap3A_173 = arith.index_cast %scan3A_112 : i32 to index
      %swap3A_174 = arith.constant 48 : index
      %swap3A_175 = tpu.vector_load %arg15[%swap3A_173, %swap3A_174] {strides = array<i32>} : memref<40x128xf32, #tpu.memory_space<vmem>>, vector<1x16xf32>,
      %swap3A_176 = vector.shape_cast %swap3A_175 : vector<1x16xf32> to vector<16xf32>
      %swap3A_177 = vector.shape_cast %mul3A_172 : vector<16xf32> to vector<1x16xf32>
      tpu.vector_store %arg15[%swap3A_173, %swap3A_174], %swap3A_177 {strides = array<i32>} : memref<40x128xf32, #tpu.memory_space<vmem>>, vector<1x16xf32>,
      %get3A_178 = arith.index_cast %scan3A_112 : i32 to index
      %get3A_179 = arith.constant 64 : index
      %get3A_180 = tpu.vector_load %arg15[%get3A_178, %get3A_179] {strides = array<i32>} : memref<40x128xf32, #tpu.memory_space<vmem>>, vector<1x16xf32>,
      %get3A_181 = vector.shape_cast %get3A_180 : vector<1x16xf32> to vector<16xf32>
      %get3A_182 = arith.index_cast %scan3A_112 : i32 to index
      %get3A_183 = arith.constant 64 : index
      %get3A_184 = tpu.vector_load %arg17[%get3A_182, %get3A_183] {strides = array<i32>} : memref<40x128xf32, #tpu.memory_space<vmem>>, vector<1x16xf32>,
      %get3A_185 = vector.shape_cast %get3A_184 : vector<1x16xf32> to vector<16xf32>
      %mul3A_186 = vector.broadcast %squeeze3A : f32 to vector<16xf32>
      %mul3A_187 = arith.mulf %get3A_185, %mul3A_186 : vector<16xf32>
      %mul3A_188 = arith.mulf %get3A_181, %mul3A_187 : vector<16xf32>
      %swap3A_189 = arith.index_cast %scan3A_112 : i32 to index
      %swap3A_190 = arith.constant 64 : index
      %swap3A_191 = tpu.vector_load %arg15[%swap3A_189, %swap3A_190] {strides = array<i32>} : memref<40x128xf32, #tpu.memory_space<vmem>>, vector<1x16xf32>,
      %swap3A_192 = vector.shape_cast %swap3A_191 : vector<1x16xf32> to vector<16xf32>
      %swap3A_193 = vector.shape_cast %mul3A_188 : vector<16xf32> to vector<1x16xf32>
      tpu.vector_store %arg15[%swap3A_189, %swap3A_190], %swap3A_193 {strides = array<i32>} : memref<40x128xf32, #tpu.memory_space<vmem>>, vector<1x16xf32>,
      %get3A_194 = arith.index_cast %scan3A_112 : i32 to index
      %get3A_195 = arith.constant 80 : index
      %get3A_196 = tpu.vector_load %arg15[%get3A_194, %get3A_195] {strides = array<i32>} : memref<40x128xf32, #tpu.memory_space<vmem>>, vector<1x16xf32>,
      %get3A_197 = vector.shape_cast %get3A_196 : vector<1x16xf32> to vector<16xf32>
      %get3A_198 = arith.index_cast %scan3A_112 : i32 to index
      %get3A_199 = arith.constant 80 : index
      %get3A_200 = tpu.vector_load %arg17[%get3A_198, %get3A_199] {strides = array<i32>} : memref<40x128xf32, #tpu.memory_space<vmem>>, vector<1x16xf32>,
      %get3A_201 = vector.shape_cast %get3A_200 : vector<1x16xf32> to vector<16xf32>
      %mul3A_202 = vector.broadcast %squeeze3A : f32 to vector<16xf32>
      %mul3A_203 = arith.mulf %get3A_201, %mul3A_202 : vector<16xf32>
      %mul3A_204 = arith.mulf %get3A_197, %mul3A_203 : vector<16xf32>
      %swap3A_205 = arith.index_cast %scan3A_112 : i32 to index
      %swap3A_206 = arith.constant 80 : index
      %swap3A_207 = tpu.vector_load %arg15[%swap3A_205, %swap3A_206] {strides = array<i32>} : memref<40x128xf32, #tpu.memory_space<vmem>>, vector<1x16xf32>,
      %swap3A_208 = vector.shape_cast %swap3A_207 : vector<1x16xf32> to vector<16xf32>
      %swap3A_209 = vector.shape_cast %mul3A_204 : vector<16xf32> to vector<1x16xf32>
      tpu.vector_store %arg15[%swap3A_205, %swap3A_206], %swap3A_209 {strides = array<i32>} : memref<40x128xf32, #tpu.memory_space<vmem>>, vector<1x16xf32>,
      %get3A_210 = arith.index_cast %scan3A_112 : i32 to index
      %get3A_211 = arith.constant 96 : index
      %get3A_212 = tpu.vector_load %arg15[%get3A_210, %get3A_211] {strides = array<i32>} : memref<40x128xf32, #tpu.memory_space<vmem>>, vector<1x16xf32>,
      %get3A_213 = vector.shape_cast %get3A_212 : vector<1x16xf32> to vector<16xf32>
      %get3A_214 = arith.index_cast %scan3A_112 : i32 to index
      %get3A_215 = arith.constant 96 : index
      %get3A_216 = tpu.vector_load %arg17[%get3A_214, %get3A_215] {strides = array<i32>} : memref<40x128xf32, #tpu.memory_space<vmem>>, vector<1x16xf32>,
      %get3A_217 = vector.shape_cast %get3A_216 : vector<1x16xf32> to vector<16xf32>
      %mul3A_218 = vector.broadcast %squeeze3A : f32 to vector<16xf32>
      %mul3A_219 = arith.mulf %get3A_217, %mul3A_218 : vector<16xf32>
      %mul3A_220 = arith.mulf %get3A_213, %mul3A_219 : vector<16xf32>
      %swap3A_221 = arith.index_cast %scan3A_112 : i32 to index
      %swap3A_222 = arith.constant 96 : index
      %swap3A_223 = tpu.vector_load %arg15[%swap3A_221, %swap3A_222] {strides = array<i32>} : memref<40x128xf32, #tpu.memory_space<vmem>>, vector<1x16xf32>,
      %swap3A_224 = vector.shape_cast %swap3A_223 : vector<1x16xf32> to vector<16xf32>
      %swap3A_225 = vector.shape_cast %mul3A_220 : vector<16xf32> to vector<1x16xf32>
      tpu.vector_store %arg15[%swap3A_221, %swap3A_222], %swap3A_225 {strides = array<i32>} : memref<40x128xf32, #tpu.memory_space<vmem>>, vector<1x16xf32>,
      %get3A_226 = arith.index_cast %scan3A_112 : i32 to index
      %get3A_227 = arith.constant 112 : index
      %get3A_228 = tpu.vector_load %arg15[%get3A_226, %get3A_227] {strides = array<i32>} : memref<40x128xf32, #tpu.memory_space<vmem>>, vector<1x16xf32>,
      %get3A_229 = vector.shape_cast %get3A_228 : vector<1x16xf32> to vector<16xf32>
      %get3A_230 = arith.index_cast %scan3A_112 : i32 to index
      %get3A_231 = arith.constant 112 : index
      %get3A_232 = tpu.vector_load %arg17[%get3A_230, %get3A_231] {strides = array<i32>} : memref<40x128xf32, #tpu.memory_space<vmem>>, vector<1x16xf32>,
      %get3A_233 = vector.shape_cast %get3A_232 : vector<1x16xf32> to vector<16xf32>
      %mul3A_234 = vector.broadcast %squeeze3A : f32 to vector<16xf32>
      %mul3A_235 = arith.mulf %get3A_233, %mul3A_234 : vector<16xf32>
      %mul3A_236 = arith.mulf %get3A_229, %mul3A_235 : vector<16xf32>
      %swap3A_237 = arith.index_cast %scan3A_112 : i32 to index
      %swap3A_238 = arith.constant 112 : index
      %swap3A_239 = tpu.vector_load %arg15[%swap3A_237, %swap3A_238] {strides = array<i32>} : memref<40x128xf32, #tpu.memory_space<vmem>>, vector<1x16xf32>,
      %swap3A_240 = vector.shape_cast %swap3A_239 : vector<1x16xf32> to vector<16xf32>
      %swap3A_241 = vector.shape_cast %mul3A_236 : vector<16xf32> to vector<1x16xf32>
      tpu.vector_store %arg15[%swap3A_237, %swap3A_238], %swap3A_241 {strides = array<i32>} : memref<40x128xf32, #tpu.memory_space<vmem>>, vector<1x16xf32>,
    }
    %scan3A_101 = arith.constant 40 : i32
    %dma_start3A_102 = arith.constant 0 : i32
    %dma_start3A_103 = arith.constant 0 : i32
    %dma_start3A_104 = tpu.memref_slice %arg19[%dma_start3A_102, %dma_start3A_103] : memref<10240x128xf32, #tpu.memory_space<vmem_shared>> -> memref<10240x128xf32, #tpu.memory_space<vmem_shared>>
    tpu.enqueue_indirect_dma source(%arg15 : memref<40x128xf32, #tpu.memory_space<vmem>>) target(%dma_start3A_104 : memref<10240x128xf32, #tpu.memory_space<vmem_shared>>) offsets(%arg11 : memref<40xi32, #tpu.memory_space<vmem>>) semaphore(%arg26 : memref<!tpu.dma_semaphore, #tpu.memory_space<semaphore_mem>>) {add = true}
    %dma_wait3A_105 = arith.constant 0 : i32
    %dma_wait3A_106 = arith.constant 0 : i32
    %dma_wait3A_107 = tpu.memref_slice %arg19[%dma_wait3A_105, %dma_wait3A_106] : memref<10240x128xf32, #tpu.memory_space<vmem_shared>> -> memref<10240x128xf32, #tpu.memory_space<vmem_shared>>
    tpu.wait_indirect_dma semaphore(%arg26 : memref<!tpu.dma_semaphore, #tpu.memory_space<semaphore_mem>>) src(%arg15 : memref<40x128xf32, #tpu.memory_space<vmem>>) dst(%dma_wait3A_107 : memref<10240x128xf32, #tpu.memory_space<vmem_shared>>)
    %barrier3A_108 = arith.constant 0 : index
    tpu.barrier barrier_id(%barrier3A_108)
    %mul3A_109 = arith.constant 10240 : i32
    %mul3A_110 = arith.muli %arg0, %mul3A_109 : i32
    %add3A_111 = arith.addi %mul3A_110, %mul3A_2 : i32
    "tpu.region"() ({
      %run_scoped3A = tpu.sem_alloc : memref<!tpu.dma_semaphore, #tpu.memory_space<semaphore_mem>>
      %dma_start3A_112 = arith.constant 0 : i32
      %dma_start3A_113 = tpu.memref_slice %arg8[%add3A_111, %dma_start3A_112] : memref<20480x128xf32, #tpu.memory_space<hbm>> -> memref<640x128xf32, #tpu.memory_space<hbm>>
      %dma_start3A_114 = arith.constant 0 : i32
      %dma_start3A_115 = tpu.memref_slice %arg19[%mul3A_2, %dma_start3A_114] : memref<10240x128xf32, #tpu.memory_space<vmem_shared>> -> memref<640x128xf32, #tpu.memory_space<vmem_shared>>
      tpu.enqueue_dma source(%dma_start3A_115 : memref<640x128xf32, #tpu.memory_space<vmem_shared>>) target(%dma_start3A_113 : memref<640x128xf32, #tpu.memory_space<hbm>>) target_semaphore(%run_scoped3A : memref<!tpu.dma_semaphore, #tpu.memory_space<semaphore_mem>>)
      %dma_wait3A_116 = arith.constant 0 : i32
      %dma_wait3A_117 = tpu.memref_slice %arg8[%add3A_111, %dma_wait3A_116] : memref<20480x128xf32, #tpu.memory_space<hbm>> -> memref<640x128xf32, #tpu.memory_space<hbm>>
      %dma_wait3A_118 = arith.constant 0 : i32
      %dma_wait3A_119 = tpu.memref_slice %arg19[%mul3A_2, %dma_wait3A_118] : memref<10240x128xf32, #tpu.memory_space<vmem_shared>> -> memref<640x128xf32, #tpu.memory_space<vmem_shared>>
      tpu.wait_dma2 semaphore(%run_scoped3A : memref<!tpu.dma_semaphore, #tpu.memory_space<semaphore_mem>>) src(%dma_wait3A_119 : memref<640x128xf32, #tpu.memory_space<vmem_shared>>) dst(%dma_wait3A_117 : memref<640x128xf32, #tpu.memory_space<hbm>>)
      tpu.yield
    }) : () -> ()
    return
  }
}

module attributes {stable_mosaic.version = 14 : i64} {
  func.func @_edge_fc_body(%arg0: i32, %arg1: memref<16x6400xf32, #tpu.memory_space<vmem>>, %arg2: memref<16x64xf32, #tpu.memory_space<vmem>>, %arg3: memref<64x128xf32, #tpu.memory_space<vmem>>, %arg4: memref<6400x128xf32, #tpu.memory_space<vmem>>) attributes {dimension_semantics = [#tpu.dimension_semantics<arbitrary>], iteration_bounds = array<i64: 4>, scalar_prefetch = 0 : i64, scratch_operands = 0 : i64, tpu.core_type = #tpu.core_type<tc>, window_params = [{transform_indices = @transform_0, window_bounds = array<i64: 16, 6400>}, {pipeline_mode = #tpu.pipeline_mode<synchronous>, transform_indices = @transform_1, window_bounds = array<i64: 16, 64>}, {pipeline_mode = #tpu.pipeline_mode<synchronous>, transform_indices = @transform_2, window_bounds = array<i64: 64, 128>}, {transform_indices = @transform_3, window_bounds = array<i64: 6400, 128>}]} {
    %get3A = arith.constant 0 : index
    %get3A_0 = arith.constant 0 : index
    %get3A_1 = vector.load %arg1[%get3A, %get3A_0] : memref<16x6400xf32, #tpu.memory_space<vmem>>, vector<16x6400xf32>
    %get3A_2 = arith.constant 0 : index
    %get3A_3 = arith.constant 0 : index
    %get3A_4 = vector.load %arg2[%get3A_2, %get3A_3] : memref<16x64xf32, #tpu.memory_space<vmem>>, vector<16x64xf32>
    %dot_general3A = arith.constant dense<0.000000e+00> : vector<6400x64xf32>
    %dot_general3A_5 = tpu.matmul %get3A_1, %get3A_4, %dot_general3A {dimension_numbers = #tpu.dot_dimension_numbers<[0], [0], [1], [1], [0, 1, 1, 1], [], []>, transpose_lhs_hint = false} : vector<16x6400xf32>, vector<16x64xf32>, vector<6400x64xf32> -> vector<6400x64xf32>
    %mul3A = arith.constant 2.500000e-01 : f32
    %mul3A_6 = vector.broadcast %mul3A : f32 to vector<6400x64xf32>
    %mul3A_7 = arith.mulf %dot_general3A_5, %mul3A_6 : vector<6400x64xf32>
    %logistic3A = arith.negf %mul3A_7 : vector<6400x64xf32>
    %logistic3A_8 = math.exp %logistic3A : vector<6400x64xf32>
    %logistic3A_9 = arith.constant 1.000000e+00 : f32
    %logistic3A_10 = vector.broadcast %logistic3A_9 : f32 to vector<6400x64xf32>
    %logistic3A_11 = arith.addf %logistic3A_10, %logistic3A_8 : vector<6400x64xf32>
    %logistic3A_12 = arith.divf %logistic3A_10, %logistic3A_11 : vector<6400x64xf32>
    %mul3A_13 = arith.mulf %mul3A_7, %logistic3A_12 : vector<6400x64xf32>
    %get3A_14 = arith.constant 0 : index
    %get3A_15 = arith.constant 0 : index
    %get3A_16 = vector.load %arg3[%get3A_14, %get3A_15] : memref<64x128xf32, #tpu.memory_space<vmem>>, vector<64x128xf32>
    %dot_general3A_17 = arith.constant dense<0.000000e+00> : vector<6400x128xf32>
    %dot_general3A_18 = tpu.matmul %mul3A_13, %get3A_16, %dot_general3A_17 {dimension_numbers = #tpu.dot_dimension_numbers<[1], [0], [0], [1], [0, 0, 1, 1], [], []>, transpose_lhs_hint = false} : vector<6400x64xf32>, vector<64x128xf32>, vector<6400x128xf32> -> vector<6400x128xf32>
    %mul3A_19 = arith.constant 0.0220970865 : f32
    %mul3A_20 = vector.broadcast %mul3A_19 : f32 to vector<6400x128xf32>
    %mul3A_21 = arith.mulf %dot_general3A_18, %mul3A_20 : vector<6400x128xf32>
    %swap3A = arith.constant 0 : index
    %swap3A_22 = arith.constant 0 : index
    %swap3A_23 = vector.load %arg4[%swap3A, %swap3A_22] : memref<6400x128xf32, #tpu.memory_space<vmem>>, vector<6400x128xf32>
    tpu.vector_store %arg4[%swap3A, %swap3A_22], %mul3A_21 {strides = array<i32>} : memref<6400x128xf32, #tpu.memory_space<vmem>>, vector<6400x128xf32>,
    return
  }
  func.func @transform_0(%arg0: i32) -> (i32, i32) {
    %add3A = arith.constant 0 : i32
    %add3A_0 = arith.addi %add3A, %arg0 : i32
    %c0_i32 = arith.constant 0 : i32
    %c0_i32_1 = arith.constant 0 : i32
    return %c0_i32, %add3A_0 : i32, i32
  }
  func.func @transform_1(%arg0: i32) -> (i32, i32) {
    %c0_i32 = arith.constant 0 : i32
    %c0_i32_0 = arith.constant 0 : i32
    %c0_i32_1 = arith.constant 0 : i32
    return %c0_i32, %c0_i32_0 : i32, i32
  }
  func.func @transform_2(%arg0: i32) -> (i32, i32) {
    %c0_i32 = arith.constant 0 : i32
    %c0_i32_0 = arith.constant 0 : i32
    %c0_i32_1 = arith.constant 0 : i32
    return %c0_i32, %c0_i32_0 : i32, i32
  }
  func.func @transform_3(%arg0: i32) -> (i32, i32) {
    %c0_i32 = arith.constant 0 : i32
    %c0_i32_0 = arith.constant 0 : i32
    return %arg0, %c0_i32 : i32, i32
  }
}

module attributes {stable_mosaic.version = 14 : i64} {
  func.func @_ea_flat_body(%arg0: memref<1x320000xf32, #tpu.memory_space<vmem>>, %arg1: memref<320000xf32, #tpu.memory_space<vmem>>) attributes {dimension_semantics = [], scalar_prefetch = 0 : i64, scratch_operands = 0 : i64, tpu.core_type = #tpu.core_type<tc>} {
    %get3A = arith.constant 0 : index
    %get3A_0 = arith.constant 0 : index
    %get3A_1 = vector.load %arg0[%get3A, %get3A_0] : memref<1x320000xf32, #tpu.memory_space<vmem>>, vector<1x320000xf32>
    %get3A_2 = vector.shape_cast %get3A_1 : vector<1x320000xf32> to vector<320000xf32>
    %swap3A = arith.constant 0 : index
    %swap3A_3 = vector.load %arg1[%swap3A] : memref<320000xf32, #tpu.memory_space<vmem>>, vector<320000xf32>
    tpu.vector_store %arg1[%swap3A], %get3A_2 {strides = array<i32>} : memref<320000xf32, #tpu.memory_space<vmem>>, vector<320000xf32>,
    return
  }
}

module attributes {stable_mosaic.version = 14 : i64} {
  func.func @_node_lin_body(%arg0: memref<10000x128xf32, #tpu.memory_space<vmem>>, %arg1: memref<10000x1xf32, #tpu.memory_space<vmem>>, %arg2: memref<128x128xf32, #tpu.memory_space<vmem>>, %arg3: memref<10000x128xf32, #tpu.memory_space<vmem>>) attributes {dimension_semantics = [], scalar_prefetch = 0 : i64, scratch_operands = 0 : i64, tpu.core_type = #tpu.core_type<tc>} {
    %get3A = arith.constant 0 : index
    %get3A_0 = arith.constant 0 : index
    %get3A_1 = vector.load %arg0[%get3A, %get3A_0] : memref<10000x128xf32, #tpu.memory_space<vmem>>, vector<10000x128xf32>
    %get3A_2 = arith.constant 0 : index
    %get3A_3 = arith.constant 0 : index
    %get3A_4 = vector.load %arg2[%get3A_2, %get3A_3] : memref<128x128xf32, #tpu.memory_space<vmem>>, vector<128x128xf32>
    %dot_general3A = arith.constant dense<0.000000e+00> : vector<10000x128xf32>
    %dot_general3A_5 = tpu.matmul %get3A_1, %get3A_4, %dot_general3A {dimension_numbers = #tpu.dot_dimension_numbers<[1], [0], [0], [1], [0, 0, 1, 1], [], []>, transpose_lhs_hint = false} : vector<10000x128xf32>, vector<128x128xf32>, vector<10000x128xf32> -> vector<10000x128xf32>
    %get3A_6 = arith.constant 0 : index
    %get3A_7 = arith.constant 0 : index
    %get3A_8 = vector.load %arg1[%get3A_6, %get3A_7] : memref<10000x1xf32, #tpu.memory_space<vmem>>, vector<10000x1xf32>
    %mul3A = vector.broadcast %get3A_8 : vector<10000x1xf32> to vector<10000x128xf32>
    %mul3A_9 = arith.mulf %dot_general3A_5, %mul3A : vector<10000x128xf32>
    %mul3A_10 = arith.constant 0.0883883461 : f32
    %mul3A_11 = vector.broadcast %mul3A_10 : f32 to vector<10000x128xf32>
    %mul3A_12 = arith.mulf %mul3A_9, %mul3A_11 : vector<10000x128xf32>
    %swap3A = arith.constant 0 : index
    %swap3A_13 = arith.constant 0 : index
    %swap3A_14 = vector.load %arg3[%swap3A, %swap3A_13] : memref<10000x128xf32, #tpu.memory_space<vmem>>, vector<10000x128xf32>
    tpu.vector_store %arg3[%swap3A, %swap3A_13], %mul3A_12 {strides = array<i32>} : memref<10000x128xf32, #tpu.memory_space<vmem>>, vector<10000x128xf32>,
    return
  }
}

module attributes {stable_mosaic.version = 14 : i64} {
  func.func @_edge_fc_body(%arg0: i32, %arg1: memref<16x6400xf32, #tpu.memory_space<vmem>>, %arg2: memref<16x64xf32, #tpu.memory_space<vmem>>, %arg3: memref<64x128xf32, #tpu.memory_space<vmem>>, %arg4: memref<6400x128xf32, #tpu.memory_space<vmem>>) attributes {dimension_semantics = [#tpu.dimension_semantics<arbitrary>], iteration_bounds = array<i64: 23>, scalar_prefetch = 0 : i64, scratch_operands = 0 : i64, tpu.core_type = #tpu.core_type<tc>, window_params = [{transform_indices = @transform_0, window_bounds = array<i64: 16, 6400>}, {pipeline_mode = #tpu.pipeline_mode<synchronous>, transform_indices = @transform_1, window_bounds = array<i64: 16, 64>}, {pipeline_mode = #tpu.pipeline_mode<synchronous>, transform_indices = @transform_2, window_bounds = array<i64: 64, 128>}, {transform_indices = @transform_3, window_bounds = array<i64: 6400, 128>}]} {
    %get3A = arith.constant 0 : index
    %get3A_0 = arith.constant 0 : index
    %get3A_1 = vector.load %arg1[%get3A, %get3A_0] : memref<16x6400xf32, #tpu.memory_space<vmem>>, vector<16x6400xf32>
    %get3A_2 = arith.constant 0 : index
    %get3A_3 = arith.constant 0 : index
    %get3A_4 = vector.load %arg2[%get3A_2, %get3A_3] : memref<16x64xf32, #tpu.memory_space<vmem>>, vector<16x64xf32>
    %dot_general3A = arith.constant dense<0.000000e+00> : vector<6400x64xf32>
    %dot_general3A_5 = tpu.matmul %get3A_1, %get3A_4, %dot_general3A {dimension_numbers = #tpu.dot_dimension_numbers<[0], [0], [1], [1], [0, 1, 1, 1], [], []>, transpose_lhs_hint = false} : vector<16x6400xf32>, vector<16x64xf32>, vector<6400x64xf32> -> vector<6400x64xf32>
    %mul3A = arith.constant 2.500000e-01 : f32
    %mul3A_6 = vector.broadcast %mul3A : f32 to vector<6400x64xf32>
    %mul3A_7 = arith.mulf %dot_general3A_5, %mul3A_6 : vector<6400x64xf32>
    %logistic3A = arith.negf %mul3A_7 : vector<6400x64xf32>
    %logistic3A_8 = math.exp %logistic3A : vector<6400x64xf32>
    %logistic3A_9 = arith.constant 1.000000e+00 : f32
    %logistic3A_10 = vector.broadcast %logistic3A_9 : f32 to vector<6400x64xf32>
    %logistic3A_11 = arith.addf %logistic3A_10, %logistic3A_8 : vector<6400x64xf32>
    %logistic3A_12 = arith.divf %logistic3A_10, %logistic3A_11 : vector<6400x64xf32>
    %mul3A_13 = arith.mulf %mul3A_7, %logistic3A_12 : vector<6400x64xf32>
    %get3A_14 = arith.constant 0 : index
    %get3A_15 = arith.constant 0 : index
    %get3A_16 = vector.load %arg3[%get3A_14, %get3A_15] : memref<64x128xf32, #tpu.memory_space<vmem>>, vector<64x128xf32>
    %dot_general3A_17 = arith.constant dense<0.000000e+00> : vector<6400x128xf32>
    %dot_general3A_18 = tpu.matmul %mul3A_13, %get3A_16, %dot_general3A_17 {dimension_numbers = #tpu.dot_dimension_numbers<[1], [0], [0], [1], [0, 0, 1, 1], [], []>, transpose_lhs_hint = false} : vector<6400x64xf32>, vector<64x128xf32>, vector<6400x128xf32> -> vector<6400x128xf32>
    %mul3A_19 = arith.constant 0.0220970865 : f32
    %mul3A_20 = vector.broadcast %mul3A_19 : f32 to vector<6400x128xf32>
    %mul3A_21 = arith.mulf %dot_general3A_18, %mul3A_20 : vector<6400x128xf32>
    %swap3A = arith.constant 0 : index
    %swap3A_22 = arith.constant 0 : index
    %swap3A_23 = vector.load %arg4[%swap3A, %swap3A_22] : memref<6400x128xf32, #tpu.memory_space<vmem>>, vector<6400x128xf32>
    tpu.vector_store %arg4[%swap3A, %swap3A_22], %mul3A_21 {strides = array<i32>} : memref<6400x128xf32, #tpu.memory_space<vmem>>, vector<6400x128xf32>,
    return
  }
  func.func @transform_0(%arg0: i32) -> (i32, i32) {
    %add3A = arith.constant 4 : i32
    %add3A_0 = arith.addi %add3A, %arg0 : i32
    %c0_i32 = arith.constant 0 : i32
    %c0_i32_1 = arith.constant 0 : i32
    return %c0_i32, %add3A_0 : i32, i32
  }
  func.func @transform_1(%arg0: i32) -> (i32, i32) {
    %c0_i32 = arith.constant 0 : i32
    %c0_i32_0 = arith.constant 0 : i32
    %c0_i32_1 = arith.constant 0 : i32
    return %c0_i32, %c0_i32_0 : i32, i32
  }
  func.func @transform_2(%arg0: i32) -> (i32, i32) {
    %c0_i32 = arith.constant 0 : i32
    %c0_i32_0 = arith.constant 0 : i32
    %c0_i32_1 = arith.constant 0 : i32
    return %c0_i32, %c0_i32_0 : i32, i32
  }
  func.func @transform_3(%arg0: i32) -> (i32, i32) {
    %c0_i32 = arith.constant 0 : i32
    %c0_i32_0 = arith.constant 0 : i32
    return %arg0, %c0_i32 : i32, i32
  }
}

module attributes {stable_mosaic.version = 14 : i64} {
  func.func @_edge_fc_body(%arg0: i32, %arg1: memref<16x6400xf32, #tpu.memory_space<vmem>>, %arg2: memref<16x64xf32, #tpu.memory_space<vmem>>, %arg3: memref<64x128xf32, #tpu.memory_space<vmem>>, %arg4: memref<6400x128xf32, #tpu.memory_space<vmem>>) attributes {dimension_semantics = [#tpu.dimension_semantics<arbitrary>], iteration_bounds = array<i64: 23>, scalar_prefetch = 0 : i64, scratch_operands = 0 : i64, tpu.core_type = #tpu.core_type<tc>, window_params = [{transform_indices = @transform_0, window_bounds = array<i64: 16, 6400>}, {pipeline_mode = #tpu.pipeline_mode<synchronous>, transform_indices = @transform_1, window_bounds = array<i64: 16, 64>}, {pipeline_mode = #tpu.pipeline_mode<synchronous>, transform_indices = @transform_2, window_bounds = array<i64: 64, 128>}, {transform_indices = @transform_3, window_bounds = array<i64: 6400, 128>}]} {
    %get3A = arith.constant 0 : index
    %get3A_0 = arith.constant 0 : index
    %get3A_1 = vector.load %arg1[%get3A, %get3A_0] : memref<16x6400xf32, #tpu.memory_space<vmem>>, vector<16x6400xf32>
    %get3A_2 = arith.constant 0 : index
    %get3A_3 = arith.constant 0 : index
    %get3A_4 = vector.load %arg2[%get3A_2, %get3A_3] : memref<16x64xf32, #tpu.memory_space<vmem>>, vector<16x64xf32>
    %dot_general3A = arith.constant dense<0.000000e+00> : vector<6400x64xf32>
    %dot_general3A_5 = tpu.matmul %get3A_1, %get3A_4, %dot_general3A {dimension_numbers = #tpu.dot_dimension_numbers<[0], [0], [1], [1], [0, 1, 1, 1], [], []>, transpose_lhs_hint = false} : vector<16x6400xf32>, vector<16x64xf32>, vector<6400x64xf32> -> vector<6400x64xf32>
    %mul3A = arith.constant 2.500000e-01 : f32
    %mul3A_6 = vector.broadcast %mul3A : f32 to vector<6400x64xf32>
    %mul3A_7 = arith.mulf %dot_general3A_5, %mul3A_6 : vector<6400x64xf32>
    %logistic3A = arith.negf %mul3A_7 : vector<6400x64xf32>
    %logistic3A_8 = math.exp %logistic3A : vector<6400x64xf32>
    %logistic3A_9 = arith.constant 1.000000e+00 : f32
    %logistic3A_10 = vector.broadcast %logistic3A_9 : f32 to vector<6400x64xf32>
    %logistic3A_11 = arith.addf %logistic3A_10, %logistic3A_8 : vector<6400x64xf32>
    %logistic3A_12 = arith.divf %logistic3A_10, %logistic3A_11 : vector<6400x64xf32>
    %mul3A_13 = arith.mulf %mul3A_7, %logistic3A_12 : vector<6400x64xf32>
    %get3A_14 = arith.constant 0 : index
    %get3A_15 = arith.constant 0 : index
    %get3A_16 = vector.load %arg3[%get3A_14, %get3A_15] : memref<64x128xf32, #tpu.memory_space<vmem>>, vector<64x128xf32>
    %dot_general3A_17 = arith.constant dense<0.000000e+00> : vector<6400x128xf32>
    %dot_general3A_18 = tpu.matmul %mul3A_13, %get3A_16, %dot_general3A_17 {dimension_numbers = #tpu.dot_dimension_numbers<[1], [0], [0], [1], [0, 0, 1, 1], [], []>, transpose_lhs_hint = false} : vector<6400x64xf32>, vector<64x128xf32>, vector<6400x128xf32> -> vector<6400x128xf32>
    %mul3A_19 = arith.constant 0.0220970865 : f32
    %mul3A_20 = vector.broadcast %mul3A_19 : f32 to vector<6400x128xf32>
    %mul3A_21 = arith.mulf %dot_general3A_18, %mul3A_20 : vector<6400x128xf32>
    %swap3A = arith.constant 0 : index
    %swap3A_22 = arith.constant 0 : index
    %swap3A_23 = vector.load %arg4[%swap3A, %swap3A_22] : memref<6400x128xf32, #tpu.memory_space<vmem>>, vector<6400x128xf32>
    tpu.vector_store %arg4[%swap3A, %swap3A_22], %mul3A_21 {strides = array<i32>} : memref<6400x128xf32, #tpu.memory_space<vmem>>, vector<6400x128xf32>,
    return
  }
  func.func @transform_0(%arg0: i32) -> (i32, i32) {
    %add3A = arith.constant 27 : i32
    %add3A_0 = arith.addi %add3A, %arg0 : i32
    %c0_i32 = arith.constant 0 : i32
    %c0_i32_1 = arith.constant 0 : i32
    return %c0_i32, %add3A_0 : i32, i32
  }
  func.func @transform_1(%arg0: i32) -> (i32, i32) {
    %c0_i32 = arith.constant 0 : i32
    %c0_i32_0 = arith.constant 0 : i32
    %c0_i32_1 = arith.constant 0 : i32
    return %c0_i32, %c0_i32_0 : i32, i32
  }
  func.func @transform_2(%arg0: i32) -> (i32, i32) {
    %c0_i32 = arith.constant 0 : i32
    %c0_i32_0 = arith.constant 0 : i32
    %c0_i32_1 = arith.constant 0 : i32
    return %c0_i32, %c0_i32_0 : i32, i32
  }
  func.func @transform_3(%arg0: i32) -> (i32, i32) {
    %c0_i32 = arith.constant 0 : i32
    %c0_i32_0 = arith.constant 0 : i32
    return %arg0, %c0_i32 : i32, i32
  }
}

module attributes {stable_mosaic.version = 14 : i64} {
  func.func @_final_body(%arg0: memref<10000x128xf32, #tpu.memory_space<vmem>>, %arg1: memref<10000x1xf32, #tpu.memory_space<vmem>>, %arg2: memref<20480x128xf32, #tpu.memory_space<vmem>>, %arg3: memref<128x128xf32, #tpu.memory_space<vmem>>, %arg4: memref<128x128xf32, #tpu.memory_space<vmem>>, %arg5: memref<10000x128xf32, #tpu.memory_space<vmem>>) attributes {dimension_semantics = [], scalar_prefetch = 0 : i64, scratch_operands = 0 : i64, tpu.core_type = #tpu.core_type<tc>} {
    %get3A = arith.constant 0 : index
    %get3A_0 = arith.constant 0 : index
    %get3A_1 = vector.load %arg2[%get3A, %get3A_0] : memref<20480x128xf32, #tpu.memory_space<vmem>>, vector<10000x128xf32>
    %get3A_2 = arith.constant 10240 : index
    %get3A_3 = arith.constant 0 : index
    %get3A_4 = vector.load %arg2[%get3A_2, %get3A_3] : memref<20480x128xf32, #tpu.memory_space<vmem>>, vector<10000x128xf32>
    %add3A = arith.addf %get3A_1, %get3A_4 : vector<10000x128xf32>
    %get3A_5 = arith.constant 0 : index
    %get3A_6 = arith.constant 0 : index
    %get3A_7 = vector.load %arg0[%get3A_5, %get3A_6] : memref<10000x128xf32, #tpu.memory_space<vmem>>, vector<10000x128xf32>
    %get3A_8 = arith.constant 0 : index
    %get3A_9 = arith.constant 0 : index
    %get3A_10 = vector.load %arg3[%get3A_8, %get3A_9] : memref<128x128xf32, #tpu.memory_space<vmem>>, vector<128x128xf32>
    %dot_general3A = arith.constant dense<0.000000e+00> : vector<10000x128xf32>
    %dot_general3A_11 = tpu.matmul %get3A_7, %get3A_10, %dot_general3A {dimension_numbers = #tpu.dot_dimension_numbers<[1], [0], [0], [1], [0, 0, 1, 1], [], []>, transpose_lhs_hint = false} : vector<10000x128xf32>, vector<128x128xf32>, vector<10000x128xf32> -> vector<10000x128xf32>
    %get3A_12 = arith.constant 0 : index
    %get3A_13 = arith.constant 0 : index
    %get3A_14 = vector.load %arg4[%get3A_12, %get3A_13] : memref<128x128xf32, #tpu.memory_space<vmem>>, vector<128x128xf32>
    %dot_general3A_15 = arith.constant dense<0.000000e+00> : vector<10000x128xf32>
    %dot_general3A_16 = tpu.matmul %add3A, %get3A_14, %dot_general3A_15 {dimension_numbers = #tpu.dot_dimension_numbers<[1], [0], [0], [1], [0, 0, 1, 1], [], []>, transpose_lhs_hint = false} : vector<10000x128xf32>, vector<128x128xf32>, vector<10000x128xf32> -> vector<10000x128xf32>
    %mul3A = arith.constant 0.0338247567 : f32
    %mul3A_17 = vector.broadcast %mul3A : f32 to vector<10000x128xf32>
    %mul3A_18 = arith.mulf %dot_general3A_11, %mul3A_17 : vector<10000x128xf32>
    %mul3A_19 = arith.constant 0.0816601887 : f32
    %mul3A_20 = vector.broadcast %mul3A_19 : f32 to vector<10000x128xf32>
    %mul3A_21 = arith.mulf %dot_general3A_16, %mul3A_20 : vector<10000x128xf32>
    %add3A_22 = arith.addf %mul3A_18, %mul3A_21 : vector<10000x128xf32>
    %get3A_23 = arith.constant 0 : index
    %get3A_24 = arith.constant 0 : index
    %get3A_25 = vector.load %arg1[%get3A_23, %get3A_24] : memref<10000x1xf32, #tpu.memory_space<vmem>>, vector<10000x1xf32>
    %mul3A_26 = vector.broadcast %get3A_25 : vector<10000x1xf32> to vector<10000x128xf32>
    %mul3A_27 = arith.mulf %add3A_22, %mul3A_26 : vector<10000x128xf32>
    %swap3A = arith.constant 0 : index
    %swap3A_28 = arith.constant 0 : index
    %swap3A_29 = vector.load %arg5[%swap3A, %swap3A_28] : memref<10000x128xf32, #tpu.memory_space<vmem>>, vector<10000x128xf32>
    tpu.vector_store %arg5[%swap3A, %swap3A_28], %mul3A_27 {strides = array<i32>} : memref<10000x128xf32, #tpu.memory_space<vmem>>, vector<10000x128xf32>,
    return
  }
}

</mosaic_0001>

<sc_bundles>
// kernel: kernel.11.cloned.1.call-start
scs
__scs_entry_jumppad:
0x0: {  	(pc) =	sbr.rel $0x88, $3  }
0x1: {  	(tag) =	ssettag $0x0;
	lr =	simm.s32 $0x1  }
0x2: {  	[smem:$0x3F96] =	sst lr;
	_ =	strace $0xD0000000  }
0x3: {  	_ = 	snop  }
0x4: {  	_ = 	snop  }
0x5: {  	_ = 	snop  }
0x6: {  	_ = 	snop  }
0x7: {  	_ = 	snop  }
__scs_overlays_trampoline_lowered:
0x8: {  	[smem:$0x3FA5] =	sst s0  }
0x9: {  	[smem:$0x3FA6] =	sst s1  }
0xa: {  	[smem:$0x3FA7] =	sst s2  }
0xb: {  	[smem:$0x3FA8] =	sst s3  }
0xc: {  	[smem:$0x3FA9] =	sst s4  }
0xd: {  	[smem:$0x3FAA] =	sst s5  }
0xe: {  	[smem:$0x3FAB] =	sst s6  }
0xf: {  	[smem:$0x3FAC] =	sst s7  }
0x10: {  	[smem:$0x3FAD] =	sst s8  }
0x11: {  	[smem:$0x3FAE] =	sst s9;
	s0 =	simm.s32 @!p0 $0x0  }
0x12: {  	s1 =	sld [smem:$0x3F94];
	s0 =	simm.s32 @p0 $0x1  }
0x13: {  	[smem:$0x3FAF] =	sst s0;
	s0 =	simm.s32 @!p1 $0x0  }
0x14: {  	s2 =	sld [smem:$0x3F93];
	s0 =	simm.s32 @p1 $0x1  }
0x15: {  	[smem:$0x3FB0] =	sst s0;
	s0 =	simm.s32 @!p2 $0x0  }
0x16: {  	s3 =	sld [smem:$0x3FDB];
	s0 =	simm.s32 @p2 $0x1  }
0x17: {  	s4 =	simm.s32 $0x1BF5;
	[smem:$0x3FB2] =	sst s0  }
0x18: {  	s0 =	sld [smem:$0x3F95];
	_ =	swait.ge [sflag:s4], $0x0  }
0x19: {  	s7 =	sld [smem:$0x3F96]  }
0x1a: {  	s8 =	sadd.s32 $0xFFFFE003, lr  }
0x1b: {  	s9 =	sadd.s32 $0xFFFFFEF7, lr;
	s5 =	simm.s32 $0xFFFFFFFF;
	p2 =	slt.u32 s8, $0xFFFFF086  }
0x1c: {  	p1 =	slt.u32 s9, $0xF7A;
	s5 =	simm.s32 @!p2 $0x0  }
0x1d: {  	s5 =	simm.s32 @p1 $0x1;
	p0 =	seq.s32 s7, s2  }
0x1e: {  	s7 =	smul.u32 @!p0 $0xF7A, s2;
	p2 =	seq.s32 @!p0 s5, $0x0  }
0x1f: {  	s9 =	smul.u32 $0xF7A, s1;
	s8 =	simm.s32 @!p0 $0x1BF5;
	p2 =	por !p2, p0  }
0x20: {  	[sflag:s8] =	ssyncset.s32 @!p0 $0xFFFFF086;
	s6 =	sadd.s32 @!p0 s3, s7;
	s7 =	simm.s32 @!p0 $0x108  }
0x21: {  	s3 =	sadd.s32 s3, s9;
	s6 =	sadd.s32 @!p0 $0x88, s6;
	s7 =	simm.s32 @p2 $0x1082  }
0x22: {  	[simem:s7], [sflag:s8] =	dma.local @!p0 [hbm:s6], $0xF7A  }
0x23: {  	s9 =	sor.u32 $0xD0000000, s2;
	s6 =	simm.s32 $0x108;
	_ =	swait.ge @!p0 [sflag:s8], $0x0  }
0x24: {  	s3 =	sadd.s32 $0x88, s3;
	s6 =	simm.s32 @!p1 $0x1082;
	[sflag:s4] =	ssyncset.s32 $0xFFFFF086  }
0x25: {  	[simem:s6], [sflag:s4] =	dma.local [hbm:s3], $0xF7A  }
0x26: {  	[smem:$0x3F96] =	sst s1;
	(tag) =	ssettag s2;
	_ =	strace s9  }
0x27: {  	s1 =	sld [smem:$0x3FA6]  }
0x28: {  	s2 =	sld [smem:$0x3FA7]  }
0x29: {  	s4 =	sld [smem:$0x3FA9]  }
0x2a: {  	p0 =	seq.s32 s5, $0x0;
	s5 =	sld [smem:$0x3FAA]  }
0x2b: {  	s6 =	sld [smem:$0x3FAB]  }
0x2c: {  	s7 =	sld [smem:$0x3FAC]  }
0x2d: {  	s3 =	simm.s32 $0x108;
	s8 =	sld [smem:$0x3FAD]  }
0x2e: {  	s3 =	simm.s32 @!p0 $0x1082;
	s9 =	sld [smem:$0x3FAE]  }
0x2f: {  	lr =	sadd.s32 s0, s3;
	s0 =	sld [smem:$0x3FA5]  }
0x30: {  	s3 =	sld [smem:$0x3FA8]  }
0x31: {  	[smem:$0x3FB1] =	sst s10  }
0x32: {  	s10 =	sld [smem:$0x3FAF];
	_ =	sdelay $0x3  }
0x33: {  	p0 =	seq.s32 s10, $0x1;
	s10 =	sld [smem:$0x3FB1];
	_ =	sdelay $0x3  }
0x34: {  	[smem:$0x3FB1] =	sst s10  }
0x35: {  	s10 =	sld [smem:$0x3FB0];
	_ =	sdelay $0x3  }
0x36: {  	p1 =	seq.s32 s10, $0x1;
	s10 =	sld [smem:$0x3FB1];
	_ =	sdelay $0x3  }
0x37: {  	[smem:$0x3FB1] =	sst s10  }
0x38: {  	s10 =	sld [smem:$0x3FB2]  }
0x39: {  	_ = 	snop;
	(pc) =	sbr.ind lr, $3  }
0x3a: {  	_ = 	snop  }
0x3b: {  	_ = 	snop  }
0x3c: {  	p2 =	seq.s32 s10, $0x1;
	s10 =	sld [smem:$0x3FB1]  }
0x3d: {  	_ =	shalt  }
0x3e: {  	_ =	shalt  }
0x3f: {  	_ =	shalt  }
0x40: {  	_ =	shalt  }
0x41: {  	_ =	shalt  }
0x42: {  	_ =	shalt  }
0x43: {  	_ =	shalt  }
0x44: {  	_ =	shalt  }
0x45: {  	_ =	shalt  }
0x46: {  	_ =	shalt  }
0x47: {  	_ =	shalt  }
0x48: {  	_ =	shalt  }
0x49: {  	_ =	shalt  }
0x4a: {  	_ =	shalt  }
0x4b: {  	_ =	shalt  }
0x4c: {  	_ =	shalt  }
0x4d: {  	_ =	shalt  }
0x4e: {  	_ =	shalt  }
0x4f: {  	_ =	shalt  }
0x50: {  	_ =	shalt  }
0x51: {  	_ =	shalt  }
0x52: {  	_ =	shalt  }
0x53: {  	_ =	shalt  }
0x54: {  	_ =	shalt  }
0x55: {  	_ =	shalt  }
0x56: {  	_ =	shalt  }
0x57: {  	_ =	shalt  }
0x58: {  	_ =	shalt  }
0x59: {  	_ =	shalt  }
0x5a: {  	_ =	shalt  }
0x5b: {  	_ =	shalt  }
0x5c: {  	_ =	shalt  }
0x5d: {  	_ =	shalt  }
0x5e: {  	_ =	shalt  }
0x5f: {  	_ =	shalt  }
0x60: {  	_ =	shalt  }
0x61: {  	_ =	shalt  }
0x62: {  	_ =	shalt  }
0x63: {  	_ =	shalt  }
0x64: {  	_ =	shalt  }
0x65: {  	_ =	shalt  }
0x66: {  	_ =	shalt  }
0x67: {  	_ =	shalt  }
0x68: {  	_ =	shalt  }
0x69: {  	_ =	shalt  }
0x6a: {  	_ =	shalt  }
0x6b: {  	_ =	shalt  }
0x6c: {  	_ =	shalt  }
0x6d: {  	_ =	shalt  }
0x6e: {  	_ =	shalt  }
0x6f: {  	_ =	shalt  }
0x70: {  	_ =	shalt  }
0x71: {  	_ =	shalt  }
0x72: {  	_ =	shalt  }
0x73: {  	_ =	shalt  }
0x74: {  	_ =	shalt  }
0x75: {  	_ =	shalt  }
0x76: {  	_ =	shalt  }
0x77: {  	_ =	shalt  }
0x78: {  	_ =	shalt  }
0x79: {  	_ =	shalt  }
0x7a: {  	_ =	shalt  }
0x7b: {  	_ =	shalt  }
0x7c: {  	_ =	shalt  }
0x7d: {  	_ =	shalt  }
0x7e: {  	_ =	shalt  }
0x7f: {  	_ =	shalt  }
0x80: {  	_ =	shalt  }
0x81: {  	_ =	shalt  }
0x82: {  	_ =	shalt  }
0x83: {  	_ =	shalt  }
0x84: {  	_ =	shalt  }
0x85: {  	_ =	shalt  }
0x86: {  	_ =	shalt  }
0x87: {  	_ =	shalt  }
.Lfunc_end0:
.L_simem_size_0:
called_computation_lowered:
.L_overlay_start_0:
0x88: {  	s2 =	sld [smem:$0x3FD9]  }
0x89: {  	s3 =	sld [smem:$0x3FFE];
	_ =	sdelay $0x1  }
0x8a: {  	s1 =	srdreg.scid  }
0x8b: {  	s0 =	sand.u32 $0x1, s1  }
0x8c: {  	s17 =	sshll.u32 s0, $0xA;
	s2 =	sadd.s32 s3, s2  }
0x8d: {  	s2 =	sadd.s32 s2, s17  }
0x8e: {  	[smem:$0x3FBD] =	sst s2  }
0x8f: {  	_ = 	snop  }
0x90: {  	s2 =	sld [smem:$0x3FC7]  }
0x91: {  	s18 =	sld [smem:$0x3FC6];
	(tm) =	ssettm $0x1  }
0x92: {  	s4 =	sld [smem:$0x3FFB];
	_ =	sdelay $0x3  }
0x93: {  	_ =	strace s4  }
0x94: {  	s4 =	sld [smem:$0x3FFC];
	_ =	sdelay $0x3  }
0x95: {  	_ =	strace s4  }
0x96: {  	s4 =	sld [smem:$0x3FFD];
	_ =	sdelay $0x3  }
0x97: {  	_ =	strace s4  }
0x98: {  	_ =	strace $0x8FFFFFFF  }
0x99: {  	s19 =	sld [smem:$0x3FDB];
	_ =	sdelay $0x1  }
0x9a: {  	s5 =	simm.s32 $_scs_section_size  }
0x9b: {  	s6 =	simm.s32 $_size__tile_overlayer_lowered;
	s7 =	simm.s32 $_tile_overlayer_lowered  }
0x9c: {  	s22 =	simm.s32 $0x1BFF;
	s21 =	sshll.u32 s7, $0x1;
	s4 =	sadd.s32 s5, s19  }
0x9d: {  	s8 =	simm.s32 $0x0;
	s20 =	sshll.u32 s6, $0x1;
	s6 =	sadd.s32 s21, s4  }
0x9e: {  	[timem:s8], [sflag:s22] =	dma.local [hbm:s6], s20  }
0x9f: {  	_ =	swait.ge [sflag:s22], s20  }
0xa0: {  	s5 =	ssub.s32 $0x0, s20;
	[sflag:s22] =	ssyncset.done $0x0  }
0xa1: {  	[sflag:s22] =	ssyncadd.s32 s5;
	_ =	sdelay $0x1  }
0xa2: {  	s23 =	simm.s32 $0x1B8B  }
0xa3: {  	_ =	swait.ge [sflag:s23], $0x1  }
0xa4: {  	[sflag:s23] =	ssyncset.done $0x0  }
0xa5: {  	s25 =	simm.s32 $0x1B8E;
	s24 =	sld [smem:$0x3FFE];
	[sflag:s23] =	ssyncadd.s32 $0xFFFFFFFF  }
0xa6: {  	s26 =	simm.s32 $execute0_lowered;
	[smem:$0x3FD2] =	sst s25  }
0xa7: {  	s6 =	sshll.u32 s26, $0x1;
	_ =	strace $0x80000046;
	[dreg:$0x1] =	wrdreg $0xFFFFFFFF  }
0xa8: {  	s28 =	simm.s32 $_size_execute0_lowered;
	s4 =	sadd.s32 s4, s6;
	[dreg:$0x0] =	wrdreg $0x0  }
0xa9: {  	s6 =	sshll.u32 s28, $0x1;
	[dreg:$0x2] =	wrdreg s4  }
0xaa: {  	[dreg:$0x3] =	wrdreg s6  }
0xab: {  	[dreg:$0x4] =	wrdreg $0xC0  }
0xac: {  	_ =	task [dreg:s8], $0x5FFFF  }
0xad: {  	[dreg:$0x1] =	wrdreg $0xFFFFFFFF  }
0xae: {  	[dreg:$0x0] =	wrdreg $0x60  }
0xaf: {  	[dreg:$0x2] =	wrdreg s24  }
0xb0: {  	[dreg:$0x3] =	wrdreg s2  }
0xb1: {  	[dreg:$0x4] =	wrdreg s18  }
0xb2: {  	[dreg:$0x5] =	wrdreg $0x53000  }
0xb3: {  	[dreg:$0x6] =	wrdreg $0x9  }
0xb4: {  	_ =	task.clear_ibuf [dreg:s8], $0x7FFFF;
	_ =	strace $0x90000046  }
0xb5: {  	s29 =	simm.s32 $0x9;
	_ =	strace $0x80000048  }
0xb6: {  	_ =	swait.ge [sflag:s29], $0x1  }
0xb7: {  	[sflag:s29] =	ssyncadd.s32 $0xFFFFFFFF  }
0xb8: {  	_ =	strace $0x90000048  }
0xb9: {  	_ =	sfence  }
0xba: {  	s30 =	sld [smem:$0x0];
	_ =	sdelay $0x2  }
0xbb: {  	s31 =	sshll.u32 s1, $0xD;
	s1 =	sshrl.u32 s1, $0x2  }
0xbc: {  	s3 =	sand.u32 $0x4000, s31;
	s1 =	sadd.s32 s1, s30  }
0xbd: {  	s0 =	sor.u32 s3, s0;
	s1 =	sshll.u32 s1, $0x11  }
0xbe: {  	s0 =	sor.u32 s1, s0  }
0xbf: {  	s0 =	sadd.s32 $0x8F2B, s0  }
0xc0: {  	[sflag:s0] =	ssyncadd.remote.s32 $0x1  }
0xc1: {  	_ =	sfence.sel $0xFFFF  }
0xc2: {  	[dreg:$0x0] =	wrdreg $0xFFFFFFFF;
	(pc) =	sbr.abs _section_cstart, $3  }
0xc3: {  	[dreg:$0x1] =	wrdreg $0xFFFFFFFF  }
0xc4: {  	_ =	task.clear_ibuf [dreg:s8], $0x2FFFF;
	_ =	strace $0x9FFFFFFF  }
0xc5: {  	(tm) =	ssettm $0x7FFFFFFF  }
tec
execute0_lowered:
.L_overlay_start_1:
0x0: {  	(tag) =	ssettag $0x1  }
0x1: {  	s0 =	rddreg [dreg:$0x0]  }
0x2: {  	s1 =	rddreg [dreg:$0x1]  }
0x3: {  	s3 =	rddreg [dreg:$0x2]  }
0x4: {  	s4 =	rddreg [dreg:$0x3];
	s5 =	simm.s32 $0x0  }
0x5: {  	s14 =	stileid.u32;
	s2 =	srdreg.scid;
	s28 =	simm.s32 $0x28  }
0x6: {  	s29 =	simm.s32 $0x300;
	s30 =	simm.s32 $0x80;
	s15 =	simm.s32 $0x7  }
0x7: {  	s16 =	simm.s32 $0x4;
	s17 =	simm.s32 $0x2;
	[smem:$0x7FF] =	sst s5  }
0x8: {  	s9 =	smul.u32 $0x2800, s14;
	s2 =	sand.u32 $0x1, s2;
	s6 =	sadd.s32 $0xE600, s0  }
0x9: {  	s7 =	sadd.s32 $0x35800, s0;
	s8 =	sadd.s32 $0x4800, s0;
	s20 =	sshll.u32 s14, $0x1  }
0xa: {  	s12 =	smul.u32 $0x50000, s14;
	s22 =	sshll.u32 s14, $0x6;
	_ =	strace $0x80000047  }
0xb: {  	s10 =	smul.u32 $0x28000, s2;
	s13 =	ssub.s32 $0x2, s2;
	s2 =	sor.u32 s2, s20  }
0xc: {  	[dreg:$0x6] =	wrdreg s22;
	s20 =	simm.s32 $0x0;
	s11 =	sadd.s32 s9, s0  }
0xd: {  	s21 =	sshrl.u32 s13, $0x1;
	s12 =	sshrl.u32 s12, $0x2;
	s9 =	sadd.s32 s9, s10  }
0xe: {  	s10 =	ssub.s32 s13, s21;
	s11 =	sadd.s32 $0x99800, s11;
	s13 =	sor.u32 $0x1C09, s22  }
0xf: {  	s0 =	sadd.s32 s9, s0;
	s9 =	smul.u32 $0x320, s2;
	[dreg:$0x5] =	wrdreg s11  }
0x10: {  	s12 =	sadd.s32 s12, s4;
	s2 =	smul.u32 $0x3200, s2;
	[dreg:$0x7] =	wrdreg s13  }
0x11: {  	s31 =	smax.u32 s10, $0x1;
	s18 =	sshrl.u32 s12, $0x3;
	s10 =	simm.s32 $0x1700  }
0x12: {  	s12 =	simm.s32 $0x3;
	s13 =	simm.s32 $0x1;
	[dreg:$0xe] =	wrdreg s31  }
0x13: {  	s0 =	sadd.s32 $0xC1800, s0;
	[dreg:$0xf] =	wrdreg s18;
	s23 =	sshrl.u32 s9, $0x3  }
0x14: {  	s14 =	sadd.s32 $0x28, s9;
	s2 =	sadd.s32 s7, s2;
	[dreg:$0xd] =	wrdreg s0  }
0x15: {  	s19 =	sadd.s32 $0x78, s9;
	s24 =	sadd.s32 s1, s23;
	[dreg:$0x9] =	wrdreg s2  }
0x16: {  	s0 =	simm.s32 $0x6;
	s25 =	sadd.s32 s3, s23;
	[dreg:$0x8] =	wrdreg s24  }
0x17: {  	s26 =	sshrl.u32 s14, $0x3;
	s11 =	sadd.s32 s8, s23;
	[dreg:$0xa] =	wrdreg s25  }
0x18: {  	[dreg:$0xb] =	wrdreg s11;
	s2 =	sadd.s32 s1, s26;
	s25 =	simm.s32 $0x100  }
0x19: {  	s24 =	simm.s32 $0x180;
	s26 =	simm.s32 $0x280;
	[dreg:$0xc] =	wrdreg s2  }
.LBB2_1:
0x1a: {  	[dreg:$0x10] =	wrdreg s20  }
0x1b: {  	s2 =	rddreg [dreg:$0x5]  }
0x1c: {  	s11 =	rddreg [dreg:$0x7]  }
0x1d: {  	[spmem:s18], [sflag:s11] =	dma.local [hbm:s2], $0x2800  }
0x1e: {  	s31 =	simm.s32 $0x5;
	s2 =	rddreg [dreg:$0x8]  }
0x1f: {  	[tilespmem:s5], [sflag:$0x5] =	stream.linear.gather [hbm4b:s2+s5], $0x28, $0x38;
	[tilespmem:$0x19300] =	vst v63  }
0x20: {  	_ =	swait.ge [sflag:s31], $0x28  }
0x21: {  	[sflag:s31] =	ssyncset.done $0x0  }
0x22: {  	s18 =	simm.s32 $0x2B00;
	s11 =	rddreg [dreg:$0x9];
	[sflag:s31] =	ssyncadd.s32 $0xFFFFFFD8  }
0x23: {  	[tilespmem:s18], [sflag:$0x3] =	stream.linear.gather [hbm4b:s11+s5], $0x1400, $0x38;
	[tilespmem:$0x19300] =	vst v63  }
0x24: {  	s20 =	rddreg [dreg:$0xa]  }
0x25: {  	[tilespmem:s25], [sflag:$0x3] =	stream.linear.gather [hbm4b:s20+s5], $0x28, $0x38;
	[tilespmem:$0x19300] =	vst v63  }
0x26: {  	s22 =	simm.s32 $0x200;
	s21 =	rddreg [dreg:$0xb]  }
0x27: {  	[tilespmem:s22], [sflag:$0x3] =	stream.linear.gather [hbm4b:s21+s5], $0x28, $0x38;
	[tilespmem:$0x19300] =	vst v63  }
0x28: {  	_ = 	snop  }
0x29: {  	[tilespmem:s29], [sflag:$0x1] =	stream.indirect.gather [hbm4b:s6+s28], $0x80, s5, s28, $0xb8;
	[tilespmem:$0x19300] =	vst v63  }
0x2a: {  	s23 =	rddreg [dreg:$0xc];
	s31 =	simm.s32 $0x9  }
0x2b: {  	[tilespmem:s30], [sflag:$0x6] =	stream.linear.gather [hbm4b:s23+s5], $0x28, $0x38;
	[tilespmem:$0x19300] =	vst v63  }
0x2c: {  	_ =	swait.ge [sflag:s31], $0x2800  }
0x2d: {  	[sflag:s31] =	ssyncset.done $0x0  }
0x2e: {  	[sflag:s31] =	ssyncadd.s32 $0xFFFFD800  }
0x2f: {  	s21 =	simm.s32 $0x0;
	[bflag:$0x0] =	sbarrier.arrive $0xFFFF  }
.LBB2_2:
0x30: {  	p0 =	seq.s32 s21, $0x0  }
0x31: {  	s11 =	simm.s32 @!p0 $0x8  }
0x32: {  	_ =	swait.ge @!p0 [sflag:s11], $0x1400  }
0x33: {  	s23 =	smul.u32 $0x50, s21;
	[sflag:s11] =	ssyncset.done @!p0 $0x0  }
0x34: {  	[sflag:s11] =	ssyncadd.s32 @!p0 $0xFFFFEC00  }
0x35: {  	s22 =	sadd.s32 s23, s14;
	_ =	swait.ge [sflag:s0], $0x28  }
0x36: {  	s2 =	simm.s32 $0x3F00;
	s18 =	sshll.u32 s22, $0x4;
	[sflag:s0] =	ssyncset.done $0x0  }
0x37: {  	s18 =	sadd.s32 s7, s18;
	s11 =	sshrl.u32 s22, $0x3;
	[sflag:s0] =	ssyncadd.s32 $0xFFFFFFD8  }
0x38: {  	[tilespmem:s2], [sflag:$0x4] =	stream.linear.gather [hbm4b:s18+s5], $0x1400, $0x38;
	[tilespmem:$0x19300] =	vst v63  }
0x39: {  	s20 =	sadd.s32 s3, s11  }
0x3a: {  	[tilespmem:s24], [sflag:$0x4] =	stream.linear.gather [hbm4b:s20+s5], $0x28, $0x38;
	[tilespmem:$0x19300] =	vst v63  }
0x3b: {  	s11 =	sadd.s32 s8, s11  }
0x3c: {  	[tilespmem:s26], [sflag:$0x4] =	stream.linear.gather [hbm4b:s11+s5], $0x28, $0x38;
	[tilespmem:$0x19300] =	vst v63  }
0x3d: {  	_ = 	snop  }
0x3e: {  	[tilespmem:s10], [sflag:$0x2] =	stream.indirect.gather [hbm4b:s6+s28], $0x80, s30, s28, $0xb8;
	[tilespmem:$0x19300] =	vst v63  }
0x3f: {  	_ =	swait.ge [sflag:s12], $0x1400  }
0x40: {  	[sflag:s12] =	ssyncset.done $0x0  }
0x41: {  	[sflag:s12] =	ssyncadd.s32 $0xFFFFEC00  }
0x42: {  	_ =	swait.ge [sflag:s12], $0x28  }
0x43: {  	[sflag:s12] =	ssyncset.done $0x0  }
0x44: {  	s22 =	sshll.u32 s21, $0x1;
	[sflag:s12] =	ssyncadd.s32 $0xFFFFFFD8  }
0x45: {  	p0 =	seq.s32 s21, $0x9;
	s11 =	sadd.s32 $0x2, s22;
	_ =	swait.ge [sflag:s12], $0x28  }
0x46: {  	s11 =	smul.u32 @!p0 $0x28, s11;
	[sflag:s12] =	ssyncset.done $0x0  }
0x47: {  	[sflag:s12] =	ssyncadd.s32 $0xFFFFFFD8  }
0x48: {  	s18 =	sadd.s32 @!p0 s9, s11;
	_ =	swait.ge [sflag:s13], $0x1400  }
0x49: {  	s31 =	sshrl.u32 @!p0 s18, $0x3;
	[sflag:s13] =	ssyncset.done $0x0  }
0x4a: {  	s20 =	simm.s32 @!p0 $0x0;
	s11 =	sadd.s32 @!p0 s1, s31;
	[sflag:s13] =	ssyncadd.s32 $0xFFFFEC00  }
0x4b: {  	[tilespmem:s20], [sflag:$0x5] =	stream.linear.gather @!p0 [hbm4b:s11+s20], $0x28, $0x38;
	[tilespmem:$0x19300] =	vst v63  }
0x4c: {  	s11 =	simm.s32 $0x0  }
0x4d: {  	v4 =	vld [tilespmem:s11+$0x2B00]  }
0x4e: {  	v6 =	vld [tilespmem:s11+$0x2B10]  }
0x4f: {  	v7 =	vld [tilespmem:s11+$0x2B20]  }
0x50: {  	v8 =	vld [tilespmem:s11+$0x2B30]  }
0x51: {  	v1 =	vld [tilespmem:s11+$0x2B40]  }
0x52: {  	v3 =	vld [tilespmem:s11+$0x2B50]  }
0x53: {  	v0 =	vld [tilespmem:s11+$0x2B60]  }
0x54: {  	s22 =	simm.s32 $0x200;
	v2 =	vld [tilespmem:s11+$0x2B70]  }
0x55: {  	s20 =	simm.s32 $0x200;
	v5 =	vld.msk [tilespmem:s22+$0x0 ss:$0x0], $0xffff  }
.LBB2_3:
0x56: {  	p1 =	sne.s32 s20, $0x4E00;
	v9 =	vld [tilespmem:s11+$0x330]  }
0x57: {  	v10 =	vld [tilespmem:s11+$0x310]  }
0x58: {  	v11 =	vld [tilespmem:s11+$0x300]  }
0x59: {  	v12 =	vld [tilespmem:s11+$0x320]  }
0x5a: {  	v13 =	vld [tilespmem:s11+$0x370]  }
0x5b: {  	v4 =	vmul.f32 v4, v5;
	v6 =	vmul.f32 v6, v5;
	v14 =	vld [tilespmem:s11+$0x350]  }
0x5c: {  	v7 =	vmul.f32 v7, v5;
	v8 =	vmul.f32 v8, v5;
	v15 =	vld [tilespmem:s11+$0x340]  }
0x5d: {  	v10 =	vmul.f32 v6, v10;
	v11 =	vmul.f32 v4, v11;
	v16 =	vld [tilespmem:s11+$0x360]  }
0x5e: {  	s2 =	sshra.s32 s20, $0x2;
	v9 =	vmul.f32 v8, v9;
	v12 =	vmul.f32 v7, v12  }
0x5f: {  	v1 =	vmul.f32 v1, v5;
	v3 =	vmul.f32 v3, v5;
	v4 =	vld [tilespmem:s2+$0x2B00];
	[tilespmem:s11+$0x300] =	vst v11  }
0x60: {  	v0 =	vmul.f32 v0, v5;
	v2 =	vmul.f32 v2, v5;
	v6 =	vld [tilespmem:s2+$0x2B10];
	[tilespmem:s11+$0x310] =	vst v10  }
0x61: {  	v10 =	vmul.f32 v3, v14;
	v7 =	vld [tilespmem:s2+$0x2B20];
	[tilespmem:s11+$0x320] =	vst v12;
	v5 =	vmul.f32 v1, v15  }
0x62: {  	v11 =	vmul.f32 v2, v13;
	v8 =	vld [tilespmem:s2+$0x2B30];
	[tilespmem:s11+$0x330] =	vst v9;
	v9 =	vmul.f32 v0, v16  }
.Ltmp0:
0x63: {  	v1 =	vld [tilespmem:s2+$0x2B40];
	[tilespmem:s11+$0x340] =	vst v5;
	(pc) =	sbr.rel @p1 .LBB2_3-.Ltmp0, $4  }
0x64: {  	v3 =	vld [tilespmem:s2+$0x2B50];
	[tilespmem:s11+$0x350] =	vst v10  }
0x65: {  	v0 =	vld [tilespmem:s2+$0x2B60];
	[tilespmem:s11+$0x360] =	vst v9  }
0x66: {  	s22 =	sadd.s32 $0x1, s22;
	v2 =	vld [tilespmem:s2+$0x2B70];
	[tilespmem:s11+$0x370] =	vst v11;
	s11 =	smov.u32 s2  }
0x67: {  	s20 =	sadd.s32 $0x200, s20;
	v5 =	vld.msk [tilespmem:s22+$0x0 ss:$0x0], $0xffff  }
0x68: {  	_ = 	snop  }
0x69: {  	v10 =	vld [tilespmem:s11+$0x300]  }
0x6a: {  	v11 =	vld [tilespmem:s11+$0x310]  }
0x6b: {  	v12 =	vld [tilespmem:s11+$0x320]  }
0x6c: {  	v14 =	vld [tilespmem:s11+$0x340];
	v4 =	vmul.f32 v4, v5  }
0x6d: {  	v15 =	vld [tilespmem:s11+$0x350];
	v6 =	vmul.f32 v6, v5  }
0x6e: {  	v9 =	vld [tilespmem:s11+$0x330];
	v7 =	vmul.f32 v7, v5;
	v4 =	vmul.f32 v4, v10  }
0x6f: {  	v13 =	vld [tilespmem:s11+$0x370];
	v1 =	vmul.f32 v1, v5;
	v6 =	vmul.f32 v6, v11  }
0x70: {  	v3 =	vmul.f32 v3, v5;
	v10 =	vld [tilespmem:s11+$0x360];
	v7 =	vmul.f32 v7, v12;
	[tilespmem:s11+$0x300] =	vst v4  }
0x71: {  	v8 =	vmul.f32 v8, v5;
	v1 =	vmul.f32 v1, v14;
	[tilespmem:s11+$0x310] =	vst v6  }
0x72: {  	v2 =	vmul.f32 v2, v5;
	v3 =	vmul.f32 v3, v15;
	[tilespmem:s11+$0x320] =	vst v7  }
0x73: {  	v0 =	vmul.f32 v0, v5;
	v4 =	vmul.f32 v8, v9;
	[tilespmem:s11+$0x340] =	vst v1  }
0x74: {  	v1 =	vmul.f32 v2, v13;
	[tilespmem:s11+$0x350] =	vst v3  }
0x75: {  	[tilespmem:s11+$0x330] =	vst v4;
	v0 =	vmul.f32 v0, v10  }
0x76: {  	[tilespmem:s11+$0x370] =	vst v1  }
0x77: {  	[tilespmem:s11+$0x360] =	vst v0  }
0x78: {  	[spmem:s4] =	stream.indirect.scatter.add.f32 [tilespmem:s29], [sflag:$0x7], $0x80, s25, s28, $0xb8;
	[tilespmem:$0x19300] =	vst v63  }
0x79: {  	_ =	swait.ge [sflag:s15], $0x1400  }
0x7a: {  	[sflag:s15] =	ssyncset.done $0x0  }
0x7b: {  	s2 =	simm.s32 @!p0 $0x5;
	[sflag:s15] =	ssyncadd.s32 $0xFFFFEC00  }
0x7c: {  	_ =	swait.ge @!p0 [sflag:s2], $0x28  }
0x7d: {  	[sflag:s2] =	ssyncset.done @!p0 $0x0  }
0x7e: {  	[sflag:s2] =	ssyncadd.s32 @!p0 $0xFFFFFFD8;
	s2 =	sshll.u32 @!p0 s18, $0x4  }
0x7f: {  	s11 =	simm.s32 @!p0 $0x0;
	s18 =	simm.s32 @!p0 $0x2B00;
	s2 =	sadd.s32 @!p0 s7, s2  }
0x80: {  	[tilespmem:s18], [sflag:$0x3] =	stream.linear.gather @!p0 [hbm4b:s2+s11], $0x1400, $0x38;
	[tilespmem:$0x19300] =	vst v63  }
0x81: {  	s2 =	sadd.s32 @!p0 s3, s31;
	s18 =	simm.s32 @!p0 $0x100  }
0x82: {  	[tilespmem:s18], [sflag:$0x3] =	stream.linear.gather @!p0 [hbm4b:s2+s11], $0x28, $0x38;
	[tilespmem:$0x19300] =	vst v63  }
0x83: {  	s2 =	sadd.s32 @!p0 s8, s31;
	s18 =	simm.s32 @!p0 $0x200  }
0x84: {  	[tilespmem:s18], [sflag:$0x3] =	stream.linear.gather @!p0 [hbm4b:s2+s11], $0x28, $0x38;
	[tilespmem:$0x19300] =	vst v63  }
0x85: {  	s2 =	simm.s32 @!p0 $0x28;
	s18 =	simm.s32 @!p0 $0x300  }
0x86: {  	[tilespmem:s18], [sflag:$0x1] =	stream.indirect.gather @!p0 [hbm4b:s6+s2], $0x80, s11, s2, $0xb8;
	[tilespmem:$0x19300] =	vst v63  }
0x87: {  	_ =	swait.ge [sflag:s16], $0x1400  }
0x88: {  	[sflag:s16] =	ssyncset.done $0x0  }
0x89: {  	[sflag:s16] =	ssyncadd.s32 $0xFFFFEC00  }
0x8a: {  	_ =	swait.ge [sflag:s16], $0x28  }
0x8b: {  	[sflag:s16] =	ssyncset.done $0x0  }
0x8c: {  	[sflag:s16] =	ssyncadd.s32 $0xFFFFFFD8  }
0x8d: {  	_ =	swait.ge [sflag:s16], $0x28  }
0x8e: {  	[sflag:s16] =	ssyncset.done $0x0  }
0x8f: {  	[sflag:s16] =	ssyncadd.s32 $0xFFFFFFD8  }
0x90: {  	s2 =	sadd.s32 @!p0 s23, s19;
	_ =	swait.ge [sflag:s17], $0x1400  }
0x91: {  	s2 =	sshrl.u32 @!p0 s2, $0x3;
	[sflag:s17] =	ssyncset.done $0x0  }
0x92: {  	s18 =	simm.s32 @!p0 $0x80;
	s2 =	sadd.s32 @!p0 s1, s2;
	[sflag:s17] =	ssyncadd.s32 $0xFFFFEC00  }
0x93: {  	[tilespmem:s18], [sflag:$0x6] =	stream.linear.gather @!p0 [hbm4b:s2+s11], $0x28, $0x38;
	[tilespmem:$0x19300] =	vst v63  }
0x94: {  	s11 =	simm.s32 $0x0  }
0x95: {  	v4 =	vld [tilespmem:s11+$0x3F00]  }
0x96: {  	v6 =	vld [tilespmem:s11+$0x3F10]  }
0x97: {  	v7 =	vld [tilespmem:s11+$0x3F20]  }
0x98: {  	v8 =	vld [tilespmem:s11+$0x3F30]  }
0x99: {  	v1 =	vld [tilespmem:s11+$0x3F40]  }
0x9a: {  	v3 =	vld [tilespmem:s11+$0x3F50]  }
0x9b: {  	v0 =	vld [tilespmem:s11+$0x3F60]  }
0x9c: {  	s18 =	simm.s32 $0x280;
	v2 =	vld [tilespmem:s11+$0x3F70]  }
0x9d: {  	s20 =	simm.s32 $0x200;
	v5 =	vld.msk [tilespmem:s18+$0x0 ss:$0x0], $0xffff  }
.LBB2_5:
0x9e: {  	p0 =	sne.s32 s20, $0x4E00;
	v9 =	vld [tilespmem:s11+$0x1730]  }
0x9f: {  	v10 =	vld [tilespmem:s11+$0x1710]  }
0xa0: {  	v11 =	vld [tilespmem:s11+$0x1700]  }
0xa1: {  	v12 =	vld [tilespmem:s11+$0x1720]  }
0xa2: {  	v13 =	vld [tilespmem:s11+$0x1770]  }
0xa3: {  	v4 =	vmul.f32 v4, v5;
	v6 =	vmul.f32 v6, v5;
	v14 =	vld [tilespmem:s11+$0x1750]  }
0xa4: {  	v7 =	vmul.f32 v7, v5;
	v8 =	vmul.f32 v8, v5;
	v15 =	vld [tilespmem:s11+$0x1740]  }
0xa5: {  	v10 =	vmul.f32 v6, v10;
	v11 =	vmul.f32 v4, v11;
	v16 =	vld [tilespmem:s11+$0x1760]  }
0xa6: {  	s2 =	sshra.s32 s20, $0x2;
	v9 =	vmul.f32 v8, v9;
	v12 =	vmul.f32 v7, v12  }
0xa7: {  	v1 =	vmul.f32 v1, v5;
	v3 =	vmul.f32 v3, v5;
	v4 =	vld [tilespmem:s2+$0x3F00];
	[tilespmem:s11+$0x1700] =	vst v11  }
0xa8: {  	v0 =	vmul.f32 v0, v5;
	v2 =	vmul.f32 v2, v5;
	v6 =	vld [tilespmem:s2+$0x3F10];
	[tilespmem:s11+$0x1710] =	vst v10  }
0xa9: {  	v10 =	vmul.f32 v3, v14;
	v7 =	vld [tilespmem:s2+$0x3F20];
	[tilespmem:s11+$0x1720] =	vst v12;
	v5 =	vmul.f32 v1, v15  }
0xaa: {  	v11 =	vmul.f32 v2, v13;
	v8 =	vld [tilespmem:s2+$0x3F30];
	[tilespmem:s11+$0x1730] =	vst v9;
	v9 =	vmul.f32 v0, v16  }
.Ltmp1:
0xab: {  	v1 =	vld [tilespmem:s2+$0x3F40];
	[tilespmem:s11+$0x1740] =	vst v5;
	(pc) =	sbr.rel @p0 .LBB2_5-.Ltmp1, $4  }
0xac: {  	v3 =	vld [tilespmem:s2+$0x3F50];
	[tilespmem:s11+$0x1750] =	vst v10  }
0xad: {  	v0 =	vld [tilespmem:s2+$0x3F60];
	[tilespmem:s11+$0x1760] =	vst v9  }
0xae: {  	s18 =	sadd.s32 $0x1, s18;
	v2 =	vld [tilespmem:s2+$0x3F70];
	[tilespmem:s11+$0x1770] =	vst v11;
	s11 =	smov.u32 s2  }
0xaf: {  	s20 =	sadd.s32 $0x200, s20;
	v5 =	vld.msk [tilespmem:s18+$0x0 ss:$0x0], $0xffff  }
0xb0: {  	_ = 	snop  }
0xb1: {  	v10 =	vld [tilespmem:s11+$0x1700]  }
0xb2: {  	v11 =	vld [tilespmem:s11+$0x1710]  }
0xb3: {  	v12 =	vld [tilespmem:s11+$0x1720]  }
0xb4: {  	v9 =	vld [tilespmem:s11+$0x1730];
	v4 =	vmul.f32 v4, v5  }
0xb5: {  	v14 =	vld [tilespmem:s11+$0x1740];
	v6 =	vmul.f32 v6, v5  }
0xb6: {  	v15 =	vld [tilespmem:s11+$0x1750];
	v7 =	vmul.f32 v7, v5;
	v4 =	vmul.f32 v4, v10  }
0xb7: {  	v61 =	vld [tilespmem:s11+$0x1760];
	v8 =	vmul.f32 v8, v5;
	v6 =	vmul.f32 v6, v11  }
0xb8: {  	v13 =	vld [tilespmem:s11+$0x1770];
	v1 =	vmul.f32 v1, v5;
	v7 =	vmul.f32 v7, v12;
	[tilespmem:s11+$0x1700] =	vst v4  }
0xb9: {  	v3 =	vmul.f32 v3, v5;
	v62 =	vmul.f32 v8, v9;
	[tilespmem:s11+$0x1710] =	vst v6  }
0xba: {  	s21 =	sadd.s32 $0x1, s21;
	v0 =	vmul.f32 v0, v5;
	v1 =	vmul.f32 v1, v14;
	[tilespmem:s11+$0x1720] =	vst v7  }
0xbb: {  	p0 =	sne.s32 s21, $0xA;
	v2 =	vmul.f32 v2, v5;
	v3 =	vmul.f32 v3, v15;
	[tilespmem:s11+$0x1730] =	vst v62  }
.Ltmp2:
0xbc: {  	v0 =	vmul.f32 v0, v61;
	[tilespmem:s11+$0x1740] =	vst v1;
	(pc) =	sbr.rel @p0 .LBB2_2-.Ltmp2, $4  }
0xbd: {  	v63 =	vmul.f32 v2, v13;
	[tilespmem:s11+$0x1750] =	vst v3  }
0xbe: {  	[tilespmem:s11+$0x1760] =	vst v0  }
0xbf: {  	[tilespmem:s11+$0x1770] =	vst v63  }
0xc0: {  	[spmem:s4] =	stream.indirect.scatter.add.f32 [tilespmem:s10], [sflag:$0x8], $0x80, s24, s28, $0xb8;
	[tilespmem:$0x19300] =	vst v63  }
0xc1: {  	s2 =	simm.s32 $0x8  }
0xc2: {  	_ =	swait.ge [sflag:s2], $0x1400  }
0xc3: {  	[sflag:s2] =	ssyncset.done $0x0  }
0xc4: {  	[sflag:s2] =	ssyncadd.s32 $0xFFFFEC00  }
0xc5: {  	[bflag:$0x0] =	sbarrier.arrive $0xFFFF  }
0xc6: {  	s22 =	rddreg [dreg:$0x6]  }
0xc7: {  	s11 =	rddreg [dreg:$0xd]  }
0xc8: {  	s23 =	simm.s32 $0xA;
	s18 =	rddreg [dreg:$0xf];
	s2 =	sor.u32 $0x1C0A, s22  }
0xc9: {  	[hbm:s11], [sflag:s2] =	dma.local [spmem:s18], $0x2800  }
0xca: {  	_ =	swait.ge [sflag:s23], $0x2800  }
0xcb: {  	s20 =	rddreg [dreg:$0x10]  }
0xcc: {  	s31 =	rddreg [dreg:$0xe];
	s20 =	sadd.s32 $0x1, s20  }
0xcd: {  	p0 =	sne.s32 s20, s31  }
.Ltmp3:
0xce: {  	_ = 	snop;
	(pc) =	sbr.rel @p0 .LBB2_1-.Ltmp3, $3  }
0xcf: {  	_ =	sdelay $0x1  }
0xd0: {  	[sflag:s23] =	ssyncset.done $0x0  }
0xd1: {  	[sflag:s23] =	ssyncadd.s32 $0xFFFFD800  }
0xd2: {  	_ =	sfence.sel $0x180000  }
0xd3: {  	[bflag:$0x0] =	sbarrier.arrive $0xFFFF  }
0xd4: {  	_ =	strace $0x90000047  }
0xd5: {  	s0 =	stileid.u32;
	[bflag:$0x2] =	sbarrier.arrive $0xFFFF  }
0xd6: {  	p0 =	sne.s32 s0, $0x0;
	s0 =	rddreg [dreg:$0x4]  }
0xd7: {  	s0 =	sadd.s32 @!p0 $0x100000, s0  }
0xd8: {  	[sflag:s0] =	ssyncadd.tile.s32 @!p0 $0x1;
	_ =	shalt  }
.Lfunc_end2:
_tile_overlayer_lowered:
.L_overlay_start_2:
0xd9: {  	(tag) =	ssettag $0x2  }
0xda: {  	s0 =	rddreg [dreg:$0x0];
	s2 =	stileid.u32  }
0xdb: {  	s1 =	rddreg [dreg:$0x1];
	p0 =	sne.s32 s2, $0x0  }
0xdc: {  	s3 =	rddreg [dreg:$0x2];
	[bflag:$0x3] =	sbarrier.arrive $0xFFFF;
	s2 =	simm.s32 @!p0 $0x1C0A  }
0xdd: {  	[timem:s3], [sflag:s2] =	dma.local @!p0 [hbm:s0], s1  }
0xde: {  	s0 =	simm.s32 @!p0 $0xA  }
0xdf: {  	_ =	swait.ge @!p0 [sflag:s0], s1  }
0xe0: {  	s1 =	ssub.s32 @!p0 $0x0, s1;
	[sflag:s0] =	ssyncset.done @!p0 $0x0  }
0xe1: {  	[sflag:s0] =	ssyncadd.s32 @!p0 s1  }
0xe2: {  	[bflag:$0x3] =	sbarrier.arrive $0xFFFF  }
0xe3: {  	_ =	shalt  }

// kernel: kernel.14.cloned.1.call-start
scs
__scs_entry_jumppad:
0x0: {  	(pc) =	sbr.rel $0x88, $3  }
0x1: {  	(tag) =	ssettag $0x0;
	lr =	simm.s32 $0x1  }
0x2: {  	[smem:$0x3F96] =	sst lr;
	_ =	strace $0xD0000000  }
0x3: {  	_ = 	snop  }
0x4: {  	_ = 	snop  }
0x5: {  	_ = 	snop  }
0x6: {  	_ = 	snop  }
0x7: {  	_ = 	snop  }
__scs_overlays_trampoline_lowered:
0x8: {  	[smem:$0x3FA5] =	sst s0  }
0x9: {  	[smem:$0x3FA6] =	sst s1  }
0xa: {  	[smem:$0x3FA7] =	sst s2  }
0xb: {  	[smem:$0x3FA8] =	sst s3  }
0xc: {  	[smem:$0x3FA9] =	sst s4  }
0xd: {  	[smem:$0x3FAA] =	sst s5  }
0xe: {  	[smem:$0x3FAB] =	sst s6  }
0xf: {  	[smem:$0x3FAC] =	sst s7  }
0x10: {  	[smem:$0x3FAD] =	sst s8  }
0x11: {  	[smem:$0x3FAE] =	sst s9;
	s0 =	simm.s32 @!p0 $0x0  }
0x12: {  	s1 =	sld [smem:$0x3F94];
	s0 =	simm.s32 @p0 $0x1  }
0x13: {  	[smem:$0x3FAF] =	sst s0;
	s0 =	simm.s32 @!p1 $0x0  }
0x14: {  	s2 =	sld [smem:$0x3F93];
	s0 =	simm.s32 @p1 $0x1  }
0x15: {  	[smem:$0x3FB0] =	sst s0;
	s0 =	simm.s32 @!p2 $0x0  }
0x16: {  	s3 =	sld [smem:$0x3FDB];
	s0 =	simm.s32 @p2 $0x1  }
0x17: {  	s4 =	simm.s32 $0x1BF5;
	[smem:$0x3FB2] =	sst s0  }
0x18: {  	s0 =	sld [smem:$0x3F95];
	_ =	swait.ge [sflag:s4], $0x0  }
0x19: {  	s7 =	sld [smem:$0x3F96]  }
0x1a: {  	s8 =	sadd.s32 $0xFFFFE003, lr  }
0x1b: {  	s9 =	sadd.s32 $0xFFFFFEF7, lr;
	s5 =	simm.s32 $0xFFFFFFFF;
	p2 =	slt.u32 s8, $0xFFFFF086  }
0x1c: {  	p1 =	slt.u32 s9, $0xF7A;
	s5 =	simm.s32 @!p2 $0x0  }
0x1d: {  	s5 =	simm.s32 @p1 $0x1;
	p0 =	seq.s32 s7, s2  }
0x1e: {  	s7 =	smul.u32 @!p0 $0xF7A, s2;
	p2 =	seq.s32 @!p0 s5, $0x0  }
0x1f: {  	s9 =	smul.u32 $0xF7A, s1;
	s8 =	simm.s32 @!p0 $0x1BF5;
	p2 =	por !p2, p0  }
0x20: {  	[sflag:s8] =	ssyncset.s32 @!p0 $0xFFFFF086;
	s6 =	sadd.s32 @!p0 s3, s7;
	s7 =	simm.s32 @!p0 $0x108  }
0x21: {  	s3 =	sadd.s32 s3, s9;
	s6 =	sadd.s32 @!p0 $0x88, s6;
	s7 =	simm.s32 @p2 $0x1082  }
0x22: {  	[simem:s7], [sflag:s8] =	dma.local @!p0 [hbm:s6], $0xF7A  }
0x23: {  	s9 =	sor.u32 $0xD0000000, s2;
	s6 =	simm.s32 $0x108;
	_ =	swait.ge @!p0 [sflag:s8], $0x0  }
0x24: {  	s3 =	sadd.s32 $0x88, s3;
	s6 =	simm.s32 @!p1 $0x1082;
	[sflag:s4] =	ssyncset.s32 $0xFFFFF086  }
0x25: {  	[simem:s6], [sflag:s4] =	dma.local [hbm:s3], $0xF7A  }
0x26: {  	[smem:$0x3F96] =	sst s1;
	(tag) =	ssettag s2;
	_ =	strace s9  }
0x27: {  	s1 =	sld [smem:$0x3FA6]  }
0x28: {  	s2 =	sld [smem:$0x3FA7]  }
0x29: {  	s4 =	sld [smem:$0x3FA9]  }
0x2a: {  	p0 =	seq.s32 s5, $0x0;
	s5 =	sld [smem:$0x3FAA]  }
0x2b: {  	s6 =	sld [smem:$0x3FAB]  }
0x2c: {  	s7 =	sld [smem:$0x3FAC]  }
0x2d: {  	s3 =	simm.s32 $0x108;
	s8 =	sld [smem:$0x3FAD]  }
0x2e: {  	s3 =	simm.s32 @!p0 $0x1082;
	s9 =	sld [smem:$0x3FAE]  }
0x2f: {  	lr =	sadd.s32 s0, s3;
	s0 =	sld [smem:$0x3FA5]  }
0x30: {  	s3 =	sld [smem:$0x3FA8]  }
0x31: {  	[smem:$0x3FB1] =	sst s10  }
0x32: {  	s10 =	sld [smem:$0x3FAF];
	_ =	sdelay $0x3  }
0x33: {  	p0 =	seq.s32 s10, $0x1;
	s10 =	sld [smem:$0x3FB1];
	_ =	sdelay $0x3  }
0x34: {  	[smem:$0x3FB1] =	sst s10  }
0x35: {  	s10 =	sld [smem:$0x3FB0];
	_ =	sdelay $0x3  }
0x36: {  	p1 =	seq.s32 s10, $0x1;
	s10 =	sld [smem:$0x3FB1];
	_ =	sdelay $0x3  }
0x37: {  	[smem:$0x3FB1] =	sst s10  }
0x38: {  	s10 =	sld [smem:$0x3FB2]  }
0x39: {  	_ = 	snop;
	(pc) =	sbr.ind lr, $3  }
0x3a: {  	_ = 	snop  }
0x3b: {  	_ = 	snop  }
0x3c: {  	p2 =	seq.s32 s10, $0x1;
	s10 =	sld [smem:$0x3FB1]  }
0x3d: {  	_ =	shalt  }
0x3e: {  	_ =	shalt  }
0x3f: {  	_ =	shalt  }
0x40: {  	_ =	shalt  }
0x41: {  	_ =	shalt  }
0x42: {  	_ =	shalt  }
0x43: {  	_ =	shalt  }
0x44: {  	_ =	shalt  }
0x45: {  	_ =	shalt  }
0x46: {  	_ =	shalt  }
0x47: {  	_ =	shalt  }
0x48: {  	_ =	shalt  }
0x49: {  	_ =	shalt  }
0x4a: {  	_ =	shalt  }
0x4b: {  	_ =	shalt  }
0x4c: {  	_ =	shalt  }
0x4d: {  	_ =	shalt  }
0x4e: {  	_ =	shalt  }
0x4f: {  	_ =	shalt  }
0x50: {  	_ =	shalt  }
0x51: {  	_ =	shalt  }
0x52: {  	_ =	shalt  }
0x53: {  	_ =	shalt  }
0x54: {  	_ =	shalt  }
0x55: {  	_ =	shalt  }
0x56: {  	_ =	shalt  }
0x57: {  	_ =	shalt  }
0x58: {  	_ =	shalt  }
0x59: {  	_ =	shalt  }
0x5a: {  	_ =	shalt  }
0x5b: {  	_ =	shalt  }
0x5c: {  	_ =	shalt  }
0x5d: {  	_ =	shalt  }
0x5e: {  	_ =	shalt  }
0x5f: {  	_ =	shalt  }
0x60: {  	_ =	shalt  }
0x61: {  	_ =	shalt  }
0x62: {  	_ =	shalt  }
0x63: {  	_ =	shalt  }
0x64: {  	_ =	shalt  }
0x65: {  	_ =	shalt  }
0x66: {  	_ =	shalt  }
0x67: {  	_ =	shalt  }
0x68: {  	_ =	shalt  }
0x69: {  	_ =	shalt  }
0x6a: {  	_ =	shalt  }
0x6b: {  	_ =	shalt  }
0x6c: {  	_ =	shalt  }
0x6d: {  	_ =	shalt  }
0x6e: {  	_ =	shalt  }
0x6f: {  	_ =	shalt  }
0x70: {  	_ =	shalt  }
0x71: {  	_ =	shalt  }
0x72: {  	_ =	shalt  }
0x73: {  	_ =	shalt  }
0x74: {  	_ =	shalt  }
0x75: {  	_ =	shalt  }
0x76: {  	_ =	shalt  }
0x77: {  	_ =	shalt  }
0x78: {  	_ =	shalt  }
0x79: {  	_ =	shalt  }
0x7a: {  	_ =	shalt  }
0x7b: {  	_ =	shalt  }
0x7c: {  	_ =	shalt  }
0x7d: {  	_ =	shalt  }
0x7e: {  	_ =	shalt  }
0x7f: {  	_ =	shalt  }
0x80: {  	_ =	shalt  }
0x81: {  	_ =	shalt  }
0x82: {  	_ =	shalt  }
0x83: {  	_ =	shalt  }
0x84: {  	_ =	shalt  }
0x85: {  	_ =	shalt  }
0x86: {  	_ =	shalt  }
0x87: {  	_ =	shalt  }
.Lfunc_end0:
.L_simem_size_0:
called_computation.1_lowered:
.L_overlay_start_0:
0x88: {  	s2 =	sld [smem:$0x3FD9]  }
0x89: {  	s3 =	sld [smem:$0x3FFE];
	_ =	sdelay $0x1  }
0x8a: {  	s1 =	srdreg.scid  }
0x8b: {  	s0 =	sand.u32 $0x1, s1  }
0x8c: {  	s17 =	sshll.u32 s0, $0xA;
	s2 =	sadd.s32 s3, s2  }
0x8d: {  	s2 =	sadd.s32 s2, s17  }
0x8e: {  	[smem:$0x3FBD] =	sst s2  }
0x8f: {  	_ = 	snop  }
0x90: {  	s2 =	sld [smem:$0x3FC7]  }
0x91: {  	s18 =	sld [smem:$0x3FC6];
	(tm) =	ssettm $0x1  }
0x92: {  	s4 =	sld [smem:$0x3FFB];
	_ =	sdelay $0x3  }
0x93: {  	_ =	strace s4  }
0x94: {  	s4 =	sld [smem:$0x3FFC];
	_ =	sdelay $0x3  }
0x95: {  	_ =	strace s4  }
0x96: {  	s4 =	sld [smem:$0x3FFD];
	_ =	sdelay $0x3  }
0x97: {  	_ =	strace s4  }
0x98: {  	_ =	strace $0x8FFFFFFF  }
0x99: {  	s19 =	sld [smem:$0x3FDB];
	_ =	sdelay $0x1  }
0x9a: {  	s5 =	simm.s32 $_scs_section_size  }
0x9b: {  	s6 =	simm.s32 $_size__tile_overlayer_lowered;
	s7 =	simm.s32 $_tile_overlayer_lowered  }
0x9c: {  	s22 =	simm.s32 $0x1BFF;
	s21 =	sshll.u32 s7, $0x1;
	s4 =	sadd.s32 s5, s19  }
0x9d: {  	s8 =	simm.s32 $0x0;
	s20 =	sshll.u32 s6, $0x1;
	s6 =	sadd.s32 s21, s4  }
0x9e: {  	[timem:s8], [sflag:s22] =	dma.local [hbm:s6], s20  }
0x9f: {  	_ =	swait.ge [sflag:s22], s20  }
0xa0: {  	s5 =	ssub.s32 $0x0, s20;
	[sflag:s22] =	ssyncset.done $0x0  }
0xa1: {  	[sflag:s22] =	ssyncadd.s32 s5;
	_ =	sdelay $0x1  }
0xa2: {  	s23 =	simm.s32 $0x1B8B  }
0xa3: {  	_ =	swait.ge [sflag:s23], $0x1  }
0xa4: {  	[sflag:s23] =	ssyncset.done $0x0  }
0xa5: {  	s25 =	simm.s32 $0x1B8E;
	s24 =	sld [smem:$0x3FFE];
	[sflag:s23] =	ssyncadd.s32 $0xFFFFFFFF  }
0xa6: {  	s26 =	simm.s32 $execute0_lowered;
	[smem:$0x3FD2] =	sst s25  }
0xa7: {  	s6 =	sshll.u32 s26, $0x1;
	_ =	strace $0x80000049;
	[dreg:$0x1] =	wrdreg $0xFFFFFFFF  }
0xa8: {  	s28 =	simm.s32 $_size_execute0_lowered;
	s4 =	sadd.s32 s4, s6;
	[dreg:$0x0] =	wrdreg $0x0  }
0xa9: {  	s6 =	sshll.u32 s28, $0x1;
	[dreg:$0x2] =	wrdreg s4  }
0xaa: {  	[dreg:$0x3] =	wrdreg s6  }
0xab: {  	[dreg:$0x4] =	wrdreg $0xC0  }
0xac: {  	_ =	task [dreg:s8], $0x5FFFF  }
0xad: {  	[dreg:$0x1] =	wrdreg $0xFFFFFFFF  }
0xae: {  	[dreg:$0x0] =	wrdreg $0x60  }
0xaf: {  	[dreg:$0x2] =	wrdreg s24  }
0xb0: {  	[dreg:$0x3] =	wrdreg s2  }
0xb1: {  	[dreg:$0x4] =	wrdreg s18  }
0xb2: {  	[dreg:$0x5] =	wrdreg $0x53000  }
0xb3: {  	[dreg:$0x6] =	wrdreg $0x9  }
0xb4: {  	_ =	task.clear_ibuf [dreg:s8], $0x7FFFF;
	_ =	strace $0x90000049  }
0xb5: {  	s29 =	simm.s32 $0x9;
	_ =	strace $0x8000004B  }
0xb6: {  	_ =	swait.ge [sflag:s29], $0x1  }
0xb7: {  	[sflag:s29] =	ssyncadd.s32 $0xFFFFFFFF  }
0xb8: {  	_ =	strace $0x9000004B  }
0xb9: {  	_ =	sfence  }
0xba: {  	s30 =	sld [smem:$0x0];
	_ =	sdelay $0x2  }
0xbb: {  	s31 =	sshll.u32 s1, $0xD;
	s1 =	sshrl.u32 s1, $0x2  }
0xbc: {  	s3 =	sand.u32 $0x4000, s31;
	s1 =	sadd.s32 s1, s30  }
0xbd: {  	s0 =	sor.u32 s3, s0;
	s1 =	sshll.u32 s1, $0x11  }
0xbe: {  	s0 =	sor.u32 s1, s0  }
0xbf: {  	s0 =	sadd.s32 $0x8F2B, s0  }
0xc0: {  	[sflag:s0] =	ssyncadd.remote.s32 $0x1  }
0xc1: {  	_ =	sfence.sel $0xFFFF  }
0xc2: {  	[dreg:$0x0] =	wrdreg $0xFFFFFFFF;
	(pc) =	sbr.abs _section_cstart, $3  }
0xc3: {  	[dreg:$0x1] =	wrdreg $0xFFFFFFFF  }
0xc4: {  	_ =	task.clear_ibuf [dreg:s8], $0x2FFFF;
	_ =	strace $0x9FFFFFFF  }
0xc5: {  	(tm) =	ssettm $0x7FFFFFFF  }
tec
execute0_lowered:
.L_overlay_start_1:
0x0: {  	(tag) =	ssettag $0x1  }
0x1: {  	s0 =	rddreg [dreg:$0x0]  }
0x2: {  	s1 =	rddreg [dreg:$0x1]  }
0x3: {  	s2 =	rddreg [dreg:$0x2]  }
0x4: {  	s3 =	rddreg [dreg:$0x3];
	s5 =	simm.s32 $0x0;
	s4 =	srdreg.scid  }
0x5: {  	s14 =	stileid.u32;
	s28 =	simm.s32 $0x28;
	s29 =	simm.s32 $0x300  }
0x6: {  	s30 =	simm.s32 $0x80;
	s15 =	simm.s32 $0x3;
	s16 =	simm.s32 $0x1  }
0x7: {  	s17 =	simm.s32 $0x7;
	[smem:$0x7FF] =	sst s5;
	s4 =	sand.u32 $0x1, s4  }
0x8: {  	s10 =	smul.u32 $0x280, s14;
	s6 =	sadd.s32 $0xE600, s0;
	s7 =	sadd.s32 $0x111800, s0  }
0x9: {  	s8 =	sadd.s32 $0x4800, s0;
	s18 =	sshll.u32 s14, $0x1;
	s19 =	smul.u32 $0x50000, s14  }
0xa: {  	s14 =	sshll.u32 s14, $0x6;
	s9 =	smul.u32 $0x2800, s4;
	_ =	strace $0x8000004A  }
0xb: {  	s11 =	ssub.s32 $0x2, s4;
	s4 =	sor.u32 s4, s18;
	[dreg:$0x6] =	wrdreg s14  }
0xc: {  	s14 =	sor.u32 $0x1C09, s14;
	s18 =	simm.s32 $0x4;
	s13 =	sshrl.u32 s11, $0x1  }
0xd: {  	[dreg:$0x7] =	wrdreg s14;
	s14 =	simm.s32 $0x1700;
	s9 =	sadd.s32 s10, s9  }
0xe: {  	s10 =	sshrl.u32 s19, $0x2;
	s12 =	sshll.u32 s9, $0x4;
	s9 =	smul.u32 $0x11F8, s4  }
0xf: {  	s20 =	ssub.s32 s11, s13;
	s10 =	sadd.s32 s10, s3;
	s4 =	smul.u32 $0x11F80, s4  }
0x10: {  	s31 =	smax.u32 s20, $0x1;
	s20 =	simm.s32 $0x2;
	s0 =	sadd.s32 s12, s0  }
0x11: {  	[dreg:$0xe] =	wrdreg s31;
	s21 =	sadd.s32 $0xC1800, s0;
	s11 =	sadd.s32 $0x6400, s9  }
0x12: {  	s24 =	sadd.s32 $0x6428, s9;
	s4 =	sadd.s32 s7, s4;
	[dreg:$0x5] =	wrdreg s21  }
0x13: {  	s0 =	sadd.s32 $0x35800, s0;
	s22 =	sshrl.u32 s11, $0x3;
	[dreg:$0x9] =	wrdreg s4  }
0x14: {  	s19 =	sadd.s32 $0x6478, s9;
	[dreg:$0xd] =	wrdreg s0;
	s23 =	sadd.s32 s1, s22  }
0x15: {  	s26 =	sshrl.u32 s24, $0x3;
	s25 =	sadd.s32 s2, s22;
	[dreg:$0x8] =	wrdreg s23  }
0x16: {  	s0 =	simm.s32 $0x6;
	s13 =	sadd.s32 s8, s22;
	[dreg:$0xa] =	wrdreg s25  }
0x17: {  	s21 =	simm.s32 $0x0;
	s4 =	sadd.s32 s1, s26;
	[dreg:$0xb] =	wrdreg s13  }
0x18: {  	[dreg:$0xc] =	wrdreg s4;
	s13 =	sshrl.u32 s10, $0x3;
	s23 =	simm.s32 $0x5  }
0x19: {  	s25 =	simm.s32 $0x100;
	s10 =	simm.s32 $0x180;
	[dreg:$0xf] =	wrdreg s13  }
.LBB2_1:
0x1a: {  	[dreg:$0x10] =	wrdreg s21  }
0x1b: {  	s4 =	rddreg [dreg:$0x5]  }
0x1c: {  	s12 =	rddreg [dreg:$0x7]  }
0x1d: {  	[spmem:s13], [sflag:s12] =	dma.local [hbm:s4], $0x2800  }
0x1e: {  	s4 =	rddreg [dreg:$0x8]  }
0x1f: {  	[tilespmem:s5], [sflag:$0x5] =	stream.linear.gather [hbm4b:s4+s5], $0x28, $0x38;
	[tilespmem:$0x19300] =	vst v63  }
0x20: {  	_ =	swait.ge [sflag:s23], $0x28  }
0x21: {  	[sflag:s23] =	ssyncset.done $0x0  }
0x22: {  	s13 =	simm.s32 $0x2B00;
	s12 =	rddreg [dreg:$0x9];
	[sflag:s23] =	ssyncadd.s32 $0xFFFFFFD8  }
0x23: {  	[tilespmem:s13], [sflag:$0x3] =	stream.linear.gather [hbm4b:s12+s5], $0x1400, $0x38;
	[tilespmem:$0x19300] =	vst v63  }
0x24: {  	s21 =	rddreg [dreg:$0xa]  }
0x25: {  	[tilespmem:s25], [sflag:$0x3] =	stream.linear.gather [hbm4b:s21+s5], $0x28, $0x38;
	[tilespmem:$0x19300] =	vst v63  }
0x26: {  	s24 =	simm.s32 $0x200;
	s22 =	rddreg [dreg:$0xb]  }
0x27: {  	[tilespmem:s24], [sflag:$0x3] =	stream.linear.gather [hbm4b:s22+s5], $0x28, $0x38;
	[tilespmem:$0x19300] =	vst v63  }
0x28: {  	_ = 	snop  }
0x29: {  	[tilespmem:s29], [sflag:$0x1] =	stream.indirect.gather [hbm4b:s6+s28], $0x80, s5, s28, $0xb8;
	[tilespmem:$0x19300] =	vst v63  }
0x2a: {  	s31 =	simm.s32 $0x9;
	s26 =	rddreg [dreg:$0xc]  }
0x2b: {  	[tilespmem:s30], [sflag:$0x6] =	stream.linear.gather [hbm4b:s26+s5], $0x28, $0x38;
	[tilespmem:$0x19300] =	vst v63  }
0x2c: {  	_ =	swait.ge [sflag:s31], $0x2800  }
0x2d: {  	[sflag:s31] =	ssyncset.done $0x0  }
0x2e: {  	[sflag:s31] =	ssyncadd.s32 $0xFFFFD800  }
0x2f: {  	s21 =	simm.s32 $0x0;
	[bflag:$0x0] =	sbarrier.arrive $0xFFFF  }
.LBB2_2:
0x30: {  	p0 =	seq.s32 s21, $0x0  }
0x31: {  	s4 =	simm.s32 @!p0 $0x8  }
0x32: {  	s12 =	smul.u32 @!p0 $0x50, s21;
	_ =	swait.ge @!p0 [sflag:s4], $0x1400  }
0x33: {  	[sflag:s4] =	ssyncset.done @!p0 $0x0  }
0x34: {  	[sflag:s4] =	ssyncadd.s32 @!p0 $0xFFFFEC00;
	s4 =	sadd.s32 @!p0 $0x28, s12  }
0x35: {  	s24 =	simm.s32 $0x0;
	s4 =	simm.s32 @p0 $0x28  }
0x36: {  	s22 =	simm.s32 $0x3F00;
	_ =	swait.ge [sflag:s0], $0x28;
	s13 =	sadd.s32 s9, s4  }
0x37: {  	[sflag:s0] =	ssyncset.done $0x0;
	s4 =	sadd.s32 s11, s4;
	s13 =	sshll.u32 s13, $0x4  }
0x38: {  	[sflag:s0] =	ssyncadd.s32 $0xFFFFFFD8;
	s4 =	sshrl.u32 s4, $0x3;
	s13 =	sadd.s32 s7, s13  }
0x39: {  	[tilespmem:s22], [sflag:$0x4] =	stream.linear.gather [hbm4b:s13+s24], $0x1400, $0x38;
	[tilespmem:$0x19300] =	vst v63  }
0x3a: {  	s26 =	sadd.s32 s2, s4  }
0x3b: {  	[tilespmem:s10], [sflag:$0x4] =	stream.linear.gather [hbm4b:s26+s24], $0x28, $0x38;
	[tilespmem:$0x19300] =	vst v63  }
0x3c: {  	s4 =	sadd.s32 s8, s4;
	s22 =	simm.s32 $0x280  }
0x3d: {  	[tilespmem:s22], [sflag:$0x4] =	stream.linear.gather [hbm4b:s4+s24], $0x28, $0x38;
	[tilespmem:$0x19300] =	vst v63  }
0x3e: {  	_ = 	snop  }
0x3f: {  	[tilespmem:s14], [sflag:$0x2] =	stream.indirect.gather [hbm4b:s6+s28], $0x80, s30, s28, $0xb8;
	[tilespmem:$0x19300] =	vst v63  }
0x40: {  	_ =	swait.ge [sflag:s15], $0x1400  }
0x41: {  	[sflag:s15] =	ssyncset.done $0x0  }
0x42: {  	[sflag:s15] =	ssyncadd.s32 $0xFFFFEC00  }
0x43: {  	_ =	swait.ge [sflag:s15], $0x28  }
0x44: {  	[sflag:s15] =	ssyncset.done $0x0  }
0x45: {  	[sflag:s15] =	ssyncadd.s32 $0xFFFFFFD8  }
0x46: {  	_ =	swait.ge [sflag:s15], $0x28  }
0x47: {  	s12 =	simm.s32 @p0 $0x0;
	[sflag:s15] =	ssyncset.done $0x0  }
0x48: {  	s31 =	sadd.s32 $0x50, s12;
	[sflag:s15] =	ssyncadd.s32 $0xFFFFFFD8  }
0x49: {  	s26 =	sadd.s32 s11, s31;
	_ =	swait.ge [sflag:s16], $0x1400  }
0x4a: {  	s22 =	sshrl.u32 s26, $0x3;
	[sflag:s16] =	ssyncset.done $0x0  }
0x4b: {  	s4 =	sadd.s32 s1, s22;
	[sflag:s16] =	ssyncadd.s32 $0xFFFFEC00  }
0x4c: {  	[tilespmem:s24], [sflag:$0x5] =	stream.linear.gather [hbm4b:s4+s24], $0x28, $0x38;
	[tilespmem:$0x19300] =	vst v63  }
0x4d: {  	s4 =	simm.s32 $0x0  }
0x4e: {  	v4 =	vld [tilespmem:s4+$0x2B00]  }
0x4f: {  	v6 =	vld [tilespmem:s4+$0x2B10]  }
0x50: {  	v7 =	vld [tilespmem:s4+$0x2B20]  }
0x51: {  	v8 =	vld [tilespmem:s4+$0x2B30]  }
0x52: {  	v1 =	vld [tilespmem:s4+$0x2B40]  }
0x53: {  	v3 =	vld [tilespmem:s4+$0x2B50]  }
0x54: {  	v0 =	vld [tilespmem:s4+$0x2B60]  }
0x55: {  	s13 =	simm.s32 $0x200;
	v2 =	vld [tilespmem:s4+$0x2B70]  }
0x56: {  	s24 =	simm.s32 $0x200;
	v5 =	vld.msk [tilespmem:s13+$0x0 ss:$0x0], $0xffff  }
.LBB2_3:
0x57: {  	p0 =	sne.s32 s24, $0x4E00;
	v9 =	vld [tilespmem:s4+$0x330]  }
0x58: {  	v10 =	vld [tilespmem:s4+$0x310]  }
0x59: {  	v11 =	vld [tilespmem:s4+$0x300]  }
0x5a: {  	v12 =	vld [tilespmem:s4+$0x320]  }
0x5b: {  	v13 =	vld [tilespmem:s4+$0x370]  }
0x5c: {  	v4 =	vmul.f32 v4, v5;
	v6 =	vmul.f32 v6, v5;
	v14 =	vld [tilespmem:s4+$0x350]  }
0x5d: {  	v7 =	vmul.f32 v7, v5;
	v8 =	vmul.f32 v8, v5;
	v15 =	vld [tilespmem:s4+$0x340]  }
0x5e: {  	v10 =	vmul.f32 v6, v10;
	v11 =	vmul.f32 v4, v11;
	v16 =	vld [tilespmem:s4+$0x360]  }
0x5f: {  	s26 =	sshra.s32 s24, $0x2;
	v9 =	vmul.f32 v8, v9;
	v12 =	vmul.f32 v7, v12  }
0x60: {  	v1 =	vmul.f32 v1, v5;
	v3 =	vmul.f32 v3, v5;
	v4 =	vld [tilespmem:s26+$0x2B00];
	[tilespmem:s4+$0x300] =	vst v11  }
0x61: {  	v0 =	vmul.f32 v0, v5;
	v2 =	vmul.f32 v2, v5;
	v6 =	vld [tilespmem:s26+$0x2B10];
	[tilespmem:s4+$0x310] =	vst v10  }
0x62: {  	v10 =	vmul.f32 v3, v14;
	v7 =	vld [tilespmem:s26+$0x2B20];
	[tilespmem:s4+$0x320] =	vst v12;
	v5 =	vmul.f32 v1, v15  }
0x63: {  	v11 =	vmul.f32 v2, v13;
	v8 =	vld [tilespmem:s26+$0x2B30];
	[tilespmem:s4+$0x330] =	vst v9;
	v9 =	vmul.f32 v0, v16  }
.Ltmp0:
0x64: {  	v1 =	vld [tilespmem:s26+$0x2B40];
	[tilespmem:s4+$0x340] =	vst v5;
	(pc) =	sbr.rel @p0 .LBB2_3-.Ltmp0, $4  }
0x65: {  	v3 =	vld [tilespmem:s26+$0x2B50];
	[tilespmem:s4+$0x350] =	vst v10  }
0x66: {  	v0 =	vld [tilespmem:s26+$0x2B60];
	[tilespmem:s4+$0x360] =	vst v9  }
0x67: {  	s13 =	sadd.s32 $0x1, s13;
	v2 =	vld [tilespmem:s26+$0x2B70];
	[tilespmem:s4+$0x370] =	vst v11;
	s4 =	smov.u32 s26  }
0x68: {  	s24 =	sadd.s32 $0x200, s24;
	v5 =	vld.msk [tilespmem:s13+$0x0 ss:$0x0], $0xffff  }
0x69: {  	_ = 	snop  }
0x6a: {  	v10 =	vld [tilespmem:s4+$0x300]  }
0x6b: {  	v11 =	vld [tilespmem:s4+$0x310]  }
0x6c: {  	v12 =	vld [tilespmem:s4+$0x320]  }
0x6d: {  	v14 =	vld [tilespmem:s4+$0x340];
	v4 =	vmul.f32 v4, v5  }
0x6e: {  	v15 =	vld [tilespmem:s4+$0x350];
	v6 =	vmul.f32 v6, v5  }
0x6f: {  	v9 =	vld [tilespmem:s4+$0x330];
	v7 =	vmul.f32 v7, v5;
	v4 =	vmul.f32 v4, v10  }
0x70: {  	v13 =	vld [tilespmem:s4+$0x370];
	v1 =	vmul.f32 v1, v5;
	v6 =	vmul.f32 v6, v11  }
0x71: {  	v3 =	vmul.f32 v3, v5;
	v10 =	vld [tilespmem:s4+$0x360];
	v7 =	vmul.f32 v7, v12;
	[tilespmem:s4+$0x300] =	vst v4  }
0x72: {  	v8 =	vmul.f32 v8, v5;
	v1 =	vmul.f32 v1, v14;
	[tilespmem:s4+$0x310] =	vst v6  }
0x73: {  	v2 =	vmul.f32 v2, v5;
	v3 =	vmul.f32 v3, v15;
	[tilespmem:s4+$0x320] =	vst v7  }
0x74: {  	v0 =	vmul.f32 v0, v5;
	v4 =	vmul.f32 v8, v9;
	[tilespmem:s4+$0x340] =	vst v1  }
0x75: {  	v1 =	vmul.f32 v2, v13;
	[tilespmem:s4+$0x350] =	vst v3  }
0x76: {  	[tilespmem:s4+$0x330] =	vst v4;
	v0 =	vmul.f32 v0, v10  }
0x77: {  	[tilespmem:s4+$0x370] =	vst v1  }
0x78: {  	[tilespmem:s4+$0x360] =	vst v0  }
0x79: {  	[spmem:s3] =	stream.indirect.scatter.add.f32 [tilespmem:s29], [sflag:$0x7], $0x80, s25, s28, $0xb8;
	[tilespmem:$0x19300] =	vst v63  }
0x7a: {  	_ =	swait.ge [sflag:s17], $0x1400  }
0x7b: {  	[sflag:s17] =	ssyncset.done $0x0  }
0x7c: {  	[sflag:s17] =	ssyncadd.s32 $0xFFFFEC00  }
0x7d: {  	s13 =	sadd.s32 s9, s31;
	_ =	swait.ge [sflag:s23], $0x28  }
0x7e: {  	s4 =	sshll.u32 s13, $0x4;
	[sflag:s23] =	ssyncset.done $0x0  }
0x7f: {  	s13 =	simm.s32 $0x2B00;
	s4 =	sadd.s32 s7, s4;
	[sflag:s23] =	ssyncadd.s32 $0xFFFFFFD8  }
0x80: {  	[tilespmem:s13], [sflag:$0x3] =	stream.linear.gather [hbm4b:s4+s5], $0x1400, $0x38;
	[tilespmem:$0x19300] =	vst v63  }
0x81: {  	s24 =	sadd.s32 s2, s22  }
0x82: {  	[tilespmem:s25], [sflag:$0x3] =	stream.linear.gather [hbm4b:s24+s5], $0x28, $0x38;
	[tilespmem:$0x19300] =	vst v63  }
0x83: {  	s26 =	sadd.s32 s8, s22;
	s31 =	simm.s32 $0x200  }
0x84: {  	[tilespmem:s31], [sflag:$0x3] =	stream.linear.gather [hbm4b:s26+s5], $0x28, $0x38;
	[tilespmem:$0x19300] =	vst v63  }
0x85: {  	_ = 	snop  }
0x86: {  	[tilespmem:s29], [sflag:$0x1] =	stream.indirect.gather [hbm4b:s6+s28], $0x80, s5, s28, $0xb8;
	[tilespmem:$0x19300] =	vst v63  }
0x87: {  	_ =	swait.ge [sflag:s18], $0x1400  }
0x88: {  	[sflag:s18] =	ssyncset.done $0x0  }
0x89: {  	[sflag:s18] =	ssyncadd.s32 $0xFFFFEC00  }
0x8a: {  	_ =	swait.ge [sflag:s18], $0x28  }
0x8b: {  	[sflag:s18] =	ssyncset.done $0x0  }
0x8c: {  	[sflag:s18] =	ssyncadd.s32 $0xFFFFFFD8  }
0x8d: {  	_ =	swait.ge [sflag:s18], $0x28  }
0x8e: {  	[sflag:s18] =	ssyncset.done $0x0  }
0x8f: {  	p0 =	seq.s32 s21, $0x38;
	[sflag:s18] =	ssyncadd.s32 $0xFFFFFFD8  }
0x90: {  	s4 =	sadd.s32 @!p0 s12, s19;
	_ =	swait.ge [sflag:s20], $0x1400  }
0x91: {  	s12 =	simm.s32 @!p0 $0x0;
	s4 =	sshrl.u32 @!p0 s4, $0x3;
	[sflag:s20] =	ssyncset.done $0x0  }
0x92: {  	s13 =	simm.s32 @!p0 $0x80;
	s4 =	sadd.s32 @!p0 s1, s4;
	[sflag:s20] =	ssyncadd.s32 $0xFFFFEC00  }
0x93: {  	[tilespmem:s13], [sflag:$0x6] =	stream.linear.gather @!p0 [hbm4b:s4+s12], $0x28, $0x38;
	[tilespmem:$0x19300] =	vst v63  }
0x94: {  	s4 =	simm.s32 $0x0  }
0x95: {  	v4 =	vld [tilespmem:s4+$0x3F00]  }
0x96: {  	v6 =	vld [tilespmem:s4+$0x3F10]  }
0x97: {  	v7 =	vld [tilespmem:s4+$0x3F20]  }
0x98: {  	v8 =	vld [tilespmem:s4+$0x3F30]  }
0x99: {  	v1 =	vld [tilespmem:s4+$0x3F40]  }
0x9a: {  	v3 =	vld [tilespmem:s4+$0x3F50]  }
0x9b: {  	v0 =	vld [tilespmem:s4+$0x3F60]  }
0x9c: {  	s12 =	simm.s32 $0x280;
	v2 =	vld [tilespmem:s4+$0x3F70]  }
0x9d: {  	s13 =	simm.s32 $0x200;
	v5 =	vld.msk [tilespmem:s12+$0x0 ss:$0x0], $0xffff  }
.LBB2_5:
0x9e: {  	p0 =	sne.s32 s13, $0x4E00;
	v9 =	vld [tilespmem:s4+$0x1730]  }
0x9f: {  	v10 =	vld [tilespmem:s4+$0x1710]  }
0xa0: {  	v11 =	vld [tilespmem:s4+$0x1700]  }
0xa1: {  	v12 =	vld [tilespmem:s4+$0x1720]  }
0xa2: {  	v13 =	vld [tilespmem:s4+$0x1770]  }
0xa3: {  	v4 =	vmul.f32 v4, v5;
	v6 =	vmul.f32 v6, v5;
	v14 =	vld [tilespmem:s4+$0x1750]  }
0xa4: {  	v7 =	vmul.f32 v7, v5;
	v8 =	vmul.f32 v8, v5;
	v15 =	vld [tilespmem:s4+$0x1740]  }
0xa5: {  	v10 =	vmul.f32 v6, v10;
	v11 =	vmul.f32 v4, v11;
	v16 =	vld [tilespmem:s4+$0x1760]  }
0xa6: {  	s22 =	sshra.s32 s13, $0x2;
	v9 =	vmul.f32 v8, v9;
	v12 =	vmul.f32 v7, v12  }
0xa7: {  	v1 =	vmul.f32 v1, v5;
	v3 =	vmul.f32 v3, v5;
	v4 =	vld [tilespmem:s22+$0x3F00];
	[tilespmem:s4+$0x1700] =	vst v11  }
0xa8: {  	v0 =	vmul.f32 v0, v5;
	v2 =	vmul.f32 v2, v5;
	v6 =	vld [tilespmem:s22+$0x3F10];
	[tilespmem:s4+$0x1710] =	vst v10  }
0xa9: {  	v10 =	vmul.f32 v3, v14;
	v7 =	vld [tilespmem:s22+$0x3F20];
	[tilespmem:s4+$0x1720] =	vst v12;
	v5 =	vmul.f32 v1, v15  }
0xaa: {  	v11 =	vmul.f32 v2, v13;
	v8 =	vld [tilespmem:s22+$0x3F30];
	[tilespmem:s4+$0x1730] =	vst v9;
	v9 =	vmul.f32 v0, v16  }
.Ltmp1:
0xab: {  	v1 =	vld [tilespmem:s22+$0x3F40];
	[tilespmem:s4+$0x1740] =	vst v5;
	(pc) =	sbr.rel @p0 .LBB2_5-.Ltmp1, $4  }
0xac: {  	v3 =	vld [tilespmem:s22+$0x3F50];
	[tilespmem:s4+$0x1750] =	vst v10  }
0xad: {  	v0 =	vld [tilespmem:s22+$0x3F60];
	[tilespmem:s4+$0x1760] =	vst v9  }
0xae: {  	s12 =	sadd.s32 $0x1, s12;
	v2 =	vld [tilespmem:s22+$0x3F70];
	[tilespmem:s4+$0x1770] =	vst v11;
	s4 =	smov.u32 s22  }
0xaf: {  	s13 =	sadd.s32 $0x200, s13;
	v5 =	vld.msk [tilespmem:s12+$0x0 ss:$0x0], $0xffff  }
0xb0: {  	_ = 	snop  }
0xb1: {  	v10 =	vld [tilespmem:s4+$0x1700]  }
0xb2: {  	v11 =	vld [tilespmem:s4+$0x1710]  }
0xb3: {  	v12 =	vld [tilespmem:s4+$0x1720]  }
0xb4: {  	v9 =	vld [tilespmem:s4+$0x1730];
	v4 =	vmul.f32 v4, v5  }
0xb5: {  	v14 =	vld [tilespmem:s4+$0x1740];
	v6 =	vmul.f32 v6, v5  }
0xb6: {  	v15 =	vld [tilespmem:s4+$0x1750];
	v7 =	vmul.f32 v7, v5;
	v4 =	vmul.f32 v4, v10  }
0xb7: {  	v61 =	vld [tilespmem:s4+$0x1760];
	v8 =	vmul.f32 v8, v5;
	v6 =	vmul.f32 v6, v11  }
0xb8: {  	v13 =	vld [tilespmem:s4+$0x1770];
	v1 =	vmul.f32 v1, v5;
	v7 =	vmul.f32 v7, v12;
	[tilespmem:s4+$0x1700] =	vst v4  }
0xb9: {  	v3 =	vmul.f32 v3, v5;
	v62 =	vmul.f32 v8, v9;
	[tilespmem:s4+$0x1710] =	vst v6  }
0xba: {  	s21 =	sadd.s32 $0x1, s21;
	v0 =	vmul.f32 v0, v5;
	v1 =	vmul.f32 v1, v14;
	[tilespmem:s4+$0x1720] =	vst v7  }
0xbb: {  	p0 =	sne.s32 s21, $0x39;
	v2 =	vmul.f32 v2, v5;
	v3 =	vmul.f32 v3, v15;
	[tilespmem:s4+$0x1730] =	vst v62  }
.Ltmp2:
0xbc: {  	v0 =	vmul.f32 v0, v61;
	[tilespmem:s4+$0x1740] =	vst v1;
	(pc) =	sbr.rel @p0 .LBB2_2-.Ltmp2, $4  }
0xbd: {  	v63 =	vmul.f32 v2, v13;
	[tilespmem:s4+$0x1750] =	vst v3  }
0xbe: {  	[tilespmem:s4+$0x1760] =	vst v0  }
0xbf: {  	[tilespmem:s4+$0x1770] =	vst v63  }
0xc0: {  	[spmem:s3] =	stream.indirect.scatter.add.f32 [tilespmem:s14], [sflag:$0x8], $0x80, s10, s28, $0xb8;
	[tilespmem:$0x19300] =	vst v63  }
0xc1: {  	s4 =	simm.s32 $0x8  }
0xc2: {  	_ =	swait.ge [sflag:s4], $0x1400  }
0xc3: {  	[sflag:s4] =	ssyncset.done $0x0  }
0xc4: {  	[sflag:s4] =	ssyncadd.s32 $0xFFFFEC00  }
0xc5: {  	_ =	swait.ge [sflag:s15], $0x1400  }
0xc6: {  	[sflag:s15] =	ssyncset.done $0x0  }
0xc7: {  	[sflag:s15] =	ssyncadd.s32 $0xFFFFEC00  }
0xc8: {  	_ =	swait.ge [sflag:s15], $0x28  }
0xc9: {  	[sflag:s15] =	ssyncset.done $0x0  }
0xca: {  	[sflag:s15] =	ssyncadd.s32 $0xFFFFFFD8  }
0xcb: {  	_ =	swait.ge [sflag:s15], $0x28  }
0xcc: {  	[sflag:s15] =	ssyncset.done $0x0  }
0xcd: {  	[sflag:s15] =	ssyncadd.s32 $0xFFFFFFD8  }
0xce: {  	_ =	swait.ge [sflag:s16], $0x1400  }
0xcf: {  	[sflag:s16] =	ssyncset.done $0x0  }
0xd0: {  	s4 =	simm.s32 $0x0;
	[sflag:s16] =	ssyncadd.s32 $0xFFFFEC00  }
0xd1: {  	v4 =	vld [tilespmem:s4+$0x2B00]  }
0xd2: {  	v6 =	vld [tilespmem:s4+$0x2B10]  }
0xd3: {  	v7 =	vld [tilespmem:s4+$0x2B20]  }
0xd4: {  	v8 =	vld [tilespmem:s4+$0x2B30]  }
0xd5: {  	v1 =	vld [tilespmem:s4+$0x2B40]  }
0xd6: {  	v3 =	vld [tilespmem:s4+$0x2B50]  }
0xd7: {  	v0 =	vld [tilespmem:s4+$0x2B60]  }
0xd8: {  	s12 =	simm.s32 $0x200;
	v2 =	vld [tilespmem:s4+$0x2B70]  }
0xd9: {  	s13 =	simm.s32 $0x200;
	v5 =	vld.msk [tilespmem:s12+$0x0 ss:$0x0], $0xffff  }
.LBB2_8:
0xda: {  	p0 =	sne.s32 s13, $0x4E00;
	v9 =	vld [tilespmem:s4+$0x330]  }
0xdb: {  	v10 =	vld [tilespmem:s4+$0x310]  }
0xdc: {  	v11 =	vld [tilespmem:s4+$0x300]  }
0xdd: {  	v12 =	vld [tilespmem:s4+$0x320]  }
0xde: {  	v13 =	vld [tilespmem:s4+$0x370]  }
0xdf: {  	v4 =	vmul.f32 v4, v5;
	v6 =	vmul.f32 v6, v5;
	v14 =	vld [tilespmem:s4+$0x350]  }
0xe0: {  	v7 =	vmul.f32 v7, v5;
	v8 =	vmul.f32 v8, v5;
	v15 =	vld [tilespmem:s4+$0x340]  }
0xe1: {  	v10 =	vmul.f32 v6, v10;
	v11 =	vmul.f32 v4, v11;
	v16 =	vld [tilespmem:s4+$0x360]  }
0xe2: {  	s21 =	sshra.s32 s13, $0x2;
	v9 =	vmul.f32 v8, v9;
	v12 =	vmul.f32 v7, v12  }
0xe3: {  	v1 =	vmul.f32 v1, v5;
	v3 =	vmul.f32 v3, v5;
	v4 =	vld [tilespmem:s21+$0x2B00];
	[tilespmem:s4+$0x300] =	vst v11  }
0xe4: {  	v0 =	vmul.f32 v0, v5;
	v2 =	vmul.f32 v2, v5;
	v6 =	vld [tilespmem:s21+$0x2B10];
	[tilespmem:s4+$0x310] =	vst v10  }
0xe5: {  	v10 =	vmul.f32 v3, v14;
	v7 =	vld [tilespmem:s21+$0x2B20];
	[tilespmem:s4+$0x320] =	vst v12;
	v5 =	vmul.f32 v1, v15  }
0xe6: {  	v11 =	vmul.f32 v2, v13;
	v8 =	vld [tilespmem:s21+$0x2B30];
	[tilespmem:s4+$0x330] =	vst v9;
	v9 =	vmul.f32 v0, v16  }
.Ltmp3:
0xe7: {  	v1 =	vld [tilespmem:s21+$0x2B40];
	[tilespmem:s4+$0x340] =	vst v5;
	(pc) =	sbr.rel @p0 .LBB2_8-.Ltmp3, $4  }
0xe8: {  	v3 =	vld [tilespmem:s21+$0x2B50];
	[tilespmem:s4+$0x350] =	vst v10  }
0xe9: {  	v0 =	vld [tilespmem:s21+$0x2B60];
	[tilespmem:s4+$0x360] =	vst v9  }
0xea: {  	s12 =	sadd.s32 $0x1, s12;
	v2 =	vld [tilespmem:s21+$0x2B70];
	[tilespmem:s4+$0x370] =	vst v11;
	s4 =	smov.u32 s21  }
0xeb: {  	s13 =	sadd.s32 $0x200, s13;
	v5 =	vld.msk [tilespmem:s12+$0x0 ss:$0x0], $0xffff  }
0xec: {  	_ = 	snop  }
0xed: {  	v10 =	vld [tilespmem:s4+$0x300]  }
0xee: {  	v11 =	vld [tilespmem:s4+$0x310]  }
0xef: {  	v12 =	vld [tilespmem:s4+$0x320]  }
0xf0: {  	v9 =	vld [tilespmem:s4+$0x330];
	v4 =	vmul.f32 v4, v5  }
0xf1: {  	v14 =	vld [tilespmem:s4+$0x340];
	v6 =	vmul.f32 v6, v5  }
0xf2: {  	v15 =	vld [tilespmem:s4+$0x350];
	v7 =	vmul.f32 v7, v5;
	v4 =	vmul.f32 v4, v10  }
0xf3: {  	v61 =	vld [tilespmem:s4+$0x360];
	v8 =	vmul.f32 v8, v5;
	v6 =	vmul.f32 v6, v11  }
0xf4: {  	v13 =	vld [tilespmem:s4+$0x370];
	v1 =	vmul.f32 v1, v5;
	v7 =	vmul.f32 v7, v12;
	[tilespmem:s4+$0x300] =	vst v4  }
0xf5: {  	v3 =	vmul.f32 v3, v5;
	v62 =	vmul.f32 v8, v9;
	[tilespmem:s4+$0x310] =	vst v6  }
0xf6: {  	v0 =	vmul.f32 v0, v5;
	v1 =	vmul.f32 v1, v14;
	[tilespmem:s4+$0x320] =	vst v7  }
0xf7: {  	v2 =	vmul.f32 v2, v5;
	v3 =	vmul.f32 v3, v15;
	[tilespmem:s4+$0x330] =	vst v62  }
0xf8: {  	v0 =	vmul.f32 v0, v61;
	[tilespmem:s4+$0x340] =	vst v1  }
0xf9: {  	v63 =	vmul.f32 v2, v13;
	[tilespmem:s4+$0x350] =	vst v3  }
0xfa: {  	[tilespmem:s4+$0x360] =	vst v0  }
0xfb: {  	[tilespmem:s4+$0x370] =	vst v63  }
0xfc: {  	[spmem:s3] =	stream.indirect.scatter.add.f32 [tilespmem:s29], [sflag:$0x7], $0x80, s25, s28, $0xb8;
	[tilespmem:$0x19300] =	vst v63  }
0xfd: {  	_ =	swait.ge [sflag:s17], $0x1400  }
0xfe: {  	[sflag:s17] =	ssyncset.done $0x0  }
0xff: {  	[sflag:s17] =	ssyncadd.s32 $0xFFFFEC00  }
0x100: {  	[bflag:$0x0] =	sbarrier.arrive $0xFFFF  }
0x101: {  	s24 =	rddreg [dreg:$0x6]  }
0x102: {  	s12 =	rddreg [dreg:$0xd]  }
0x103: {  	s26 =	simm.s32 $0xA;
	s13 =	rddreg [dreg:$0xf];
	s4 =	sor.u32 $0x1C0A, s24  }
0x104: {  	[hbm:s12], [sflag:s4] =	dma.local [spmem:s13], $0x2800  }
0x105: {  	_ =	swait.ge [sflag:s26], $0x2800  }
0x106: {  	s21 =	rddreg [dreg:$0x10]  }
0x107: {  	s31 =	rddreg [dreg:$0xe];
	s21 =	sadd.s32 $0x1, s21  }
0x108: {  	p0 =	sne.s32 s21, s31  }
.Ltmp4:
0x109: {  	_ = 	snop;
	(pc) =	sbr.rel @p0 .LBB2_1-.Ltmp4, $3  }
0x10a: {  	_ =	sdelay $0x1  }
0x10b: {  	[sflag:s26] =	ssyncset.done $0x0  }
0x10c: {  	[sflag:s26] =	ssyncadd.s32 $0xFFFFD800  }
0x10d: {  	_ =	sfence.sel $0x180000  }
0x10e: {  	[bflag:$0x0] =	sbarrier.arrive $0xFFFF  }
0x10f: {  	_ =	strace $0x9000004A  }
0x110: {  	s0 =	stileid.u32;
	[bflag:$0x2] =	sbarrier.arrive $0xFFFF  }
0x111: {  	p0 =	sne.s32 s0, $0x0;
	s0 =	rddreg [dreg:$0x4]  }
0x112: {  	s0 =	sadd.s32 @!p0 $0x100000, s0  }
0x113: {  	[sflag:s0] =	ssyncadd.tile.s32 @!p0 $0x1;
	_ =	shalt  }
.Lfunc_end2:
_tile_overlayer_lowered:
.L_overlay_start_2:
0x114: {  	(tag) =	ssettag $0x2  }
0x115: {  	s0 =	rddreg [dreg:$0x0];
	s2 =	stileid.u32  }
0x116: {  	s1 =	rddreg [dreg:$0x1];
	p0 =	sne.s32 s2, $0x0  }
0x117: {  	s3 =	rddreg [dreg:$0x2];
	[bflag:$0x3] =	sbarrier.arrive $0xFFFF;
	s2 =	simm.s32 @!p0 $0x1C0A  }
0x118: {  	[timem:s3], [sflag:s2] =	dma.local @!p0 [hbm:s0], s1  }
0x119: {  	s0 =	simm.s32 @!p0 $0xA  }
0x11a: {  	_ =	swait.ge @!p0 [sflag:s0], s1  }
0x11b: {  	s1 =	ssub.s32 @!p0 $0x0, s1;
	[sflag:s0] =	ssyncset.done @!p0 $0x0  }
0x11c: {  	[sflag:s0] =	ssyncadd.s32 @!p0 s1  }
0x11d: {  	[bflag:$0x3] =	sbarrier.arrive $0xFFFF  }
0x11e: {  	_ =	shalt  }

// kernel: kernel.17.cloned.1.call-start
scs
__scs_entry_jumppad:
0x0: {  	(pc) =	sbr.rel $0x88, $3  }
0x1: {  	(tag) =	ssettag $0x0;
	lr =	simm.s32 $0x1  }
0x2: {  	[smem:$0x3F96] =	sst lr;
	_ =	strace $0xD0000000  }
0x3: {  	_ = 	snop  }
0x4: {  	_ = 	snop  }
0x5: {  	_ = 	snop  }
0x6: {  	_ = 	snop  }
0x7: {  	_ = 	snop  }
__scs_overlays_trampoline_lowered:
0x8: {  	[smem:$0x3FA5] =	sst s0  }
0x9: {  	[smem:$0x3FA6] =	sst s1  }
0xa: {  	[smem:$0x3FA7] =	sst s2  }
0xb: {  	[smem:$0x3FA8] =	sst s3  }
0xc: {  	[smem:$0x3FA9] =	sst s4  }
0xd: {  	[smem:$0x3FAA] =	sst s5  }
0xe: {  	[smem:$0x3FAB] =	sst s6  }
0xf: {  	[smem:$0x3FAC] =	sst s7  }
0x10: {  	[smem:$0x3FAD] =	sst s8  }
0x11: {  	[smem:$0x3FAE] =	sst s9;
	s0 =	simm.s32 @!p0 $0x0  }
0x12: {  	s1 =	sld [smem:$0x3F94];
	s0 =	simm.s32 @p0 $0x1  }
0x13: {  	[smem:$0x3FAF] =	sst s0;
	s0 =	simm.s32 @!p1 $0x0  }
0x14: {  	s2 =	sld [smem:$0x3F93];
	s0 =	simm.s32 @p1 $0x1  }
0x15: {  	[smem:$0x3FB0] =	sst s0;
	s0 =	simm.s32 @!p2 $0x0  }
0x16: {  	s3 =	sld [smem:$0x3FDB];
	s0 =	simm.s32 @p2 $0x1  }
0x17: {  	s4 =	simm.s32 $0x1BF5;
	[smem:$0x3FB2] =	sst s0  }
0x18: {  	s0 =	sld [smem:$0x3F95];
	_ =	swait.ge [sflag:s4], $0x0  }
0x19: {  	s7 =	sld [smem:$0x3F96]  }
0x1a: {  	s8 =	sadd.s32 $0xFFFFE003, lr  }
0x1b: {  	s9 =	sadd.s32 $0xFFFFFEF7, lr;
	s5 =	simm.s32 $0xFFFFFFFF;
	p2 =	slt.u32 s8, $0xFFFFF086  }
0x1c: {  	p1 =	slt.u32 s9, $0xF7A;
	s5 =	simm.s32 @!p2 $0x0  }
0x1d: {  	s5 =	simm.s32 @p1 $0x1;
	p0 =	seq.s32 s7, s2  }
0x1e: {  	s7 =	smul.u32 @!p0 $0xF7A, s2;
	p2 =	seq.s32 @!p0 s5, $0x0  }
0x1f: {  	s9 =	smul.u32 $0xF7A, s1;
	s8 =	simm.s32 @!p0 $0x1BF5;
	p2 =	por !p2, p0  }
0x20: {  	[sflag:s8] =	ssyncset.s32 @!p0 $0xFFFFF086;
	s6 =	sadd.s32 @!p0 s3, s7;
	s7 =	simm.s32 @!p0 $0x108  }
0x21: {  	s3 =	sadd.s32 s3, s9;
	s6 =	sadd.s32 @!p0 $0x88, s6;
	s7 =	simm.s32 @p2 $0x1082  }
0x22: {  	[simem:s7], [sflag:s8] =	dma.local @!p0 [hbm:s6], $0xF7A  }
0x23: {  	s9 =	sor.u32 $0xD0000000, s2;
	s6 =	simm.s32 $0x108;
	_ =	swait.ge @!p0 [sflag:s8], $0x0  }
0x24: {  	s3 =	sadd.s32 $0x88, s3;
	s6 =	simm.s32 @!p1 $0x1082;
	[sflag:s4] =	ssyncset.s32 $0xFFFFF086  }
0x25: {  	[simem:s6], [sflag:s4] =	dma.local [hbm:s3], $0xF7A  }
0x26: {  	[smem:$0x3F96] =	sst s1;
	(tag) =	ssettag s2;
	_ =	strace s9  }
0x27: {  	s1 =	sld [smem:$0x3FA6]  }
0x28: {  	s2 =	sld [smem:$0x3FA7]  }
0x29: {  	s4 =	sld [smem:$0x3FA9]  }
0x2a: {  	p0 =	seq.s32 s5, $0x0;
	s5 =	sld [smem:$0x3FAA]  }
0x2b: {  	s6 =	sld [smem:$0x3FAB]  }
0x2c: {  	s7 =	sld [smem:$0x3FAC]  }
0x2d: {  	s3 =	simm.s32 $0x108;
	s8 =	sld [smem:$0x3FAD]  }
0x2e: {  	s3 =	simm.s32 @!p0 $0x1082;
	s9 =	sld [smem:$0x3FAE]  }
0x2f: {  	lr =	sadd.s32 s0, s3;
	s0 =	sld [smem:$0x3FA5]  }
0x30: {  	s3 =	sld [smem:$0x3FA8]  }
0x31: {  	[smem:$0x3FB1] =	sst s10  }
0x32: {  	s10 =	sld [smem:$0x3FAF];
	_ =	sdelay $0x3  }
0x33: {  	p0 =	seq.s32 s10, $0x1;
	s10 =	sld [smem:$0x3FB1];
	_ =	sdelay $0x3  }
0x34: {  	[smem:$0x3FB1] =	sst s10  }
0x35: {  	s10 =	sld [smem:$0x3FB0];
	_ =	sdelay $0x3  }
0x36: {  	p1 =	seq.s32 s10, $0x1;
	s10 =	sld [smem:$0x3FB1];
	_ =	sdelay $0x3  }
0x37: {  	[smem:$0x3FB1] =	sst s10  }
0x38: {  	s10 =	sld [smem:$0x3FB2]  }
0x39: {  	_ = 	snop;
	(pc) =	sbr.ind lr, $3  }
0x3a: {  	_ = 	snop  }
0x3b: {  	_ = 	snop  }
0x3c: {  	p2 =	seq.s32 s10, $0x1;
	s10 =	sld [smem:$0x3FB1]  }
0x3d: {  	_ =	shalt  }
0x3e: {  	_ =	shalt  }
0x3f: {  	_ =	shalt  }
0x40: {  	_ =	shalt  }
0x41: {  	_ =	shalt  }
0x42: {  	_ =	shalt  }
0x43: {  	_ =	shalt  }
0x44: {  	_ =	shalt  }
0x45: {  	_ =	shalt  }
0x46: {  	_ =	shalt  }
0x47: {  	_ =	shalt  }
0x48: {  	_ =	shalt  }
0x49: {  	_ =	shalt  }
0x4a: {  	_ =	shalt  }
0x4b: {  	_ =	shalt  }
0x4c: {  	_ =	shalt  }
0x4d: {  	_ =	shalt  }
0x4e: {  	_ =	shalt  }
0x4f: {  	_ =	shalt  }
0x50: {  	_ =	shalt  }
0x51: {  	_ =	shalt  }
0x52: {  	_ =	shalt  }
0x53: {  	_ =	shalt  }
0x54: {  	_ =	shalt  }
0x55: {  	_ =	shalt  }
0x56: {  	_ =	shalt  }
0x57: {  	_ =	shalt  }
0x58: {  	_ =	shalt  }
0x59: {  	_ =	shalt  }
0x5a: {  	_ =	shalt  }
0x5b: {  	_ =	shalt  }
0x5c: {  	_ =	shalt  }
0x5d: {  	_ =	shalt  }
0x5e: {  	_ =	shalt  }
0x5f: {  	_ =	shalt  }
0x60: {  	_ =	shalt  }
0x61: {  	_ =	shalt  }
0x62: {  	_ =	shalt  }
0x63: {  	_ =	shalt  }
0x64: {  	_ =	shalt  }
0x65: {  	_ =	shalt  }
0x66: {  	_ =	shalt  }
0x67: {  	_ =	shalt  }
0x68: {  	_ =	shalt  }
0x69: {  	_ =	shalt  }
0x6a: {  	_ =	shalt  }
0x6b: {  	_ =	shalt  }
0x6c: {  	_ =	shalt  }
0x6d: {  	_ =	shalt  }
0x6e: {  	_ =	shalt  }
0x6f: {  	_ =	shalt  }
0x70: {  	_ =	shalt  }
0x71: {  	_ =	shalt  }
0x72: {  	_ =	shalt  }
0x73: {  	_ =	shalt  }
0x74: {  	_ =	shalt  }
0x75: {  	_ =	shalt  }
0x76: {  	_ =	shalt  }
0x77: {  	_ =	shalt  }
0x78: {  	_ =	shalt  }
0x79: {  	_ =	shalt  }
0x7a: {  	_ =	shalt  }
0x7b: {  	_ =	shalt  }
0x7c: {  	_ =	shalt  }
0x7d: {  	_ =	shalt  }
0x7e: {  	_ =	shalt  }
0x7f: {  	_ =	shalt  }
0x80: {  	_ =	shalt  }
0x81: {  	_ =	shalt  }
0x82: {  	_ =	shalt  }
0x83: {  	_ =	shalt  }
0x84: {  	_ =	shalt  }
0x85: {  	_ =	shalt  }
0x86: {  	_ =	shalt  }
0x87: {  	_ =	shalt  }
.Lfunc_end0:
.L_simem_size_0:
called_computation.2_lowered:
.L_overlay_start_0:
0x88: {  	s2 =	sld [smem:$0x3FD9]  }
0x89: {  	s3 =	sld [smem:$0x3FFE];
	_ =	sdelay $0x1  }
0x8a: {  	s1 =	srdreg.scid  }
0x8b: {  	s0 =	sand.u32 $0x1, s1  }
0x8c: {  	s17 =	sshll.u32 s0, $0xA;
	s2 =	sadd.s32 s3, s2  }
0x8d: {  	s2 =	sadd.s32 s2, s17  }
0x8e: {  	[smem:$0x3FBD] =	sst s2  }
0x8f: {  	_ = 	snop  }
0x90: {  	s2 =	sld [smem:$0x3FC7]  }
0x91: {  	s18 =	sld [smem:$0x3FC6];
	(tm) =	ssettm $0x1  }
0x92: {  	s4 =	sld [smem:$0x3FFB];
	_ =	sdelay $0x3  }
0x93: {  	_ =	strace s4  }
0x94: {  	s4 =	sld [smem:$0x3FFC];
	_ =	sdelay $0x3  }
0x95: {  	_ =	strace s4  }
0x96: {  	s4 =	sld [smem:$0x3FFD];
	_ =	sdelay $0x3  }
0x97: {  	_ =	strace s4  }
0x98: {  	_ =	strace $0x8FFFFFFF  }
0x99: {  	s19 =	sld [smem:$0x3FDB];
	_ =	sdelay $0x1  }
0x9a: {  	s5 =	simm.s32 $_scs_section_size  }
0x9b: {  	s6 =	simm.s32 $_size__tile_overlayer_lowered;
	s7 =	simm.s32 $_tile_overlayer_lowered  }
0x9c: {  	s22 =	simm.s32 $0x1BFF;
	s21 =	sshll.u32 s7, $0x1;
	s4 =	sadd.s32 s5, s19  }
0x9d: {  	s8 =	simm.s32 $0x0;
	s20 =	sshll.u32 s6, $0x1;
	s6 =	sadd.s32 s21, s4  }
0x9e: {  	[timem:s8], [sflag:s22] =	dma.local [hbm:s6], s20  }
0x9f: {  	_ =	swait.ge [sflag:s22], s20  }
0xa0: {  	s5 =	ssub.s32 $0x0, s20;
	[sflag:s22] =	ssyncset.done $0x0  }
0xa1: {  	[sflag:s22] =	ssyncadd.s32 s5;
	_ =	sdelay $0x1  }
0xa2: {  	s23 =	simm.s32 $0x1B8B  }
0xa3: {  	_ =	swait.ge [sflag:s23], $0x1  }
0xa4: {  	[sflag:s23] =	ssyncset.done $0x0  }
0xa5: {  	s25 =	simm.s32 $0x1B8E;
	s24 =	sld [smem:$0x3FFE];
	[sflag:s23] =	ssyncadd.s32 $0xFFFFFFFF  }
0xa6: {  	s26 =	simm.s32 $execute0_lowered;
	[smem:$0x3FD2] =	sst s25  }
0xa7: {  	s6 =	sshll.u32 s26, $0x1;
	_ =	strace $0x8000004C;
	[dreg:$0x1] =	wrdreg $0xFFFFFFFF  }
0xa8: {  	s28 =	simm.s32 $_size_execute0_lowered;
	s4 =	sadd.s32 s4, s6;
	[dreg:$0x0] =	wrdreg $0x0  }
0xa9: {  	s6 =	sshll.u32 s28, $0x1;
	[dreg:$0x2] =	wrdreg s4  }
0xaa: {  	[dreg:$0x3] =	wrdreg s6  }
0xab: {  	[dreg:$0x4] =	wrdreg $0xC0  }
0xac: {  	_ =	task [dreg:s8], $0x5FFFF  }
0xad: {  	[dreg:$0x1] =	wrdreg $0xFFFFFFFF  }
0xae: {  	[dreg:$0x0] =	wrdreg $0x60  }
0xaf: {  	[dreg:$0x2] =	wrdreg s24  }
0xb0: {  	[dreg:$0x3] =	wrdreg s2  }
0xb1: {  	[dreg:$0x4] =	wrdreg s18  }
0xb2: {  	[dreg:$0x5] =	wrdreg $0x53000  }
0xb3: {  	[dreg:$0x6] =	wrdreg $0x9  }
0xb4: {  	_ =	task.clear_ibuf [dreg:s8], $0x7FFFF;
	_ =	strace $0x9000004C  }
0xb5: {  	s29 =	simm.s32 $0x9;
	_ =	strace $0x8000004E  }
0xb6: {  	_ =	swait.ge [sflag:s29], $0x1  }
0xb7: {  	[sflag:s29] =	ssyncadd.s32 $0xFFFFFFFF  }
0xb8: {  	_ =	strace $0x9000004E  }
0xb9: {  	_ =	sfence  }
0xba: {  	s30 =	sld [smem:$0x0];
	_ =	sdelay $0x2  }
0xbb: {  	s31 =	sshll.u32 s1, $0xD;
	s1 =	sshrl.u32 s1, $0x2  }
0xbc: {  	s3 =	sand.u32 $0x4000, s31;
	s1 =	sadd.s32 s1, s30  }
0xbd: {  	s0 =	sor.u32 s3, s0;
	s1 =	sshll.u32 s1, $0x11  }
0xbe: {  	s0 =	sor.u32 s1, s0  }
0xbf: {  	s0 =	sadd.s32 $0x8F2B, s0  }
0xc0: {  	[sflag:s0] =	ssyncadd.remote.s32 $0x1  }
0xc1: {  	_ =	sfence.sel $0xFFFF  }
0xc2: {  	[dreg:$0x0] =	wrdreg $0xFFFFFFFF;
	(pc) =	sbr.abs _section_cstart, $3  }
0xc3: {  	[dreg:$0x1] =	wrdreg $0xFFFFFFFF  }
0xc4: {  	_ =	task.clear_ibuf [dreg:s8], $0x2FFFF;
	_ =	strace $0x9FFFFFFF  }
0xc5: {  	(tm) =	ssettm $0x7FFFFFFF  }
tec
execute0_lowered:
.L_overlay_start_1:
0x0: {  	(tag) =	ssettag $0x1  }
0x1: {  	s0 =	rddreg [dreg:$0x0]  }
0x2: {  	s1 =	rddreg [dreg:$0x1]  }
0x3: {  	s2 =	rddreg [dreg:$0x2]  }
0x4: {  	s3 =	rddreg [dreg:$0x3];
	s5 =	simm.s32 $0x0;
	s4 =	srdreg.scid  }
0x5: {  	s14 =	stileid.u32;
	s28 =	simm.s32 $0x28;
	s29 =	simm.s32 $0x300  }
0x6: {  	s30 =	simm.s32 $0x80;
	s15 =	simm.s32 $0x3;
	s16 =	simm.s32 $0x1  }
0x7: {  	s17 =	simm.s32 $0x7;
	[smem:$0x7FF] =	sst s5;
	s4 =	sand.u32 $0x1, s4  }
0x8: {  	s10 =	smul.u32 $0x280, s14;
	s6 =	sadd.s32 $0xE600, s0;
	s7 =	sadd.s32 $0x350800, s0  }
0x9: {  	s8 =	sadd.s32 $0x4800, s0;
	s18 =	sshll.u32 s14, $0x1;
	s19 =	smul.u32 $0x50000, s14  }
0xa: {  	s14 =	sshll.u32 s14, $0x6;
	s9 =	smul.u32 $0x2800, s4;
	_ =	strace $0x8000004D  }
0xb: {  	s11 =	ssub.s32 $0x2, s4;
	s4 =	sor.u32 s4, s18;
	[dreg:$0x6] =	wrdreg s14  }
0xc: {  	s14 =	sor.u32 $0x1C09, s14;
	s18 =	simm.s32 $0x4;
	s13 =	sshrl.u32 s11, $0x1  }
0xd: {  	[dreg:$0x7] =	wrdreg s14;
	s14 =	simm.s32 $0x1700;
	s9 =	sadd.s32 s10, s9  }
0xe: {  	s10 =	sshrl.u32 s19, $0x2;
	s12 =	sshll.u32 s9, $0x4;
	s9 =	smul.u32 $0x11F8, s4  }
0xf: {  	s20 =	ssub.s32 s11, s13;
	s10 =	sadd.s32 s10, s3;
	s4 =	smul.u32 $0x11F80, s4  }
0x10: {  	s31 =	smax.u32 s20, $0x1;
	s20 =	simm.s32 $0x2;
	s0 =	sadd.s32 s12, s0  }
0x11: {  	[dreg:$0xe] =	wrdreg s31;
	s21 =	sadd.s32 $0x35800, s0;
	s11 =	sadd.s32 $0x2A300, s9  }
0x12: {  	s24 =	sadd.s32 $0x2A328, s9;
	s4 =	sadd.s32 s7, s4;
	[dreg:$0x5] =	wrdreg s21  }
0x13: {  	s0 =	sadd.s32 $0x85800, s0;
	s22 =	sshrl.u32 s11, $0x3;
	[dreg:$0x9] =	wrdreg s4  }
0x14: {  	s19 =	sadd.s32 $0x2A378, s9;
	[dreg:$0xd] =	wrdreg s0;
	s23 =	sadd.s32 s1, s22  }
0x15: {  	s26 =	sshrl.u32 s24, $0x3;
	s25 =	sadd.s32 s2, s22;
	[dreg:$0x8] =	wrdreg s23  }
0x16: {  	s0 =	simm.s32 $0x6;
	s13 =	sadd.s32 s8, s22;
	[dreg:$0xa] =	wrdreg s25  }
0x17: {  	s21 =	simm.s32 $0x0;
	s4 =	sadd.s32 s1, s26;
	[dreg:$0xb] =	wrdreg s13  }
0x18: {  	[dreg:$0xc] =	wrdreg s4;
	s13 =	sshrl.u32 s10, $0x3;
	s23 =	simm.s32 $0x5  }
0x19: {  	s25 =	simm.s32 $0x100;
	s10 =	simm.s32 $0x180;
	[dreg:$0xf] =	wrdreg s13  }
.LBB2_1:
0x1a: {  	[dreg:$0x10] =	wrdreg s21  }
0x1b: {  	s4 =	rddreg [dreg:$0x5]  }
0x1c: {  	s12 =	rddreg [dreg:$0x7]  }
0x1d: {  	[spmem:s13], [sflag:s12] =	dma.local [hbm:s4], $0x2800  }
0x1e: {  	s4 =	rddreg [dreg:$0x8]  }
0x1f: {  	[tilespmem:s5], [sflag:$0x5] =	stream.linear.gather [hbm4b:s4+s5], $0x28, $0x38;
	[tilespmem:$0x19300] =	vst v63  }
0x20: {  	_ =	swait.ge [sflag:s23], $0x28  }
0x21: {  	[sflag:s23] =	ssyncset.done $0x0  }
0x22: {  	s13 =	simm.s32 $0x2B00;
	s12 =	rddreg [dreg:$0x9];
	[sflag:s23] =	ssyncadd.s32 $0xFFFFFFD8  }
0x23: {  	[tilespmem:s13], [sflag:$0x3] =	stream.linear.gather [hbm4b:s12+s5], $0x1400, $0x38;
	[tilespmem:$0x19300] =	vst v63  }
0x24: {  	s21 =	rddreg [dreg:$0xa]  }
0x25: {  	[tilespmem:s25], [sflag:$0x3] =	stream.linear.gather [hbm4b:s21+s5], $0x28, $0x38;
	[tilespmem:$0x19300] =	vst v63  }
0x26: {  	s24 =	simm.s32 $0x200;
	s22 =	rddreg [dreg:$0xb]  }
0x27: {  	[tilespmem:s24], [sflag:$0x3] =	stream.linear.gather [hbm4b:s22+s5], $0x28, $0x38;
	[tilespmem:$0x19300] =	vst v63  }
0x28: {  	_ = 	snop  }
0x29: {  	[tilespmem:s29], [sflag:$0x1] =	stream.indirect.gather [hbm4b:s6+s28], $0x80, s5, s28, $0xb8;
	[tilespmem:$0x19300] =	vst v63  }
0x2a: {  	s31 =	simm.s32 $0x9;
	s26 =	rddreg [dreg:$0xc]  }
0x2b: {  	[tilespmem:s30], [sflag:$0x6] =	stream.linear.gather [hbm4b:s26+s5], $0x28, $0x38;
	[tilespmem:$0x19300] =	vst v63  }
0x2c: {  	_ =	swait.ge [sflag:s31], $0x2800  }
0x2d: {  	[sflag:s31] =	ssyncset.done $0x0  }
0x2e: {  	[sflag:s31] =	ssyncadd.s32 $0xFFFFD800  }
0x2f: {  	s21 =	simm.s32 $0x0;
	[bflag:$0x0] =	sbarrier.arrive $0xFFFF  }
.LBB2_2:
0x30: {  	p0 =	seq.s32 s21, $0x0  }
0x31: {  	s4 =	simm.s32 @!p0 $0x8  }
0x32: {  	s12 =	smul.u32 @!p0 $0x50, s21;
	_ =	swait.ge @!p0 [sflag:s4], $0x1400  }
0x33: {  	[sflag:s4] =	ssyncset.done @!p0 $0x0  }
0x34: {  	[sflag:s4] =	ssyncadd.s32 @!p0 $0xFFFFEC00;
	s4 =	sadd.s32 @!p0 $0x28, s12  }
0x35: {  	s24 =	simm.s32 $0x0;
	s4 =	simm.s32 @p0 $0x28  }
0x36: {  	s22 =	simm.s32 $0x3F00;
	_ =	swait.ge [sflag:s0], $0x28;
	s13 =	sadd.s32 s9, s4  }
0x37: {  	[sflag:s0] =	ssyncset.done $0x0;
	s4 =	sadd.s32 s11, s4;
	s13 =	sshll.u32 s13, $0x4  }
0x38: {  	[sflag:s0] =	ssyncadd.s32 $0xFFFFFFD8;
	s4 =	sshrl.u32 s4, $0x3;
	s13 =	sadd.s32 s7, s13  }
0x39: {  	[tilespmem:s22], [sflag:$0x4] =	stream.linear.gather [hbm4b:s13+s24], $0x1400, $0x38;
	[tilespmem:$0x19300] =	vst v63  }
0x3a: {  	s26 =	sadd.s32 s2, s4  }
0x3b: {  	[tilespmem:s10], [sflag:$0x4] =	stream.linear.gather [hbm4b:s26+s24], $0x28, $0x38;
	[tilespmem:$0x19300] =	vst v63  }
0x3c: {  	s4 =	sadd.s32 s8, s4;
	s22 =	simm.s32 $0x280  }
0x3d: {  	[tilespmem:s22], [sflag:$0x4] =	stream.linear.gather [hbm4b:s4+s24], $0x28, $0x38;
	[tilespmem:$0x19300] =	vst v63  }
0x3e: {  	_ = 	snop  }
0x3f: {  	[tilespmem:s14], [sflag:$0x2] =	stream.indirect.gather [hbm4b:s6+s28], $0x80, s30, s28, $0xb8;
	[tilespmem:$0x19300] =	vst v63  }
0x40: {  	_ =	swait.ge [sflag:s15], $0x1400  }
0x41: {  	[sflag:s15] =	ssyncset.done $0x0  }
0x42: {  	[sflag:s15] =	ssyncadd.s32 $0xFFFFEC00  }
0x43: {  	_ =	swait.ge [sflag:s15], $0x28  }
0x44: {  	[sflag:s15] =	ssyncset.done $0x0  }
0x45: {  	[sflag:s15] =	ssyncadd.s32 $0xFFFFFFD8  }
0x46: {  	_ =	swait.ge [sflag:s15], $0x28  }
0x47: {  	s12 =	simm.s32 @p0 $0x0;
	[sflag:s15] =	ssyncset.done $0x0  }
0x48: {  	s31 =	sadd.s32 $0x50, s12;
	[sflag:s15] =	ssyncadd.s32 $0xFFFFFFD8  }
0x49: {  	s26 =	sadd.s32 s11, s31;
	_ =	swait.ge [sflag:s16], $0x1400  }
0x4a: {  	s22 =	sshrl.u32 s26, $0x3;
	[sflag:s16] =	ssyncset.done $0x0  }
0x4b: {  	s4 =	sadd.s32 s1, s22;
	[sflag:s16] =	ssyncadd.s32 $0xFFFFEC00  }
0x4c: {  	[tilespmem:s24], [sflag:$0x5] =	stream.linear.gather [hbm4b:s4+s24], $0x28, $0x38;
	[tilespmem:$0x19300] =	vst v63  }
0x4d: {  	s4 =	simm.s32 $0x0  }
0x4e: {  	v4 =	vld [tilespmem:s4+$0x2B00]  }
0x4f: {  	v6 =	vld [tilespmem:s4+$0x2B10]  }
0x50: {  	v7 =	vld [tilespmem:s4+$0x2B20]  }
0x51: {  	v8 =	vld [tilespmem:s4+$0x2B30]  }
0x52: {  	v1 =	vld [tilespmem:s4+$0x2B40]  }
0x53: {  	v3 =	vld [tilespmem:s4+$0x2B50]  }
0x54: {  	v0 =	vld [tilespmem:s4+$0x2B60]  }
0x55: {  	s13 =	simm.s32 $0x200;
	v2 =	vld [tilespmem:s4+$0x2B70]  }
0x56: {  	s24 =	simm.s32 $0x200;
	v5 =	vld.msk [tilespmem:s13+$0x0 ss:$0x0], $0xffff  }
.LBB2_3:
0x57: {  	p0 =	sne.s32 s24, $0x4E00;
	v9 =	vld [tilespmem:s4+$0x330]  }
0x58: {  	v10 =	vld [tilespmem:s4+$0x310]  }
0x59: {  	v11 =	vld [tilespmem:s4+$0x300]  }
0x5a: {  	v12 =	vld [tilespmem:s4+$0x320]  }
0x5b: {  	v13 =	vld [tilespmem:s4+$0x370]  }
0x5c: {  	v4 =	vmul.f32 v4, v5;
	v6 =	vmul.f32 v6, v5;
	v14 =	vld [tilespmem:s4+$0x350]  }
0x5d: {  	v7 =	vmul.f32 v7, v5;
	v8 =	vmul.f32 v8, v5;
	v15 =	vld [tilespmem:s4+$0x340]  }
0x5e: {  	v10 =	vmul.f32 v6, v10;
	v11 =	vmul.f32 v4, v11;
	v16 =	vld [tilespmem:s4+$0x360]  }
0x5f: {  	s26 =	sshra.s32 s24, $0x2;
	v9 =	vmul.f32 v8, v9;
	v12 =	vmul.f32 v7, v12  }
0x60: {  	v1 =	vmul.f32 v1, v5;
	v3 =	vmul.f32 v3, v5;
	v4 =	vld [tilespmem:s26+$0x2B00];
	[tilespmem:s4+$0x300] =	vst v11  }
0x61: {  	v0 =	vmul.f32 v0, v5;
	v2 =	vmul.f32 v2, v5;
	v6 =	vld [tilespmem:s26+$0x2B10];
	[tilespmem:s4+$0x310] =	vst v10  }
0x62: {  	v10 =	vmul.f32 v3, v14;
	v7 =	vld [tilespmem:s26+$0x2B20];
	[tilespmem:s4+$0x320] =	vst v12;
	v5 =	vmul.f32 v1, v15  }
0x63: {  	v11 =	vmul.f32 v2, v13;
	v8 =	vld [tilespmem:s26+$0x2B30];
	[tilespmem:s4+$0x330] =	vst v9;
	v9 =	vmul.f32 v0, v16  }
.Ltmp0:
0x64: {  	v1 =	vld [tilespmem:s26+$0x2B40];
	[tilespmem:s4+$0x340] =	vst v5;
	(pc) =	sbr.rel @p0 .LBB2_3-.Ltmp0, $4  }
0x65: {  	v3 =	vld [tilespmem:s26+$0x2B50];
	[tilespmem:s4+$0x350] =	vst v10  }
0x66: {  	v0 =	vld [tilespmem:s26+$0x2B60];
	[tilespmem:s4+$0x360] =	vst v9  }
0x67: {  	s13 =	sadd.s32 $0x1, s13;
	v2 =	vld [tilespmem:s26+$0x2B70];
	[tilespmem:s4+$0x370] =	vst v11;
	s4 =	smov.u32 s26  }
0x68: {  	s24 =	sadd.s32 $0x200, s24;
	v5 =	vld.msk [tilespmem:s13+$0x0 ss:$0x0], $0xffff  }
0x69: {  	_ = 	snop  }
0x6a: {  	v10 =	vld [tilespmem:s4+$0x300]  }
0x6b: {  	v11 =	vld [tilespmem:s4+$0x310]  }
0x6c: {  	v12 =	vld [tilespmem:s4+$0x320]  }
0x6d: {  	v14 =	vld [tilespmem:s4+$0x340];
	v4 =	vmul.f32 v4, v5  }
0x6e: {  	v15 =	vld [tilespmem:s4+$0x350];
	v6 =	vmul.f32 v6, v5  }
0x6f: {  	v9 =	vld [tilespmem:s4+$0x330];
	v7 =	vmul.f32 v7, v5;
	v4 =	vmul.f32 v4, v10  }
0x70: {  	v13 =	vld [tilespmem:s4+$0x370];
	v1 =	vmul.f32 v1, v5;
	v6 =	vmul.f32 v6, v11  }
0x71: {  	v3 =	vmul.f32 v3, v5;
	v10 =	vld [tilespmem:s4+$0x360];
	v7 =	vmul.f32 v7, v12;
	[tilespmem:s4+$0x300] =	vst v4  }
0x72: {  	v8 =	vmul.f32 v8, v5;
	v1 =	vmul.f32 v1, v14;
	[tilespmem:s4+$0x310] =	vst v6  }
0x73: {  	v2 =	vmul.f32 v2, v5;
	v3 =	vmul.f32 v3, v15;
	[tilespmem:s4+$0x320] =	vst v7  }
0x74: {  	v0 =	vmul.f32 v0, v5;
	v4 =	vmul.f32 v8, v9;
	[tilespmem:s4+$0x340] =	vst v1  }
0x75: {  	v1 =	vmul.f32 v2, v13;
	[tilespmem:s4+$0x350] =	vst v3  }
0x76: {  	[tilespmem:s4+$0x330] =	vst v4;
	v0 =	vmul.f32 v0, v10  }
0x77: {  	[tilespmem:s4+$0x370] =	vst v1  }
0x78: {  	[tilespmem:s4+$0x360] =	vst v0  }
0x79: {  	[spmem:s3] =	stream.indirect.scatter.add.f32 [tilespmem:s29], [sflag:$0x7], $0x80, s25, s28, $0xb8;
	[tilespmem:$0x19300] =	vst v63  }
0x7a: {  	_ =	swait.ge [sflag:s17], $0x1400  }
0x7b: {  	[sflag:s17] =	ssyncset.done $0x0  }
0x7c: {  	[sflag:s17] =	ssyncadd.s32 $0xFFFFEC00  }
0x7d: {  	s13 =	sadd.s32 s9, s31;
	_ =	swait.ge [sflag:s23], $0x28  }
0x7e: {  	s4 =	sshll.u32 s13, $0x4;
	[sflag:s23] =	ssyncset.done $0x0  }
0x7f: {  	s13 =	simm.s32 $0x2B00;
	s4 =	sadd.s32 s7, s4;
	[sflag:s23] =	ssyncadd.s32 $0xFFFFFFD8  }
0x80: {  	[tilespmem:s13], [sflag:$0x3] =	stream.linear.gather [hbm4b:s4+s5], $0x1400, $0x38;
	[tilespmem:$0x19300] =	vst v63  }
0x81: {  	s24 =	sadd.s32 s2, s22  }
0x82: {  	[tilespmem:s25], [sflag:$0x3] =	stream.linear.gather [hbm4b:s24+s5], $0x28, $0x38;
	[tilespmem:$0x19300] =	vst v63  }
0x83: {  	s26 =	sadd.s32 s8, s22;
	s31 =	simm.s32 $0x200  }
0x84: {  	[tilespmem:s31], [sflag:$0x3] =	stream.linear.gather [hbm4b:s26+s5], $0x28, $0x38;
	[tilespmem:$0x19300] =	vst v63  }
0x85: {  	_ = 	snop  }
0x86: {  	[tilespmem:s29], [sflag:$0x1] =	stream.indirect.gather [hbm4b:s6+s28], $0x80, s5, s28, $0xb8;
	[tilespmem:$0x19300] =	vst v63  }
0x87: {  	_ =	swait.ge [sflag:s18], $0x1400  }
0x88: {  	[sflag:s18] =	ssyncset.done $0x0  }
0x89: {  	[sflag:s18] =	ssyncadd.s32 $0xFFFFEC00  }
0x8a: {  	_ =	swait.ge [sflag:s18], $0x28  }
0x8b: {  	[sflag:s18] =	ssyncset.done $0x0  }
0x8c: {  	[sflag:s18] =	ssyncadd.s32 $0xFFFFFFD8  }
0x8d: {  	_ =	swait.ge [sflag:s18], $0x28  }
0x8e: {  	[sflag:s18] =	ssyncset.done $0x0  }
0x8f: {  	p0 =	seq.s32 s21, $0x38;
	[sflag:s18] =	ssyncadd.s32 $0xFFFFFFD8  }
0x90: {  	s4 =	sadd.s32 @!p0 s12, s19;
	_ =	swait.ge [sflag:s20], $0x1400  }
0x91: {  	s12 =	simm.s32 @!p0 $0x0;
	s4 =	sshrl.u32 @!p0 s4, $0x3;
	[sflag:s20] =	ssyncset.done $0x0  }
0x92: {  	s13 =	simm.s32 @!p0 $0x80;
	s4 =	sadd.s32 @!p0 s1, s4;
	[sflag:s20] =	ssyncadd.s32 $0xFFFFEC00  }
0x93: {  	[tilespmem:s13], [sflag:$0x6] =	stream.linear.gather @!p0 [hbm4b:s4+s12], $0x28, $0x38;
	[tilespmem:$0x19300] =	vst v63  }
0x94: {  	s4 =	simm.s32 $0x0  }
0x95: {  	v4 =	vld [tilespmem:s4+$0x3F00]  }
0x96: {  	v6 =	vld [tilespmem:s4+$0x3F10]  }
0x97: {  	v7 =	vld [tilespmem:s4+$0x3F20]  }
0x98: {  	v8 =	vld [tilespmem:s4+$0x3F30]  }
0x99: {  	v1 =	vld [tilespmem:s4+$0x3F40]  }
0x9a: {  	v3 =	vld [tilespmem:s4+$0x3F50]  }
0x9b: {  	v0 =	vld [tilespmem:s4+$0x3F60]  }
0x9c: {  	s12 =	simm.s32 $0x280;
	v2 =	vld [tilespmem:s4+$0x3F70]  }
0x9d: {  	s13 =	simm.s32 $0x200;
	v5 =	vld.msk [tilespmem:s12+$0x0 ss:$0x0], $0xffff  }
.LBB2_5:
0x9e: {  	p0 =	sne.s32 s13, $0x4E00;
	v9 =	vld [tilespmem:s4+$0x1730]  }
0x9f: {  	v10 =	vld [tilespmem:s4+$0x1710]  }
0xa0: {  	v11 =	vld [tilespmem:s4+$0x1700]  }
0xa1: {  	v12 =	vld [tilespmem:s4+$0x1720]  }
0xa2: {  	v13 =	vld [tilespmem:s4+$0x1770]  }
0xa3: {  	v4 =	vmul.f32 v4, v5;
	v6 =	vmul.f32 v6, v5;
	v14 =	vld [tilespmem:s4+$0x1750]  }
0xa4: {  	v7 =	vmul.f32 v7, v5;
	v8 =	vmul.f32 v8, v5;
	v15 =	vld [tilespmem:s4+$0x1740]  }
0xa5: {  	v10 =	vmul.f32 v6, v10;
	v11 =	vmul.f32 v4, v11;
	v16 =	vld [tilespmem:s4+$0x1760]  }
0xa6: {  	s22 =	sshra.s32 s13, $0x2;
	v9 =	vmul.f32 v8, v9;
	v12 =	vmul.f32 v7, v12  }
0xa7: {  	v1 =	vmul.f32 v1, v5;
	v3 =	vmul.f32 v3, v5;
	v4 =	vld [tilespmem:s22+$0x3F00];
	[tilespmem:s4+$0x1700] =	vst v11  }
0xa8: {  	v0 =	vmul.f32 v0, v5;
	v2 =	vmul.f32 v2, v5;
	v6 =	vld [tilespmem:s22+$0x3F10];
	[tilespmem:s4+$0x1710] =	vst v10  }
0xa9: {  	v10 =	vmul.f32 v3, v14;
	v7 =	vld [tilespmem:s22+$0x3F20];
	[tilespmem:s4+$0x1720] =	vst v12;
	v5 =	vmul.f32 v1, v15  }
0xaa: {  	v11 =	vmul.f32 v2, v13;
	v8 =	vld [tilespmem:s22+$0x3F30];
	[tilespmem:s4+$0x1730] =	vst v9;
	v9 =	vmul.f32 v0, v16  }
.Ltmp1:
0xab: {  	v1 =	vld [tilespmem:s22+$0x3F40];
	[tilespmem:s4+$0x1740] =	vst v5;
	(pc) =	sbr.rel @p0 .LBB2_5-.Ltmp1, $4  }
0xac: {  	v3 =	vld [tilespmem:s22+$0x3F50];
	[tilespmem:s4+$0x1750] =	vst v10  }
0xad: {  	v0 =	vld [tilespmem:s22+$0x3F60];
	[tilespmem:s4+$0x1760] =	vst v9  }
0xae: {  	s12 =	sadd.s32 $0x1, s12;
	v2 =	vld [tilespmem:s22+$0x3F70];
	[tilespmem:s4+$0x1770] =	vst v11;
	s4 =	smov.u32 s22  }
0xaf: {  	s13 =	sadd.s32 $0x200, s13;
	v5 =	vld.msk [tilespmem:s12+$0x0 ss:$0x0], $0xffff  }
0xb0: {  	_ = 	snop  }
0xb1: {  	v10 =	vld [tilespmem:s4+$0x1700]  }
0xb2: {  	v11 =	vld [tilespmem:s4+$0x1710]  }
0xb3: {  	v12 =	vld [tilespmem:s4+$0x1720]  }
0xb4: {  	v9 =	vld [tilespmem:s4+$0x1730];
	v4 =	vmul.f32 v4, v5  }
0xb5: {  	v14 =	vld [tilespmem:s4+$0x1740];
	v6 =	vmul.f32 v6, v5  }
0xb6: {  	v15 =	vld [tilespmem:s4+$0x1750];
	v7 =	vmul.f32 v7, v5;
	v4 =	vmul.f32 v4, v10  }
0xb7: {  	v61 =	vld [tilespmem:s4+$0x1760];
	v8 =	vmul.f32 v8, v5;
	v6 =	vmul.f32 v6, v11  }
0xb8: {  	v13 =	vld [tilespmem:s4+$0x1770];
	v1 =	vmul.f32 v1, v5;
	v7 =	vmul.f32 v7, v12;
	[tilespmem:s4+$0x1700] =	vst v4  }
0xb9: {  	v3 =	vmul.f32 v3, v5;
	v62 =	vmul.f32 v8, v9;
	[tilespmem:s4+$0x1710] =	vst v6  }
0xba: {  	s21 =	sadd.s32 $0x1, s21;
	v0 =	vmul.f32 v0, v5;
	v1 =	vmul.f32 v1, v14;
	[tilespmem:s4+$0x1720] =	vst v7  }
0xbb: {  	p0 =	sne.s32 s21, $0x39;
	v2 =	vmul.f32 v2, v5;
	v3 =	vmul.f32 v3, v15;
	[tilespmem:s4+$0x1730] =	vst v62  }
.Ltmp2:
0xbc: {  	v0 =	vmul.f32 v0, v61;
	[tilespmem:s4+$0x1740] =	vst v1;
	(pc) =	sbr.rel @p0 .LBB2_2-.Ltmp2, $4  }
0xbd: {  	v63 =	vmul.f32 v2, v13;
	[tilespmem:s4+$0x1750] =	vst v3  }
0xbe: {  	[tilespmem:s4+$0x1760] =	vst v0  }
0xbf: {  	[tilespmem:s4+$0x1770] =	vst v63  }
0xc0: {  	[spmem:s3] =	stream.indirect.scatter.add.f32 [tilespmem:s14], [sflag:$0x8], $0x80, s10, s28, $0xb8;
	[tilespmem:$0x19300] =	vst v63  }
0xc1: {  	s4 =	simm.s32 $0x8  }
0xc2: {  	_ =	swait.ge [sflag:s4], $0x1400  }
0xc3: {  	[sflag:s4] =	ssyncset.done $0x0  }
0xc4: {  	[sflag:s4] =	ssyncadd.s32 $0xFFFFEC00  }
0xc5: {  	_ =	swait.ge [sflag:s15], $0x1400  }
0xc6: {  	[sflag:s15] =	ssyncset.done $0x0  }
0xc7: {  	[sflag:s15] =	ssyncadd.s32 $0xFFFFEC00  }
0xc8: {  	_ =	swait.ge [sflag:s15], $0x28  }
0xc9: {  	[sflag:s15] =	ssyncset.done $0x0  }
0xca: {  	[sflag:s15] =	ssyncadd.s32 $0xFFFFFFD8  }
0xcb: {  	_ =	swait.ge [sflag:s15], $0x28  }
0xcc: {  	[sflag:s15] =	ssyncset.done $0x0  }
0xcd: {  	[sflag:s15] =	ssyncadd.s32 $0xFFFFFFD8  }
0xce: {  	_ =	swait.ge [sflag:s16], $0x1400  }
0xcf: {  	[sflag:s16] =	ssyncset.done $0x0  }
0xd0: {  	s4 =	simm.s32 $0x0;
	[sflag:s16] =	ssyncadd.s32 $0xFFFFEC00  }
0xd1: {  	v4 =	vld [tilespmem:s4+$0x2B00]  }
0xd2: {  	v6 =	vld [tilespmem:s4+$0x2B10]  }
0xd3: {  	v7 =	vld [tilespmem:s4+$0x2B20]  }
0xd4: {  	v8 =	vld [tilespmem:s4+$0x2B30]  }
0xd5: {  	v1 =	vld [tilespmem:s4+$0x2B40]  }
0xd6: {  	v3 =	vld [tilespmem:s4+$0x2B50]  }
0xd7: {  	v0 =	vld [tilespmem:s4+$0x2B60]  }
0xd8: {  	s12 =	simm.s32 $0x200;
	v2 =	vld [tilespmem:s4+$0x2B70]  }
0xd9: {  	s13 =	simm.s32 $0x200;
	v5 =	vld.msk [tilespmem:s12+$0x0 ss:$0x0], $0xffff  }
.LBB2_8:
0xda: {  	p0 =	sne.s32 s13, $0x4E00;
	v9 =	vld [tilespmem:s4+$0x330]  }
0xdb: {  	v10 =	vld [tilespmem:s4+$0x310]  }
0xdc: {  	v11 =	vld [tilespmem:s4+$0x300]  }
0xdd: {  	v12 =	vld [tilespmem:s4+$0x320]  }
0xde: {  	v13 =	vld [tilespmem:s4+$0x370]  }
0xdf: {  	v4 =	vmul.f32 v4, v5;
	v6 =	vmul.f32 v6, v5;
	v14 =	vld [tilespmem:s4+$0x350]  }
0xe0: {  	v7 =	vmul.f32 v7, v5;
	v8 =	vmul.f32 v8, v5;
	v15 =	vld [tilespmem:s4+$0x340]  }
0xe1: {  	v10 =	vmul.f32 v6, v10;
	v11 =	vmul.f32 v4, v11;
	v16 =	vld [tilespmem:s4+$0x360]  }
0xe2: {  	s21 =	sshra.s32 s13, $0x2;
	v9 =	vmul.f32 v8, v9;
	v12 =	vmul.f32 v7, v12  }
0xe3: {  	v1 =	vmul.f32 v1, v5;
	v3 =	vmul.f32 v3, v5;
	v4 =	vld [tilespmem:s21+$0x2B00];
	[tilespmem:s4+$0x300] =	vst v11  }
0xe4: {  	v0 =	vmul.f32 v0, v5;
	v2 =	vmul.f32 v2, v5;
	v6 =	vld [tilespmem:s21+$0x2B10];
	[tilespmem:s4+$0x310] =	vst v10  }
0xe5: {  	v10 =	vmul.f32 v3, v14;
	v7 =	vld [tilespmem:s21+$0x2B20];
	[tilespmem:s4+$0x320] =	vst v12;
	v5 =	vmul.f32 v1, v15  }
0xe6: {  	v11 =	vmul.f32 v2, v13;
	v8 =	vld [tilespmem:s21+$0x2B30];
	[tilespmem:s4+$0x330] =	vst v9;
	v9 =	vmul.f32 v0, v16  }
.Ltmp3:
0xe7: {  	v1 =	vld [tilespmem:s21+$0x2B40];
	[tilespmem:s4+$0x340] =	vst v5;
	(pc) =	sbr.rel @p0 .LBB2_8-.Ltmp3, $4  }
0xe8: {  	v3 =	vld [tilespmem:s21+$0x2B50];
	[tilespmem:s4+$0x350] =	vst v10  }
0xe9: {  	v0 =	vld [tilespmem:s21+$0x2B60];
	[tilespmem:s4+$0x360] =	vst v9  }
0xea: {  	s12 =	sadd.s32 $0x1, s12;
	v2 =	vld [tilespmem:s21+$0x2B70];
	[tilespmem:s4+$0x370] =	vst v11;
	s4 =	smov.u32 s21  }
0xeb: {  	s13 =	sadd.s32 $0x200, s13;
	v5 =	vld.msk [tilespmem:s12+$0x0 ss:$0x0], $0xffff  }
0xec: {  	_ = 	snop  }
0xed: {  	v10 =	vld [tilespmem:s4+$0x300]  }
0xee: {  	v11 =	vld [tilespmem:s4+$0x310]  }
0xef: {  	v12 =	vld [tilespmem:s4+$0x320]  }
0xf0: {  	v9 =	vld [tilespmem:s4+$0x330];
	v4 =	vmul.f32 v4, v5  }
0xf1: {  	v14 =	vld [tilespmem:s4+$0x340];
	v6 =	vmul.f32 v6, v5  }
0xf2: {  	v15 =	vld [tilespmem:s4+$0x350];
	v7 =	vmul.f32 v7, v5;
	v4 =	vmul.f32 v4, v10  }
0xf3: {  	v61 =	vld [tilespmem:s4+$0x360];
	v8 =	vmul.f32 v8, v5;
	v6 =	vmul.f32 v6, v11  }
0xf4: {  	v13 =	vld [tilespmem:s4+$0x370];
	v1 =	vmul.f32 v1, v5;
	v7 =	vmul.f32 v7, v12;
	[tilespmem:s4+$0x300] =	vst v4  }
0xf5: {  	v3 =	vmul.f32 v3, v5;
	v62 =	vmul.f32 v8, v9;
	[tilespmem:s4+$0x310] =	vst v6  }
0xf6: {  	v0 =	vmul.f32 v0, v5;
	v1 =	vmul.f32 v1, v14;
	[tilespmem:s4+$0x320] =	vst v7  }
0xf7: {  	v2 =	vmul.f32 v2, v5;
	v3 =	vmul.f32 v3, v15;
	[tilespmem:s4+$0x330] =	vst v62  }
0xf8: {  	v0 =	vmul.f32 v0, v61;
	[tilespmem:s4+$0x340] =	vst v1  }
0xf9: {  	v63 =	vmul.f32 v2, v13;
	[tilespmem:s4+$0x350] =	vst v3  }
0xfa: {  	[tilespmem:s4+$0x360] =	vst v0  }
0xfb: {  	[tilespmem:s4+$0x370] =	vst v63  }
0xfc: {  	[spmem:s3] =	stream.indirect.scatter.add.f32 [tilespmem:s29], [sflag:$0x7], $0x80, s25, s28, $0xb8;
	[tilespmem:$0x19300] =	vst v63  }
0xfd: {  	_ =	swait.ge [sflag:s17], $0x1400  }
0xfe: {  	[sflag:s17] =	ssyncset.done $0x0  }
0xff: {  	[sflag:s17] =	ssyncadd.s32 $0xFFFFEC00  }
0x100: {  	[bflag:$0x0] =	sbarrier.arrive $0xFFFF  }
0x101: {  	s24 =	rddreg [dreg:$0x6]  }
0x102: {  	s12 =	rddreg [dreg:$0xd]  }
0x103: {  	s26 =	simm.s32 $0xA;
	s13 =	rddreg [dreg:$0xf];
	s4 =	sor.u32 $0x1C0A, s24  }
0x104: {  	[hbm:s12], [sflag:s4] =	dma.local [spmem:s13], $0x2800  }
0x105: {  	_ =	swait.ge [sflag:s26], $0x2800  }
0x106: {  	s21 =	rddreg [dreg:$0x10]  }
0x107: {  	s31 =	rddreg [dreg:$0xe];
	s21 =	sadd.s32 $0x1, s21  }
0x108: {  	p0 =	sne.s32 s21, s31  }
.Ltmp4:
0x109: {  	_ = 	snop;
	(pc) =	sbr.rel @p0 .LBB2_1-.Ltmp4, $3  }
0x10a: {  	_ =	sdelay $0x1  }
0x10b: {  	[sflag:s26] =	ssyncset.done $0x0  }
0x10c: {  	[sflag:s26] =	ssyncadd.s32 $0xFFFFD800  }
0x10d: {  	_ =	sfence.sel $0x180000  }
0x10e: {  	[bflag:$0x0] =	sbarrier.arrive $0xFFFF  }
0x10f: {  	_ =	strace $0x9000004D  }
0x110: {  	s0 =	stileid.u32;
	[bflag:$0x2] =	sbarrier.arrive $0xFFFF  }
0x111: {  	p0 =	sne.s32 s0, $0x0;
	s0 =	rddreg [dreg:$0x4]  }
0x112: {  	s0 =	sadd.s32 @!p0 $0x100000, s0  }
0x113: {  	[sflag:s0] =	ssyncadd.tile.s32 @!p0 $0x1;
	_ =	shalt  }
.Lfunc_end2:
_tile_overlayer_lowered:
.L_overlay_start_2:
0x114: {  	(tag) =	ssettag $0x2  }
0x115: {  	s0 =	rddreg [dreg:$0x0];
	s2 =	stileid.u32  }
0x116: {  	s1 =	rddreg [dreg:$0x1];
	p0 =	sne.s32 s2, $0x0  }
0x117: {  	s3 =	rddreg [dreg:$0x2];
	[bflag:$0x3] =	sbarrier.arrive $0xFFFF;
	s2 =	simm.s32 @!p0 $0x1C0A  }
0x118: {  	[timem:s3], [sflag:s2] =	dma.local @!p0 [hbm:s0], s1  }
0x119: {  	s0 =	simm.s32 @!p0 $0xA  }
0x11a: {  	_ =	swait.ge @!p0 [sflag:s0], s1  }
0x11b: {  	s1 =	ssub.s32 @!p0 $0x0, s1;
	[sflag:s0] =	ssyncset.done @!p0 $0x0  }
0x11c: {  	[sflag:s0] =	ssyncadd.s32 @!p0 s1  }
0x11d: {  	[bflag:$0x3] =	sbarrier.arrive $0xFFFF  }
0x11e: {  	_ =	shalt  }

</sc_bundles>
